<compile_context>
chip_gen: v7x
topology: tpu7x:2x2x1
jax: 0.10.2.dev20260603
libtpu: 0.0.44.dev20260713+nightly
codegen_flags: <defaults>
</compile_context>

<pallas_src>
import functools

import jax
import jax.numpy as jnp
import numpy as np
from jax import lax
from jax.experimental import pallas as pl
from jax.experimental.pallas import tpu as pltpu
from jax.experimental.pallas import tpu_sc as plsc

N = 10000
E = 320000
F_IN = 128
HEADS = 8
HID = 16
NCLS = 16
F1 = HEADS * HID

NC = 2
NS = 16
NW = NC * NS
N_PAD = 10016
E_PAD = 322560
EPW = E_PAD // NW
STRIPE = N_PAD // NS

_f32 = jnp.float32

_mesh = plsc.VectorSubcoreMesh(
    core_axis_name="c", subcore_axis_name="s", num_cores=NC, num_subcores=NS)


def _build_edge_pass(widths, idx_kinds, msg_w, compute_fn, ch, stage):
    n_t = len(widths)
    nchunk = EPW // ch
    assert EPW % ch == 0 and nchunk % 2 == 0 and ch % 16 == 0 and ch <= 128

    def body(*refs):
        t_hbm = refs[:n_t]
        src_hbm, dst_hbm, z_hbm, out_hbm = refs[n_t:n_t + 4]
        s = list(refs[n_t + 4:])
        srcg = s[0:2]
        dstg = s[2:4]
        dsts = s[4:6]
        gb = [s[6 + 2 * t:8 + 2 * t] for t in range(n_t)]
        o = 6 + 2 * n_t
        msg = s[o:o + 2]
        acc = s[o + 2]
        o += 3
        if stage:
            t_sh = s[o:o + n_t]
            o += n_t
        else:
            t_sh = t_hbm
        sem_ix = s[o:o + 2]
        sem_g = [s[o + 2 + 2 * t:o + 4 + 2 * t] for t in range(n_t)]
        sem_sc = s[o + 2 + 2 * n_t:o + 4 + 2 * n_t]
        gidx = [srcg if kind == "src" else dstg for kind in idx_kinds]

        cid = lax.axis_index("c")
        sid = lax.axis_index("s")
        wid = sid * NC + cid
        row0 = sid * STRIPE
        base = wid * EPW
        pltpu.sync_copy(z_hbm.at[pl.ds(row0, STRIPE)],
                        acc.at[pl.ds(row0, STRIPE)])
        if stage:
            for t in range(n_t):
                pltpu.sync_copy(t_hbm[t].at[pl.ds(row0, STRIPE)],
                                t_sh[t].at[pl.ds(row0, STRIPE)])
        plsc.subcore_barrier()

        def idx_slice(off):
            return pl.ds(pl.multiple_of(off, 8), ch)

        pltpu.sync_copy(src_hbm.at[idx_slice(base)], srcg[0])
        pltpu.sync_copy(dst_hbm.at[idx_slice(base)], dstg[0])
        for t in range(n_t):
            pltpu.async_copy(t_sh[t].at[gidx[t][0]], gb[t][0], sem_g[t][0])
        pltpu.async_copy(src_hbm.at[idx_slice(base + ch)], srcg[1], sem_ix[1])
        pltpu.async_copy(dst_hbm.at[idx_slice(base + ch)], dstg[1], sem_ix[1])

        def drain_scatter(b):
            pltpu.make_async_copy(msg[b], acc.at[dsts[b]], sem_sc[b]).wait()

        def half(k, b, nb, steady):
            if steady:
                pltpu.make_async_copy(src_hbm.at[idx_slice(base)], srcg[nb],
                                      sem_ix[nb]).wait()
                pltpu.make_async_copy(dst_hbm.at[idx_slice(base)], dstg[nb],
                                      sem_ix[nb]).wait()
                for t in range(n_t):
                    pltpu.async_copy(t_sh[t].at[gidx[t][nb]], gb[t][nb],
                                     sem_g[t][nb])

                @pl.when(k >= 2)
                def _():
                    drain_scatter(b)
            else:
                drain_scatter(b)
            for t in range(n_t):
                pltpu.make_async_copy(t_sh[t].at[gidx[t][b]], gb[t][b],
                                      sem_g[t][b]).wait()
            for q in range(ch // 16):
                dsts[b][pl.ds(16 * q, 16)] = dstg[b][pl.ds(16 * q, 16)]

            def edge(i, c2):
                compute_fn(i, [gb[t][b] for t in range(n_t)], msg[b])
                return c2

            lax.fori_loop(0, ch, edge, 0)
            pltpu.async_copy(msg[b], acc.at[dsts[b]], sem_sc[b], add=True)
            if steady:
                @pl.when(k + 2 <= nchunk - 1)
                def _():
                    off2 = base + (k + 2) * ch
                    pltpu.async_copy(src_hbm.at[idx_slice(off2)], srcg[b],
                                     sem_ix[b])
                    pltpu.async_copy(dst_hbm.at[idx_slice(off2)], dstg[b],
                                     sem_ix[b])

        def loop_body(j, c):
            half(2 * j, 0, 1, True)
            half(2 * j + 1, 1, 0, True)
            return c

        lax.fori_loop(0, (nchunk - 2) // 2, loop_body, 0)
        half(nchunk - 2, 0, 1, True)
        half(nchunk - 1, 1, 0, False)
        drain_scatter(0)
        drain_scatter(1)
        plsc.subcore_barrier()
        pltpu.sync_copy(acc.at[pl.ds(row0, STRIPE)],
                        out_hbm.at[cid, pl.ds(row0, STRIPE)])

    return body


def _edge_pass(widths, idx_kinds, msg_w, compute_fn, ch, stage=False):
    st = [pltpu.VMEM((ch,), jnp.int32) for _ in range(6)]
    for w in widths:
        st += [pltpu.VMEM((ch, w), _f32) for _ in range(2)]
    st += [pltpu.VMEM((ch, msg_w), _f32) for _ in range(2)]
    st += [pltpu.VMEM_SHARED((N_PAD, msg_w), _f32)]
    if stage:
        st += [pltpu.VMEM_SHARED((N_PAD, w), _f32) for w in widths]
    st += [pltpu.SemaphoreType.DMA for _ in range(4 + 2 * len(widths))]
    return functools.partial(
        pl.kernel,
        out_type=jax.ShapeDtypeStruct((NC, N_PAD, msg_w), _f32),
        mesh=_mesh,
        compiler_params=pltpu.CompilerParams(use_tc_tiling_on_sc=False),
        scratch_types=st,
    )(_build_edge_pass(widths, idx_kinds, msg_w, compute_fn, ch, stage))


def _passA_compute(i, gb, msg):
    xs_v, ad_v = gb
    a_s = xs_v[i, pl.ds(F1, 16)]
    a_d = ad_v[i, pl.ds(0, 16)]
    e = a_s + a_d
    w = jnp.exp(jnp.maximum(e, 0.2 * e))
    msg[i, pl.ds(F1, 16)] = w
    for h in range(HEADS):
        msg[i, pl.ds(h * HID, HID)] = xs_v[i, pl.ds(h * HID, HID)] * w[h]


_passA = _edge_pass([F1 + 16, 16], ["src", "dst"], F1 + 16, _passA_compute,
                    ch=48)


def _passCD_compute(i, gb, msg):
    ts_v, td_v = gb
    vx = ts_v[i, pl.ds(0, 16)]
    va = ts_v[i, pl.ds(16, 16)]
    vd = td_v[i, pl.ds(0, 16)]
    s = va + vd
    w = jnp.exp(jnp.maximum(s, 0.2 * s))
    msg[i, pl.ds(0, 16)] = vx * w
    msg[i, pl.ds(16, 16)] = w


_passCD = _edge_pass([32, 16], ["src", "dst"], 32, _passCD_compute,
                     ch=112, stage=True)


def _passE_compute(i, gb, msg):
    msg[i, pl.ds(0, 16)] = gb[0][i, pl.ds(0, 16)]


_passE = _edge_pass([16], ["src"], 16, _passE_compute, ch=112, stage=True)


def _k1_body(x_ref, w1_ref, a1_ref, a2_ref, xs_ref, ad_ref):
    xw = jnp.dot(x_ref[...], w1_ref[...], preferred_element_type=_f32)
    asp = jnp.dot(xw, a1_ref[...], preferred_element_type=_f32)
    xs_ref[...] = jnp.concatenate([xw, asp], axis=1)
    ad_ref[...] = jnp.dot(xw, a2_ref[...], preferred_element_type=_f32)


_k1 = pl.pallas_call(
    _k1_body,
    out_shape=[jax.ShapeDtypeStruct((N_PAD, F1 + 16), _f32),
               jax.ShapeDtypeStruct((N_PAD, 16), _f32)],
)


def _k2_body(acc_ref, b1_ref, w2_ref, r8_ref, as2w_ref, ad2w_ref,
             ts_ref, td_ref, dinv_ref):
    p = acc_ref[0] + acc_ref[1]
    den = jnp.dot(p[:, F1:F1 + 8], r8_ref[...], preferred_element_type=_f32)
    h1 = p[:, :F1] / (den + 1e-16) + b1_ref[...][None, :]
    h1 = jnp.where(h1 > 0, h1, jnp.exp(jnp.minimum(h1, 0.0)) - 1.0)
    x2 = jnp.dot(h1, w2_ref[...], preferred_element_type=_f32)
    as2 = jnp.dot(x2, as2w_ref[...], preferred_element_type=_f32)
    ts_ref[...] = jnp.concatenate([x2, as2], axis=1)
    td_ref[...] = jnp.dot(x2, ad2w_ref[...], preferred_element_type=_f32)
    deg = p[:, F1 + 8:F1 + 9]
    dinv_ref[...] = lax.rsqrt(1.0 + deg) * jnp.ones((1, 16), _f32)


_k2 = pl.pallas_call(
    _k2_body,
    out_shape=[jax.ShapeDtypeStruct((N_PAD, 32), _f32),
               jax.ShapeDtypeStruct((N_PAD, 16), _f32),
               jax.ShapeDtypeStruct((N_PAD, 16), _f32)],
)


def _k3_body(acc2_ref, b2_ref, wc_ref, dinv_ref, g3_ref, self_ref):
    p = acc2_ref[0] + acc2_ref[1]
    h2 = p[:, :16] / (p[:, 16:17] + 1e-16) + b2_ref[...][None, :]
    h3 = jnp.dot(h2, wc_ref[...], preferred_element_type=_f32)
    dv = dinv_ref[...]
    g3_ref[...] = h3 * dv
    self_ref[...] = h3 * dv * dv


_k3 = pl.pallas_call(
    _k3_body,
    out_shape=[jax.ShapeDtypeStruct((N_PAD, 16), _f32),
               jax.ShapeDtypeStruct((N_PAD, 16), _f32)],
)


def _k4_body(acc3_ref, dinv_ref, self_ref, bc_ref, out_ref):
    p = acc3_ref[0] + acc3_ref[1]
    out_ref[...] = dinv_ref[...] * p + self_ref[...] + bc_ref[...][None, :]


_k4 = pl.pallas_call(
    _k4_body,
    out_shape=jax.ShapeDtypeStruct((N_PAD, 16), _f32),
)


def kernel(x, edge_index, W1, a_src1, a_dst1, b1, W2, a_src2, a_dst2, b2,
           Wc, bc):
    src = edge_index[0].astype(jnp.int32)
    dst = edge_index[1].astype(jnp.int32)
    pad_e = E_PAD - E
    src = jnp.concatenate([src, jnp.full((pad_e,), N, jnp.int32)])
    dst = jnp.concatenate([dst, jnp.full((pad_e,), N, jnp.int32)])
    xp = jnp.pad(x, ((0, N_PAD - N), (0, 0)))
    eye8 = jnp.eye(HEADS, dtype=_f32)
    A1 = jnp.pad((a_src1[:, :, None] * eye8[:, None, :]).reshape(F1, HEADS),
                 ((0, 0), (0, 8)))
    A2 = jnp.pad((a_dst1[:, :, None] * eye8[:, None, :]).reshape(F1, HEADS),
                 ((0, 0), (0, 8)))
    R8 = jnp.asarray(np.kron(np.eye(8, dtype=np.float32),
                             np.ones((1, 16), np.float32)))
    AS2W = a_src2.reshape(NCLS, 1) * jnp.ones((1, 16), _f32)
    AD2W = a_dst2.reshape(NCLS, 1) * jnp.ones((1, 16), _f32)

    XS, AD = _k1(xp, W1, A1, A2)
    Z144 = jnp.zeros((N_PAD, F1 + 16), _f32)
    ACC1 = _passA(XS, AD, src, dst, Z144)
    TS2, TD2, DINV = _k2(ACC1, b1, W2, R8, AS2W, AD2W)
    Z32 = jnp.zeros((N_PAD, 32), _f32)
    ACC2 = _passCD(TS2, TD2, src, dst, Z32)
    G3, SELF = _k3(ACC2, b2, Wc, DINV)
    Z16 = jnp.zeros((N_PAD, 16), _f32)
    ACC3 = _passE(G3, src, dst, Z16)
    return _k4(ACC3, DINV, SELF, bc)[:N]

# --- scband reference (transcript-rebuilt; emitter-appended) ---
"""Pipeline reference for scband-iadgat-7232724927267 (READ-ONLY COPY).

The authoritative reference and input builder live on the scoring server;
editing this copy changes nothing except your own understanding.
"""

import jax, jax.numpy as jnp
import numpy as np

N = 10000
E = 320000
F_IN = 128
HID = 16
HEADS = 8
NCLS = 16


def setup_inputs(seed: int = 0) -> dict:
    key = jax.random.key(seed)
    ks = jax.random.split(key, 12)
    x = jax.random.normal(ks[0], (N, F_IN), dtype=jnp.float32)
    edge_index = jax.random.randint(ks[1], (2, E), 0, N, dtype=jnp.int64)
    # conv1: GATConv(128 -> 16, heads=8, concat=True)
    W1 = jax.random.normal(ks[2], (F_IN, HEADS * HID), dtype=jnp.float32) * (1.0 / np.sqrt(F_IN))
    a_src1 = jax.random.normal(ks[3], (HEADS, HID), dtype=jnp.float32) * 0.1
    a_dst1 = jax.random.normal(ks[4], (HEADS, HID), dtype=jnp.float32) * 0.1
    b1 = jnp.zeros((HEADS * HID,), dtype=jnp.float32)
    # conv2: GATConv(128 -> 16, heads=1, concat=True)
    W2 = jax.random.normal(ks[5], (HEADS * HID, NCLS), dtype=jnp.float32) * (1.0 / np.sqrt(HEADS * HID))
    a_src2 = jax.random.normal(ks[6], (1, NCLS), dtype=jnp.float32) * 0.1
    a_dst2 = jax.random.normal(ks[7], (1, NCLS), dtype=jnp.float32) * 0.1
    b2 = jnp.zeros((NCLS,), dtype=jnp.float32)
    # IConv: GCN-style conv num_classes -> num_classes
    Wc = jax.random.normal(ks[8], (NCLS, NCLS), dtype=jnp.float32) * (1.0 / np.sqrt(NCLS))
    bc = jnp.zeros((NCLS,), dtype=jnp.float32)
    return {"x": x, "edge_index": edge_index, "W1": W1, "a_src1": a_src1, "a_dst1": a_dst1, "b1": b1,
            "W2": W2, "a_src2": a_src2, "a_dst2": a_dst2, "b2": b2, "Wc": Wc, "bc": bc}


def gat_conv(x, src, dst, W, a_src, a_dst, b, H, C):
    n = x.shape[0]
    xw = (x @ W).reshape(n, H, C)
    alpha_src = jnp.sum(xw * a_src[None, :, :], axis=-1)  # [N, H]
    alpha_dst = jnp.sum(xw * a_dst[None, :, :], axis=-1)  # [N, H]
    e = jax.nn.leaky_relu(alpha_src[src] + alpha_dst[dst], negative_slope=0.2)  # [E, H]
    emax = jax.ops.segment_max(e, dst, num_segments=n)
    emax = jnp.where(jnp.isfinite(emax), emax, 0.0)
    emax = jax.lax.stop_gradient(emax)
    ee = jnp.exp(e - emax[dst])
    denom = jax.ops.segment_sum(ee, dst, num_segments=n)
    alpha = ee / (denom[dst] + 1e-16)  # [E, H]
    msg = xw[src] * alpha[:, :, None]  # [E, H, C]
    out = jax.ops.segment_sum(msg, dst, num_segments=n)  # [N, H, C]
    return out.reshape(n, H * C) + b[None, :]


def iconv(x, src, dst, W, b):
    n = x.shape[0]
    deg = 1.0 + jax.ops.segment_sum(jnp.ones((src.shape[0],), dtype=jnp.float32), dst, num_segments=n)
    dinv = jax.lax.rsqrt(deg)
    h = x @ W
    norm = dinv[src] * dinv[dst]  # [E]
    agg = jax.ops.segment_sum(h[src] * norm[:, None], dst, num_segments=n)
    out = agg + h * (dinv * dinv)[:, None]  # self loops
    return out + b[None, :]


def reference(x, edge_index, W1, a_src1, a_dst1, b1, W2, a_src2, a_dst2, b2, Wc, bc):
    src = edge_index[0]
    dst = edge_index[1]
    # eval mode: dropout is identity
    h = gat_conv(x, src, dst, W1, a_src1, a_dst1, b1, HEADS, HID)
    h = jax.nn.elu(h)
    h = gat_conv(h, src, dst, W2, a_src2, a_dst2, b2, 1, NCLS)
    out = iconv(h, src, dst, Wc, bc)
    return out

if __name__ == "__main__":
    import jax
    _d = setup_inputs()
    print(jax.jit(kernel)(*tuple(_d.values())))

</pallas_src>

<mosaic_0001>
#map = affine_map<(d0, d1) -> (0, 0)>
#map1 = affine_map<(d0, d1) -> (0)>
#map2 = affine_map<(d0, d1) -> (0, 0, 0)>
module attributes {stable_mosaic.version = 14 : i64} {
  func.func @body(%arg0: i32, %arg1: i32, %arg2: memref<10016x32xf32, #tpu.memory_space<hbm>>, %arg3: memref<10016x16xf32, #tpu.memory_space<hbm>>, %arg4: memref<322560xi32, #tpu.memory_space<hbm>>, %arg5: memref<322560xi32, #tpu.memory_space<hbm>>, %arg6: memref<10016x32xf32, #tpu.memory_space<hbm>>, %arg7: memref<2x10016x32xf32, #tpu.memory_space<hbm>>, %arg8: memref<112xi32, #tpu.memory_space<vmem>>, %arg9: memref<112xi32, #tpu.memory_space<vmem>>, %arg10: memref<112xi32, #tpu.memory_space<vmem>>, %arg11: memref<112xi32, #tpu.memory_space<vmem>>, %arg12: memref<112xi32, #tpu.memory_space<vmem>>, %arg13: memref<112xi32, #tpu.memory_space<vmem>>, %arg14: memref<112x32xf32, #tpu.memory_space<vmem>>, %arg15: memref<112x32xf32, #tpu.memory_space<vmem>>, %arg16: memref<112x16xf32, #tpu.memory_space<vmem>>, %arg17: memref<112x16xf32, #tpu.memory_space<vmem>>, %arg18: memref<112x32xf32, #tpu.memory_space<vmem>>, %arg19: memref<112x32xf32, #tpu.memory_space<vmem>>, %arg20: memref<10016x32xf32, #tpu.memory_space<vmem_shared>>, %arg21: memref<10016x32xf32, #tpu.memory_space<vmem_shared>>, %arg22: memref<10016x16xf32, #tpu.memory_space<vmem_shared>>, %arg23: memref<!tpu.dma_semaphore, #tpu.memory_space<semaphore_mem>>, %arg24: memref<!tpu.dma_semaphore, #tpu.memory_space<semaphore_mem>>, %arg25: memref<!tpu.dma_semaphore, #tpu.memory_space<semaphore_mem>>, %arg26: memref<!tpu.dma_semaphore, #tpu.memory_space<semaphore_mem>>, %arg27: memref<!tpu.dma_semaphore, #tpu.memory_space<semaphore_mem>>, %arg28: memref<!tpu.dma_semaphore, #tpu.memory_space<semaphore_mem>>, %arg29: memref<!tpu.dma_semaphore, #tpu.memory_space<semaphore_mem>>, %arg30: memref<!tpu.dma_semaphore, #tpu.memory_space<semaphore_mem>>) attributes {dimension_semantics = [#tpu.dimension_semantics<core_parallel>, #tpu.dimension_semantics<subcore_parallel>], iteration_bounds = array<i64: 2, 16>, scalar_prefetch = 0 : i64, scratch_operands = 23 : i64, tpu.core_type = #tpu.core_type<sc_vector_subcore>, window_params = [{transform_indices = #map}, {transform_indices = #map}, {transform_indices = #map1}, {transform_indices = #map1}, {transform_indices = #map}, {transform_indices = #map2}]} {
    %mul3A = arith.constant 2 : i32
    %mul3A_0 = arith.muli %arg1, %mul3A : i32
    %add3A = arith.addi %mul3A_0, %arg0 : i32
    %mul3A_1 = arith.constant 626 : i32
    %mul3A_2 = arith.muli %arg1, %mul3A_1 : i32
    %mul3A_3 = arith.constant 10080 : i32
    %mul3A_4 = arith.muli %add3A, %mul3A_3 : i32
    "tpu.region"() ({
      %run_scoped3A = tpu.sem_alloc : memref<!tpu.dma_semaphore, #tpu.memory_space<semaphore_mem>>
      %dma_start3A_176 = arith.constant 0 : i32
      %dma_start3A_177 = tpu.memref_slice %arg20[%mul3A_2, %dma_start3A_176] : memref<10016x32xf32, #tpu.memory_space<vmem_shared>> -> memref<626x32xf32, #tpu.memory_space<vmem_shared>>
      %dma_start3A_178 = arith.constant 0 : i32
      %dma_start3A_179 = tpu.memref_slice %arg6[%mul3A_2, %dma_start3A_178] : memref<10016x32xf32, #tpu.memory_space<hbm>> -> memref<626x32xf32, #tpu.memory_space<hbm>>
      tpu.enqueue_dma source(%dma_start3A_179 : memref<626x32xf32, #tpu.memory_space<hbm>>) target(%dma_start3A_177 : memref<626x32xf32, #tpu.memory_space<vmem_shared>>) target_semaphore(%run_scoped3A : memref<!tpu.dma_semaphore, #tpu.memory_space<semaphore_mem>>)
      %dma_wait3A_180 = arith.constant 0 : i32
      %dma_wait3A_181 = tpu.memref_slice %arg20[%mul3A_2, %dma_wait3A_180] : memref<10016x32xf32, #tpu.memory_space<vmem_shared>> -> memref<626x32xf32, #tpu.memory_space<vmem_shared>>
      %dma_wait3A_182 = arith.constant 0 : i32
      %dma_wait3A_183 = tpu.memref_slice %arg6[%mul3A_2, %dma_wait3A_182] : memref<10016x32xf32, #tpu.memory_space<hbm>> -> memref<626x32xf32, #tpu.memory_space<hbm>>
      tpu.wait_dma2 semaphore(%run_scoped3A : memref<!tpu.dma_semaphore, #tpu.memory_space<semaphore_mem>>) src(%dma_wait3A_183 : memref<626x32xf32, #tpu.memory_space<hbm>>) dst(%dma_wait3A_181 : memref<626x32xf32, #tpu.memory_space<vmem_shared>>)
      tpu.yield
    }) : () -> ()
    "tpu.region"() ({
      %run_scoped3A = tpu.sem_alloc : memref<!tpu.dma_semaphore, #tpu.memory_space<semaphore_mem>>
      %dma_start3A_176 = arith.constant 0 : i32
      %dma_start3A_177 = tpu.memref_slice %arg21[%mul3A_2, %dma_start3A_176] : memref<10016x32xf32, #tpu.memory_space<vmem_shared>> -> memref<626x32xf32, #tpu.memory_space<vmem_shared>>
      %dma_start3A_178 = arith.constant 0 : i32
      %dma_start3A_179 = tpu.memref_slice %arg2[%mul3A_2, %dma_start3A_178] : memref<10016x32xf32, #tpu.memory_space<hbm>> -> memref<626x32xf32, #tpu.memory_space<hbm>>
      tpu.enqueue_dma source(%dma_start3A_179 : memref<626x32xf32, #tpu.memory_space<hbm>>) target(%dma_start3A_177 : memref<626x32xf32, #tpu.memory_space<vmem_shared>>) target_semaphore(%run_scoped3A : memref<!tpu.dma_semaphore, #tpu.memory_space<semaphore_mem>>)
      %dma_wait3A_180 = arith.constant 0 : i32
      %dma_wait3A_181 = tpu.memref_slice %arg21[%mul3A_2, %dma_wait3A_180] : memref<10016x32xf32, #tpu.memory_space<vmem_shared>> -> memref<626x32xf32, #tpu.memory_space<vmem_shared>>
      %dma_wait3A_182 = arith.constant 0 : i32
      %dma_wait3A_183 = tpu.memref_slice %arg2[%mul3A_2, %dma_wait3A_182] : memref<10016x32xf32, #tpu.memory_space<hbm>> -> memref<626x32xf32, #tpu.memory_space<hbm>>
      tpu.wait_dma2 semaphore(%run_scoped3A : memref<!tpu.dma_semaphore, #tpu.memory_space<semaphore_mem>>) src(%dma_wait3A_183 : memref<626x32xf32, #tpu.memory_space<hbm>>) dst(%dma_wait3A_181 : memref<626x32xf32, #tpu.memory_space<vmem_shared>>)
      tpu.yield
    }) : () -> ()
    "tpu.region"() ({
      %run_scoped3A = tpu.sem_alloc : memref<!tpu.dma_semaphore, #tpu.memory_space<semaphore_mem>>
      %dma_start3A_176 = arith.constant 0 : i32
      %dma_start3A_177 = tpu.memref_slice %arg22[%mul3A_2, %dma_start3A_176] : memref<10016x16xf32, #tpu.memory_space<vmem_shared>> -> memref<626x16xf32, #tpu.memory_space<vmem_shared>>
      %dma_start3A_178 = arith.constant 0 : i32
      %dma_start3A_179 = tpu.memref_slice %arg3[%mul3A_2, %dma_start3A_178] : memref<10016x16xf32, #tpu.memory_space<hbm>> -> memref<626x16xf32, #tpu.memory_space<hbm>>
      tpu.enqueue_dma source(%dma_start3A_179 : memref<626x16xf32, #tpu.memory_space<hbm>>) target(%dma_start3A_177 : memref<626x16xf32, #tpu.memory_space<vmem_shared>>) target_semaphore(%run_scoped3A : memref<!tpu.dma_semaphore, #tpu.memory_space<semaphore_mem>>)
      %dma_wait3A_180 = arith.constant 0 : i32
      %dma_wait3A_181 = tpu.memref_slice %arg22[%mul3A_2, %dma_wait3A_180] : memref<10016x16xf32, #tpu.memory_space<vmem_shared>> -> memref<626x16xf32, #tpu.memory_space<vmem_shared>>
      %dma_wait3A_182 = arith.constant 0 : i32
      %dma_wait3A_183 = tpu.memref_slice %arg3[%mul3A_2, %dma_wait3A_182] : memref<10016x16xf32, #tpu.memory_space<hbm>> -> memref<626x16xf32, #tpu.memory_space<hbm>>
      tpu.wait_dma2 semaphore(%run_scoped3A : memref<!tpu.dma_semaphore, #tpu.memory_space<semaphore_mem>>) src(%dma_wait3A_183 : memref<626x16xf32, #tpu.memory_space<hbm>>) dst(%dma_wait3A_181 : memref<626x16xf32, #tpu.memory_space<vmem_shared>>)
      tpu.yield
    }) : () -> ()
    %barrier3A = arith.constant 0 : index
    tpu.barrier barrier_id(%barrier3A)
    %multiple_of3A = tpu.assume_multiple %mul3A_4, 8 : i32
    "tpu.region"() ({
      %run_scoped3A = tpu.sem_alloc : memref<!tpu.dma_semaphore, #tpu.memory_space<semaphore_mem>>
      %dma_start3A_176 = tpu.memref_slice %arg4[%multiple_of3A] : memref<322560xi32, #tpu.memory_space<hbm>> -> memref<112xi32, #tpu.memory_space<hbm>>
      %dma_start3A_177 = tpu.memref_slice %arg4[%multiple_of3A] : memref<322560xi32, #tpu.memory_space<hbm>> -> memref<112xi32, #tpu.memory_space<hbm>>
      tpu.enqueue_dma source(%dma_start3A_177 : memref<112xi32, #tpu.memory_space<hbm>>) target(%arg8 : memref<112xi32, #tpu.memory_space<vmem>>) target_semaphore(%run_scoped3A : memref<!tpu.dma_semaphore, #tpu.memory_space<semaphore_mem>>)
      %dma_wait3A_178 = tpu.memref_slice %arg4[%multiple_of3A] : memref<322560xi32, #tpu.memory_space<hbm>> -> memref<112xi32, #tpu.memory_space<hbm>>
      %dma_wait3A_179 = tpu.memref_slice %arg4[%multiple_of3A] : memref<322560xi32, #tpu.memory_space<hbm>> -> memref<112xi32, #tpu.memory_space<hbm>>
      tpu.wait_dma2 semaphore(%run_scoped3A : memref<!tpu.dma_semaphore, #tpu.memory_space<semaphore_mem>>) src(%dma_wait3A_179 : memref<112xi32, #tpu.memory_space<hbm>>) dst(%arg8 : memref<112xi32, #tpu.memory_space<vmem>>)
      tpu.yield
    }) : () -> ()
    %multiple_of3A_5 = tpu.assume_multiple %mul3A_4, 8 : i32
    "tpu.region"() ({
      %run_scoped3A = tpu.sem_alloc : memref<!tpu.dma_semaphore, #tpu.memory_space<semaphore_mem>>
      %dma_start3A_176 = tpu.memref_slice %arg5[%multiple_of3A_5] : memref<322560xi32, #tpu.memory_space<hbm>> -> memref<112xi32, #tpu.memory_space<hbm>>
      %dma_start3A_177 = tpu.memref_slice %arg5[%multiple_of3A_5] : memref<322560xi32, #tpu.memory_space<hbm>> -> memref<112xi32, #tpu.memory_space<hbm>>
      tpu.enqueue_dma source(%dma_start3A_177 : memref<112xi32, #tpu.memory_space<hbm>>) target(%arg10 : memref<112xi32, #tpu.memory_space<vmem>>) target_semaphore(%run_scoped3A : memref<!tpu.dma_semaphore, #tpu.memory_space<semaphore_mem>>)
      %dma_wait3A_178 = tpu.memref_slice %arg5[%multiple_of3A_5] : memref<322560xi32, #tpu.memory_space<hbm>> -> memref<112xi32, #tpu.memory_space<hbm>>
      %dma_wait3A_179 = tpu.memref_slice %arg5[%multiple_of3A_5] : memref<322560xi32, #tpu.memory_space<hbm>> -> memref<112xi32, #tpu.memory_space<hbm>>
      tpu.wait_dma2 semaphore(%run_scoped3A : memref<!tpu.dma_semaphore, #tpu.memory_space<semaphore_mem>>) src(%dma_wait3A_179 : memref<112xi32, #tpu.memory_space<hbm>>) dst(%arg10 : memref<112xi32, #tpu.memory_space<vmem>>)
      tpu.yield
    }) : () -> ()
    %dma_start3A = arith.constant 0 : i32
    %dma_start3A_6 = arith.constant 0 : i32
    %dma_start3A_7 = tpu.memref_slice %arg21[%dma_start3A, %dma_start3A_6] : memref<10016x32xf32, #tpu.memory_space<vmem_shared>> -> memref<10016x32xf32, #tpu.memory_space<vmem_shared>>
    tpu.enqueue_indirect_dma source(%dma_start3A_7 : memref<10016x32xf32, #tpu.memory_space<vmem_shared>>) target(%arg14 : memref<112x32xf32, #tpu.memory_space<vmem>>) offsets(%arg8 : memref<112xi32, #tpu.memory_space<vmem>>) semaphore(%arg25 : memref<!tpu.dma_semaphore, #tpu.memory_space<semaphore_mem>>)
    %dma_start3A_8 = arith.constant 0 : i32
    %dma_start3A_9 = arith.constant 0 : i32
    %dma_start3A_10 = tpu.memref_slice %arg22[%dma_start3A_8, %dma_start3A_9] : memref<10016x16xf32, #tpu.memory_space<vmem_shared>> -> memref<10016x16xf32, #tpu.memory_space<vmem_shared>>
    tpu.enqueue_indirect_dma source(%dma_start3A_10 : memref<10016x16xf32, #tpu.memory_space<vmem_shared>>) target(%arg16 : memref<112x16xf32, #tpu.memory_space<vmem>>) offsets(%arg10 : memref<112xi32, #tpu.memory_space<vmem>>) semaphore(%arg27 : memref<!tpu.dma_semaphore, #tpu.memory_space<semaphore_mem>>)
    %add3A_11 = arith.constant 112 : i32
    %add3A_12 = arith.addi %mul3A_4, %add3A_11 : i32
    %multiple_of3A_13 = tpu.assume_multiple %add3A_12, 8 : i32
    %dma_start3A_14 = tpu.memref_slice %arg4[%multiple_of3A_13] : memref<322560xi32, #tpu.memory_space<hbm>> -> memref<112xi32, #tpu.memory_space<hbm>>
    %dma_start3A_15 = tpu.memref_slice %arg4[%multiple_of3A_13] : memref<322560xi32, #tpu.memory_space<hbm>> -> memref<112xi32, #tpu.memory_space<hbm>>
    tpu.enqueue_dma source(%dma_start3A_15 : memref<112xi32, #tpu.memory_space<hbm>>) target(%arg9 : memref<112xi32, #tpu.memory_space<vmem>>) target_semaphore(%arg24 : memref<!tpu.dma_semaphore, #tpu.memory_space<semaphore_mem>>)
    %add3A_16 = arith.constant 112 : i32
    %add3A_17 = arith.addi %mul3A_4, %add3A_16 : i32
    %multiple_of3A_18 = tpu.assume_multiple %add3A_17, 8 : i32
    %dma_start3A_19 = tpu.memref_slice %arg5[%multiple_of3A_18] : memref<322560xi32, #tpu.memory_space<hbm>> -> memref<112xi32, #tpu.memory_space<hbm>>
    %dma_start3A_20 = tpu.memref_slice %arg5[%multiple_of3A_18] : memref<322560xi32, #tpu.memory_space<hbm>> -> memref<112xi32, #tpu.memory_space<hbm>>
    tpu.enqueue_dma source(%dma_start3A_20 : memref<112xi32, #tpu.memory_space<hbm>>) target(%arg11 : memref<112xi32, #tpu.memory_space<vmem>>) target_semaphore(%arg24 : memref<!tpu.dma_semaphore, #tpu.memory_space<semaphore_mem>>)
    %scan3A = arith.constant 0 : i32
    %scan3A_21 = arith.constant 0 : i32
    %scan3A_22 = arith.constant 44 : i32
    %scan3A_23 = arith.addi %scan3A_21, %scan3A_22 : i32
    %scan3A_24 = arith.constant 1 : i32
    scf.for %scan3A_176 = %scan3A_21 to %scan3A_23 step %scan3A_24  : i32 {
      %mul3A_177 = arith.constant 2 : i32
      %mul3A_178 = arith.muli %mul3A_177, %scan3A_176 : i32
      %multiple_of3A_179 = tpu.assume_multiple %mul3A_4, 8 : i32
      %dma_wait3A_180 = tpu.memref_slice %arg4[%multiple_of3A_179] : memref<322560xi32, #tpu.memory_space<hbm>> -> memref<112xi32, #tpu.memory_space<hbm>>
      %dma_wait3A_181 = tpu.memref_slice %arg4[%multiple_of3A_179] : memref<322560xi32, #tpu.memory_space<hbm>> -> memref<112xi32, #tpu.memory_space<hbm>>
      tpu.wait_dma2 semaphore(%arg24 : memref<!tpu.dma_semaphore, #tpu.memory_space<semaphore_mem>>) src(%dma_wait3A_181 : memref<112xi32, #tpu.memory_space<hbm>>) dst(%arg9 : memref<112xi32, #tpu.memory_space<vmem>>)
      %multiple_of3A_182 = tpu.assume_multiple %mul3A_4, 8 : i32
      %dma_wait3A_183 = tpu.memref_slice %arg5[%multiple_of3A_182] : memref<322560xi32, #tpu.memory_space<hbm>> -> memref<112xi32, #tpu.memory_space<hbm>>
      %dma_wait3A_184 = tpu.memref_slice %arg5[%multiple_of3A_182] : memref<322560xi32, #tpu.memory_space<hbm>> -> memref<112xi32, #tpu.memory_space<hbm>>
      tpu.wait_dma2 semaphore(%arg24 : memref<!tpu.dma_semaphore, #tpu.memory_space<semaphore_mem>>) src(%dma_wait3A_184 : memref<112xi32, #tpu.memory_space<hbm>>) dst(%arg11 : memref<112xi32, #tpu.memory_space<vmem>>)
      %dma_start3A_185 = arith.constant 0 : i32
      %dma_start3A_186 = arith.constant 0 : i32
      %dma_start3A_187 = tpu.memref_slice %arg21[%dma_start3A_185, %dma_start3A_186] : memref<10016x32xf32, #tpu.memory_space<vmem_shared>> -> memref<10016x32xf32, #tpu.memory_space<vmem_shared>>
      tpu.enqueue_indirect_dma source(%dma_start3A_187 : memref<10016x32xf32, #tpu.memory_space<vmem_shared>>) target(%arg15 : memref<112x32xf32, #tpu.memory_space<vmem>>) offsets(%arg9 : memref<112xi32, #tpu.memory_space<vmem>>) semaphore(%arg26 : memref<!tpu.dma_semaphore, #tpu.memory_space<semaphore_mem>>)
      %dma_start3A_188 = arith.constant 0 : i32
      %dma_start3A_189 = arith.constant 0 : i32
      %dma_start3A_190 = tpu.memref_slice %arg22[%dma_start3A_188, %dma_start3A_189] : memref<10016x16xf32, #tpu.memory_space<vmem_shared>> -> memref<10016x16xf32, #tpu.memory_space<vmem_shared>>
      tpu.enqueue_indirect_dma source(%dma_start3A_190 : memref<10016x16xf32, #tpu.memory_space<vmem_shared>>) target(%arg17 : memref<112x16xf32, #tpu.memory_space<vmem>>) offsets(%arg11 : memref<112xi32, #tpu.memory_space<vmem>>) semaphore(%arg28 : memref<!tpu.dma_semaphore, #tpu.memory_space<semaphore_mem>>)
      %ge3A = arith.constant 2 : i32
      %ge3A_191 = arith.cmpi sge, %mul3A_178, %ge3A : i32
      %convert_element_type3A = arith.extui %ge3A_191 : i1 to i32
      %cond3A = arith.constant 0 : i32
      %cond3A_192 = arith.cmpi ne, %convert_element_type3A, %cond3A : i32
      scf.if %cond3A_192 {
        %dma_wait3A_355 = arith.constant 0 : i32
        %dma_wait3A_356 = arith.constant 0 : i32
        %dma_wait3A_357 = tpu.memref_slice %arg20[%dma_wait3A_355, %dma_wait3A_356] : memref<10016x32xf32, #tpu.memory_space<vmem_shared>> -> memref<10016x32xf32, #tpu.memory_space<vmem_shared>>
        tpu.wait_indirect_dma semaphore(%arg29 : memref<!tpu.dma_semaphore, #tpu.memory_space<semaphore_mem>>) src(%arg18 : memref<112x32xf32, #tpu.memory_space<vmem>>) dst(%dma_wait3A_357 : memref<10016x32xf32, #tpu.memory_space<vmem_shared>>)
      } else {
      }
      %dma_wait3A_193 = arith.constant 0 : i32
      %dma_wait3A_194 = arith.constant 0 : i32
      %dma_wait3A_195 = tpu.memref_slice %arg21[%dma_wait3A_193, %dma_wait3A_194] : memref<10016x32xf32, #tpu.memory_space<vmem_shared>> -> memref<10016x32xf32, #tpu.memory_space<vmem_shared>>
      tpu.wait_indirect_dma semaphore(%arg25 : memref<!tpu.dma_semaphore, #tpu.memory_space<semaphore_mem>>) src(%dma_wait3A_195 : memref<10016x32xf32, #tpu.memory_space<vmem_shared>>) dst(%arg14 : memref<112x32xf32, #tpu.memory_space<vmem>>)
      %dma_wait3A_196 = arith.constant 0 : i32
      %dma_wait3A_197 = arith.constant 0 : i32
      %dma_wait3A_198 = tpu.memref_slice %arg22[%dma_wait3A_196, %dma_wait3A_197] : memref<10016x16xf32, #tpu.memory_space<vmem_shared>> -> memref<10016x16xf32, #tpu.memory_space<vmem_shared>>
      tpu.wait_indirect_dma semaphore(%arg27 : memref<!tpu.dma_semaphore, #tpu.memory_space<semaphore_mem>>) src(%dma_wait3A_198 : memref<10016x16xf32, #tpu.memory_space<vmem_shared>>) dst(%arg16 : memref<112x16xf32, #tpu.memory_space<vmem>>)
      %get3A_199 = arith.constant 0 : index
      %get3A_200 = tpu.vector_load %arg10[%get3A_199] {strides = array<i32>} : memref<112xi32, #tpu.memory_space<vmem>>, vector<16xi32>,
      %get3A_201 = vector.shape_cast %get3A_200 : vector<16xi32> to vector<16xi32>
      %swap3A_202 = arith.constant 0 : index
      %swap3A_203 = tpu.vector_load %arg12[%swap3A_202] {strides = array<i32>} : memref<112xi32, #tpu.memory_space<vmem>>, vector<16xi32>,
      %swap3A_204 = vector.shape_cast %swap3A_203 : vector<16xi32> to vector<16xi32>
      %swap3A_205 = vector.shape_cast %get3A_201 : vector<16xi32> to vector<16xi32>
      tpu.vector_store %arg12[%swap3A_202], %swap3A_205 {strides = array<i32>} : memref<112xi32, #tpu.memory_space<vmem>>, vector<16xi32>,
      %get3A_206 = arith.constant 16 : index
      %get3A_207 = tpu.vector_load %arg10[%get3A_206] {strides = array<i32>} : memref<112xi32, #tpu.memory_space<vmem>>, vector<16xi32>,
      %get3A_208 = vector.shape_cast %get3A_207 : vector<16xi32> to vector<16xi32>
      %swap3A_209 = arith.constant 16 : index
      %swap3A_210 = tpu.vector_load %arg12[%swap3A_209] {strides = array<i32>} : memref<112xi32, #tpu.memory_space<vmem>>, vector<16xi32>,
      %swap3A_211 = vector.shape_cast %swap3A_210 : vector<16xi32> to vector<16xi32>
      %swap3A_212 = vector.shape_cast %get3A_208 : vector<16xi32> to vector<16xi32>
      tpu.vector_store %arg12[%swap3A_209], %swap3A_212 {strides = array<i32>} : memref<112xi32, #tpu.memory_space<vmem>>, vector<16xi32>,
      %get3A_213 = arith.constant 32 : index
      %get3A_214 = tpu.vector_load %arg10[%get3A_213] {strides = array<i32>} : memref<112xi32, #tpu.memory_space<vmem>>, vector<16xi32>,
      %get3A_215 = vector.shape_cast %get3A_214 : vector<16xi32> to vector<16xi32>
      %swap3A_216 = arith.constant 32 : index
      %swap3A_217 = tpu.vector_load %arg12[%swap3A_216] {strides = array<i32>} : memref<112xi32, #tpu.memory_space<vmem>>, vector<16xi32>,
      %swap3A_218 = vector.shape_cast %swap3A_217 : vector<16xi32> to vector<16xi32>
      %swap3A_219 = vector.shape_cast %get3A_215 : vector<16xi32> to vector<16xi32>
      tpu.vector_store %arg12[%swap3A_216], %swap3A_219 {strides = array<i32>} : memref<112xi32, #tpu.memory_space<vmem>>, vector<16xi32>,
      %get3A_220 = arith.constant 48 : index
      %get3A_221 = tpu.vector_load %arg10[%get3A_220] {strides = array<i32>} : memref<112xi32, #tpu.memory_space<vmem>>, vector<16xi32>,
      %get3A_222 = vector.shape_cast %get3A_221 : vector<16xi32> to vector<16xi32>
      %swap3A_223 = arith.constant 48 : index
      %swap3A_224 = tpu.vector_load %arg12[%swap3A_223] {strides = array<i32>} : memref<112xi32, #tpu.memory_space<vmem>>, vector<16xi32>,
      %swap3A_225 = vector.shape_cast %swap3A_224 : vector<16xi32> to vector<16xi32>
      %swap3A_226 = vector.shape_cast %get3A_222 : vector<16xi32> to vector<16xi32>
      tpu.vector_store %arg12[%swap3A_223], %swap3A_226 {strides = array<i32>} : memref<112xi32, #tpu.memory_space<vmem>>, vector<16xi32>,
      %get3A_227 = arith.constant 64 : index
      %get3A_228 = tpu.vector_load %arg10[%get3A_227] {strides = array<i32>} : memref<112xi32, #tpu.memory_space<vmem>>, vector<16xi32>,
      %get3A_229 = vector.shape_cast %get3A_228 : vector<16xi32> to vector<16xi32>
      %swap3A_230 = arith.constant 64 : index
      %swap3A_231 = tpu.vector_load %arg12[%swap3A_230] {strides = array<i32>} : memref<112xi32, #tpu.memory_space<vmem>>, vector<16xi32>,
      %swap3A_232 = vector.shape_cast %swap3A_231 : vector<16xi32> to vector<16xi32>
      %swap3A_233 = vector.shape_cast %get3A_229 : vector<16xi32> to vector<16xi32>
      tpu.vector_store %arg12[%swap3A_230], %swap3A_233 {strides = array<i32>} : memref<112xi32, #tpu.memory_space<vmem>>, vector<16xi32>,
      %get3A_234 = arith.constant 80 : index
      %get3A_235 = tpu.vector_load %arg10[%get3A_234] {strides = array<i32>} : memref<112xi32, #tpu.memory_space<vmem>>, vector<16xi32>,
      %get3A_236 = vector.shape_cast %get3A_235 : vector<16xi32> to vector<16xi32>
      %swap3A_237 = arith.constant 80 : index
      %swap3A_238 = tpu.vector_load %arg12[%swap3A_237] {strides = array<i32>} : memref<112xi32, #tpu.memory_space<vmem>>, vector<16xi32>,
      %swap3A_239 = vector.shape_cast %swap3A_238 : vector<16xi32> to vector<16xi32>
      %swap3A_240 = vector.shape_cast %get3A_236 : vector<16xi32> to vector<16xi32>
      tpu.vector_store %arg12[%swap3A_237], %swap3A_240 {strides = array<i32>} : memref<112xi32, #tpu.memory_space<vmem>>, vector<16xi32>,
      %get3A_241 = arith.constant 96 : index
      %get3A_242 = tpu.vector_load %arg10[%get3A_241] {strides = array<i32>} : memref<112xi32, #tpu.memory_space<vmem>>, vector<16xi32>,
      %get3A_243 = vector.shape_cast %get3A_242 : vector<16xi32> to vector<16xi32>
      %swap3A_244 = arith.constant 96 : index
      %swap3A_245 = tpu.vector_load %arg12[%swap3A_244] {strides = array<i32>} : memref<112xi32, #tpu.memory_space<vmem>>, vector<16xi32>,
      %swap3A_246 = vector.shape_cast %swap3A_245 : vector<16xi32> to vector<16xi32>
      %swap3A_247 = vector.shape_cast %get3A_243 : vector<16xi32> to vector<16xi32>
      tpu.vector_store %arg12[%swap3A_244], %swap3A_247 {strides = array<i32>} : memref<112xi32, #tpu.memory_space<vmem>>, vector<16xi32>,
      %scan3A_248 = arith.constant 0 : i32
      %scan3A_249 = arith.constant 0 : i32
      %scan3A_250 = arith.constant 112 : i32
      %scan3A_251 = arith.addi %scan3A_249, %scan3A_250 : i32
      %scan3A_252 = arith.constant 1 : i32
      scf.for %scan3A_355 = %scan3A_249 to %scan3A_251 step %scan3A_252  : i32 {
        %get3A_356 = arith.index_cast %scan3A_355 : i32 to index
        %get3A_357 = arith.constant 0 : index
        %get3A_358 = tpu.vector_load %arg14[%get3A_356, %get3A_357] {strides = array<i32>} : memref<112x32xf32, #tpu.memory_space<vmem>>, vector<1x16xf32>,
        %get3A_359 = vector.shape_cast %get3A_358 : vector<1x16xf32> to vector<16xf32>
        %get3A_360 = arith.index_cast %scan3A_355 : i32 to index
        %get3A_361 = arith.constant 16 : index
        %get3A_362 = tpu.vector_load %arg14[%get3A_360, %get3A_361] {strides = array<i32>} : memref<112x32xf32, #tpu.memory_space<vmem>>, vector<1x16xf32>,
        %get3A_363 = vector.shape_cast %get3A_362 : vector<1x16xf32> to vector<16xf32>
        %get3A_364 = arith.index_cast %scan3A_355 : i32 to index
        %get3A_365 = arith.constant 0 : index
        %get3A_366 = tpu.vector_load %arg16[%get3A_364, %get3A_365] {strides = array<i32>} : memref<112x16xf32, #tpu.memory_space<vmem>>, vector<1x16xf32>,
        %get3A_367 = vector.shape_cast %get3A_366 : vector<1x16xf32> to vector<16xf32>
        %add3A_368 = arith.addf %get3A_363, %get3A_367 : vector<16xf32>
        %mul3A_369 = arith.constant 2.000000e-01 : f32
        %mul3A_370 = vector.broadcast %mul3A_369 : f32 to vector<16xf32>
        %mul3A_371 = arith.mulf %mul3A_370, %add3A_368 : vector<16xf32>
        %max3A = arith.maximumf %add3A_368, %mul3A_371 : vector<16xf32>
        %exp3A = math.exp %max3A : vector<16xf32>
        %mul3A_372 = arith.mulf %get3A_359, %exp3A : vector<16xf32>
        %swap3A_373 = arith.index_cast %scan3A_355 : i32 to index
        %swap3A_374 = arith.constant 0 : index
        %swap3A_375 = tpu.vector_load %arg18[%swap3A_373, %swap3A_374] {strides = array<i32>} : memref<112x32xf32, #tpu.memory_space<vmem>>, vector<1x16xf32>,
        %swap3A_376 = vector.shape_cast %swap3A_375 : vector<1x16xf32> to vector<16xf32>
        %swap3A_377 = vector.shape_cast %mul3A_372 : vector<16xf32> to vector<1x16xf32>
        tpu.vector_store %arg18[%swap3A_373, %swap3A_374], %swap3A_377 {strides = array<i32>} : memref<112x32xf32, #tpu.memory_space<vmem>>, vector<1x16xf32>,
        %swap3A_378 = arith.index_cast %scan3A_355 : i32 to index
        %swap3A_379 = arith.constant 16 : index
        %swap3A_380 = tpu.vector_load %arg18[%swap3A_378, %swap3A_379] {strides = array<i32>} : memref<112x32xf32, #tpu.memory_space<vmem>>, vector<1x16xf32>,
        %swap3A_381 = vector.shape_cast %swap3A_380 : vector<1x16xf32> to vector<16xf32>
        %swap3A_382 = vector.shape_cast %exp3A : vector<16xf32> to vector<1x16xf32>
        tpu.vector_store %arg18[%swap3A_378, %swap3A_379], %swap3A_382 {strides = array<i32>} : memref<112x32xf32, #tpu.memory_space<vmem>>, vector<1x16xf32>,
      }
      %scan3A_253 = arith.constant 112 : i32
      %dma_start3A_254 = arith.constant 0 : i32
      %dma_start3A_255 = arith.constant 0 : i32
      %dma_start3A_256 = tpu.memref_slice %arg20[%dma_start3A_254, %dma_start3A_255] : memref<10016x32xf32, #tpu.memory_space<vmem_shared>> -> memref<10016x32xf32, #tpu.memory_space<vmem_shared>>
      tpu.enqueue_indirect_dma source(%arg18 : memref<112x32xf32, #tpu.memory_space<vmem>>) target(%dma_start3A_256 : memref<10016x32xf32, #tpu.memory_space<vmem_shared>>) offsets(%arg12 : memref<112xi32, #tpu.memory_space<vmem>>) semaphore(%arg29 : memref<!tpu.dma_semaphore, #tpu.memory_space<semaphore_mem>>) {add = true}
      %add3A_257 = arith.constant 2 : i32
      %add3A_258 = arith.addi %mul3A_178, %add3A_257 : i32
      %le3A = arith.constant 89 : i32
      %le3A_259 = arith.cmpi sle, %add3A_258, %le3A : i32
      %convert_element_type3A_260 = arith.extui %le3A_259 : i1 to i32
      %cond3A_261 = arith.constant 0 : i32
      %cond3A_262 = arith.cmpi ne, %convert_element_type3A_260, %cond3A_261 : i32
      scf.if %cond3A_262 {
        %add3A_355 = arith.constant 2 : i32
        %add3A_356 = arith.addi %mul3A_178, %add3A_355 : i32
        %mul3A_357 = arith.constant 112 : i32
        %mul3A_358 = arith.muli %add3A_356, %mul3A_357 : i32
        %add3A_359 = arith.addi %mul3A_4, %mul3A_358 : i32
        %multiple_of3A_360 = tpu.assume_multiple %add3A_359, 8 : i32
        %dma_start3A_361 = tpu.memref_slice %arg4[%multiple_of3A_360] : memref<322560xi32, #tpu.memory_space<hbm>> -> memref<112xi32, #tpu.memory_space<hbm>>
        %dma_start3A_362 = tpu.memref_slice %arg4[%multiple_of3A_360] : memref<322560xi32, #tpu.memory_space<hbm>> -> memref<112xi32, #tpu.memory_space<hbm>>
        tpu.enqueue_dma source(%dma_start3A_362 : memref<112xi32, #tpu.memory_space<hbm>>) target(%arg8 : memref<112xi32, #tpu.memory_space<vmem>>) target_semaphore(%arg23 : memref<!tpu.dma_semaphore, #tpu.memory_space<semaphore_mem>>)
        %multiple_of3A_363 = tpu.assume_multiple %add3A_359, 8 : i32
        %dma_start3A_364 = tpu.memref_slice %arg5[%multiple_of3A_363] : memref<322560xi32, #tpu.memory_space<hbm>> -> memref<112xi32, #tpu.memory_space<hbm>>
        %dma_start3A_365 = tpu.memref_slice %arg5[%multiple_of3A_363] : memref<322560xi32, #tpu.memory_space<hbm>> -> memref<112xi32, #tpu.memory_space<hbm>>
        tpu.enqueue_dma source(%dma_start3A_365 : memref<112xi32, #tpu.memory_space<hbm>>) target(%arg10 : memref<112xi32, #tpu.memory_space<vmem>>) target_semaphore(%arg23 : memref<!tpu.dma_semaphore, #tpu.memory_space<semaphore_mem>>)
      } else {
      }
      %mul3A_263 = arith.constant 2 : i32
      %mul3A_264 = arith.muli %mul3A_263, %scan3A_176 : i32
      %add3A_265 = arith.constant 1 : i32
      %add3A_266 = arith.addi %mul3A_264, %add3A_265 : i32
      %multiple_of3A_267 = tpu.assume_multiple %mul3A_4, 8 : i32
      %dma_wait3A_268 = tpu.memref_slice %arg4[%multiple_of3A_267] : memref<322560xi32, #tpu.memory_space<hbm>> -> memref<112xi32, #tpu.memory_space<hbm>>
      %dma_wait3A_269 = tpu.memref_slice %arg4[%multiple_of3A_267] : memref<322560xi32, #tpu.memory_space<hbm>> -> memref<112xi32, #tpu.memory_space<hbm>>
      tpu.wait_dma2 semaphore(%arg23 : memref<!tpu.dma_semaphore, #tpu.memory_space<semaphore_mem>>) src(%dma_wait3A_269 : memref<112xi32, #tpu.memory_space<hbm>>) dst(%arg8 : memref<112xi32, #tpu.memory_space<vmem>>)
      %multiple_of3A_270 = tpu.assume_multiple %mul3A_4, 8 : i32
      %dma_wait3A_271 = tpu.memref_slice %arg5[%multiple_of3A_270] : memref<322560xi32, #tpu.memory_space<hbm>> -> memref<112xi32, #tpu.memory_space<hbm>>
      %dma_wait3A_272 = tpu.memref_slice %arg5[%multiple_of3A_270] : memref<322560xi32, #tpu.memory_space<hbm>> -> memref<112xi32, #tpu.memory_space<hbm>>
      tpu.wait_dma2 semaphore(%arg23 : memref<!tpu.dma_semaphore, #tpu.memory_space<semaphore_mem>>) src(%dma_wait3A_272 : memref<112xi32, #tpu.memory_space<hbm>>) dst(%arg10 : memref<112xi32, #tpu.memory_space<vmem>>)
      %dma_start3A_273 = arith.constant 0 : i32
      %dma_start3A_274 = arith.constant 0 : i32
      %dma_start3A_275 = tpu.memref_slice %arg21[%dma_start3A_273, %dma_start3A_274] : memref<10016x32xf32, #tpu.memory_space<vmem_shared>> -> memref<10016x32xf32, #tpu.memory_space<vmem_shared>>
      tpu.enqueue_indirect_dma source(%dma_start3A_275 : memref<10016x32xf32, #tpu.memory_space<vmem_shared>>) target(%arg14 : memref<112x32xf32, #tpu.memory_space<vmem>>) offsets(%arg8 : memref<112xi32, #tpu.memory_space<vmem>>) semaphore(%arg25 : memref<!tpu.dma_semaphore, #tpu.memory_space<semaphore_mem>>)
      %dma_start3A_276 = arith.constant 0 : i32
      %dma_start3A_277 = arith.constant 0 : i32
      %dma_start3A_278 = tpu.memref_slice %arg22[%dma_start3A_276, %dma_start3A_277] : memref<10016x16xf32, #tpu.memory_space<vmem_shared>> -> memref<10016x16xf32, #tpu.memory_space<vmem_shared>>
      tpu.enqueue_indirect_dma source(%dma_start3A_278 : memref<10016x16xf32, #tpu.memory_space<vmem_shared>>) target(%arg16 : memref<112x16xf32, #tpu.memory_space<vmem>>) offsets(%arg10 : memref<112xi32, #tpu.memory_space<vmem>>) semaphore(%arg27 : memref<!tpu.dma_semaphore, #tpu.memory_space<semaphore_mem>>)
      %ge3A_279 = arith.constant 2 : i32
      %ge3A_280 = arith.cmpi sge, %add3A_266, %ge3A_279 : i32
      %convert_element_type3A_281 = arith.extui %ge3A_280 : i1 to i32
      %cond3A_282 = arith.constant 0 : i32
      %cond3A_283 = arith.cmpi ne, %convert_element_type3A_281, %cond3A_282 : i32
      scf.if %cond3A_283 {
        %dma_wait3A_355 = arith.constant 0 : i32
        %dma_wait3A_356 = arith.constant 0 : i32
        %dma_wait3A_357 = tpu.memref_slice %arg20[%dma_wait3A_355, %dma_wait3A_356] : memref<10016x32xf32, #tpu.memory_space<vmem_shared>> -> memref<10016x32xf32, #tpu.memory_space<vmem_shared>>
        tpu.wait_indirect_dma semaphore(%arg30 : memref<!tpu.dma_semaphore, #tpu.memory_space<semaphore_mem>>) src(%arg19 : memref<112x32xf32, #tpu.memory_space<vmem>>) dst(%dma_wait3A_357 : memref<10016x32xf32, #tpu.memory_space<vmem_shared>>)
      } else {
      }
      %dma_wait3A_284 = arith.constant 0 : i32
      %dma_wait3A_285 = arith.constant 0 : i32
      %dma_wait3A_286 = tpu.memref_slice %arg21[%dma_wait3A_284, %dma_wait3A_285] : memref<10016x32xf32, #tpu.memory_space<vmem_shared>> -> memref<10016x32xf32, #tpu.memory_space<vmem_shared>>
      tpu.wait_indirect_dma semaphore(%arg26 : memref<!tpu.dma_semaphore, #tpu.memory_space<semaphore_mem>>) src(%dma_wait3A_286 : memref<10016x32xf32, #tpu.memory_space<vmem_shared>>) dst(%arg15 : memref<112x32xf32, #tpu.memory_space<vmem>>)
      %dma_wait3A_287 = arith.constant 0 : i32
      %dma_wait3A_288 = arith.constant 0 : i32
      %dma_wait3A_289 = tpu.memref_slice %arg22[%dma_wait3A_287, %dma_wait3A_288] : memref<10016x16xf32, #tpu.memory_space<vmem_shared>> -> memref<10016x16xf32, #tpu.memory_space<vmem_shared>>
      tpu.wait_indirect_dma semaphore(%arg28 : memref<!tpu.dma_semaphore, #tpu.memory_space<semaphore_mem>>) src(%dma_wait3A_289 : memref<10016x16xf32, #tpu.memory_space<vmem_shared>>) dst(%arg17 : memref<112x16xf32, #tpu.memory_space<vmem>>)
      %get3A_290 = arith.constant 0 : index
      %get3A_291 = tpu.vector_load %arg11[%get3A_290] {strides = array<i32>} : memref<112xi32, #tpu.memory_space<vmem>>, vector<16xi32>,
      %get3A_292 = vector.shape_cast %get3A_291 : vector<16xi32> to vector<16xi32>
      %swap3A_293 = arith.constant 0 : index
      %swap3A_294 = tpu.vector_load %arg13[%swap3A_293] {strides = array<i32>} : memref<112xi32, #tpu.memory_space<vmem>>, vector<16xi32>,
      %swap3A_295 = vector.shape_cast %swap3A_294 : vector<16xi32> to vector<16xi32>
      %swap3A_296 = vector.shape_cast %get3A_292 : vector<16xi32> to vector<16xi32>
      tpu.vector_store %arg13[%swap3A_293], %swap3A_296 {strides = array<i32>} : memref<112xi32, #tpu.memory_space<vmem>>, vector<16xi32>,
      %get3A_297 = arith.constant 16 : index
      %get3A_298 = tpu.vector_load %arg11[%get3A_297] {strides = array<i32>} : memref<112xi32, #tpu.memory_space<vmem>>, vector<16xi32>,
      %get3A_299 = vector.shape_cast %get3A_298 : vector<16xi32> to vector<16xi32>
      %swap3A_300 = arith.constant 16 : index
      %swap3A_301 = tpu.vector_load %arg13[%swap3A_300] {strides = array<i32>} : memref<112xi32, #tpu.memory_space<vmem>>, vector<16xi32>,
      %swap3A_302 = vector.shape_cast %swap3A_301 : vector<16xi32> to vector<16xi32>
      %swap3A_303 = vector.shape_cast %get3A_299 : vector<16xi32> to vector<16xi32>
      tpu.vector_store %arg13[%swap3A_300], %swap3A_303 {strides = array<i32>} : memref<112xi32, #tpu.memory_space<vmem>>, vector<16xi32>,
      %get3A_304 = arith.constant 32 : index
      %get3A_305 = tpu.vector_load %arg11[%get3A_304] {strides = array<i32>} : memref<112xi32, #tpu.memory_space<vmem>>, vector<16xi32>,
      %get3A_306 = vector.shape_cast %get3A_305 : vector<16xi32> to vector<16xi32>
      %swap3A_307 = arith.constant 32 : index
      %swap3A_308 = tpu.vector_load %arg13[%swap3A_307] {strides = array<i32>} : memref<112xi32, #tpu.memory_space<vmem>>, vector<16xi32>,
      %swap3A_309 = vector.shape_cast %swap3A_308 : vector<16xi32> to vector<16xi32>
      %swap3A_310 = vector.shape_cast %get3A_306 : vector<16xi32> to vector<16xi32>
      tpu.vector_store %arg13[%swap3A_307], %swap3A_310 {strides = array<i32>} : memref<112xi32, #tpu.memory_space<vmem>>, vector<16xi32>,
      %get3A_311 = arith.constant 48 : index
      %get3A_312 = tpu.vector_load %arg11[%get3A_311] {strides = array<i32>} : memref<112xi32, #tpu.memory_space<vmem>>, vector<16xi32>,
      %get3A_313 = vector.shape_cast %get3A_312 : vector<16xi32> to vector<16xi32>
      %swap3A_314 = arith.constant 48 : index
      %swap3A_315 = tpu.vector_load %arg13[%swap3A_314] {strides = array<i32>} : memref<112xi32, #tpu.memory_space<vmem>>, vector<16xi32>,
      %swap3A_316 = vector.shape_cast %swap3A_315 : vector<16xi32> to vector<16xi32>
      %swap3A_317 = vector.shape_cast %get3A_313 : vector<16xi32> to vector<16xi32>
      tpu.vector_store %arg13[%swap3A_314], %swap3A_317 {strides = array<i32>} : memref<112xi32, #tpu.memory_space<vmem>>, vector<16xi32>,
      %get3A_318 = arith.constant 64 : index
      %get3A_319 = tpu.vector_load %arg11[%get3A_318] {strides = array<i32>} : memref<112xi32, #tpu.memory_space<vmem>>, vector<16xi32>,
      %get3A_320 = vector.shape_cast %get3A_319 : vector<16xi32> to vector<16xi32>
      %swap3A_321 = arith.constant 64 : index
      %swap3A_322 = tpu.vector_load %arg13[%swap3A_321] {strides = array<i32>} : memref<112xi32, #tpu.memory_space<vmem>>, vector<16xi32>,
      %swap3A_323 = vector.shape_cast %swap3A_322 : vector<16xi32> to vector<16xi32>
      %swap3A_324 = vector.shape_cast %get3A_320 : vector<16xi32> to vector<16xi32>
      tpu.vector_store %arg13[%swap3A_321], %swap3A_324 {strides = array<i32>} : memref<112xi32, #tpu.memory_space<vmem>>, vector<16xi32>,
      %get3A_325 = arith.constant 80 : index
      %get3A_326 = tpu.vector_load %arg11[%get3A_325] {strides = array<i32>} : memref<112xi32, #tpu.memory_space<vmem>>, vector<16xi32>,
      %get3A_327 = vector.shape_cast %get3A_326 : vector<16xi32> to vector<16xi32>
      %swap3A_328 = arith.constant 80 : index
      %swap3A_329 = tpu.vector_load %arg13[%swap3A_328] {strides = array<i32>} : memref<112xi32, #tpu.memory_space<vmem>>, vector<16xi32>,
      %swap3A_330 = vector.shape_cast %swap3A_329 : vector<16xi32> to vector<16xi32>
      %swap3A_331 = vector.shape_cast %get3A_327 : vector<16xi32> to vector<16xi32>
      tpu.vector_store %arg13[%swap3A_328], %swap3A_331 {strides = array<i32>} : memref<112xi32, #tpu.memory_space<vmem>>, vector<16xi32>,
      %get3A_332 = arith.constant 96 : index
      %get3A_333 = tpu.vector_load %arg11[%get3A_332] {strides = array<i32>} : memref<112xi32, #tpu.memory_space<vmem>>, vector<16xi32>,
      %get3A_334 = vector.shape_cast %get3A_333 : vector<16xi32> to vector<16xi32>
      %swap3A_335 = arith.constant 96 : index
      %swap3A_336 = tpu.vector_load %arg13[%swap3A_335] {strides = array<i32>} : memref<112xi32, #tpu.memory_space<vmem>>, vector<16xi32>,
      %swap3A_337 = vector.shape_cast %swap3A_336 : vector<16xi32> to vector<16xi32>
      %swap3A_338 = vector.shape_cast %get3A_334 : vector<16xi32> to vector<16xi32>
      tpu.vector_store %arg13[%swap3A_335], %swap3A_338 {strides = array<i32>} : memref<112xi32, #tpu.memory_space<vmem>>, vector<16xi32>,
      %scan3A_339 = arith.constant 0 : i32
      %scan3A_340 = arith.constant 0 : i32
      %scan3A_341 = arith.constant 112 : i32
      %scan3A_342 = arith.addi %scan3A_340, %scan3A_341 : i32
      %scan3A_343 = arith.constant 1 : i32
      scf.for %scan3A_355 = %scan3A_340 to %scan3A_342 step %scan3A_343  : i32 {
        %get3A_356 = arith.index_cast %scan3A_355 : i32 to index
        %get3A_357 = arith.constant 0 : index
        %get3A_358 = tpu.vector_load %arg15[%get3A_356, %get3A_357] {strides = array<i32>} : memref<112x32xf32, #tpu.memory_space<vmem>>, vector<1x16xf32>,
        %get3A_359 = vector.shape_cast %get3A_358 : vector<1x16xf32> to vector<16xf32>
        %get3A_360 = arith.index_cast %scan3A_355 : i32 to index
        %get3A_361 = arith.constant 16 : index
        %get3A_362 = tpu.vector_load %arg15[%get3A_360, %get3A_361] {strides = array<i32>} : memref<112x32xf32, #tpu.memory_space<vmem>>, vector<1x16xf32>,
        %get3A_363 = vector.shape_cast %get3A_362 : vector<1x16xf32> to vector<16xf32>
        %get3A_364 = arith.index_cast %scan3A_355 : i32 to index
        %get3A_365 = arith.constant 0 : index
        %get3A_366 = tpu.vector_load %arg17[%get3A_364, %get3A_365] {strides = array<i32>} : memref<112x16xf32, #tpu.memory_space<vmem>>, vector<1x16xf32>,
        %get3A_367 = vector.shape_cast %get3A_366 : vector<1x16xf32> to vector<16xf32>
        %add3A_368 = arith.addf %get3A_363, %get3A_367 : vector<16xf32>
        %mul3A_369 = arith.constant 2.000000e-01 : f32
        %mul3A_370 = vector.broadcast %mul3A_369 : f32 to vector<16xf32>
        %mul3A_371 = arith.mulf %mul3A_370, %add3A_368 : vector<16xf32>
        %max3A = arith.maximumf %add3A_368, %mul3A_371 : vector<16xf32>
        %exp3A = math.exp %max3A : vector<16xf32>
        %mul3A_372 = arith.mulf %get3A_359, %exp3A : vector<16xf32>
        %swap3A_373 = arith.index_cast %scan3A_355 : i32 to index
        %swap3A_374 = arith.constant 0 : index
        %swap3A_375 = tpu.vector_load %arg19[%swap3A_373, %swap3A_374] {strides = array<i32>} : memref<112x32xf32, #tpu.memory_space<vmem>>, vector<1x16xf32>,
        %swap3A_376 = vector.shape_cast %swap3A_375 : vector<1x16xf32> to vector<16xf32>
        %swap3A_377 = vector.shape_cast %mul3A_372 : vector<16xf32> to vector<1x16xf32>
        tpu.vector_store %arg19[%swap3A_373, %swap3A_374], %swap3A_377 {strides = array<i32>} : memref<112x32xf32, #tpu.memory_space<vmem>>, vector<1x16xf32>,
        %swap3A_378 = arith.index_cast %scan3A_355 : i32 to index
        %swap3A_379 = arith.constant 16 : index
        %swap3A_380 = tpu.vector_load %arg19[%swap3A_378, %swap3A_379] {strides = array<i32>} : memref<112x32xf32, #tpu.memory_space<vmem>>, vector<1x16xf32>,
        %swap3A_381 = vector.shape_cast %swap3A_380 : vector<1x16xf32> to vector<16xf32>
        %swap3A_382 = vector.shape_cast %exp3A : vector<16xf32> to vector<1x16xf32>
        tpu.vector_store %arg19[%swap3A_378, %swap3A_379], %swap3A_382 {strides = array<i32>} : memref<112x32xf32, #tpu.memory_space<vmem>>, vector<1x16xf32>,
      }
      %scan3A_344 = arith.constant 112 : i32
      %dma_start3A_345 = arith.constant 0 : i32
      %dma_start3A_346 = arith.constant 0 : i32
      %dma_start3A_347 = tpu.memref_slice %arg20[%dma_start3A_345, %dma_start3A_346] : memref<10016x32xf32, #tpu.memory_space<vmem_shared>> -> memref<10016x32xf32, #tpu.memory_space<vmem_shared>>
      tpu.enqueue_indirect_dma source(%arg19 : memref<112x32xf32, #tpu.memory_space<vmem>>) target(%dma_start3A_347 : memref<10016x32xf32, #tpu.memory_space<vmem_shared>>) offsets(%arg13 : memref<112xi32, #tpu.memory_space<vmem>>) semaphore(%arg30 : memref<!tpu.dma_semaphore, #tpu.memory_space<semaphore_mem>>) {add = true}
      %add3A_348 = arith.constant 2 : i32
      %add3A_349 = arith.addi %add3A_266, %add3A_348 : i32
      %le3A_350 = arith.constant 89 : i32
      %le3A_351 = arith.cmpi sle, %add3A_349, %le3A_350 : i32
      %convert_element_type3A_352 = arith.extui %le3A_351 : i1 to i32
      %cond3A_353 = arith.constant 0 : i32
      %cond3A_354 = arith.cmpi ne, %convert_element_type3A_352, %cond3A_353 : i32
      scf.if %cond3A_354 {
        %add3A_355 = arith.constant 2 : i32
        %add3A_356 = arith.addi %add3A_266, %add3A_355 : i32
        %mul3A_357 = arith.constant 112 : i32
        %mul3A_358 = arith.muli %add3A_356, %mul3A_357 : i32
        %add3A_359 = arith.addi %mul3A_4, %mul3A_358 : i32
        %multiple_of3A_360 = tpu.assume_multiple %add3A_359, 8 : i32
        %dma_start3A_361 = tpu.memref_slice %arg4[%multiple_of3A_360] : memref<322560xi32, #tpu.memory_space<hbm>> -> memref<112xi32, #tpu.memory_space<hbm>>
        %dma_start3A_362 = tpu.memref_slice %arg4[%multiple_of3A_360] : memref<322560xi32, #tpu.memory_space<hbm>> -> memref<112xi32, #tpu.memory_space<hbm>>
        tpu.enqueue_dma source(%dma_start3A_362 : memref<112xi32, #tpu.memory_space<hbm>>) target(%arg9 : memref<112xi32, #tpu.memory_space<vmem>>) target_semaphore(%arg24 : memref<!tpu.dma_semaphore, #tpu.memory_space<semaphore_mem>>)
        %multiple_of3A_363 = tpu.assume_multiple %add3A_359, 8 : i32
        %dma_start3A_364 = tpu.memref_slice %arg5[%multiple_of3A_363] : memref<322560xi32, #tpu.memory_space<hbm>> -> memref<112xi32, #tpu.memory_space<hbm>>
        %dma_start3A_365 = tpu.memref_slice %arg5[%multiple_of3A_363] : memref<322560xi32, #tpu.memory_space<hbm>> -> memref<112xi32, #tpu.memory_space<hbm>>
        tpu.enqueue_dma source(%dma_start3A_365 : memref<112xi32, #tpu.memory_space<hbm>>) target(%arg11 : memref<112xi32, #tpu.memory_space<vmem>>) target_semaphore(%arg24 : memref<!tpu.dma_semaphore, #tpu.memory_space<semaphore_mem>>)
      } else {
      }
    }
    %scan3A_25 = arith.constant 44 : i32
    %multiple_of3A_26 = tpu.assume_multiple %mul3A_4, 8 : i32
    %dma_wait3A = tpu.memref_slice %arg4[%multiple_of3A_26] : memref<322560xi32, #tpu.memory_space<hbm>> -> memref<112xi32, #tpu.memory_space<hbm>>
    %dma_wait3A_27 = tpu.memref_slice %arg4[%multiple_of3A_26] : memref<322560xi32, #tpu.memory_space<hbm>> -> memref<112xi32, #tpu.memory_space<hbm>>
    tpu.wait_dma2 semaphore(%arg24 : memref<!tpu.dma_semaphore, #tpu.memory_space<semaphore_mem>>) src(%dma_wait3A_27 : memref<112xi32, #tpu.memory_space<hbm>>) dst(%arg9 : memref<112xi32, #tpu.memory_space<vmem>>)
    %multiple_of3A_28 = tpu.assume_multiple %mul3A_4, 8 : i32
    %dma_wait3A_29 = tpu.memref_slice %arg5[%multiple_of3A_28] : memref<322560xi32, #tpu.memory_space<hbm>> -> memref<112xi32, #tpu.memory_space<hbm>>
    %dma_wait3A_30 = tpu.memref_slice %arg5[%multiple_of3A_28] : memref<322560xi32, #tpu.memory_space<hbm>> -> memref<112xi32, #tpu.memory_space<hbm>>
    tpu.wait_dma2 semaphore(%arg24 : memref<!tpu.dma_semaphore, #tpu.memory_space<semaphore_mem>>) src(%dma_wait3A_30 : memref<112xi32, #tpu.memory_space<hbm>>) dst(%arg11 : memref<112xi32, #tpu.memory_space<vmem>>)
    %dma_start3A_31 = arith.constant 0 : i32
    %dma_start3A_32 = arith.constant 0 : i32
    %dma_start3A_33 = tpu.memref_slice %arg21[%dma_start3A_31, %dma_start3A_32] : memref<10016x32xf32, #tpu.memory_space<vmem_shared>> -> memref<10016x32xf32, #tpu.memory_space<vmem_shared>>
    tpu.enqueue_indirect_dma source(%dma_start3A_33 : memref<10016x32xf32, #tpu.memory_space<vmem_shared>>) target(%arg15 : memref<112x32xf32, #tpu.memory_space<vmem>>) offsets(%arg9 : memref<112xi32, #tpu.memory_space<vmem>>) semaphore(%arg26 : memref<!tpu.dma_semaphore, #tpu.memory_space<semaphore_mem>>)
    %dma_start3A_34 = arith.constant 0 : i32
    %dma_start3A_35 = arith.constant 0 : i32
    %dma_start3A_36 = tpu.memref_slice %arg22[%dma_start3A_34, %dma_start3A_35] : memref<10016x16xf32, #tpu.memory_space<vmem_shared>> -> memref<10016x16xf32, #tpu.memory_space<vmem_shared>>
    tpu.enqueue_indirect_dma source(%dma_start3A_36 : memref<10016x16xf32, #tpu.memory_space<vmem_shared>>) target(%arg17 : memref<112x16xf32, #tpu.memory_space<vmem>>) offsets(%arg11 : memref<112xi32, #tpu.memory_space<vmem>>) semaphore(%arg28 : memref<!tpu.dma_semaphore, #tpu.memory_space<semaphore_mem>>)
    %dma_wait3A_37 = arith.constant 0 : i32
    %dma_wait3A_38 = arith.constant 0 : i32
    %dma_wait3A_39 = tpu.memref_slice %arg20[%dma_wait3A_37, %dma_wait3A_38] : memref<10016x32xf32, #tpu.memory_space<vmem_shared>> -> memref<10016x32xf32, #tpu.memory_space<vmem_shared>>
    tpu.wait_indirect_dma semaphore(%arg29 : memref<!tpu.dma_semaphore, #tpu.memory_space<semaphore_mem>>) src(%arg18 : memref<112x32xf32, #tpu.memory_space<vmem>>) dst(%dma_wait3A_39 : memref<10016x32xf32, #tpu.memory_space<vmem_shared>>)
    %dma_wait3A_40 = arith.constant 0 : i32
    %dma_wait3A_41 = arith.constant 0 : i32
    %dma_wait3A_42 = tpu.memref_slice %arg21[%dma_wait3A_40, %dma_wait3A_41] : memref<10016x32xf32, #tpu.memory_space<vmem_shared>> -> memref<10016x32xf32, #tpu.memory_space<vmem_shared>>
    tpu.wait_indirect_dma semaphore(%arg25 : memref<!tpu.dma_semaphore, #tpu.memory_space<semaphore_mem>>) src(%dma_wait3A_42 : memref<10016x32xf32, #tpu.memory_space<vmem_shared>>) dst(%arg14 : memref<112x32xf32, #tpu.memory_space<vmem>>)
    %dma_wait3A_43 = arith.constant 0 : i32
    %dma_wait3A_44 = arith.constant 0 : i32
    %dma_wait3A_45 = tpu.memref_slice %arg22[%dma_wait3A_43, %dma_wait3A_44] : memref<10016x16xf32, #tpu.memory_space<vmem_shared>> -> memref<10016x16xf32, #tpu.memory_space<vmem_shared>>
    tpu.wait_indirect_dma semaphore(%arg27 : memref<!tpu.dma_semaphore, #tpu.memory_space<semaphore_mem>>) src(%dma_wait3A_45 : memref<10016x16xf32, #tpu.memory_space<vmem_shared>>) dst(%arg16 : memref<112x16xf32, #tpu.memory_space<vmem>>)
    %get3A = arith.constant 0 : index
    %get3A_46 = tpu.vector_load %arg10[%get3A] {strides = array<i32>} : memref<112xi32, #tpu.memory_space<vmem>>, vector<16xi32>,
    %get3A_47 = vector.shape_cast %get3A_46 : vector<16xi32> to vector<16xi32>
    %swap3A = arith.constant 0 : index
    %swap3A_48 = tpu.vector_load %arg12[%swap3A] {strides = array<i32>} : memref<112xi32, #tpu.memory_space<vmem>>, vector<16xi32>,
    %swap3A_49 = vector.shape_cast %swap3A_48 : vector<16xi32> to vector<16xi32>
    %swap3A_50 = vector.shape_cast %get3A_47 : vector<16xi32> to vector<16xi32>
    tpu.vector_store %arg12[%swap3A], %swap3A_50 {strides = array<i32>} : memref<112xi32, #tpu.memory_space<vmem>>, vector<16xi32>,
    %get3A_51 = arith.constant 16 : index
    %get3A_52 = tpu.vector_load %arg10[%get3A_51] {strides = array<i32>} : memref<112xi32, #tpu.memory_space<vmem>>, vector<16xi32>,
    %get3A_53 = vector.shape_cast %get3A_52 : vector<16xi32> to vector<16xi32>
    %swap3A_54 = arith.constant 16 : index
    %swap3A_55 = tpu.vector_load %arg12[%swap3A_54] {strides = array<i32>} : memref<112xi32, #tpu.memory_space<vmem>>, vector<16xi32>,
    %swap3A_56 = vector.shape_cast %swap3A_55 : vector<16xi32> to vector<16xi32>
    %swap3A_57 = vector.shape_cast %get3A_53 : vector<16xi32> to vector<16xi32>
    tpu.vector_store %arg12[%swap3A_54], %swap3A_57 {strides = array<i32>} : memref<112xi32, #tpu.memory_space<vmem>>, vector<16xi32>,
    %get3A_58 = arith.constant 32 : index
    %get3A_59 = tpu.vector_load %arg10[%get3A_58] {strides = array<i32>} : memref<112xi32, #tpu.memory_space<vmem>>, vector<16xi32>,
    %get3A_60 = vector.shape_cast %get3A_59 : vector<16xi32> to vector<16xi32>
    %swap3A_61 = arith.constant 32 : index
    %swap3A_62 = tpu.vector_load %arg12[%swap3A_61] {strides = array<i32>} : memref<112xi32, #tpu.memory_space<vmem>>, vector<16xi32>,
    %swap3A_63 = vector.shape_cast %swap3A_62 : vector<16xi32> to vector<16xi32>
    %swap3A_64 = vector.shape_cast %get3A_60 : vector<16xi32> to vector<16xi32>
    tpu.vector_store %arg12[%swap3A_61], %swap3A_64 {strides = array<i32>} : memref<112xi32, #tpu.memory_space<vmem>>, vector<16xi32>,
    %get3A_65 = arith.constant 48 : index
    %get3A_66 = tpu.vector_load %arg10[%get3A_65] {strides = array<i32>} : memref<112xi32, #tpu.memory_space<vmem>>, vector<16xi32>,
    %get3A_67 = vector.shape_cast %get3A_66 : vector<16xi32> to vector<16xi32>
    %swap3A_68 = arith.constant 48 : index
    %swap3A_69 = tpu.vector_load %arg12[%swap3A_68] {strides = array<i32>} : memref<112xi32, #tpu.memory_space<vmem>>, vector<16xi32>,
    %swap3A_70 = vector.shape_cast %swap3A_69 : vector<16xi32> to vector<16xi32>
    %swap3A_71 = vector.shape_cast %get3A_67 : vector<16xi32> to vector<16xi32>
    tpu.vector_store %arg12[%swap3A_68], %swap3A_71 {strides = array<i32>} : memref<112xi32, #tpu.memory_space<vmem>>, vector<16xi32>,
    %get3A_72 = arith.constant 64 : index
    %get3A_73 = tpu.vector_load %arg10[%get3A_72] {strides = array<i32>} : memref<112xi32, #tpu.memory_space<vmem>>, vector<16xi32>,
    %get3A_74 = vector.shape_cast %get3A_73 : vector<16xi32> to vector<16xi32>
    %swap3A_75 = arith.constant 64 : index
    %swap3A_76 = tpu.vector_load %arg12[%swap3A_75] {strides = array<i32>} : memref<112xi32, #tpu.memory_space<vmem>>, vector<16xi32>,
    %swap3A_77 = vector.shape_cast %swap3A_76 : vector<16xi32> to vector<16xi32>
    %swap3A_78 = vector.shape_cast %get3A_74 : vector<16xi32> to vector<16xi32>
    tpu.vector_store %arg12[%swap3A_75], %swap3A_78 {strides = array<i32>} : memref<112xi32, #tpu.memory_space<vmem>>, vector<16xi32>,
    %get3A_79 = arith.constant 80 : index
    %get3A_80 = tpu.vector_load %arg10[%get3A_79] {strides = array<i32>} : memref<112xi32, #tpu.memory_space<vmem>>, vector<16xi32>,
    %get3A_81 = vector.shape_cast %get3A_80 : vector<16xi32> to vector<16xi32>
    %swap3A_82 = arith.constant 80 : index
    %swap3A_83 = tpu.vector_load %arg12[%swap3A_82] {strides = array<i32>} : memref<112xi32, #tpu.memory_space<vmem>>, vector<16xi32>,
    %swap3A_84 = vector.shape_cast %swap3A_83 : vector<16xi32> to vector<16xi32>
    %swap3A_85 = vector.shape_cast %get3A_81 : vector<16xi32> to vector<16xi32>
    tpu.vector_store %arg12[%swap3A_82], %swap3A_85 {strides = array<i32>} : memref<112xi32, #tpu.memory_space<vmem>>, vector<16xi32>,
    %get3A_86 = arith.constant 96 : index
    %get3A_87 = tpu.vector_load %arg10[%get3A_86] {strides = array<i32>} : memref<112xi32, #tpu.memory_space<vmem>>, vector<16xi32>,
    %get3A_88 = vector.shape_cast %get3A_87 : vector<16xi32> to vector<16xi32>
    %swap3A_89 = arith.constant 96 : index
    %swap3A_90 = tpu.vector_load %arg12[%swap3A_89] {strides = array<i32>} : memref<112xi32, #tpu.memory_space<vmem>>, vector<16xi32>,
    %swap3A_91 = vector.shape_cast %swap3A_90 : vector<16xi32> to vector<16xi32>
    %swap3A_92 = vector.shape_cast %get3A_88 : vector<16xi32> to vector<16xi32>
    tpu.vector_store %arg12[%swap3A_89], %swap3A_92 {strides = array<i32>} : memref<112xi32, #tpu.memory_space<vmem>>, vector<16xi32>,
    %scan3A_93 = arith.constant 0 : i32
    %scan3A_94 = arith.constant 0 : i32
    %scan3A_95 = arith.constant 112 : i32
    %scan3A_96 = arith.addi %scan3A_94, %scan3A_95 : i32
    %scan3A_97 = arith.constant 1 : i32
    scf.for %scan3A_176 = %scan3A_94 to %scan3A_96 step %scan3A_97  : i32 {
      %get3A_177 = arith.index_cast %scan3A_176 : i32 to index
      %get3A_178 = arith.constant 0 : index
      %get3A_179 = tpu.vector_load %arg14[%get3A_177, %get3A_178] {strides = array<i32>} : memref<112x32xf32, #tpu.memory_space<vmem>>, vector<1x16xf32>,
      %get3A_180 = vector.shape_cast %get3A_179 : vector<1x16xf32> to vector<16xf32>
      %get3A_181 = arith.index_cast %scan3A_176 : i32 to index
      %get3A_182 = arith.constant 16 : index
      %get3A_183 = tpu.vector_load %arg14[%get3A_181, %get3A_182] {strides = array<i32>} : memref<112x32xf32, #tpu.memory_space<vmem>>, vector<1x16xf32>,
      %get3A_184 = vector.shape_cast %get3A_183 : vector<1x16xf32> to vector<16xf32>
      %get3A_185 = arith.index_cast %scan3A_176 : i32 to index
      %get3A_186 = arith.constant 0 : index
      %get3A_187 = tpu.vector_load %arg16[%get3A_185, %get3A_186] {strides = array<i32>} : memref<112x16xf32, #tpu.memory_space<vmem>>, vector<1x16xf32>,
      %get3A_188 = vector.shape_cast %get3A_187 : vector<1x16xf32> to vector<16xf32>
      %add3A_189 = arith.addf %get3A_184, %get3A_188 : vector<16xf32>
      %mul3A_190 = arith.constant 2.000000e-01 : f32
      %mul3A_191 = vector.broadcast %mul3A_190 : f32 to vector<16xf32>
      %mul3A_192 = arith.mulf %mul3A_191, %add3A_189 : vector<16xf32>
      %max3A = arith.maximumf %add3A_189, %mul3A_192 : vector<16xf32>
      %exp3A = math.exp %max3A : vector<16xf32>
      %mul3A_193 = arith.mulf %get3A_180, %exp3A : vector<16xf32>
      %swap3A_194 = arith.index_cast %scan3A_176 : i32 to index
      %swap3A_195 = arith.constant 0 : index
      %swap3A_196 = tpu.vector_load %arg18[%swap3A_194, %swap3A_195] {strides = array<i32>} : memref<112x32xf32, #tpu.memory_space<vmem>>, vector<1x16xf32>,
      %swap3A_197 = vector.shape_cast %swap3A_196 : vector<1x16xf32> to vector<16xf32>
      %swap3A_198 = vector.shape_cast %mul3A_193 : vector<16xf32> to vector<1x16xf32>
      tpu.vector_store %arg18[%swap3A_194, %swap3A_195], %swap3A_198 {strides = array<i32>} : memref<112x32xf32, #tpu.memory_space<vmem>>, vector<1x16xf32>,
      %swap3A_199 = arith.index_cast %scan3A_176 : i32 to index
      %swap3A_200 = arith.constant 16 : index
      %swap3A_201 = tpu.vector_load %arg18[%swap3A_199, %swap3A_200] {strides = array<i32>} : memref<112x32xf32, #tpu.memory_space<vmem>>, vector<1x16xf32>,
      %swap3A_202 = vector.shape_cast %swap3A_201 : vector<1x16xf32> to vector<16xf32>
      %swap3A_203 = vector.shape_cast %exp3A : vector<16xf32> to vector<1x16xf32>
      tpu.vector_store %arg18[%swap3A_199, %swap3A_200], %swap3A_203 {strides = array<i32>} : memref<112x32xf32, #tpu.memory_space<vmem>>, vector<1x16xf32>,
    }
    %scan3A_98 = arith.constant 112 : i32
    %dma_start3A_99 = arith.constant 0 : i32
    %dma_start3A_100 = arith.constant 0 : i32
    %dma_start3A_101 = tpu.memref_slice %arg20[%dma_start3A_99, %dma_start3A_100] : memref<10016x32xf32, #tpu.memory_space<vmem_shared>> -> memref<10016x32xf32, #tpu.memory_space<vmem_shared>>
    tpu.enqueue_indirect_dma source(%arg18 : memref<112x32xf32, #tpu.memory_space<vmem>>) target(%dma_start3A_101 : memref<10016x32xf32, #tpu.memory_space<vmem_shared>>) offsets(%arg12 : memref<112xi32, #tpu.memory_space<vmem>>) semaphore(%arg29 : memref<!tpu.dma_semaphore, #tpu.memory_space<semaphore_mem>>) {add = true}
    %dma_wait3A_102 = arith.constant 0 : i32
    %dma_wait3A_103 = arith.constant 0 : i32
    %dma_wait3A_104 = tpu.memref_slice %arg20[%dma_wait3A_102, %dma_wait3A_103] : memref<10016x32xf32, #tpu.memory_space<vmem_shared>> -> memref<10016x32xf32, #tpu.memory_space<vmem_shared>>
    tpu.wait_indirect_dma semaphore(%arg30 : memref<!tpu.dma_semaphore, #tpu.memory_space<semaphore_mem>>) src(%arg19 : memref<112x32xf32, #tpu.memory_space<vmem>>) dst(%dma_wait3A_104 : memref<10016x32xf32, #tpu.memory_space<vmem_shared>>)
    %dma_wait3A_105 = arith.constant 0 : i32
    %dma_wait3A_106 = arith.constant 0 : i32
    %dma_wait3A_107 = tpu.memref_slice %arg21[%dma_wait3A_105, %dma_wait3A_106] : memref<10016x32xf32, #tpu.memory_space<vmem_shared>> -> memref<10016x32xf32, #tpu.memory_space<vmem_shared>>
    tpu.wait_indirect_dma semaphore(%arg26 : memref<!tpu.dma_semaphore, #tpu.memory_space<semaphore_mem>>) src(%dma_wait3A_107 : memref<10016x32xf32, #tpu.memory_space<vmem_shared>>) dst(%arg15 : memref<112x32xf32, #tpu.memory_space<vmem>>)
    %dma_wait3A_108 = arith.constant 0 : i32
    %dma_wait3A_109 = arith.constant 0 : i32
    %dma_wait3A_110 = tpu.memref_slice %arg22[%dma_wait3A_108, %dma_wait3A_109] : memref<10016x16xf32, #tpu.memory_space<vmem_shared>> -> memref<10016x16xf32, #tpu.memory_space<vmem_shared>>
    tpu.wait_indirect_dma semaphore(%arg28 : memref<!tpu.dma_semaphore, #tpu.memory_space<semaphore_mem>>) src(%dma_wait3A_110 : memref<10016x16xf32, #tpu.memory_space<vmem_shared>>) dst(%arg17 : memref<112x16xf32, #tpu.memory_space<vmem>>)
    %get3A_111 = arith.constant 0 : index
    %get3A_112 = tpu.vector_load %arg11[%get3A_111] {strides = array<i32>} : memref<112xi32, #tpu.memory_space<vmem>>, vector<16xi32>,
    %get3A_113 = vector.shape_cast %get3A_112 : vector<16xi32> to vector<16xi32>
    %swap3A_114 = arith.constant 0 : index
    %swap3A_115 = tpu.vector_load %arg13[%swap3A_114] {strides = array<i32>} : memref<112xi32, #tpu.memory_space<vmem>>, vector<16xi32>,
    %swap3A_116 = vector.shape_cast %swap3A_115 : vector<16xi32> to vector<16xi32>
    %swap3A_117 = vector.shape_cast %get3A_113 : vector<16xi32> to vector<16xi32>
    tpu.vector_store %arg13[%swap3A_114], %swap3A_117 {strides = array<i32>} : memref<112xi32, #tpu.memory_space<vmem>>, vector<16xi32>,
    %get3A_118 = arith.constant 16 : index
    %get3A_119 = tpu.vector_load %arg11[%get3A_118] {strides = array<i32>} : memref<112xi32, #tpu.memory_space<vmem>>, vector<16xi32>,
    %get3A_120 = vector.shape_cast %get3A_119 : vector<16xi32> to vector<16xi32>
    %swap3A_121 = arith.constant 16 : index
    %swap3A_122 = tpu.vector_load %arg13[%swap3A_121] {strides = array<i32>} : memref<112xi32, #tpu.memory_space<vmem>>, vector<16xi32>,
    %swap3A_123 = vector.shape_cast %swap3A_122 : vector<16xi32> to vector<16xi32>
    %swap3A_124 = vector.shape_cast %get3A_120 : vector<16xi32> to vector<16xi32>
    tpu.vector_store %arg13[%swap3A_121], %swap3A_124 {strides = array<i32>} : memref<112xi32, #tpu.memory_space<vmem>>, vector<16xi32>,
    %get3A_125 = arith.constant 32 : index
    %get3A_126 = tpu.vector_load %arg11[%get3A_125] {strides = array<i32>} : memref<112xi32, #tpu.memory_space<vmem>>, vector<16xi32>,
    %get3A_127 = vector.shape_cast %get3A_126 : vector<16xi32> to vector<16xi32>
    %swap3A_128 = arith.constant 32 : index
    %swap3A_129 = tpu.vector_load %arg13[%swap3A_128] {strides = array<i32>} : memref<112xi32, #tpu.memory_space<vmem>>, vector<16xi32>,
    %swap3A_130 = vector.shape_cast %swap3A_129 : vector<16xi32> to vector<16xi32>
    %swap3A_131 = vector.shape_cast %get3A_127 : vector<16xi32> to vector<16xi32>
    tpu.vector_store %arg13[%swap3A_128], %swap3A_131 {strides = array<i32>} : memref<112xi32, #tpu.memory_space<vmem>>, vector<16xi32>,
    %get3A_132 = arith.constant 48 : index
    %get3A_133 = tpu.vector_load %arg11[%get3A_132] {strides = array<i32>} : memref<112xi32, #tpu.memory_space<vmem>>, vector<16xi32>,
    %get3A_134 = vector.shape_cast %get3A_133 : vector<16xi32> to vector<16xi32>
    %swap3A_135 = arith.constant 48 : index
    %swap3A_136 = tpu.vector_load %arg13[%swap3A_135] {strides = array<i32>} : memref<112xi32, #tpu.memory_space<vmem>>, vector<16xi32>,
    %swap3A_137 = vector.shape_cast %swap3A_136 : vector<16xi32> to vector<16xi32>
    %swap3A_138 = vector.shape_cast %get3A_134 : vector<16xi32> to vector<16xi32>
    tpu.vector_store %arg13[%swap3A_135], %swap3A_138 {strides = array<i32>} : memref<112xi32, #tpu.memory_space<vmem>>, vector<16xi32>,
    %get3A_139 = arith.constant 64 : index
    %get3A_140 = tpu.vector_load %arg11[%get3A_139] {strides = array<i32>} : memref<112xi32, #tpu.memory_space<vmem>>, vector<16xi32>,
    %get3A_141 = vector.shape_cast %get3A_140 : vector<16xi32> to vector<16xi32>
    %swap3A_142 = arith.constant 64 : index
    %swap3A_143 = tpu.vector_load %arg13[%swap3A_142] {strides = array<i32>} : memref<112xi32, #tpu.memory_space<vmem>>, vector<16xi32>,
    %swap3A_144 = vector.shape_cast %swap3A_143 : vector<16xi32> to vector<16xi32>
    %swap3A_145 = vector.shape_cast %get3A_141 : vector<16xi32> to vector<16xi32>
    tpu.vector_store %arg13[%swap3A_142], %swap3A_145 {strides = array<i32>} : memref<112xi32, #tpu.memory_space<vmem>>, vector<16xi32>,
    %get3A_146 = arith.constant 80 : index
    %get3A_147 = tpu.vector_load %arg11[%get3A_146] {strides = array<i32>} : memref<112xi32, #tpu.memory_space<vmem>>, vector<16xi32>,
    %get3A_148 = vector.shape_cast %get3A_147 : vector<16xi32> to vector<16xi32>
    %swap3A_149 = arith.constant 80 : index
    %swap3A_150 = tpu.vector_load %arg13[%swap3A_149] {strides = array<i32>} : memref<112xi32, #tpu.memory_space<vmem>>, vector<16xi32>,
    %swap3A_151 = vector.shape_cast %swap3A_150 : vector<16xi32> to vector<16xi32>
    %swap3A_152 = vector.shape_cast %get3A_148 : vector<16xi32> to vector<16xi32>
    tpu.vector_store %arg13[%swap3A_149], %swap3A_152 {strides = array<i32>} : memref<112xi32, #tpu.memory_space<vmem>>, vector<16xi32>,
    %get3A_153 = arith.constant 96 : index
    %get3A_154 = tpu.vector_load %arg11[%get3A_153] {strides = array<i32>} : memref<112xi32, #tpu.memory_space<vmem>>, vector<16xi32>,
    %get3A_155 = vector.shape_cast %get3A_154 : vector<16xi32> to vector<16xi32>
    %swap3A_156 = arith.constant 96 : index
    %swap3A_157 = tpu.vector_load %arg13[%swap3A_156] {strides = array<i32>} : memref<112xi32, #tpu.memory_space<vmem>>, vector<16xi32>,
    %swap3A_158 = vector.shape_cast %swap3A_157 : vector<16xi32> to vector<16xi32>
    %swap3A_159 = vector.shape_cast %get3A_155 : vector<16xi32> to vector<16xi32>
    tpu.vector_store %arg13[%swap3A_156], %swap3A_159 {strides = array<i32>} : memref<112xi32, #tpu.memory_space<vmem>>, vector<16xi32>,
    %scan3A_160 = arith.constant 0 : i32
    %scan3A_161 = arith.constant 0 : i32
    %scan3A_162 = arith.constant 112 : i32
    %scan3A_163 = arith.addi %scan3A_161, %scan3A_162 : i32
    %scan3A_164 = arith.constant 1 : i32
    scf.for %scan3A_176 = %scan3A_161 to %scan3A_163 step %scan3A_164  : i32 {
      %get3A_177 = arith.index_cast %scan3A_176 : i32 to index
      %get3A_178 = arith.constant 0 : index
      %get3A_179 = tpu.vector_load %arg15[%get3A_177, %get3A_178] {strides = array<i32>} : memref<112x32xf32, #tpu.memory_space<vmem>>, vector<1x16xf32>,
      %get3A_180 = vector.shape_cast %get3A_179 : vector<1x16xf32> to vector<16xf32>
      %get3A_181 = arith.index_cast %scan3A_176 : i32 to index
      %get3A_182 = arith.constant 16 : index
      %get3A_183 = tpu.vector_load %arg15[%get3A_181, %get3A_182] {strides = array<i32>} : memref<112x32xf32, #tpu.memory_space<vmem>>, vector<1x16xf32>,
      %get3A_184 = vector.shape_cast %get3A_183 : vector<1x16xf32> to vector<16xf32>
      %get3A_185 = arith.index_cast %scan3A_176 : i32 to index
      %get3A_186 = arith.constant 0 : index
      %get3A_187 = tpu.vector_load %arg17[%get3A_185, %get3A_186] {strides = array<i32>} : memref<112x16xf32, #tpu.memory_space<vmem>>, vector<1x16xf32>,
      %get3A_188 = vector.shape_cast %get3A_187 : vector<1x16xf32> to vector<16xf32>
      %add3A_189 = arith.addf %get3A_184, %get3A_188 : vector<16xf32>
      %mul3A_190 = arith.constant 2.000000e-01 : f32
      %mul3A_191 = vector.broadcast %mul3A_190 : f32 to vector<16xf32>
      %mul3A_192 = arith.mulf %mul3A_191, %add3A_189 : vector<16xf32>
      %max3A = arith.maximumf %add3A_189, %mul3A_192 : vector<16xf32>
      %exp3A = math.exp %max3A : vector<16xf32>
      %mul3A_193 = arith.mulf %get3A_180, %exp3A : vector<16xf32>
      %swap3A_194 = arith.index_cast %scan3A_176 : i32 to index
      %swap3A_195 = arith.constant 0 : index
      %swap3A_196 = tpu.vector_load %arg19[%swap3A_194, %swap3A_195] {strides = array<i32>} : memref<112x32xf32, #tpu.memory_space<vmem>>, vector<1x16xf32>,
      %swap3A_197 = vector.shape_cast %swap3A_196 : vector<1x16xf32> to vector<16xf32>
      %swap3A_198 = vector.shape_cast %mul3A_193 : vector<16xf32> to vector<1x16xf32>
      tpu.vector_store %arg19[%swap3A_194, %swap3A_195], %swap3A_198 {strides = array<i32>} : memref<112x32xf32, #tpu.memory_space<vmem>>, vector<1x16xf32>,
      %swap3A_199 = arith.index_cast %scan3A_176 : i32 to index
      %swap3A_200 = arith.constant 16 : index
      %swap3A_201 = tpu.vector_load %arg19[%swap3A_199, %swap3A_200] {strides = array<i32>} : memref<112x32xf32, #tpu.memory_space<vmem>>, vector<1x16xf32>,
      %swap3A_202 = vector.shape_cast %swap3A_201 : vector<1x16xf32> to vector<16xf32>
      %swap3A_203 = vector.shape_cast %exp3A : vector<16xf32> to vector<1x16xf32>
      tpu.vector_store %arg19[%swap3A_199, %swap3A_200], %swap3A_203 {strides = array<i32>} : memref<112x32xf32, #tpu.memory_space<vmem>>, vector<1x16xf32>,
    }
    %scan3A_165 = arith.constant 112 : i32
    %dma_start3A_166 = arith.constant 0 : i32
    %dma_start3A_167 = arith.constant 0 : i32
    %dma_start3A_168 = tpu.memref_slice %arg20[%dma_start3A_166, %dma_start3A_167] : memref<10016x32xf32, #tpu.memory_space<vmem_shared>> -> memref<10016x32xf32, #tpu.memory_space<vmem_shared>>
    tpu.enqueue_indirect_dma source(%arg19 : memref<112x32xf32, #tpu.memory_space<vmem>>) target(%dma_start3A_168 : memref<10016x32xf32, #tpu.memory_space<vmem_shared>>) offsets(%arg13 : memref<112xi32, #tpu.memory_space<vmem>>) semaphore(%arg30 : memref<!tpu.dma_semaphore, #tpu.memory_space<semaphore_mem>>) {add = true}
    %dma_wait3A_169 = arith.constant 0 : i32
    %dma_wait3A_170 = arith.constant 0 : i32
    %dma_wait3A_171 = tpu.memref_slice %arg20[%dma_wait3A_169, %dma_wait3A_170] : memref<10016x32xf32, #tpu.memory_space<vmem_shared>> -> memref<10016x32xf32, #tpu.memory_space<vmem_shared>>
    tpu.wait_indirect_dma semaphore(%arg29 : memref<!tpu.dma_semaphore, #tpu.memory_space<semaphore_mem>>) src(%arg18 : memref<112x32xf32, #tpu.memory_space<vmem>>) dst(%dma_wait3A_171 : memref<10016x32xf32, #tpu.memory_space<vmem_shared>>)
    %dma_wait3A_172 = arith.constant 0 : i32
    %dma_wait3A_173 = arith.constant 0 : i32
    %dma_wait3A_174 = tpu.memref_slice %arg20[%dma_wait3A_172, %dma_wait3A_173] : memref<10016x32xf32, #tpu.memory_space<vmem_shared>> -> memref<10016x32xf32, #tpu.memory_space<vmem_shared>>
    tpu.wait_indirect_dma semaphore(%arg30 : memref<!tpu.dma_semaphore, #tpu.memory_space<semaphore_mem>>) src(%arg19 : memref<112x32xf32, #tpu.memory_space<vmem>>) dst(%dma_wait3A_174 : memref<10016x32xf32, #tpu.memory_space<vmem_shared>>)
    %barrier3A_175 = arith.constant 0 : index
    tpu.barrier barrier_id(%barrier3A_175)
    "tpu.region"() ({
      %run_scoped3A = tpu.sem_alloc : memref<!tpu.dma_semaphore, #tpu.memory_space<semaphore_mem>>
      %dma_start3A_176 = arith.constant 0 : i32
      %dma_start3A_177 = tpu.memref_slice %arg7[%arg0, %mul3A_2, %dma_start3A_176] : memref<2x10016x32xf32, #tpu.memory_space<hbm>> -> memref<1x626x32xf32, #tpu.memory_space<hbm>>
      %dma_start3A_178 = tpu.memref_squeeze %dma_start3A_177 : memref<1x626x32xf32, #tpu.memory_space<hbm>> -> memref<626x32xf32, #tpu.memory_space<hbm>>
      %dma_start3A_179 = arith.constant 0 : i32
      %dma_start3A_180 = tpu.memref_slice %arg20[%mul3A_2, %dma_start3A_179] : memref<10016x32xf32, #tpu.memory_space<vmem_shared>> -> memref<626x32xf32, #tpu.memory_space<vmem_shared>>
      tpu.enqueue_dma source(%dma_start3A_180 : memref<626x32xf32, #tpu.memory_space<vmem_shared>>) target(%dma_start3A_178 : memref<626x32xf32, #tpu.memory_space<hbm>>) target_semaphore(%run_scoped3A : memref<!tpu.dma_semaphore, #tpu.memory_space<semaphore_mem>>)
      %dma_wait3A_181 = arith.constant 0 : i32
      %dma_wait3A_182 = tpu.memref_slice %arg7[%arg0, %mul3A_2, %dma_wait3A_181] : memref<2x10016x32xf32, #tpu.memory_space<hbm>> -> memref<1x626x32xf32, #tpu.memory_space<hbm>>
      %dma_wait3A_183 = tpu.memref_squeeze %dma_wait3A_182 : memref<1x626x32xf32, #tpu.memory_space<hbm>> -> memref<626x32xf32, #tpu.memory_space<hbm>>
      %dma_wait3A_184 = arith.constant 0 : i32
      %dma_wait3A_185 = tpu.memref_slice %arg20[%mul3A_2, %dma_wait3A_184] : memref<10016x32xf32, #tpu.memory_space<vmem_shared>> -> memref<626x32xf32, #tpu.memory_space<vmem_shared>>
      tpu.wait_dma2 semaphore(%run_scoped3A : memref<!tpu.dma_semaphore, #tpu.memory_space<semaphore_mem>>) src(%dma_wait3A_185 : memref<626x32xf32, #tpu.memory_space<vmem_shared>>) dst(%dma_wait3A_183 : memref<626x32xf32, #tpu.memory_space<hbm>>)
      tpu.yield
    }) : () -> ()
    return
  }
}

#map = affine_map<(d0, d1) -> (0, 0)>
#map1 = affine_map<(d0, d1) -> (0)>
#map2 = affine_map<(d0, d1) -> (0, 0, 0)>
module attributes {stable_mosaic.version = 14 : i64} {
  func.func @body(%arg0: i32, %arg1: i32, %arg2: memref<10016x16xf32, #tpu.memory_space<hbm>>, %arg3: memref<322560xi32, #tpu.memory_space<hbm>>, %arg4: memref<322560xi32, #tpu.memory_space<hbm>>, %arg5: memref<10016x16xf32, #tpu.memory_space<hbm>>, %arg6: memref<2x10016x16xf32, #tpu.memory_space<hbm>>, %arg7: memref<112xi32, #tpu.memory_space<vmem>>, %arg8: memref<112xi32, #tpu.memory_space<vmem>>, %arg9: memref<112xi32, #tpu.memory_space<vmem>>, %arg10: memref<112xi32, #tpu.memory_space<vmem>>, %arg11: memref<112xi32, #tpu.memory_space<vmem>>, %arg12: memref<112xi32, #tpu.memory_space<vmem>>, %arg13: memref<112x16xf32, #tpu.memory_space<vmem>>, %arg14: memref<112x16xf32, #tpu.memory_space<vmem>>, %arg15: memref<112x16xf32, #tpu.memory_space<vmem>>, %arg16: memref<112x16xf32, #tpu.memory_space<vmem>>, %arg17: memref<10016x16xf32, #tpu.memory_space<vmem_shared>>, %arg18: memref<10016x16xf32, #tpu.memory_space<vmem_shared>>, %arg19: memref<!tpu.dma_semaphore, #tpu.memory_space<semaphore_mem>>, %arg20: memref<!tpu.dma_semaphore, #tpu.memory_space<semaphore_mem>>, %arg21: memref<!tpu.dma_semaphore, #tpu.memory_space<semaphore_mem>>, %arg22: memref<!tpu.dma_semaphore, #tpu.memory_space<semaphore_mem>>, %arg23: memref<!tpu.dma_semaphore, #tpu.memory_space<semaphore_mem>>, %arg24: memref<!tpu.dma_semaphore, #tpu.memory_space<semaphore_mem>>) attributes {dimension_semantics = [#tpu.dimension_semantics<core_parallel>, #tpu.dimension_semantics<subcore_parallel>], iteration_bounds = array<i64: 2, 16>, scalar_prefetch = 0 : i64, scratch_operands = 18 : i64, tpu.core_type = #tpu.core_type<sc_vector_subcore>, window_params = [{transform_indices = #map}, {transform_indices = #map1}, {transform_indices = #map1}, {transform_indices = #map}, {transform_indices = #map2}]} {
    %mul3A = arith.constant 2 : i32
    %mul3A_0 = arith.muli %arg1, %mul3A : i32
    %add3A = arith.addi %mul3A_0, %arg0 : i32
    %mul3A_1 = arith.constant 626 : i32
    %mul3A_2 = arith.muli %arg1, %mul3A_1 : i32
    %mul3A_3 = arith.constant 10080 : i32
    %mul3A_4 = arith.muli %add3A, %mul3A_3 : i32
    "tpu.region"() ({
      %run_scoped3A = tpu.sem_alloc : memref<!tpu.dma_semaphore, #tpu.memory_space<semaphore_mem>>
      %dma_start3A_164 = arith.constant 0 : i32
      %dma_start3A_165 = tpu.memref_slice %arg17[%mul3A_2, %dma_start3A_164] : memref<10016x16xf32, #tpu.memory_space<vmem_shared>> -> memref<626x16xf32, #tpu.memory_space<vmem_shared>>
      %dma_start3A_166 = arith.constant 0 : i32
      %dma_start3A_167 = tpu.memref_slice %arg5[%mul3A_2, %dma_start3A_166] : memref<10016x16xf32, #tpu.memory_space<hbm>> -> memref<626x16xf32, #tpu.memory_space<hbm>>
      tpu.enqueue_dma source(%dma_start3A_167 : memref<626x16xf32, #tpu.memory_space<hbm>>) target(%dma_start3A_165 : memref<626x16xf32, #tpu.memory_space<vmem_shared>>) target_semaphore(%run_scoped3A : memref<!tpu.dma_semaphore, #tpu.memory_space<semaphore_mem>>)
      %dma_wait3A_168 = arith.constant 0 : i32
      %dma_wait3A_169 = tpu.memref_slice %arg17[%mul3A_2, %dma_wait3A_168] : memref<10016x16xf32, #tpu.memory_space<vmem_shared>> -> memref<626x16xf32, #tpu.memory_space<vmem_shared>>
      %dma_wait3A_170 = arith.constant 0 : i32
      %dma_wait3A_171 = tpu.memref_slice %arg5[%mul3A_2, %dma_wait3A_170] : memref<10016x16xf32, #tpu.memory_space<hbm>> -> memref<626x16xf32, #tpu.memory_space<hbm>>
      tpu.wait_dma2 semaphore(%run_scoped3A : memref<!tpu.dma_semaphore, #tpu.memory_space<semaphore_mem>>) src(%dma_wait3A_171 : memref<626x16xf32, #tpu.memory_space<hbm>>) dst(%dma_wait3A_169 : memref<626x16xf32, #tpu.memory_space<vmem_shared>>)
      tpu.yield
    }) : () -> ()
    "tpu.region"() ({
      %run_scoped3A = tpu.sem_alloc : memref<!tpu.dma_semaphore, #tpu.memory_space<semaphore_mem>>
      %dma_start3A_164 = arith.constant 0 : i32
      %dma_start3A_165 = tpu.memref_slice %arg18[%mul3A_2, %dma_start3A_164] : memref<10016x16xf32, #tpu.memory_space<vmem_shared>> -> memref<626x16xf32, #tpu.memory_space<vmem_shared>>
      %dma_start3A_166 = arith.constant 0 : i32
      %dma_start3A_167 = tpu.memref_slice %arg2[%mul3A_2, %dma_start3A_166] : memref<10016x16xf32, #tpu.memory_space<hbm>> -> memref<626x16xf32, #tpu.memory_space<hbm>>
      tpu.enqueue_dma source(%dma_start3A_167 : memref<626x16xf32, #tpu.memory_space<hbm>>) target(%dma_start3A_165 : memref<626x16xf32, #tpu.memory_space<vmem_shared>>) target_semaphore(%run_scoped3A : memref<!tpu.dma_semaphore, #tpu.memory_space<semaphore_mem>>)
      %dma_wait3A_168 = arith.constant 0 : i32
      %dma_wait3A_169 = tpu.memref_slice %arg18[%mul3A_2, %dma_wait3A_168] : memref<10016x16xf32, #tpu.memory_space<vmem_shared>> -> memref<626x16xf32, #tpu.memory_space<vmem_shared>>
      %dma_wait3A_170 = arith.constant 0 : i32
      %dma_wait3A_171 = tpu.memref_slice %arg2[%mul3A_2, %dma_wait3A_170] : memref<10016x16xf32, #tpu.memory_space<hbm>> -> memref<626x16xf32, #tpu.memory_space<hbm>>
      tpu.wait_dma2 semaphore(%run_scoped3A : memref<!tpu.dma_semaphore, #tpu.memory_space<semaphore_mem>>) src(%dma_wait3A_171 : memref<626x16xf32, #tpu.memory_space<hbm>>) dst(%dma_wait3A_169 : memref<626x16xf32, #tpu.memory_space<vmem_shared>>)
      tpu.yield
    }) : () -> ()
    %barrier3A = arith.constant 0 : index
    tpu.barrier barrier_id(%barrier3A)
    %multiple_of3A = tpu.assume_multiple %mul3A_4, 8 : i32
    "tpu.region"() ({
      %run_scoped3A = tpu.sem_alloc : memref<!tpu.dma_semaphore, #tpu.memory_space<semaphore_mem>>
      %dma_start3A_164 = tpu.memref_slice %arg3[%multiple_of3A] : memref<322560xi32, #tpu.memory_space<hbm>> -> memref<112xi32, #tpu.memory_space<hbm>>
      %dma_start3A_165 = tpu.memref_slice %arg3[%multiple_of3A] : memref<322560xi32, #tpu.memory_space<hbm>> -> memref<112xi32, #tpu.memory_space<hbm>>
      tpu.enqueue_dma source(%dma_start3A_165 : memref<112xi32, #tpu.memory_space<hbm>>) target(%arg7 : memref<112xi32, #tpu.memory_space<vmem>>) target_semaphore(%run_scoped3A : memref<!tpu.dma_semaphore, #tpu.memory_space<semaphore_mem>>)
      %dma_wait3A_166 = tpu.memref_slice %arg3[%multiple_of3A] : memref<322560xi32, #tpu.memory_space<hbm>> -> memref<112xi32, #tpu.memory_space<hbm>>
      %dma_wait3A_167 = tpu.memref_slice %arg3[%multiple_of3A] : memref<322560xi32, #tpu.memory_space<hbm>> -> memref<112xi32, #tpu.memory_space<hbm>>
      tpu.wait_dma2 semaphore(%run_scoped3A : memref<!tpu.dma_semaphore, #tpu.memory_space<semaphore_mem>>) src(%dma_wait3A_167 : memref<112xi32, #tpu.memory_space<hbm>>) dst(%arg7 : memref<112xi32, #tpu.memory_space<vmem>>)
      tpu.yield
    }) : () -> ()
    %multiple_of3A_5 = tpu.assume_multiple %mul3A_4, 8 : i32
    "tpu.region"() ({
      %run_scoped3A = tpu.sem_alloc : memref<!tpu.dma_semaphore, #tpu.memory_space<semaphore_mem>>
      %dma_start3A_164 = tpu.memref_slice %arg4[%multiple_of3A_5] : memref<322560xi32, #tpu.memory_space<hbm>> -> memref<112xi32, #tpu.memory_space<hbm>>
      %dma_start3A_165 = tpu.memref_slice %arg4[%multiple_of3A_5] : memref<322560xi32, #tpu.memory_space<hbm>> -> memref<112xi32, #tpu.memory_space<hbm>>
      tpu.enqueue_dma source(%dma_start3A_165 : memref<112xi32, #tpu.memory_space<hbm>>) target(%arg9 : memref<112xi32, #tpu.memory_space<vmem>>) target_semaphore(%run_scoped3A : memref<!tpu.dma_semaphore, #tpu.memory_space<semaphore_mem>>)
      %dma_wait3A_166 = tpu.memref_slice %arg4[%multiple_of3A_5] : memref<322560xi32, #tpu.memory_space<hbm>> -> memref<112xi32, #tpu.memory_space<hbm>>
      %dma_wait3A_167 = tpu.memref_slice %arg4[%multiple_of3A_5] : memref<322560xi32, #tpu.memory_space<hbm>> -> memref<112xi32, #tpu.memory_space<hbm>>
      tpu.wait_dma2 semaphore(%run_scoped3A : memref<!tpu.dma_semaphore, #tpu.memory_space<semaphore_mem>>) src(%dma_wait3A_167 : memref<112xi32, #tpu.memory_space<hbm>>) dst(%arg9 : memref<112xi32, #tpu.memory_space<vmem>>)
      tpu.yield
    }) : () -> ()
    %dma_start3A = arith.constant 0 : i32
    %dma_start3A_6 = arith.constant 0 : i32
    %dma_start3A_7 = tpu.memref_slice %arg18[%dma_start3A, %dma_start3A_6] : memref<10016x16xf32, #tpu.memory_space<vmem_shared>> -> memref<10016x16xf32, #tpu.memory_space<vmem_shared>>
    tpu.enqueue_indirect_dma source(%dma_start3A_7 : memref<10016x16xf32, #tpu.memory_space<vmem_shared>>) target(%arg13 : memref<112x16xf32, #tpu.memory_space<vmem>>) offsets(%arg7 : memref<112xi32, #tpu.memory_space<vmem>>) semaphore(%arg21 : memref<!tpu.dma_semaphore, #tpu.memory_space<semaphore_mem>>)
    %add3A_8 = arith.constant 112 : i32
    %add3A_9 = arith.addi %mul3A_4, %add3A_8 : i32
    %multiple_of3A_10 = tpu.assume_multiple %add3A_9, 8 : i32
    %dma_start3A_11 = tpu.memref_slice %arg3[%multiple_of3A_10] : memref<322560xi32, #tpu.memory_space<hbm>> -> memref<112xi32, #tpu.memory_space<hbm>>
    %dma_start3A_12 = tpu.memref_slice %arg3[%multiple_of3A_10] : memref<322560xi32, #tpu.memory_space<hbm>> -> memref<112xi32, #tpu.memory_space<hbm>>
    tpu.enqueue_dma source(%dma_start3A_12 : memref<112xi32, #tpu.memory_space<hbm>>) target(%arg8 : memref<112xi32, #tpu.memory_space<vmem>>) target_semaphore(%arg20 : memref<!tpu.dma_semaphore, #tpu.memory_space<semaphore_mem>>)
    %add3A_13 = arith.constant 112 : i32
    %add3A_14 = arith.addi %mul3A_4, %add3A_13 : i32
    %multiple_of3A_15 = tpu.assume_multiple %add3A_14, 8 : i32
    %dma_start3A_16 = tpu.memref_slice %arg4[%multiple_of3A_15] : memref<322560xi32, #tpu.memory_space<hbm>> -> memref<112xi32, #tpu.memory_space<hbm>>
    %dma_start3A_17 = tpu.memref_slice %arg4[%multiple_of3A_15] : memref<322560xi32, #tpu.memory_space<hbm>> -> memref<112xi32, #tpu.memory_space<hbm>>
    tpu.enqueue_dma source(%dma_start3A_17 : memref<112xi32, #tpu.memory_space<hbm>>) target(%arg10 : memref<112xi32, #tpu.memory_space<vmem>>) target_semaphore(%arg20 : memref<!tpu.dma_semaphore, #tpu.memory_space<semaphore_mem>>)
    %scan3A = arith.constant 0 : i32
    %scan3A_18 = arith.constant 0 : i32
    %scan3A_19 = arith.constant 44 : i32
    %scan3A_20 = arith.addi %scan3A_18, %scan3A_19 : i32
    %scan3A_21 = arith.constant 1 : i32
    scf.for %scan3A_164 = %scan3A_18 to %scan3A_20 step %scan3A_21  : i32 {
      %mul3A_165 = arith.constant 2 : i32
      %mul3A_166 = arith.muli %mul3A_165, %scan3A_164 : i32
      %multiple_of3A_167 = tpu.assume_multiple %mul3A_4, 8 : i32
      %dma_wait3A_168 = tpu.memref_slice %arg3[%multiple_of3A_167] : memref<322560xi32, #tpu.memory_space<hbm>> -> memref<112xi32, #tpu.memory_space<hbm>>
      %dma_wait3A_169 = tpu.memref_slice %arg3[%multiple_of3A_167] : memref<322560xi32, #tpu.memory_space<hbm>> -> memref<112xi32, #tpu.memory_space<hbm>>
      tpu.wait_dma2 semaphore(%arg20 : memref<!tpu.dma_semaphore, #tpu.memory_space<semaphore_mem>>) src(%dma_wait3A_169 : memref<112xi32, #tpu.memory_space<hbm>>) dst(%arg8 : memref<112xi32, #tpu.memory_space<vmem>>)
      %multiple_of3A_170 = tpu.assume_multiple %mul3A_4, 8 : i32
      %dma_wait3A_171 = tpu.memref_slice %arg4[%multiple_of3A_170] : memref<322560xi32, #tpu.memory_space<hbm>> -> memref<112xi32, #tpu.memory_space<hbm>>
      %dma_wait3A_172 = tpu.memref_slice %arg4[%multiple_of3A_170] : memref<322560xi32, #tpu.memory_space<hbm>> -> memref<112xi32, #tpu.memory_space<hbm>>
      tpu.wait_dma2 semaphore(%arg20 : memref<!tpu.dma_semaphore, #tpu.memory_space<semaphore_mem>>) src(%dma_wait3A_172 : memref<112xi32, #tpu.memory_space<hbm>>) dst(%arg10 : memref<112xi32, #tpu.memory_space<vmem>>)
      %dma_start3A_173 = arith.constant 0 : i32
      %dma_start3A_174 = arith.constant 0 : i32
      %dma_start3A_175 = tpu.memref_slice %arg18[%dma_start3A_173, %dma_start3A_174] : memref<10016x16xf32, #tpu.memory_space<vmem_shared>> -> memref<10016x16xf32, #tpu.memory_space<vmem_shared>>
      tpu.enqueue_indirect_dma source(%dma_start3A_175 : memref<10016x16xf32, #tpu.memory_space<vmem_shared>>) target(%arg14 : memref<112x16xf32, #tpu.memory_space<vmem>>) offsets(%arg8 : memref<112xi32, #tpu.memory_space<vmem>>) semaphore(%arg22 : memref<!tpu.dma_semaphore, #tpu.memory_space<semaphore_mem>>)
      %ge3A = arith.constant 2 : i32
      %ge3A_176 = arith.cmpi sge, %mul3A_166, %ge3A : i32
      %convert_element_type3A = arith.extui %ge3A_176 : i1 to i32
      %cond3A = arith.constant 0 : i32
      %cond3A_177 = arith.cmpi ne, %convert_element_type3A, %cond3A : i32
      scf.if %cond3A_177 {
        %dma_wait3A_331 = arith.constant 0 : i32
        %dma_wait3A_332 = arith.constant 0 : i32
        %dma_wait3A_333 = tpu.memref_slice %arg17[%dma_wait3A_331, %dma_wait3A_332] : memref<10016x16xf32, #tpu.memory_space<vmem_shared>> -> memref<10016x16xf32, #tpu.memory_space<vmem_shared>>
        tpu.wait_indirect_dma semaphore(%arg23 : memref<!tpu.dma_semaphore, #tpu.memory_space<semaphore_mem>>) src(%arg15 : memref<112x16xf32, #tpu.memory_space<vmem>>) dst(%dma_wait3A_333 : memref<10016x16xf32, #tpu.memory_space<vmem_shared>>)
      } else {
      }
      %dma_wait3A_178 = arith.constant 0 : i32
      %dma_wait3A_179 = arith.constant 0 : i32
      %dma_wait3A_180 = tpu.memref_slice %arg18[%dma_wait3A_178, %dma_wait3A_179] : memref<10016x16xf32, #tpu.memory_space<vmem_shared>> -> memref<10016x16xf32, #tpu.memory_space<vmem_shared>>
      tpu.wait_indirect_dma semaphore(%arg21 : memref<!tpu.dma_semaphore, #tpu.memory_space<semaphore_mem>>) src(%dma_wait3A_180 : memref<10016x16xf32, #tpu.memory_space<vmem_shared>>) dst(%arg13 : memref<112x16xf32, #tpu.memory_space<vmem>>)
      %get3A_181 = arith.constant 0 : index
      %get3A_182 = tpu.vector_load %arg9[%get3A_181] {strides = array<i32>} : memref<112xi32, #tpu.memory_space<vmem>>, vector<16xi32>,
      %get3A_183 = vector.shape_cast %get3A_182 : vector<16xi32> to vector<16xi32>
      %swap3A_184 = arith.constant 0 : index
      %swap3A_185 = tpu.vector_load %arg11[%swap3A_184] {strides = array<i32>} : memref<112xi32, #tpu.memory_space<vmem>>, vector<16xi32>,
      %swap3A_186 = vector.shape_cast %swap3A_185 : vector<16xi32> to vector<16xi32>
      %swap3A_187 = vector.shape_cast %get3A_183 : vector<16xi32> to vector<16xi32>
      tpu.vector_store %arg11[%swap3A_184], %swap3A_187 {strides = array<i32>} : memref<112xi32, #tpu.memory_space<vmem>>, vector<16xi32>,
      %get3A_188 = arith.constant 16 : index
      %get3A_189 = tpu.vector_load %arg9[%get3A_188] {strides = array<i32>} : memref<112xi32, #tpu.memory_space<vmem>>, vector<16xi32>,
      %get3A_190 = vector.shape_cast %get3A_189 : vector<16xi32> to vector<16xi32>
      %swap3A_191 = arith.constant 16 : index
      %swap3A_192 = tpu.vector_load %arg11[%swap3A_191] {strides = array<i32>} : memref<112xi32, #tpu.memory_space<vmem>>, vector<16xi32>,
      %swap3A_193 = vector.shape_cast %swap3A_192 : vector<16xi32> to vector<16xi32>
      %swap3A_194 = vector.shape_cast %get3A_190 : vector<16xi32> to vector<16xi32>
      tpu.vector_store %arg11[%swap3A_191], %swap3A_194 {strides = array<i32>} : memref<112xi32, #tpu.memory_space<vmem>>, vector<16xi32>,
      %get3A_195 = arith.constant 32 : index
      %get3A_196 = tpu.vector_load %arg9[%get3A_195] {strides = array<i32>} : memref<112xi32, #tpu.memory_space<vmem>>, vector<16xi32>,
      %get3A_197 = vector.shape_cast %get3A_196 : vector<16xi32> to vector<16xi32>
      %swap3A_198 = arith.constant 32 : index
      %swap3A_199 = tpu.vector_load %arg11[%swap3A_198] {strides = array<i32>} : memref<112xi32, #tpu.memory_space<vmem>>, vector<16xi32>,
      %swap3A_200 = vector.shape_cast %swap3A_199 : vector<16xi32> to vector<16xi32>
      %swap3A_201 = vector.shape_cast %get3A_197 : vector<16xi32> to vector<16xi32>
      tpu.vector_store %arg11[%swap3A_198], %swap3A_201 {strides = array<i32>} : memref<112xi32, #tpu.memory_space<vmem>>, vector<16xi32>,
      %get3A_202 = arith.constant 48 : index
      %get3A_203 = tpu.vector_load %arg9[%get3A_202] {strides = array<i32>} : memref<112xi32, #tpu.memory_space<vmem>>, vector<16xi32>,
      %get3A_204 = vector.shape_cast %get3A_203 : vector<16xi32> to vector<16xi32>
      %swap3A_205 = arith.constant 48 : index
      %swap3A_206 = tpu.vector_load %arg11[%swap3A_205] {strides = array<i32>} : memref<112xi32, #tpu.memory_space<vmem>>, vector<16xi32>,
      %swap3A_207 = vector.shape_cast %swap3A_206 : vector<16xi32> to vector<16xi32>
      %swap3A_208 = vector.shape_cast %get3A_204 : vector<16xi32> to vector<16xi32>
      tpu.vector_store %arg11[%swap3A_205], %swap3A_208 {strides = array<i32>} : memref<112xi32, #tpu.memory_space<vmem>>, vector<16xi32>,
      %get3A_209 = arith.constant 64 : index
      %get3A_210 = tpu.vector_load %arg9[%get3A_209] {strides = array<i32>} : memref<112xi32, #tpu.memory_space<vmem>>, vector<16xi32>,
      %get3A_211 = vector.shape_cast %get3A_210 : vector<16xi32> to vector<16xi32>
      %swap3A_212 = arith.constant 64 : index
      %swap3A_213 = tpu.vector_load %arg11[%swap3A_212] {strides = array<i32>} : memref<112xi32, #tpu.memory_space<vmem>>, vector<16xi32>,
      %swap3A_214 = vector.shape_cast %swap3A_213 : vector<16xi32> to vector<16xi32>
      %swap3A_215 = vector.shape_cast %get3A_211 : vector<16xi32> to vector<16xi32>
      tpu.vector_store %arg11[%swap3A_212], %swap3A_215 {strides = array<i32>} : memref<112xi32, #tpu.memory_space<vmem>>, vector<16xi32>,
      %get3A_216 = arith.constant 80 : index
      %get3A_217 = tpu.vector_load %arg9[%get3A_216] {strides = array<i32>} : memref<112xi32, #tpu.memory_space<vmem>>, vector<16xi32>,
      %get3A_218 = vector.shape_cast %get3A_217 : vector<16xi32> to vector<16xi32>
      %swap3A_219 = arith.constant 80 : index
      %swap3A_220 = tpu.vector_load %arg11[%swap3A_219] {strides = array<i32>} : memref<112xi32, #tpu.memory_space<vmem>>, vector<16xi32>,
      %swap3A_221 = vector.shape_cast %swap3A_220 : vector<16xi32> to vector<16xi32>
      %swap3A_222 = vector.shape_cast %get3A_218 : vector<16xi32> to vector<16xi32>
      tpu.vector_store %arg11[%swap3A_219], %swap3A_222 {strides = array<i32>} : memref<112xi32, #tpu.memory_space<vmem>>, vector<16xi32>,
      %get3A_223 = arith.constant 96 : index
      %get3A_224 = tpu.vector_load %arg9[%get3A_223] {strides = array<i32>} : memref<112xi32, #tpu.memory_space<vmem>>, vector<16xi32>,
      %get3A_225 = vector.shape_cast %get3A_224 : vector<16xi32> to vector<16xi32>
      %swap3A_226 = arith.constant 96 : index
      %swap3A_227 = tpu.vector_load %arg11[%swap3A_226] {strides = array<i32>} : memref<112xi32, #tpu.memory_space<vmem>>, vector<16xi32>,
      %swap3A_228 = vector.shape_cast %swap3A_227 : vector<16xi32> to vector<16xi32>
      %swap3A_229 = vector.shape_cast %get3A_225 : vector<16xi32> to vector<16xi32>
      tpu.vector_store %arg11[%swap3A_226], %swap3A_229 {strides = array<i32>} : memref<112xi32, #tpu.memory_space<vmem>>, vector<16xi32>,
      %scan3A_230 = arith.constant 0 : i32
      %scan3A_231 = arith.constant 0 : i32
      %scan3A_232 = arith.constant 112 : i32
      %scan3A_233 = arith.addi %scan3A_231, %scan3A_232 : i32
      %scan3A_234 = arith.constant 1 : i32
      scf.for %scan3A_331 = %scan3A_231 to %scan3A_233 step %scan3A_234  : i32 {
        %get3A_332 = arith.index_cast %scan3A_331 : i32 to index
        %get3A_333 = arith.constant 0 : index
        %get3A_334 = tpu.vector_load %arg13[%get3A_332, %get3A_333] {strides = array<i32>} : memref<112x16xf32, #tpu.memory_space<vmem>>, vector<1x16xf32>,
        %get3A_335 = vector.shape_cast %get3A_334 : vector<1x16xf32> to vector<16xf32>
        %swap3A_336 = arith.index_cast %scan3A_331 : i32 to index
        %swap3A_337 = arith.constant 0 : index
        %swap3A_338 = tpu.vector_load %arg15[%swap3A_336, %swap3A_337] {strides = array<i32>} : memref<112x16xf32, #tpu.memory_space<vmem>>, vector<1x16xf32>,
        %swap3A_339 = vector.shape_cast %swap3A_338 : vector<1x16xf32> to vector<16xf32>
        %swap3A_340 = vector.shape_cast %get3A_335 : vector<16xf32> to vector<1x16xf32>
        tpu.vector_store %arg15[%swap3A_336, %swap3A_337], %swap3A_340 {strides = array<i32>} : memref<112x16xf32, #tpu.memory_space<vmem>>, vector<1x16xf32>,
      }
      %scan3A_235 = arith.constant 112 : i32
      %dma_start3A_236 = arith.constant 0 : i32
      %dma_start3A_237 = arith.constant 0 : i32
      %dma_start3A_238 = tpu.memref_slice %arg17[%dma_start3A_236, %dma_start3A_237] : memref<10016x16xf32, #tpu.memory_space<vmem_shared>> -> memref<10016x16xf32, #tpu.memory_space<vmem_shared>>
      tpu.enqueue_indirect_dma source(%arg15 : memref<112x16xf32, #tpu.memory_space<vmem>>) target(%dma_start3A_238 : memref<10016x16xf32, #tpu.memory_space<vmem_shared>>) offsets(%arg11 : memref<112xi32, #tpu.memory_space<vmem>>) semaphore(%arg23 : memref<!tpu.dma_semaphore, #tpu.memory_space<semaphore_mem>>) {add = true}
      %add3A_239 = arith.constant 2 : i32
      %add3A_240 = arith.addi %mul3A_166, %add3A_239 : i32
      %le3A = arith.constant 89 : i32
      %le3A_241 = arith.cmpi sle, %add3A_240, %le3A : i32
      %convert_element_type3A_242 = arith.extui %le3A_241 : i1 to i32
      %cond3A_243 = arith.constant 0 : i32
      %cond3A_244 = arith.cmpi ne, %convert_element_type3A_242, %cond3A_243 : i32
      scf.if %cond3A_244 {
        %add3A_331 = arith.constant 2 : i32
        %add3A_332 = arith.addi %mul3A_166, %add3A_331 : i32
        %mul3A_333 = arith.constant 112 : i32
        %mul3A_334 = arith.muli %add3A_332, %mul3A_333 : i32
        %add3A_335 = arith.addi %mul3A_4, %mul3A_334 : i32
        %multiple_of3A_336 = tpu.assume_multiple %add3A_335, 8 : i32
        %dma_start3A_337 = tpu.memref_slice %arg3[%multiple_of3A_336] : memref<322560xi32, #tpu.memory_space<hbm>> -> memref<112xi32, #tpu.memory_space<hbm>>
        %dma_start3A_338 = tpu.memref_slice %arg3[%multiple_of3A_336] : memref<322560xi32, #tpu.memory_space<hbm>> -> memref<112xi32, #tpu.memory_space<hbm>>
        tpu.enqueue_dma source(%dma_start3A_338 : memref<112xi32, #tpu.memory_space<hbm>>) target(%arg7 : memref<112xi32, #tpu.memory_space<vmem>>) target_semaphore(%arg19 : memref<!tpu.dma_semaphore, #tpu.memory_space<semaphore_mem>>)
        %multiple_of3A_339 = tpu.assume_multiple %add3A_335, 8 : i32
        %dma_start3A_340 = tpu.memref_slice %arg4[%multiple_of3A_339] : memref<322560xi32, #tpu.memory_space<hbm>> -> memref<112xi32, #tpu.memory_space<hbm>>
        %dma_start3A_341 = tpu.memref_slice %arg4[%multiple_of3A_339] : memref<322560xi32, #tpu.memory_space<hbm>> -> memref<112xi32, #tpu.memory_space<hbm>>
        tpu.enqueue_dma source(%dma_start3A_341 : memref<112xi32, #tpu.memory_space<hbm>>) target(%arg9 : memref<112xi32, #tpu.memory_space<vmem>>) target_semaphore(%arg19 : memref<!tpu.dma_semaphore, #tpu.memory_space<semaphore_mem>>)
      } else {
      }
      %mul3A_245 = arith.constant 2 : i32
      %mul3A_246 = arith.muli %mul3A_245, %scan3A_164 : i32
      %add3A_247 = arith.constant 1 : i32
      %add3A_248 = arith.addi %mul3A_246, %add3A_247 : i32
      %multiple_of3A_249 = tpu.assume_multiple %mul3A_4, 8 : i32
      %dma_wait3A_250 = tpu.memref_slice %arg3[%multiple_of3A_249] : memref<322560xi32, #tpu.memory_space<hbm>> -> memref<112xi32, #tpu.memory_space<hbm>>
      %dma_wait3A_251 = tpu.memref_slice %arg3[%multiple_of3A_249] : memref<322560xi32, #tpu.memory_space<hbm>> -> memref<112xi32, #tpu.memory_space<hbm>>
      tpu.wait_dma2 semaphore(%arg19 : memref<!tpu.dma_semaphore, #tpu.memory_space<semaphore_mem>>) src(%dma_wait3A_251 : memref<112xi32, #tpu.memory_space<hbm>>) dst(%arg7 : memref<112xi32, #tpu.memory_space<vmem>>)
      %multiple_of3A_252 = tpu.assume_multiple %mul3A_4, 8 : i32
      %dma_wait3A_253 = tpu.memref_slice %arg4[%multiple_of3A_252] : memref<322560xi32, #tpu.memory_space<hbm>> -> memref<112xi32, #tpu.memory_space<hbm>>
      %dma_wait3A_254 = tpu.memref_slice %arg4[%multiple_of3A_252] : memref<322560xi32, #tpu.memory_space<hbm>> -> memref<112xi32, #tpu.memory_space<hbm>>
      tpu.wait_dma2 semaphore(%arg19 : memref<!tpu.dma_semaphore, #tpu.memory_space<semaphore_mem>>) src(%dma_wait3A_254 : memref<112xi32, #tpu.memory_space<hbm>>) dst(%arg9 : memref<112xi32, #tpu.memory_space<vmem>>)
      %dma_start3A_255 = arith.constant 0 : i32
      %dma_start3A_256 = arith.constant 0 : i32
      %dma_start3A_257 = tpu.memref_slice %arg18[%dma_start3A_255, %dma_start3A_256] : memref<10016x16xf32, #tpu.memory_space<vmem_shared>> -> memref<10016x16xf32, #tpu.memory_space<vmem_shared>>
      tpu.enqueue_indirect_dma source(%dma_start3A_257 : memref<10016x16xf32, #tpu.memory_space<vmem_shared>>) target(%arg13 : memref<112x16xf32, #tpu.memory_space<vmem>>) offsets(%arg7 : memref<112xi32, #tpu.memory_space<vmem>>) semaphore(%arg21 : memref<!tpu.dma_semaphore, #tpu.memory_space<semaphore_mem>>)
      %ge3A_258 = arith.constant 2 : i32
      %ge3A_259 = arith.cmpi sge, %add3A_248, %ge3A_258 : i32
      %convert_element_type3A_260 = arith.extui %ge3A_259 : i1 to i32
      %cond3A_261 = arith.constant 0 : i32
      %cond3A_262 = arith.cmpi ne, %convert_element_type3A_260, %cond3A_261 : i32
      scf.if %cond3A_262 {
        %dma_wait3A_331 = arith.constant 0 : i32
        %dma_wait3A_332 = arith.constant 0 : i32
        %dma_wait3A_333 = tpu.memref_slice %arg17[%dma_wait3A_331, %dma_wait3A_332] : memref<10016x16xf32, #tpu.memory_space<vmem_shared>> -> memref<10016x16xf32, #tpu.memory_space<vmem_shared>>
        tpu.wait_indirect_dma semaphore(%arg24 : memref<!tpu.dma_semaphore, #tpu.memory_space<semaphore_mem>>) src(%arg16 : memref<112x16xf32, #tpu.memory_space<vmem>>) dst(%dma_wait3A_333 : memref<10016x16xf32, #tpu.memory_space<vmem_shared>>)
      } else {
      }
      %dma_wait3A_263 = arith.constant 0 : i32
      %dma_wait3A_264 = arith.constant 0 : i32
      %dma_wait3A_265 = tpu.memref_slice %arg18[%dma_wait3A_263, %dma_wait3A_264] : memref<10016x16xf32, #tpu.memory_space<vmem_shared>> -> memref<10016x16xf32, #tpu.memory_space<vmem_shared>>
      tpu.wait_indirect_dma semaphore(%arg22 : memref<!tpu.dma_semaphore, #tpu.memory_space<semaphore_mem>>) src(%dma_wait3A_265 : memref<10016x16xf32, #tpu.memory_space<vmem_shared>>) dst(%arg14 : memref<112x16xf32, #tpu.memory_space<vmem>>)
      %get3A_266 = arith.constant 0 : index
      %get3A_267 = tpu.vector_load %arg10[%get3A_266] {strides = array<i32>} : memref<112xi32, #tpu.memory_space<vmem>>, vector<16xi32>,
      %get3A_268 = vector.shape_cast %get3A_267 : vector<16xi32> to vector<16xi32>
      %swap3A_269 = arith.constant 0 : index
      %swap3A_270 = tpu.vector_load %arg12[%swap3A_269] {strides = array<i32>} : memref<112xi32, #tpu.memory_space<vmem>>, vector<16xi32>,
      %swap3A_271 = vector.shape_cast %swap3A_270 : vector<16xi32> to vector<16xi32>
      %swap3A_272 = vector.shape_cast %get3A_268 : vector<16xi32> to vector<16xi32>
      tpu.vector_store %arg12[%swap3A_269], %swap3A_272 {strides = array<i32>} : memref<112xi32, #tpu.memory_space<vmem>>, vector<16xi32>,
      %get3A_273 = arith.constant 16 : index
      %get3A_274 = tpu.vector_load %arg10[%get3A_273] {strides = array<i32>} : memref<112xi32, #tpu.memory_space<vmem>>, vector<16xi32>,
      %get3A_275 = vector.shape_cast %get3A_274 : vector<16xi32> to vector<16xi32>
      %swap3A_276 = arith.constant 16 : index
      %swap3A_277 = tpu.vector_load %arg12[%swap3A_276] {strides = array<i32>} : memref<112xi32, #tpu.memory_space<vmem>>, vector<16xi32>,
      %swap3A_278 = vector.shape_cast %swap3A_277 : vector<16xi32> to vector<16xi32>
      %swap3A_279 = vector.shape_cast %get3A_275 : vector<16xi32> to vector<16xi32>
      tpu.vector_store %arg12[%swap3A_276], %swap3A_279 {strides = array<i32>} : memref<112xi32, #tpu.memory_space<vmem>>, vector<16xi32>,
      %get3A_280 = arith.constant 32 : index
      %get3A_281 = tpu.vector_load %arg10[%get3A_280] {strides = array<i32>} : memref<112xi32, #tpu.memory_space<vmem>>, vector<16xi32>,
      %get3A_282 = vector.shape_cast %get3A_281 : vector<16xi32> to vector<16xi32>
      %swap3A_283 = arith.constant 32 : index
      %swap3A_284 = tpu.vector_load %arg12[%swap3A_283] {strides = array<i32>} : memref<112xi32, #tpu.memory_space<vmem>>, vector<16xi32>,
      %swap3A_285 = vector.shape_cast %swap3A_284 : vector<16xi32> to vector<16xi32>
      %swap3A_286 = vector.shape_cast %get3A_282 : vector<16xi32> to vector<16xi32>
      tpu.vector_store %arg12[%swap3A_283], %swap3A_286 {strides = array<i32>} : memref<112xi32, #tpu.memory_space<vmem>>, vector<16xi32>,
      %get3A_287 = arith.constant 48 : index
      %get3A_288 = tpu.vector_load %arg10[%get3A_287] {strides = array<i32>} : memref<112xi32, #tpu.memory_space<vmem>>, vector<16xi32>,
      %get3A_289 = vector.shape_cast %get3A_288 : vector<16xi32> to vector<16xi32>
      %swap3A_290 = arith.constant 48 : index
      %swap3A_291 = tpu.vector_load %arg12[%swap3A_290] {strides = array<i32>} : memref<112xi32, #tpu.memory_space<vmem>>, vector<16xi32>,
      %swap3A_292 = vector.shape_cast %swap3A_291 : vector<16xi32> to vector<16xi32>
      %swap3A_293 = vector.shape_cast %get3A_289 : vector<16xi32> to vector<16xi32>
      tpu.vector_store %arg12[%swap3A_290], %swap3A_293 {strides = array<i32>} : memref<112xi32, #tpu.memory_space<vmem>>, vector<16xi32>,
      %get3A_294 = arith.constant 64 : index
      %get3A_295 = tpu.vector_load %arg10[%get3A_294] {strides = array<i32>} : memref<112xi32, #tpu.memory_space<vmem>>, vector<16xi32>,
      %get3A_296 = vector.shape_cast %get3A_295 : vector<16xi32> to vector<16xi32>
      %swap3A_297 = arith.constant 64 : index
      %swap3A_298 = tpu.vector_load %arg12[%swap3A_297] {strides = array<i32>} : memref<112xi32, #tpu.memory_space<vmem>>, vector<16xi32>,
      %swap3A_299 = vector.shape_cast %swap3A_298 : vector<16xi32> to vector<16xi32>
      %swap3A_300 = vector.shape_cast %get3A_296 : vector<16xi32> to vector<16xi32>
      tpu.vector_store %arg12[%swap3A_297], %swap3A_300 {strides = array<i32>} : memref<112xi32, #tpu.memory_space<vmem>>, vector<16xi32>,
      %get3A_301 = arith.constant 80 : index
      %get3A_302 = tpu.vector_load %arg10[%get3A_301] {strides = array<i32>} : memref<112xi32, #tpu.memory_space<vmem>>, vector<16xi32>,
      %get3A_303 = vector.shape_cast %get3A_302 : vector<16xi32> to vector<16xi32>
      %swap3A_304 = arith.constant 80 : index
      %swap3A_305 = tpu.vector_load %arg12[%swap3A_304] {strides = array<i32>} : memref<112xi32, #tpu.memory_space<vmem>>, vector<16xi32>,
      %swap3A_306 = vector.shape_cast %swap3A_305 : vector<16xi32> to vector<16xi32>
      %swap3A_307 = vector.shape_cast %get3A_303 : vector<16xi32> to vector<16xi32>
      tpu.vector_store %arg12[%swap3A_304], %swap3A_307 {strides = array<i32>} : memref<112xi32, #tpu.memory_space<vmem>>, vector<16xi32>,
      %get3A_308 = arith.constant 96 : index
      %get3A_309 = tpu.vector_load %arg10[%get3A_308] {strides = array<i32>} : memref<112xi32, #tpu.memory_space<vmem>>, vector<16xi32>,
      %get3A_310 = vector.shape_cast %get3A_309 : vector<16xi32> to vector<16xi32>
      %swap3A_311 = arith.constant 96 : index
      %swap3A_312 = tpu.vector_load %arg12[%swap3A_311] {strides = array<i32>} : memref<112xi32, #tpu.memory_space<vmem>>, vector<16xi32>,
      %swap3A_313 = vector.shape_cast %swap3A_312 : vector<16xi32> to vector<16xi32>
      %swap3A_314 = vector.shape_cast %get3A_310 : vector<16xi32> to vector<16xi32>
      tpu.vector_store %arg12[%swap3A_311], %swap3A_314 {strides = array<i32>} : memref<112xi32, #tpu.memory_space<vmem>>, vector<16xi32>,
      %scan3A_315 = arith.constant 0 : i32
      %scan3A_316 = arith.constant 0 : i32
      %scan3A_317 = arith.constant 112 : i32
      %scan3A_318 = arith.addi %scan3A_316, %scan3A_317 : i32
      %scan3A_319 = arith.constant 1 : i32
      scf.for %scan3A_331 = %scan3A_316 to %scan3A_318 step %scan3A_319  : i32 {
        %get3A_332 = arith.index_cast %scan3A_331 : i32 to index
        %get3A_333 = arith.constant 0 : index
        %get3A_334 = tpu.vector_load %arg14[%get3A_332, %get3A_333] {strides = array<i32>} : memref<112x16xf32, #tpu.memory_space<vmem>>, vector<1x16xf32>,
        %get3A_335 = vector.shape_cast %get3A_334 : vector<1x16xf32> to vector<16xf32>
        %swap3A_336 = arith.index_cast %scan3A_331 : i32 to index
        %swap3A_337 = arith.constant 0 : index
        %swap3A_338 = tpu.vector_load %arg16[%swap3A_336, %swap3A_337] {strides = array<i32>} : memref<112x16xf32, #tpu.memory_space<vmem>>, vector<1x16xf32>,
        %swap3A_339 = vector.shape_cast %swap3A_338 : vector<1x16xf32> to vector<16xf32>
        %swap3A_340 = vector.shape_cast %get3A_335 : vector<16xf32> to vector<1x16xf32>
        tpu.vector_store %arg16[%swap3A_336, %swap3A_337], %swap3A_340 {strides = array<i32>} : memref<112x16xf32, #tpu.memory_space<vmem>>, vector<1x16xf32>,
      }
      %scan3A_320 = arith.constant 112 : i32
      %dma_start3A_321 = arith.constant 0 : i32
      %dma_start3A_322 = arith.constant 0 : i32
      %dma_start3A_323 = tpu.memref_slice %arg17[%dma_start3A_321, %dma_start3A_322] : memref<10016x16xf32, #tpu.memory_space<vmem_shared>> -> memref<10016x16xf32, #tpu.memory_space<vmem_shared>>
      tpu.enqueue_indirect_dma source(%arg16 : memref<112x16xf32, #tpu.memory_space<vmem>>) target(%dma_start3A_323 : memref<10016x16xf32, #tpu.memory_space<vmem_shared>>) offsets(%arg12 : memref<112xi32, #tpu.memory_space<vmem>>) semaphore(%arg24 : memref<!tpu.dma_semaphore, #tpu.memory_space<semaphore_mem>>) {add = true}
      %add3A_324 = arith.constant 2 : i32
      %add3A_325 = arith.addi %add3A_248, %add3A_324 : i32
      %le3A_326 = arith.constant 89 : i32
      %le3A_327 = arith.cmpi sle, %add3A_325, %le3A_326 : i32
      %convert_element_type3A_328 = arith.extui %le3A_327 : i1 to i32
      %cond3A_329 = arith.constant 0 : i32
      %cond3A_330 = arith.cmpi ne, %convert_element_type3A_328, %cond3A_329 : i32
      scf.if %cond3A_330 {
        %add3A_331 = arith.constant 2 : i32
        %add3A_332 = arith.addi %add3A_248, %add3A_331 : i32
        %mul3A_333 = arith.constant 112 : i32
        %mul3A_334 = arith.muli %add3A_332, %mul3A_333 : i32
        %add3A_335 = arith.addi %mul3A_4, %mul3A_334 : i32
        %multiple_of3A_336 = tpu.assume_multiple %add3A_335, 8 : i32
        %dma_start3A_337 = tpu.memref_slice %arg3[%multiple_of3A_336] : memref<322560xi32, #tpu.memory_space<hbm>> -> memref<112xi32, #tpu.memory_space<hbm>>
        %dma_start3A_338 = tpu.memref_slice %arg3[%multiple_of3A_336] : memref<322560xi32, #tpu.memory_space<hbm>> -> memref<112xi32, #tpu.memory_space<hbm>>
        tpu.enqueue_dma source(%dma_start3A_338 : memref<112xi32, #tpu.memory_space<hbm>>) target(%arg8 : memref<112xi32, #tpu.memory_space<vmem>>) target_semaphore(%arg20 : memref<!tpu.dma_semaphore, #tpu.memory_space<semaphore_mem>>)
        %multiple_of3A_339 = tpu.assume_multiple %add3A_335, 8 : i32
        %dma_start3A_340 = tpu.memref_slice %arg4[%multiple_of3A_339] : memref<322560xi32, #tpu.memory_space<hbm>> -> memref<112xi32, #tpu.memory_space<hbm>>
        %dma_start3A_341 = tpu.memref_slice %arg4[%multiple_of3A_339] : memref<322560xi32, #tpu.memory_space<hbm>> -> memref<112xi32, #tpu.memory_space<hbm>>
        tpu.enqueue_dma source(%dma_start3A_341 : memref<112xi32, #tpu.memory_space<hbm>>) target(%arg10 : memref<112xi32, #tpu.memory_space<vmem>>) target_semaphore(%arg20 : memref<!tpu.dma_semaphore, #tpu.memory_space<semaphore_mem>>)
      } else {
      }
    }
    %scan3A_22 = arith.constant 44 : i32
    %multiple_of3A_23 = tpu.assume_multiple %mul3A_4, 8 : i32
    %dma_wait3A = tpu.memref_slice %arg3[%multiple_of3A_23] : memref<322560xi32, #tpu.memory_space<hbm>> -> memref<112xi32, #tpu.memory_space<hbm>>
    %dma_wait3A_24 = tpu.memref_slice %arg3[%multiple_of3A_23] : memref<322560xi32, #tpu.memory_space<hbm>> -> memref<112xi32, #tpu.memory_space<hbm>>
    tpu.wait_dma2 semaphore(%arg20 : memref<!tpu.dma_semaphore, #tpu.memory_space<semaphore_mem>>) src(%dma_wait3A_24 : memref<112xi32, #tpu.memory_space<hbm>>) dst(%arg8 : memref<112xi32, #tpu.memory_space<vmem>>)
    %multiple_of3A_25 = tpu.assume_multiple %mul3A_4, 8 : i32
    %dma_wait3A_26 = tpu.memref_slice %arg4[%multiple_of3A_25] : memref<322560xi32, #tpu.memory_space<hbm>> -> memref<112xi32, #tpu.memory_space<hbm>>
    %dma_wait3A_27 = tpu.memref_slice %arg4[%multiple_of3A_25] : memref<322560xi32, #tpu.memory_space<hbm>> -> memref<112xi32, #tpu.memory_space<hbm>>
    tpu.wait_dma2 semaphore(%arg20 : memref<!tpu.dma_semaphore, #tpu.memory_space<semaphore_mem>>) src(%dma_wait3A_27 : memref<112xi32, #tpu.memory_space<hbm>>) dst(%arg10 : memref<112xi32, #tpu.memory_space<vmem>>)
    %dma_start3A_28 = arith.constant 0 : i32
    %dma_start3A_29 = arith.constant 0 : i32
    %dma_start3A_30 = tpu.memref_slice %arg18[%dma_start3A_28, %dma_start3A_29] : memref<10016x16xf32, #tpu.memory_space<vmem_shared>> -> memref<10016x16xf32, #tpu.memory_space<vmem_shared>>
    tpu.enqueue_indirect_dma source(%dma_start3A_30 : memref<10016x16xf32, #tpu.memory_space<vmem_shared>>) target(%arg14 : memref<112x16xf32, #tpu.memory_space<vmem>>) offsets(%arg8 : memref<112xi32, #tpu.memory_space<vmem>>) semaphore(%arg22 : memref<!tpu.dma_semaphore, #tpu.memory_space<semaphore_mem>>)
    %dma_wait3A_31 = arith.constant 0 : i32
    %dma_wait3A_32 = arith.constant 0 : i32
    %dma_wait3A_33 = tpu.memref_slice %arg17[%dma_wait3A_31, %dma_wait3A_32] : memref<10016x16xf32, #tpu.memory_space<vmem_shared>> -> memref<10016x16xf32, #tpu.memory_space<vmem_shared>>
    tpu.wait_indirect_dma semaphore(%arg23 : memref<!tpu.dma_semaphore, #tpu.memory_space<semaphore_mem>>) src(%arg15 : memref<112x16xf32, #tpu.memory_space<vmem>>) dst(%dma_wait3A_33 : memref<10016x16xf32, #tpu.memory_space<vmem_shared>>)
    %dma_wait3A_34 = arith.constant 0 : i32
    %dma_wait3A_35 = arith.constant 0 : i32
    %dma_wait3A_36 = tpu.memref_slice %arg18[%dma_wait3A_34, %dma_wait3A_35] : memref<10016x16xf32, #tpu.memory_space<vmem_shared>> -> memref<10016x16xf32, #tpu.memory_space<vmem_shared>>
    tpu.wait_indirect_dma semaphore(%arg21 : memref<!tpu.dma_semaphore, #tpu.memory_space<semaphore_mem>>) src(%dma_wait3A_36 : memref<10016x16xf32, #tpu.memory_space<vmem_shared>>) dst(%arg13 : memref<112x16xf32, #tpu.memory_space<vmem>>)
    %get3A = arith.constant 0 : index
    %get3A_37 = tpu.vector_load %arg9[%get3A] {strides = array<i32>} : memref<112xi32, #tpu.memory_space<vmem>>, vector<16xi32>,
    %get3A_38 = vector.shape_cast %get3A_37 : vector<16xi32> to vector<16xi32>
    %swap3A = arith.constant 0 : index
    %swap3A_39 = tpu.vector_load %arg11[%swap3A] {strides = array<i32>} : memref<112xi32, #tpu.memory_space<vmem>>, vector<16xi32>,
    %swap3A_40 = vector.shape_cast %swap3A_39 : vector<16xi32> to vector<16xi32>
    %swap3A_41 = vector.shape_cast %get3A_38 : vector<16xi32> to vector<16xi32>
    tpu.vector_store %arg11[%swap3A], %swap3A_41 {strides = array<i32>} : memref<112xi32, #tpu.memory_space<vmem>>, vector<16xi32>,
    %get3A_42 = arith.constant 16 : index
    %get3A_43 = tpu.vector_load %arg9[%get3A_42] {strides = array<i32>} : memref<112xi32, #tpu.memory_space<vmem>>, vector<16xi32>,
    %get3A_44 = vector.shape_cast %get3A_43 : vector<16xi32> to vector<16xi32>
    %swap3A_45 = arith.constant 16 : index
    %swap3A_46 = tpu.vector_load %arg11[%swap3A_45] {strides = array<i32>} : memref<112xi32, #tpu.memory_space<vmem>>, vector<16xi32>,
    %swap3A_47 = vector.shape_cast %swap3A_46 : vector<16xi32> to vector<16xi32>
    %swap3A_48 = vector.shape_cast %get3A_44 : vector<16xi32> to vector<16xi32>
    tpu.vector_store %arg11[%swap3A_45], %swap3A_48 {strides = array<i32>} : memref<112xi32, #tpu.memory_space<vmem>>, vector<16xi32>,
    %get3A_49 = arith.constant 32 : index
    %get3A_50 = tpu.vector_load %arg9[%get3A_49] {strides = array<i32>} : memref<112xi32, #tpu.memory_space<vmem>>, vector<16xi32>,
    %get3A_51 = vector.shape_cast %get3A_50 : vector<16xi32> to vector<16xi32>
    %swap3A_52 = arith.constant 32 : index
    %swap3A_53 = tpu.vector_load %arg11[%swap3A_52] {strides = array<i32>} : memref<112xi32, #tpu.memory_space<vmem>>, vector<16xi32>,
    %swap3A_54 = vector.shape_cast %swap3A_53 : vector<16xi32> to vector<16xi32>
    %swap3A_55 = vector.shape_cast %get3A_51 : vector<16xi32> to vector<16xi32>
    tpu.vector_store %arg11[%swap3A_52], %swap3A_55 {strides = array<i32>} : memref<112xi32, #tpu.memory_space<vmem>>, vector<16xi32>,
    %get3A_56 = arith.constant 48 : index
    %get3A_57 = tpu.vector_load %arg9[%get3A_56] {strides = array<i32>} : memref<112xi32, #tpu.memory_space<vmem>>, vector<16xi32>,
    %get3A_58 = vector.shape_cast %get3A_57 : vector<16xi32> to vector<16xi32>
    %swap3A_59 = arith.constant 48 : index
    %swap3A_60 = tpu.vector_load %arg11[%swap3A_59] {strides = array<i32>} : memref<112xi32, #tpu.memory_space<vmem>>, vector<16xi32>,
    %swap3A_61 = vector.shape_cast %swap3A_60 : vector<16xi32> to vector<16xi32>
    %swap3A_62 = vector.shape_cast %get3A_58 : vector<16xi32> to vector<16xi32>
    tpu.vector_store %arg11[%swap3A_59], %swap3A_62 {strides = array<i32>} : memref<112xi32, #tpu.memory_space<vmem>>, vector<16xi32>,
    %get3A_63 = arith.constant 64 : index
    %get3A_64 = tpu.vector_load %arg9[%get3A_63] {strides = array<i32>} : memref<112xi32, #tpu.memory_space<vmem>>, vector<16xi32>,
    %get3A_65 = vector.shape_cast %get3A_64 : vector<16xi32> to vector<16xi32>
    %swap3A_66 = arith.constant 64 : index
    %swap3A_67 = tpu.vector_load %arg11[%swap3A_66] {strides = array<i32>} : memref<112xi32, #tpu.memory_space<vmem>>, vector<16xi32>,
    %swap3A_68 = vector.shape_cast %swap3A_67 : vector<16xi32> to vector<16xi32>
    %swap3A_69 = vector.shape_cast %get3A_65 : vector<16xi32> to vector<16xi32>
    tpu.vector_store %arg11[%swap3A_66], %swap3A_69 {strides = array<i32>} : memref<112xi32, #tpu.memory_space<vmem>>, vector<16xi32>,
    %get3A_70 = arith.constant 80 : index
    %get3A_71 = tpu.vector_load %arg9[%get3A_70] {strides = array<i32>} : memref<112xi32, #tpu.memory_space<vmem>>, vector<16xi32>,
    %get3A_72 = vector.shape_cast %get3A_71 : vector<16xi32> to vector<16xi32>
    %swap3A_73 = arith.constant 80 : index
    %swap3A_74 = tpu.vector_load %arg11[%swap3A_73] {strides = array<i32>} : memref<112xi32, #tpu.memory_space<vmem>>, vector<16xi32>,
    %swap3A_75 = vector.shape_cast %swap3A_74 : vector<16xi32> to vector<16xi32>
    %swap3A_76 = vector.shape_cast %get3A_72 : vector<16xi32> to vector<16xi32>
    tpu.vector_store %arg11[%swap3A_73], %swap3A_76 {strides = array<i32>} : memref<112xi32, #tpu.memory_space<vmem>>, vector<16xi32>,
    %get3A_77 = arith.constant 96 : index
    %get3A_78 = tpu.vector_load %arg9[%get3A_77] {strides = array<i32>} : memref<112xi32, #tpu.memory_space<vmem>>, vector<16xi32>,
    %get3A_79 = vector.shape_cast %get3A_78 : vector<16xi32> to vector<16xi32>
    %swap3A_80 = arith.constant 96 : index
    %swap3A_81 = tpu.vector_load %arg11[%swap3A_80] {strides = array<i32>} : memref<112xi32, #tpu.memory_space<vmem>>, vector<16xi32>,
    %swap3A_82 = vector.shape_cast %swap3A_81 : vector<16xi32> to vector<16xi32>
    %swap3A_83 = vector.shape_cast %get3A_79 : vector<16xi32> to vector<16xi32>
    tpu.vector_store %arg11[%swap3A_80], %swap3A_83 {strides = array<i32>} : memref<112xi32, #tpu.memory_space<vmem>>, vector<16xi32>,
    %scan3A_84 = arith.constant 0 : i32
    %scan3A_85 = arith.constant 0 : i32
    %scan3A_86 = arith.constant 112 : i32
    %scan3A_87 = arith.addi %scan3A_85, %scan3A_86 : i32
    %scan3A_88 = arith.constant 1 : i32
    scf.for %scan3A_164 = %scan3A_85 to %scan3A_87 step %scan3A_88  : i32 {
      %get3A_165 = arith.index_cast %scan3A_164 : i32 to index
      %get3A_166 = arith.constant 0 : index
      %get3A_167 = tpu.vector_load %arg13[%get3A_165, %get3A_166] {strides = array<i32>} : memref<112x16xf32, #tpu.memory_space<vmem>>, vector<1x16xf32>,
      %get3A_168 = vector.shape_cast %get3A_167 : vector<1x16xf32> to vector<16xf32>
      %swap3A_169 = arith.index_cast %scan3A_164 : i32 to index
      %swap3A_170 = arith.constant 0 : index
      %swap3A_171 = tpu.vector_load %arg15[%swap3A_169, %swap3A_170] {strides = array<i32>} : memref<112x16xf32, #tpu.memory_space<vmem>>, vector<1x16xf32>,
      %swap3A_172 = vector.shape_cast %swap3A_171 : vector<1x16xf32> to vector<16xf32>
      %swap3A_173 = vector.shape_cast %get3A_168 : vector<16xf32> to vector<1x16xf32>
      tpu.vector_store %arg15[%swap3A_169, %swap3A_170], %swap3A_173 {strides = array<i32>} : memref<112x16xf32, #tpu.memory_space<vmem>>, vector<1x16xf32>,
    }
    %scan3A_89 = arith.constant 112 : i32
    %dma_start3A_90 = arith.constant 0 : i32
    %dma_start3A_91 = arith.constant 0 : i32
    %dma_start3A_92 = tpu.memref_slice %arg17[%dma_start3A_90, %dma_start3A_91] : memref<10016x16xf32, #tpu.memory_space<vmem_shared>> -> memref<10016x16xf32, #tpu.memory_space<vmem_shared>>
    tpu.enqueue_indirect_dma source(%arg15 : memref<112x16xf32, #tpu.memory_space<vmem>>) target(%dma_start3A_92 : memref<10016x16xf32, #tpu.memory_space<vmem_shared>>) offsets(%arg11 : memref<112xi32, #tpu.memory_space<vmem>>) semaphore(%arg23 : memref<!tpu.dma_semaphore, #tpu.memory_space<semaphore_mem>>) {add = true}
    %dma_wait3A_93 = arith.constant 0 : i32
    %dma_wait3A_94 = arith.constant 0 : i32
    %dma_wait3A_95 = tpu.memref_slice %arg17[%dma_wait3A_93, %dma_wait3A_94] : memref<10016x16xf32, #tpu.memory_space<vmem_shared>> -> memref<10016x16xf32, #tpu.memory_space<vmem_shared>>
    tpu.wait_indirect_dma semaphore(%arg24 : memref<!tpu.dma_semaphore, #tpu.memory_space<semaphore_mem>>) src(%arg16 : memref<112x16xf32, #tpu.memory_space<vmem>>) dst(%dma_wait3A_95 : memref<10016x16xf32, #tpu.memory_space<vmem_shared>>)
    %dma_wait3A_96 = arith.constant 0 : i32
    %dma_wait3A_97 = arith.constant 0 : i32
    %dma_wait3A_98 = tpu.memref_slice %arg18[%dma_wait3A_96, %dma_wait3A_97] : memref<10016x16xf32, #tpu.memory_space<vmem_shared>> -> memref<10016x16xf32, #tpu.memory_space<vmem_shared>>
    tpu.wait_indirect_dma semaphore(%arg22 : memref<!tpu.dma_semaphore, #tpu.memory_space<semaphore_mem>>) src(%dma_wait3A_98 : memref<10016x16xf32, #tpu.memory_space<vmem_shared>>) dst(%arg14 : memref<112x16xf32, #tpu.memory_space<vmem>>)
    %get3A_99 = arith.constant 0 : index
    %get3A_100 = tpu.vector_load %arg10[%get3A_99] {strides = array<i32>} : memref<112xi32, #tpu.memory_space<vmem>>, vector<16xi32>,
    %get3A_101 = vector.shape_cast %get3A_100 : vector<16xi32> to vector<16xi32>
    %swap3A_102 = arith.constant 0 : index
    %swap3A_103 = tpu.vector_load %arg12[%swap3A_102] {strides = array<i32>} : memref<112xi32, #tpu.memory_space<vmem>>, vector<16xi32>,
    %swap3A_104 = vector.shape_cast %swap3A_103 : vector<16xi32> to vector<16xi32>
    %swap3A_105 = vector.shape_cast %get3A_101 : vector<16xi32> to vector<16xi32>
    tpu.vector_store %arg12[%swap3A_102], %swap3A_105 {strides = array<i32>} : memref<112xi32, #tpu.memory_space<vmem>>, vector<16xi32>,
    %get3A_106 = arith.constant 16 : index
    %get3A_107 = tpu.vector_load %arg10[%get3A_106] {strides = array<i32>} : memref<112xi32, #tpu.memory_space<vmem>>, vector<16xi32>,
    %get3A_108 = vector.shape_cast %get3A_107 : vector<16xi32> to vector<16xi32>
    %swap3A_109 = arith.constant 16 : index
    %swap3A_110 = tpu.vector_load %arg12[%swap3A_109] {strides = array<i32>} : memref<112xi32, #tpu.memory_space<vmem>>, vector<16xi32>,
    %swap3A_111 = vector.shape_cast %swap3A_110 : vector<16xi32> to vector<16xi32>
    %swap3A_112 = vector.shape_cast %get3A_108 : vector<16xi32> to vector<16xi32>
    tpu.vector_store %arg12[%swap3A_109], %swap3A_112 {strides = array<i32>} : memref<112xi32, #tpu.memory_space<vmem>>, vector<16xi32>,
    %get3A_113 = arith.constant 32 : index
    %get3A_114 = tpu.vector_load %arg10[%get3A_113] {strides = array<i32>} : memref<112xi32, #tpu.memory_space<vmem>>, vector<16xi32>,
    %get3A_115 = vector.shape_cast %get3A_114 : vector<16xi32> to vector<16xi32>
    %swap3A_116 = arith.constant 32 : index
    %swap3A_117 = tpu.vector_load %arg12[%swap3A_116] {strides = array<i32>} : memref<112xi32, #tpu.memory_space<vmem>>, vector<16xi32>,
    %swap3A_118 = vector.shape_cast %swap3A_117 : vector<16xi32> to vector<16xi32>
    %swap3A_119 = vector.shape_cast %get3A_115 : vector<16xi32> to vector<16xi32>
    tpu.vector_store %arg12[%swap3A_116], %swap3A_119 {strides = array<i32>} : memref<112xi32, #tpu.memory_space<vmem>>, vector<16xi32>,
    %get3A_120 = arith.constant 48 : index
    %get3A_121 = tpu.vector_load %arg10[%get3A_120] {strides = array<i32>} : memref<112xi32, #tpu.memory_space<vmem>>, vector<16xi32>,
    %get3A_122 = vector.shape_cast %get3A_121 : vector<16xi32> to vector<16xi32>
    %swap3A_123 = arith.constant 48 : index
    %swap3A_124 = tpu.vector_load %arg12[%swap3A_123] {strides = array<i32>} : memref<112xi32, #tpu.memory_space<vmem>>, vector<16xi32>,
    %swap3A_125 = vector.shape_cast %swap3A_124 : vector<16xi32> to vector<16xi32>
    %swap3A_126 = vector.shape_cast %get3A_122 : vector<16xi32> to vector<16xi32>
    tpu.vector_store %arg12[%swap3A_123], %swap3A_126 {strides = array<i32>} : memref<112xi32, #tpu.memory_space<vmem>>, vector<16xi32>,
    %get3A_127 = arith.constant 64 : index
    %get3A_128 = tpu.vector_load %arg10[%get3A_127] {strides = array<i32>} : memref<112xi32, #tpu.memory_space<vmem>>, vector<16xi32>,
    %get3A_129 = vector.shape_cast %get3A_128 : vector<16xi32> to vector<16xi32>
    %swap3A_130 = arith.constant 64 : index
    %swap3A_131 = tpu.vector_load %arg12[%swap3A_130] {strides = array<i32>} : memref<112xi32, #tpu.memory_space<vmem>>, vector<16xi32>,
    %swap3A_132 = vector.shape_cast %swap3A_131 : vector<16xi32> to vector<16xi32>
    %swap3A_133 = vector.shape_cast %get3A_129 : vector<16xi32> to vector<16xi32>
    tpu.vector_store %arg12[%swap3A_130], %swap3A_133 {strides = array<i32>} : memref<112xi32, #tpu.memory_space<vmem>>, vector<16xi32>,
    %get3A_134 = arith.constant 80 : index
    %get3A_135 = tpu.vector_load %arg10[%get3A_134] {strides = array<i32>} : memref<112xi32, #tpu.memory_space<vmem>>, vector<16xi32>,
    %get3A_136 = vector.shape_cast %get3A_135 : vector<16xi32> to vector<16xi32>
    %swap3A_137 = arith.constant 80 : index
    %swap3A_138 = tpu.vector_load %arg12[%swap3A_137] {strides = array<i32>} : memref<112xi32, #tpu.memory_space<vmem>>, vector<16xi32>,
    %swap3A_139 = vector.shape_cast %swap3A_138 : vector<16xi32> to vector<16xi32>
    %swap3A_140 = vector.shape_cast %get3A_136 : vector<16xi32> to vector<16xi32>
    tpu.vector_store %arg12[%swap3A_137], %swap3A_140 {strides = array<i32>} : memref<112xi32, #tpu.memory_space<vmem>>, vector<16xi32>,
    %get3A_141 = arith.constant 96 : index
    %get3A_142 = tpu.vector_load %arg10[%get3A_141] {strides = array<i32>} : memref<112xi32, #tpu.memory_space<vmem>>, vector<16xi32>,
    %get3A_143 = vector.shape_cast %get3A_142 : vector<16xi32> to vector<16xi32>
    %swap3A_144 = arith.constant 96 : index
    %swap3A_145 = tpu.vector_load %arg12[%swap3A_144] {strides = array<i32>} : memref<112xi32, #tpu.memory_space<vmem>>, vector<16xi32>,
    %swap3A_146 = vector.shape_cast %swap3A_145 : vector<16xi32> to vector<16xi32>
    %swap3A_147 = vector.shape_cast %get3A_143 : vector<16xi32> to vector<16xi32>
    tpu.vector_store %arg12[%swap3A_144], %swap3A_147 {strides = array<i32>} : memref<112xi32, #tpu.memory_space<vmem>>, vector<16xi32>,
    %scan3A_148 = arith.constant 0 : i32
    %scan3A_149 = arith.constant 0 : i32
    %scan3A_150 = arith.constant 112 : i32
    %scan3A_151 = arith.addi %scan3A_149, %scan3A_150 : i32
    %scan3A_152 = arith.constant 1 : i32
    scf.for %scan3A_164 = %scan3A_149 to %scan3A_151 step %scan3A_152  : i32 {
      %get3A_165 = arith.index_cast %scan3A_164 : i32 to index
      %get3A_166 = arith.constant 0 : index
      %get3A_167 = tpu.vector_load %arg14[%get3A_165, %get3A_166] {strides = array<i32>} : memref<112x16xf32, #tpu.memory_space<vmem>>, vector<1x16xf32>,
      %get3A_168 = vector.shape_cast %get3A_167 : vector<1x16xf32> to vector<16xf32>
      %swap3A_169 = arith.index_cast %scan3A_164 : i32 to index
      %swap3A_170 = arith.constant 0 : index
      %swap3A_171 = tpu.vector_load %arg16[%swap3A_169, %swap3A_170] {strides = array<i32>} : memref<112x16xf32, #tpu.memory_space<vmem>>, vector<1x16xf32>,
      %swap3A_172 = vector.shape_cast %swap3A_171 : vector<1x16xf32> to vector<16xf32>
      %swap3A_173 = vector.shape_cast %get3A_168 : vector<16xf32> to vector<1x16xf32>
      tpu.vector_store %arg16[%swap3A_169, %swap3A_170], %swap3A_173 {strides = array<i32>} : memref<112x16xf32, #tpu.memory_space<vmem>>, vector<1x16xf32>,
    }
    %scan3A_153 = arith.constant 112 : i32
    %dma_start3A_154 = arith.constant 0 : i32
    %dma_start3A_155 = arith.constant 0 : i32
    %dma_start3A_156 = tpu.memref_slice %arg17[%dma_start3A_154, %dma_start3A_155] : memref<10016x16xf32, #tpu.memory_space<vmem_shared>> -> memref<10016x16xf32, #tpu.memory_space<vmem_shared>>
    tpu.enqueue_indirect_dma source(%arg16 : memref<112x16xf32, #tpu.memory_space<vmem>>) target(%dma_start3A_156 : memref<10016x16xf32, #tpu.memory_space<vmem_shared>>) offsets(%arg12 : memref<112xi32, #tpu.memory_space<vmem>>) semaphore(%arg24 : memref<!tpu.dma_semaphore, #tpu.memory_space<semaphore_mem>>) {add = true}
    %dma_wait3A_157 = arith.constant 0 : i32
    %dma_wait3A_158 = arith.constant 0 : i32
    %dma_wait3A_159 = tpu.memref_slice %arg17[%dma_wait3A_157, %dma_wait3A_158] : memref<10016x16xf32, #tpu.memory_space<vmem_shared>> -> memref<10016x16xf32, #tpu.memory_space<vmem_shared>>
    tpu.wait_indirect_dma semaphore(%arg23 : memref<!tpu.dma_semaphore, #tpu.memory_space<semaphore_mem>>) src(%arg15 : memref<112x16xf32, #tpu.memory_space<vmem>>) dst(%dma_wait3A_159 : memref<10016x16xf32, #tpu.memory_space<vmem_shared>>)
    %dma_wait3A_160 = arith.constant 0 : i32
    %dma_wait3A_161 = arith.constant 0 : i32
    %dma_wait3A_162 = tpu.memref_slice %arg17[%dma_wait3A_160, %dma_wait3A_161] : memref<10016x16xf32, #tpu.memory_space<vmem_shared>> -> memref<10016x16xf32, #tpu.memory_space<vmem_shared>>
    tpu.wait_indirect_dma semaphore(%arg24 : memref<!tpu.dma_semaphore, #tpu.memory_space<semaphore_mem>>) src(%arg16 : memref<112x16xf32, #tpu.memory_space<vmem>>) dst(%dma_wait3A_162 : memref<10016x16xf32, #tpu.memory_space<vmem_shared>>)
    %barrier3A_163 = arith.constant 0 : index
    tpu.barrier barrier_id(%barrier3A_163)
    "tpu.region"() ({
      %run_scoped3A = tpu.sem_alloc : memref<!tpu.dma_semaphore, #tpu.memory_space<semaphore_mem>>
      %dma_start3A_164 = arith.constant 0 : i32
      %dma_start3A_165 = tpu.memref_slice %arg6[%arg0, %mul3A_2, %dma_start3A_164] : memref<2x10016x16xf32, #tpu.memory_space<hbm>> -> memref<1x626x16xf32, #tpu.memory_space<hbm>>
      %dma_start3A_166 = tpu.memref_squeeze %dma_start3A_165 : memref<1x626x16xf32, #tpu.memory_space<hbm>> -> memref<626x16xf32, #tpu.memory_space<hbm>>
      %dma_start3A_167 = arith.constant 0 : i32
      %dma_start3A_168 = tpu.memref_slice %arg17[%mul3A_2, %dma_start3A_167] : memref<10016x16xf32, #tpu.memory_space<vmem_shared>> -> memref<626x16xf32, #tpu.memory_space<vmem_shared>>
      tpu.enqueue_dma source(%dma_start3A_168 : memref<626x16xf32, #tpu.memory_space<vmem_shared>>) target(%dma_start3A_166 : memref<626x16xf32, #tpu.memory_space<hbm>>) target_semaphore(%run_scoped3A : memref<!tpu.dma_semaphore, #tpu.memory_space<semaphore_mem>>)
      %dma_wait3A_169 = arith.constant 0 : i32
      %dma_wait3A_170 = tpu.memref_slice %arg6[%arg0, %mul3A_2, %dma_wait3A_169] : memref<2x10016x16xf32, #tpu.memory_space<hbm>> -> memref<1x626x16xf32, #tpu.memory_space<hbm>>
      %dma_wait3A_171 = tpu.memref_squeeze %dma_wait3A_170 : memref<1x626x16xf32, #tpu.memory_space<hbm>> -> memref<626x16xf32, #tpu.memory_space<hbm>>
      %dma_wait3A_172 = arith.constant 0 : i32
      %dma_wait3A_173 = tpu.memref_slice %arg17[%mul3A_2, %dma_wait3A_172] : memref<10016x16xf32, #tpu.memory_space<vmem_shared>> -> memref<626x16xf32, #tpu.memory_space<vmem_shared>>
      tpu.wait_dma2 semaphore(%run_scoped3A : memref<!tpu.dma_semaphore, #tpu.memory_space<semaphore_mem>>) src(%dma_wait3A_173 : memref<626x16xf32, #tpu.memory_space<vmem_shared>>) dst(%dma_wait3A_171 : memref<626x16xf32, #tpu.memory_space<hbm>>)
      tpu.yield
    }) : () -> ()
    return
  }
}

#map = affine_map<(d0, d1) -> (0, 0)>
#map1 = affine_map<(d0, d1) -> (0)>
#map2 = affine_map<(d0, d1) -> (0, 0, 0)>
module attributes {stable_mosaic.version = 14 : i64} {
  func.func @body(%arg0: i32, %arg1: i32, %arg2: memref<10016x144xf32, #tpu.memory_space<hbm>>, %arg3: memref<10016x16xf32, #tpu.memory_space<hbm>>, %arg4: memref<322560xi32, #tpu.memory_space<hbm>>, %arg5: memref<322560xi32, #tpu.memory_space<hbm>>, %arg6: memref<10016x144xf32, #tpu.memory_space<hbm>>, %arg7: memref<2x10016x144xf32, #tpu.memory_space<hbm>>, %arg8: memref<48xi32, #tpu.memory_space<vmem>>, %arg9: memref<48xi32, #tpu.memory_space<vmem>>, %arg10: memref<48xi32, #tpu.memory_space<vmem>>, %arg11: memref<48xi32, #tpu.memory_space<vmem>>, %arg12: memref<48xi32, #tpu.memory_space<vmem>>, %arg13: memref<48xi32, #tpu.memory_space<vmem>>, %arg14: memref<48x144xf32, #tpu.memory_space<vmem>>, %arg15: memref<48x144xf32, #tpu.memory_space<vmem>>, %arg16: memref<48x16xf32, #tpu.memory_space<vmem>>, %arg17: memref<48x16xf32, #tpu.memory_space<vmem>>, %arg18: memref<48x144xf32, #tpu.memory_space<vmem>>, %arg19: memref<48x144xf32, #tpu.memory_space<vmem>>, %arg20: memref<10016x144xf32, #tpu.memory_space<vmem_shared>>, %arg21: memref<!tpu.dma_semaphore, #tpu.memory_space<semaphore_mem>>, %arg22: memref<!tpu.dma_semaphore, #tpu.memory_space<semaphore_mem>>, %arg23: memref<!tpu.dma_semaphore, #tpu.memory_space<semaphore_mem>>, %arg24: memref<!tpu.dma_semaphore, #tpu.memory_space<semaphore_mem>>, %arg25: memref<!tpu.dma_semaphore, #tpu.memory_space<semaphore_mem>>, %arg26: memref<!tpu.dma_semaphore, #tpu.memory_space<semaphore_mem>>, %arg27: memref<!tpu.dma_semaphore, #tpu.memory_space<semaphore_mem>>, %arg28: memref<!tpu.dma_semaphore, #tpu.memory_space<semaphore_mem>>) attributes {dimension_semantics = [#tpu.dimension_semantics<core_parallel>, #tpu.dimension_semantics<subcore_parallel>], iteration_bounds = array<i64: 2, 16>, scalar_prefetch = 0 : i64, scratch_operands = 21 : i64, tpu.core_type = #tpu.core_type<sc_vector_subcore>, window_params = [{transform_indices = #map}, {transform_indices = #map}, {transform_indices = #map1}, {transform_indices = #map1}, {transform_indices = #map}, {transform_indices = #map2}]} {
    %mul3A = arith.constant 2 : i32
    %mul3A_0 = arith.muli %arg1, %mul3A : i32
    %add3A = arith.addi %mul3A_0, %arg0 : i32
    %mul3A_1 = arith.constant 626 : i32
    %mul3A_2 = arith.muli %arg1, %mul3A_1 : i32
    %mul3A_3 = arith.constant 10080 : i32
    %mul3A_4 = arith.muli %add3A, %mul3A_3 : i32
    "tpu.region"() ({
      %run_scoped3A = tpu.sem_alloc : memref<!tpu.dma_semaphore, #tpu.memory_space<semaphore_mem>>
      %dma_start3A_120 = arith.constant 0 : i32
      %dma_start3A_121 = tpu.memref_slice %arg20[%mul3A_2, %dma_start3A_120] : memref<10016x144xf32, #tpu.memory_space<vmem_shared>> -> memref<626x144xf32, #tpu.memory_space<vmem_shared>>
      %dma_start3A_122 = arith.constant 0 : i32
      %dma_start3A_123 = tpu.memref_slice %arg6[%mul3A_2, %dma_start3A_122] : memref<10016x144xf32, #tpu.memory_space<hbm>> -> memref<626x144xf32, #tpu.memory_space<hbm>>
      tpu.enqueue_dma source(%dma_start3A_123 : memref<626x144xf32, #tpu.memory_space<hbm>>) target(%dma_start3A_121 : memref<626x144xf32, #tpu.memory_space<vmem_shared>>) target_semaphore(%run_scoped3A : memref<!tpu.dma_semaphore, #tpu.memory_space<semaphore_mem>>)
      %dma_wait3A_124 = arith.constant 0 : i32
      %dma_wait3A_125 = tpu.memref_slice %arg20[%mul3A_2, %dma_wait3A_124] : memref<10016x144xf32, #tpu.memory_space<vmem_shared>> -> memref<626x144xf32, #tpu.memory_space<vmem_shared>>
      %dma_wait3A_126 = arith.constant 0 : i32
      %dma_wait3A_127 = tpu.memref_slice %arg6[%mul3A_2, %dma_wait3A_126] : memref<10016x144xf32, #tpu.memory_space<hbm>> -> memref<626x144xf32, #tpu.memory_space<hbm>>
      tpu.wait_dma2 semaphore(%run_scoped3A : memref<!tpu.dma_semaphore, #tpu.memory_space<semaphore_mem>>) src(%dma_wait3A_127 : memref<626x144xf32, #tpu.memory_space<hbm>>) dst(%dma_wait3A_125 : memref<626x144xf32, #tpu.memory_space<vmem_shared>>)
      tpu.yield
    }) : () -> ()
    %barrier3A = arith.constant 0 : index
    tpu.barrier barrier_id(%barrier3A)
    %multiple_of3A = tpu.assume_multiple %mul3A_4, 8 : i32
    "tpu.region"() ({
      %run_scoped3A = tpu.sem_alloc : memref<!tpu.dma_semaphore, #tpu.memory_space<semaphore_mem>>
      %dma_start3A_120 = tpu.memref_slice %arg4[%multiple_of3A] : memref<322560xi32, #tpu.memory_space<hbm>> -> memref<48xi32, #tpu.memory_space<hbm>>
      %dma_start3A_121 = tpu.memref_slice %arg4[%multiple_of3A] : memref<322560xi32, #tpu.memory_space<hbm>> -> memref<48xi32, #tpu.memory_space<hbm>>
      tpu.enqueue_dma source(%dma_start3A_121 : memref<48xi32, #tpu.memory_space<hbm>>) target(%arg8 : memref<48xi32, #tpu.memory_space<vmem>>) target_semaphore(%run_scoped3A : memref<!tpu.dma_semaphore, #tpu.memory_space<semaphore_mem>>)
      %dma_wait3A_122 = tpu.memref_slice %arg4[%multiple_of3A] : memref<322560xi32, #tpu.memory_space<hbm>> -> memref<48xi32, #tpu.memory_space<hbm>>
      %dma_wait3A_123 = tpu.memref_slice %arg4[%multiple_of3A] : memref<322560xi32, #tpu.memory_space<hbm>> -> memref<48xi32, #tpu.memory_space<hbm>>
      tpu.wait_dma2 semaphore(%run_scoped3A : memref<!tpu.dma_semaphore, #tpu.memory_space<semaphore_mem>>) src(%dma_wait3A_123 : memref<48xi32, #tpu.memory_space<hbm>>) dst(%arg8 : memref<48xi32, #tpu.memory_space<vmem>>)
      tpu.yield
    }) : () -> ()
    %multiple_of3A_5 = tpu.assume_multiple %mul3A_4, 8 : i32
    "tpu.region"() ({
      %run_scoped3A = tpu.sem_alloc : memref<!tpu.dma_semaphore, #tpu.memory_space<semaphore_mem>>
      %dma_start3A_120 = tpu.memref_slice %arg5[%multiple_of3A_5] : memref<322560xi32, #tpu.memory_space<hbm>> -> memref<48xi32, #tpu.memory_space<hbm>>
      %dma_start3A_121 = tpu.memref_slice %arg5[%multiple_of3A_5] : memref<322560xi32, #tpu.memory_space<hbm>> -> memref<48xi32, #tpu.memory_space<hbm>>
      tpu.enqueue_dma source(%dma_start3A_121 : memref<48xi32, #tpu.memory_space<hbm>>) target(%arg10 : memref<48xi32, #tpu.memory_space<vmem>>) target_semaphore(%run_scoped3A : memref<!tpu.dma_semaphore, #tpu.memory_space<semaphore_mem>>)
      %dma_wait3A_122 = tpu.memref_slice %arg5[%multiple_of3A_5] : memref<322560xi32, #tpu.memory_space<hbm>> -> memref<48xi32, #tpu.memory_space<hbm>>
      %dma_wait3A_123 = tpu.memref_slice %arg5[%multiple_of3A_5] : memref<322560xi32, #tpu.memory_space<hbm>> -> memref<48xi32, #tpu.memory_space<hbm>>
      tpu.wait_dma2 semaphore(%run_scoped3A : memref<!tpu.dma_semaphore, #tpu.memory_space<semaphore_mem>>) src(%dma_wait3A_123 : memref<48xi32, #tpu.memory_space<hbm>>) dst(%arg10 : memref<48xi32, #tpu.memory_space<vmem>>)
      tpu.yield
    }) : () -> ()
    %dma_start3A = arith.constant 0 : i32
    %dma_start3A_6 = arith.constant 0 : i32
    %dma_start3A_7 = tpu.memref_slice %arg2[%dma_start3A, %dma_start3A_6] : memref<10016x144xf32, #tpu.memory_space<hbm>> -> memref<10016x144xf32, #tpu.memory_space<hbm>>
    tpu.enqueue_indirect_dma source(%dma_start3A_7 : memref<10016x144xf32, #tpu.memory_space<hbm>>) target(%arg14 : memref<48x144xf32, #tpu.memory_space<vmem>>) offsets(%arg8 : memref<48xi32, #tpu.memory_space<vmem>>) semaphore(%arg23 : memref<!tpu.dma_semaphore, #tpu.memory_space<semaphore_mem>>)
    %dma_start3A_8 = arith.constant 0 : i32
    %dma_start3A_9 = arith.constant 0 : i32
    %dma_start3A_10 = tpu.memref_slice %arg3[%dma_start3A_8, %dma_start3A_9] : memref<10016x16xf32, #tpu.memory_space<hbm>> -> memref<10016x16xf32, #tpu.memory_space<hbm>>
    tpu.enqueue_indirect_dma source(%dma_start3A_10 : memref<10016x16xf32, #tpu.memory_space<hbm>>) target(%arg16 : memref<48x16xf32, #tpu.memory_space<vmem>>) offsets(%arg10 : memref<48xi32, #tpu.memory_space<vmem>>) semaphore(%arg25 : memref<!tpu.dma_semaphore, #tpu.memory_space<semaphore_mem>>)
    %add3A_11 = arith.constant 48 : i32
    %add3A_12 = arith.addi %mul3A_4, %add3A_11 : i32
    %multiple_of3A_13 = tpu.assume_multiple %add3A_12, 8 : i32
    %dma_start3A_14 = tpu.memref_slice %arg4[%multiple_of3A_13] : memref<322560xi32, #tpu.memory_space<hbm>> -> memref<48xi32, #tpu.memory_space<hbm>>
    %dma_start3A_15 = tpu.memref_slice %arg4[%multiple_of3A_13] : memref<322560xi32, #tpu.memory_space<hbm>> -> memref<48xi32, #tpu.memory_space<hbm>>
    tpu.enqueue_dma source(%dma_start3A_15 : memref<48xi32, #tpu.memory_space<hbm>>) target(%arg9 : memref<48xi32, #tpu.memory_space<vmem>>) target_semaphore(%arg22 : memref<!tpu.dma_semaphore, #tpu.memory_space<semaphore_mem>>)
    %add3A_16 = arith.constant 48 : i32
    %add3A_17 = arith.addi %mul3A_4, %add3A_16 : i32
    %multiple_of3A_18 = tpu.assume_multiple %add3A_17, 8 : i32
    %dma_start3A_19 = tpu.memref_slice %arg5[%multiple_of3A_18] : memref<322560xi32, #tpu.memory_space<hbm>> -> memref<48xi32, #tpu.memory_space<hbm>>
    %dma_start3A_20 = tpu.memref_slice %arg5[%multiple_of3A_18] : memref<322560xi32, #tpu.memory_space<hbm>> -> memref<48xi32, #tpu.memory_space<hbm>>
    tpu.enqueue_dma source(%dma_start3A_20 : memref<48xi32, #tpu.memory_space<hbm>>) target(%arg11 : memref<48xi32, #tpu.memory_space<vmem>>) target_semaphore(%arg22 : memref<!tpu.dma_semaphore, #tpu.memory_space<semaphore_mem>>)
    %scan3A = arith.constant 0 : i32
    %scan3A_21 = arith.constant 0 : i32
    %scan3A_22 = arith.constant 104 : i32
    %scan3A_23 = arith.addi %scan3A_21, %scan3A_22 : i32
    %scan3A_24 = arith.constant 1 : i32
    scf.for %scan3A_120 = %scan3A_21 to %scan3A_23 step %scan3A_24  : i32 {
      %mul3A_121 = arith.constant 2 : i32
      %mul3A_122 = arith.muli %mul3A_121, %scan3A_120 : i32
      %multiple_of3A_123 = tpu.assume_multiple %mul3A_4, 8 : i32
      %dma_wait3A_124 = tpu.memref_slice %arg4[%multiple_of3A_123] : memref<322560xi32, #tpu.memory_space<hbm>> -> memref<48xi32, #tpu.memory_space<hbm>>
      %dma_wait3A_125 = tpu.memref_slice %arg4[%multiple_of3A_123] : memref<322560xi32, #tpu.memory_space<hbm>> -> memref<48xi32, #tpu.memory_space<hbm>>
      tpu.wait_dma2 semaphore(%arg22 : memref<!tpu.dma_semaphore, #tpu.memory_space<semaphore_mem>>) src(%dma_wait3A_125 : memref<48xi32, #tpu.memory_space<hbm>>) dst(%arg9 : memref<48xi32, #tpu.memory_space<vmem>>)
      %multiple_of3A_126 = tpu.assume_multiple %mul3A_4, 8 : i32
      %dma_wait3A_127 = tpu.memref_slice %arg5[%multiple_of3A_126] : memref<322560xi32, #tpu.memory_space<hbm>> -> memref<48xi32, #tpu.memory_space<hbm>>
      %dma_wait3A_128 = tpu.memref_slice %arg5[%multiple_of3A_126] : memref<322560xi32, #tpu.memory_space<hbm>> -> memref<48xi32, #tpu.memory_space<hbm>>
      tpu.wait_dma2 semaphore(%arg22 : memref<!tpu.dma_semaphore, #tpu.memory_space<semaphore_mem>>) src(%dma_wait3A_128 : memref<48xi32, #tpu.memory_space<hbm>>) dst(%arg11 : memref<48xi32, #tpu.memory_space<vmem>>)
      %dma_start3A_129 = arith.constant 0 : i32
      %dma_start3A_130 = arith.constant 0 : i32
      %dma_start3A_131 = tpu.memref_slice %arg2[%dma_start3A_129, %dma_start3A_130] : memref<10016x144xf32, #tpu.memory_space<hbm>> -> memref<10016x144xf32, #tpu.memory_space<hbm>>
      tpu.enqueue_indirect_dma source(%dma_start3A_131 : memref<10016x144xf32, #tpu.memory_space<hbm>>) target(%arg15 : memref<48x144xf32, #tpu.memory_space<vmem>>) offsets(%arg9 : memref<48xi32, #tpu.memory_space<vmem>>) semaphore(%arg24 : memref<!tpu.dma_semaphore, #tpu.memory_space<semaphore_mem>>)
      %dma_start3A_132 = arith.constant 0 : i32
      %dma_start3A_133 = arith.constant 0 : i32
      %dma_start3A_134 = tpu.memref_slice %arg3[%dma_start3A_132, %dma_start3A_133] : memref<10016x16xf32, #tpu.memory_space<hbm>> -> memref<10016x16xf32, #tpu.memory_space<hbm>>
      tpu.enqueue_indirect_dma source(%dma_start3A_134 : memref<10016x16xf32, #tpu.memory_space<hbm>>) target(%arg17 : memref<48x16xf32, #tpu.memory_space<vmem>>) offsets(%arg11 : memref<48xi32, #tpu.memory_space<vmem>>) semaphore(%arg26 : memref<!tpu.dma_semaphore, #tpu.memory_space<semaphore_mem>>)
      %ge3A = arith.constant 2 : i32
      %ge3A_135 = arith.cmpi sge, %mul3A_122, %ge3A : i32
      %convert_element_type3A = arith.extui %ge3A_135 : i1 to i32
      %cond3A = arith.constant 0 : i32
      %cond3A_136 = arith.cmpi ne, %convert_element_type3A, %cond3A : i32
      scf.if %cond3A_136 {
        %dma_wait3A_243 = arith.constant 0 : i32
        %dma_wait3A_244 = arith.constant 0 : i32
        %dma_wait3A_245 = tpu.memref_slice %arg20[%dma_wait3A_243, %dma_wait3A_244] : memref<10016x144xf32, #tpu.memory_space<vmem_shared>> -> memref<10016x144xf32, #tpu.memory_space<vmem_shared>>
        tpu.wait_indirect_dma semaphore(%arg27 : memref<!tpu.dma_semaphore, #tpu.memory_space<semaphore_mem>>) src(%arg18 : memref<48x144xf32, #tpu.memory_space<vmem>>) dst(%dma_wait3A_245 : memref<10016x144xf32, #tpu.memory_space<vmem_shared>>)
      } else {
      }
      %dma_wait3A_137 = arith.constant 0 : i32
      %dma_wait3A_138 = arith.constant 0 : i32
      %dma_wait3A_139 = tpu.memref_slice %arg2[%dma_wait3A_137, %dma_wait3A_138] : memref<10016x144xf32, #tpu.memory_space<hbm>> -> memref<10016x144xf32, #tpu.memory_space<hbm>>
      tpu.wait_indirect_dma semaphore(%arg23 : memref<!tpu.dma_semaphore, #tpu.memory_space<semaphore_mem>>) src(%dma_wait3A_139 : memref<10016x144xf32, #tpu.memory_space<hbm>>) dst(%arg14 : memref<48x144xf32, #tpu.memory_space<vmem>>)
      %dma_wait3A_140 = arith.constant 0 : i32
      %dma_wait3A_141 = arith.constant 0 : i32
      %dma_wait3A_142 = tpu.memref_slice %arg3[%dma_wait3A_140, %dma_wait3A_141] : memref<10016x16xf32, #tpu.memory_space<hbm>> -> memref<10016x16xf32, #tpu.memory_space<hbm>>
      tpu.wait_indirect_dma semaphore(%arg25 : memref<!tpu.dma_semaphore, #tpu.memory_space<semaphore_mem>>) src(%dma_wait3A_142 : memref<10016x16xf32, #tpu.memory_space<hbm>>) dst(%arg16 : memref<48x16xf32, #tpu.memory_space<vmem>>)
      %get3A_143 = arith.constant 0 : index
      %get3A_144 = tpu.vector_load %arg10[%get3A_143] {strides = array<i32>} : memref<48xi32, #tpu.memory_space<vmem>>, vector<16xi32>,
      %get3A_145 = vector.shape_cast %get3A_144 : vector<16xi32> to vector<16xi32>
      %swap3A_146 = arith.constant 0 : index
      %swap3A_147 = tpu.vector_load %arg12[%swap3A_146] {strides = array<i32>} : memref<48xi32, #tpu.memory_space<vmem>>, vector<16xi32>,
      %swap3A_148 = vector.shape_cast %swap3A_147 : vector<16xi32> to vector<16xi32>
      %swap3A_149 = vector.shape_cast %get3A_145 : vector<16xi32> to vector<16xi32>
      tpu.vector_store %arg12[%swap3A_146], %swap3A_149 {strides = array<i32>} : memref<48xi32, #tpu.memory_space<vmem>>, vector<16xi32>,
      %get3A_150 = arith.constant 16 : index
      %get3A_151 = tpu.vector_load %arg10[%get3A_150] {strides = array<i32>} : memref<48xi32, #tpu.memory_space<vmem>>, vector<16xi32>,
      %get3A_152 = vector.shape_cast %get3A_151 : vector<16xi32> to vector<16xi32>
      %swap3A_153 = arith.constant 16 : index
      %swap3A_154 = tpu.vector_load %arg12[%swap3A_153] {strides = array<i32>} : memref<48xi32, #tpu.memory_space<vmem>>, vector<16xi32>,
      %swap3A_155 = vector.shape_cast %swap3A_154 : vector<16xi32> to vector<16xi32>
      %swap3A_156 = vector.shape_cast %get3A_152 : vector<16xi32> to vector<16xi32>
      tpu.vector_store %arg12[%swap3A_153], %swap3A_156 {strides = array<i32>} : memref<48xi32, #tpu.memory_space<vmem>>, vector<16xi32>,
      %get3A_157 = arith.constant 32 : index
      %get3A_158 = tpu.vector_load %arg10[%get3A_157] {strides = array<i32>} : memref<48xi32, #tpu.memory_space<vmem>>, vector<16xi32>,
      %get3A_159 = vector.shape_cast %get3A_158 : vector<16xi32> to vector<16xi32>
      %swap3A_160 = arith.constant 32 : index
      %swap3A_161 = tpu.vector_load %arg12[%swap3A_160] {strides = array<i32>} : memref<48xi32, #tpu.memory_space<vmem>>, vector<16xi32>,
      %swap3A_162 = vector.shape_cast %swap3A_161 : vector<16xi32> to vector<16xi32>
      %swap3A_163 = vector.shape_cast %get3A_159 : vector<16xi32> to vector<16xi32>
      tpu.vector_store %arg12[%swap3A_160], %swap3A_163 {strides = array<i32>} : memref<48xi32, #tpu.memory_space<vmem>>, vector<16xi32>,
      %scan3A_164 = arith.constant 0 : i32
      %scan3A_165 = arith.constant 0 : i32
      %scan3A_166 = arith.constant 48 : i32
      %scan3A_167 = arith.addi %scan3A_165, %scan3A_166 : i32
      %scan3A_168 = arith.constant 1 : i32
      scf.for %scan3A_243 = %scan3A_165 to %scan3A_167 step %scan3A_168  : i32 {
        %get3A_244 = arith.index_cast %scan3A_243 : i32 to index
        %get3A_245 = arith.constant 128 : index
        %get3A_246 = tpu.vector_load %arg14[%get3A_244, %get3A_245] {strides = array<i32>} : memref<48x144xf32, #tpu.memory_space<vmem>>, vector<1x16xf32>,
        %get3A_247 = vector.shape_cast %get3A_246 : vector<1x16xf32> to vector<16xf32>
        %get3A_248 = arith.index_cast %scan3A_243 : i32 to index
        %get3A_249 = arith.constant 0 : index
        %get3A_250 = tpu.vector_load %arg16[%get3A_248, %get3A_249] {strides = array<i32>} : memref<48x16xf32, #tpu.memory_space<vmem>>, vector<1x16xf32>,
        %get3A_251 = vector.shape_cast %get3A_250 : vector<1x16xf32> to vector<16xf32>
        %add3A_252 = arith.addf %get3A_247, %get3A_251 : vector<16xf32>
        %mul3A_253 = arith.constant 2.000000e-01 : f32
        %mul3A_254 = vector.broadcast %mul3A_253 : f32 to vector<16xf32>
        %mul3A_255 = arith.mulf %mul3A_254, %add3A_252 : vector<16xf32>
        %max3A = arith.maximumf %add3A_252, %mul3A_255 : vector<16xf32>
        %exp3A = math.exp %max3A : vector<16xf32>
        %swap3A_256 = arith.index_cast %scan3A_243 : i32 to index
        %swap3A_257 = arith.constant 128 : index
        %swap3A_258 = tpu.vector_load %arg18[%swap3A_256, %swap3A_257] {strides = array<i32>} : memref<48x144xf32, #tpu.memory_space<vmem>>, vector<1x16xf32>,
        %swap3A_259 = vector.shape_cast %swap3A_258 : vector<1x16xf32> to vector<16xf32>
        %swap3A_260 = vector.shape_cast %exp3A : vector<16xf32> to vector<1x16xf32>
        tpu.vector_store %arg18[%swap3A_256, %swap3A_257], %swap3A_260 {strides = array<i32>} : memref<48x144xf32, #tpu.memory_space<vmem>>, vector<1x16xf32>,
        %get3A_261 = arith.index_cast %scan3A_243 : i32 to index
        %get3A_262 = arith.constant 0 : index
        %get3A_263 = tpu.vector_load %arg14[%get3A_261, %get3A_262] {strides = array<i32>} : memref<48x144xf32, #tpu.memory_space<vmem>>, vector<1x16xf32>,
        %get3A_264 = vector.shape_cast %get3A_263 : vector<1x16xf32> to vector<16xf32>
        %slice3A = vector.extract_strided_slice %exp3A {offsets = [0], sizes = [1], strides = [1]} : vector<16xf32> to vector<1xf32>
        %squeeze3A = vector.extract %slice3A[0] : f32 from vector<1xf32>
        %mul3A_265 = vector.broadcast %squeeze3A : f32 to vector<16xf32>
        %mul3A_266 = arith.mulf %get3A_264, %mul3A_265 : vector<16xf32>
        %swap3A_267 = arith.index_cast %scan3A_243 : i32 to index
        %swap3A_268 = arith.constant 0 : index
        %swap3A_269 = tpu.vector_load %arg18[%swap3A_267, %swap3A_268] {strides = array<i32>} : memref<48x144xf32, #tpu.memory_space<vmem>>, vector<1x16xf32>,
        %swap3A_270 = vector.shape_cast %swap3A_269 : vector<1x16xf32> to vector<16xf32>
        %swap3A_271 = vector.shape_cast %mul3A_266 : vector<16xf32> to vector<1x16xf32>
        tpu.vector_store %arg18[%swap3A_267, %swap3A_268], %swap3A_271 {strides = array<i32>} : memref<48x144xf32, #tpu.memory_space<vmem>>, vector<1x16xf32>,
        %get3A_272 = arith.index_cast %scan3A_243 : i32 to index
        %get3A_273 = arith.constant 16 : index
        %get3A_274 = tpu.vector_load %arg14[%get3A_272, %get3A_273] {strides = array<i32>} : memref<48x144xf32, #tpu.memory_space<vmem>>, vector<1x16xf32>,
        %get3A_275 = vector.shape_cast %get3A_274 : vector<1x16xf32> to vector<16xf32>
        %slice3A_276 = vector.extract_strided_slice %exp3A {offsets = [1], sizes = [1], strides = [1]} : vector<16xf32> to vector<1xf32>
        %squeeze3A_277 = vector.extract %slice3A_276[0] : f32 from vector<1xf32>
        %mul3A_278 = vector.broadcast %squeeze3A_277 : f32 to vector<16xf32>
        %mul3A_279 = arith.mulf %get3A_275, %mul3A_278 : vector<16xf32>
        %swap3A_280 = arith.index_cast %scan3A_243 : i32 to index
        %swap3A_281 = arith.constant 16 : index
        %swap3A_282 = tpu.vector_load %arg18[%swap3A_280, %swap3A_281] {strides = array<i32>} : memref<48x144xf32, #tpu.memory_space<vmem>>, vector<1x16xf32>,
        %swap3A_283 = vector.shape_cast %swap3A_282 : vector<1x16xf32> to vector<16xf32>
        %swap3A_284 = vector.shape_cast %mul3A_279 : vector<16xf32> to vector<1x16xf32>
        tpu.vector_store %arg18[%swap3A_280, %swap3A_281], %swap3A_284 {strides = array<i32>} : memref<48x144xf32, #tpu.memory_space<vmem>>, vector<1x16xf32>,
        %get3A_285 = arith.index_cast %scan3A_243 : i32 to index
        %get3A_286 = arith.constant 32 : index
        %get3A_287 = tpu.vector_load %arg14[%get3A_285, %get3A_286] {strides = array<i32>} : memref<48x144xf32, #tpu.memory_space<vmem>>, vector<1x16xf32>,
        %get3A_288 = vector.shape_cast %get3A_287 : vector<1x16xf32> to vector<16xf32>
        %slice3A_289 = vector.extract_strided_slice %exp3A {offsets = [2], sizes = [1], strides = [1]} : vector<16xf32> to vector<1xf32>
        %squeeze3A_290 = vector.extract %slice3A_289[0] : f32 from vector<1xf32>
        %mul3A_291 = vector.broadcast %squeeze3A_290 : f32 to vector<16xf32>
        %mul3A_292 = arith.mulf %get3A_288, %mul3A_291 : vector<16xf32>
        %swap3A_293 = arith.index_cast %scan3A_243 : i32 to index
        %swap3A_294 = arith.constant 32 : index
        %swap3A_295 = tpu.vector_load %arg18[%swap3A_293, %swap3A_294] {strides = array<i32>} : memref<48x144xf32, #tpu.memory_space<vmem>>, vector<1x16xf32>,
        %swap3A_296 = vector.shape_cast %swap3A_295 : vector<1x16xf32> to vector<16xf32>
        %swap3A_297 = vector.shape_cast %mul3A_292 : vector<16xf32> to vector<1x16xf32>
        tpu.vector_store %arg18[%swap3A_293, %swap3A_294], %swap3A_297 {strides = array<i32>} : memref<48x144xf32, #tpu.memory_space<vmem>>, vector<1x16xf32>,
        %get3A_298 = arith.index_cast %scan3A_243 : i32 to index
        %get3A_299 = arith.constant 48 : index
        %get3A_300 = tpu.vector_load %arg14[%get3A_298, %get3A_299] {strides = array<i32>} : memref<48x144xf32, #tpu.memory_space<vmem>>, vector<1x16xf32>,
        %get3A_301 = vector.shape_cast %get3A_300 : vector<1x16xf32> to vector<16xf32>
        %slice3A_302 = vector.extract_strided_slice %exp3A {offsets = [3], sizes = [1], strides = [1]} : vector<16xf32> to vector<1xf32>
        %squeeze3A_303 = vector.extract %slice3A_302[0] : f32 from vector<1xf32>
        %mul3A_304 = vector.broadcast %squeeze3A_303 : f32 to vector<16xf32>
        %mul3A_305 = arith.mulf %get3A_301, %mul3A_304 : vector<16xf32>
        %swap3A_306 = arith.index_cast %scan3A_243 : i32 to index
        %swap3A_307 = arith.constant 48 : index
        %swap3A_308 = tpu.vector_load %arg18[%swap3A_306, %swap3A_307] {strides = array<i32>} : memref<48x144xf32, #tpu.memory_space<vmem>>, vector<1x16xf32>,
        %swap3A_309 = vector.shape_cast %swap3A_308 : vector<1x16xf32> to vector<16xf32>
        %swap3A_310 = vector.shape_cast %mul3A_305 : vector<16xf32> to vector<1x16xf32>
        tpu.vector_store %arg18[%swap3A_306, %swap3A_307], %swap3A_310 {strides = array<i32>} : memref<48x144xf32, #tpu.memory_space<vmem>>, vector<1x16xf32>,
        %get3A_311 = arith.index_cast %scan3A_243 : i32 to index
        %get3A_312 = arith.constant 64 : index
        %get3A_313 = tpu.vector_load %arg14[%get3A_311, %get3A_312] {strides = array<i32>} : memref<48x144xf32, #tpu.memory_space<vmem>>, vector<1x16xf32>,
        %get3A_314 = vector.shape_cast %get3A_313 : vector<1x16xf32> to vector<16xf32>
        %slice3A_315 = vector.extract_strided_slice %exp3A {offsets = [4], sizes = [1], strides = [1]} : vector<16xf32> to vector<1xf32>
        %squeeze3A_316 = vector.extract %slice3A_315[0] : f32 from vector<1xf32>
        %mul3A_317 = vector.broadcast %squeeze3A_316 : f32 to vector<16xf32>
        %mul3A_318 = arith.mulf %get3A_314, %mul3A_317 : vector<16xf32>
        %swap3A_319 = arith.index_cast %scan3A_243 : i32 to index
        %swap3A_320 = arith.constant 64 : index
        %swap3A_321 = tpu.vector_load %arg18[%swap3A_319, %swap3A_320] {strides = array<i32>} : memref<48x144xf32, #tpu.memory_space<vmem>>, vector<1x16xf32>,
        %swap3A_322 = vector.shape_cast %swap3A_321 : vector<1x16xf32> to vector<16xf32>
        %swap3A_323 = vector.shape_cast %mul3A_318 : vector<16xf32> to vector<1x16xf32>
        tpu.vector_store %arg18[%swap3A_319, %swap3A_320], %swap3A_323 {strides = array<i32>} : memref<48x144xf32, #tpu.memory_space<vmem>>, vector<1x16xf32>,
        %get3A_324 = arith.index_cast %scan3A_243 : i32 to index
        %get3A_325 = arith.constant 80 : index
        %get3A_326 = tpu.vector_load %arg14[%get3A_324, %get3A_325] {strides = array<i32>} : memref<48x144xf32, #tpu.memory_space<vmem>>, vector<1x16xf32>,
        %get3A_327 = vector.shape_cast %get3A_326 : vector<1x16xf32> to vector<16xf32>
        %slice3A_328 = vector.extract_strided_slice %exp3A {offsets = [5], sizes = [1], strides = [1]} : vector<16xf32> to vector<1xf32>
        %squeeze3A_329 = vector.extract %slice3A_328[0] : f32 from vector<1xf32>
        %mul3A_330 = vector.broadcast %squeeze3A_329 : f32 to vector<16xf32>
        %mul3A_331 = arith.mulf %get3A_327, %mul3A_330 : vector<16xf32>
        %swap3A_332 = arith.index_cast %scan3A_243 : i32 to index
        %swap3A_333 = arith.constant 80 : index
        %swap3A_334 = tpu.vector_load %arg18[%swap3A_332, %swap3A_333] {strides = array<i32>} : memref<48x144xf32, #tpu.memory_space<vmem>>, vector<1x16xf32>,
        %swap3A_335 = vector.shape_cast %swap3A_334 : vector<1x16xf32> to vector<16xf32>
        %swap3A_336 = vector.shape_cast %mul3A_331 : vector<16xf32> to vector<1x16xf32>
        tpu.vector_store %arg18[%swap3A_332, %swap3A_333], %swap3A_336 {strides = array<i32>} : memref<48x144xf32, #tpu.memory_space<vmem>>, vector<1x16xf32>,
        %get3A_337 = arith.index_cast %scan3A_243 : i32 to index
        %get3A_338 = arith.constant 96 : index
        %get3A_339 = tpu.vector_load %arg14[%get3A_337, %get3A_338] {strides = array<i32>} : memref<48x144xf32, #tpu.memory_space<vmem>>, vector<1x16xf32>,
        %get3A_340 = vector.shape_cast %get3A_339 : vector<1x16xf32> to vector<16xf32>
        %slice3A_341 = vector.extract_strided_slice %exp3A {offsets = [6], sizes = [1], strides = [1]} : vector<16xf32> to vector<1xf32>
        %squeeze3A_342 = vector.extract %slice3A_341[0] : f32 from vector<1xf32>
        %mul3A_343 = vector.broadcast %squeeze3A_342 : f32 to vector<16xf32>
        %mul3A_344 = arith.mulf %get3A_340, %mul3A_343 : vector<16xf32>
        %swap3A_345 = arith.index_cast %scan3A_243 : i32 to index
        %swap3A_346 = arith.constant 96 : index
        %swap3A_347 = tpu.vector_load %arg18[%swap3A_345, %swap3A_346] {strides = array<i32>} : memref<48x144xf32, #tpu.memory_space<vmem>>, vector<1x16xf32>,
        %swap3A_348 = vector.shape_cast %swap3A_347 : vector<1x16xf32> to vector<16xf32>
        %swap3A_349 = vector.shape_cast %mul3A_344 : vector<16xf32> to vector<1x16xf32>
        tpu.vector_store %arg18[%swap3A_345, %swap3A_346], %swap3A_349 {strides = array<i32>} : memref<48x144xf32, #tpu.memory_space<vmem>>, vector<1x16xf32>,
        %get3A_350 = arith.index_cast %scan3A_243 : i32 to index
        %get3A_351 = arith.constant 112 : index
        %get3A_352 = tpu.vector_load %arg14[%get3A_350, %get3A_351] {strides = array<i32>} : memref<48x144xf32, #tpu.memory_space<vmem>>, vector<1x16xf32>,
        %get3A_353 = vector.shape_cast %get3A_352 : vector<1x16xf32> to vector<16xf32>
        %slice3A_354 = vector.extract_strided_slice %exp3A {offsets = [7], sizes = [1], strides = [1]} : vector<16xf32> to vector<1xf32>
        %squeeze3A_355 = vector.extract %slice3A_354[0] : f32 from vector<1xf32>
        %mul3A_356 = vector.broadcast %squeeze3A_355 : f32 to vector<16xf32>
        %mul3A_357 = arith.mulf %get3A_353, %mul3A_356 : vector<16xf32>
        %swap3A_358 = arith.index_cast %scan3A_243 : i32 to index
        %swap3A_359 = arith.constant 112 : index
        %swap3A_360 = tpu.vector_load %arg18[%swap3A_358, %swap3A_359] {strides = array<i32>} : memref<48x144xf32, #tpu.memory_space<vmem>>, vector<1x16xf32>,
        %swap3A_361 = vector.shape_cast %swap3A_360 : vector<1x16xf32> to vector<16xf32>
        %swap3A_362 = vector.shape_cast %mul3A_357 : vector<16xf32> to vector<1x16xf32>
        tpu.vector_store %arg18[%swap3A_358, %swap3A_359], %swap3A_362 {strides = array<i32>} : memref<48x144xf32, #tpu.memory_space<vmem>>, vector<1x16xf32>,
      }
      %scan3A_169 = arith.constant 48 : i32
      %dma_start3A_170 = arith.constant 0 : i32
      %dma_start3A_171 = arith.constant 0 : i32
      %dma_start3A_172 = tpu.memref_slice %arg20[%dma_start3A_170, %dma_start3A_171] : memref<10016x144xf32, #tpu.memory_space<vmem_shared>> -> memref<10016x144xf32, #tpu.memory_space<vmem_shared>>
      tpu.enqueue_indirect_dma source(%arg18 : memref<48x144xf32, #tpu.memory_space<vmem>>) target(%dma_start3A_172 : memref<10016x144xf32, #tpu.memory_space<vmem_shared>>) offsets(%arg12 : memref<48xi32, #tpu.memory_space<vmem>>) semaphore(%arg27 : memref<!tpu.dma_semaphore, #tpu.memory_space<semaphore_mem>>) {add = true}
      %add3A_173 = arith.constant 2 : i32
      %add3A_174 = arith.addi %mul3A_122, %add3A_173 : i32
      %le3A = arith.constant 209 : i32
      %le3A_175 = arith.cmpi sle, %add3A_174, %le3A : i32
      %convert_element_type3A_176 = arith.extui %le3A_175 : i1 to i32
      %cond3A_177 = arith.constant 0 : i32
      %cond3A_178 = arith.cmpi ne, %convert_element_type3A_176, %cond3A_177 : i32
      scf.if %cond3A_178 {
        %add3A_243 = arith.constant 2 : i32
        %add3A_244 = arith.addi %mul3A_122, %add3A_243 : i32
        %mul3A_245 = arith.constant 48 : i32
        %mul3A_246 = arith.muli %add3A_244, %mul3A_245 : i32
        %add3A_247 = arith.addi %mul3A_4, %mul3A_246 : i32
        %multiple_of3A_248 = tpu.assume_multiple %add3A_247, 8 : i32
        %dma_start3A_249 = tpu.memref_slice %arg4[%multiple_of3A_248] : memref<322560xi32, #tpu.memory_space<hbm>> -> memref<48xi32, #tpu.memory_space<hbm>>
        %dma_start3A_250 = tpu.memref_slice %arg4[%multiple_of3A_248] : memref<322560xi32, #tpu.memory_space<hbm>> -> memref<48xi32, #tpu.memory_space<hbm>>
        tpu.enqueue_dma source(%dma_start3A_250 : memref<48xi32, #tpu.memory_space<hbm>>) target(%arg8 : memref<48xi32, #tpu.memory_space<vmem>>) target_semaphore(%arg21 : memref<!tpu.dma_semaphore, #tpu.memory_space<semaphore_mem>>)
        %multiple_of3A_251 = tpu.assume_multiple %add3A_247, 8 : i32
        %dma_start3A_252 = tpu.memref_slice %arg5[%multiple_of3A_251] : memref<322560xi32, #tpu.memory_space<hbm>> -> memref<48xi32, #tpu.memory_space<hbm>>
        %dma_start3A_253 = tpu.memref_slice %arg5[%multiple_of3A_251] : memref<322560xi32, #tpu.memory_space<hbm>> -> memref<48xi32, #tpu.memory_space<hbm>>
        tpu.enqueue_dma source(%dma_start3A_253 : memref<48xi32, #tpu.memory_space<hbm>>) target(%arg10 : memref<48xi32, #tpu.memory_space<vmem>>) target_semaphore(%arg21 : memref<!tpu.dma_semaphore, #tpu.memory_space<semaphore_mem>>)
      } else {
      }
      %mul3A_179 = arith.constant 2 : i32
      %mul3A_180 = arith.muli %mul3A_179, %scan3A_120 : i32
      %add3A_181 = arith.constant 1 : i32
      %add3A_182 = arith.addi %mul3A_180, %add3A_181 : i32
      %multiple_of3A_183 = tpu.assume_multiple %mul3A_4, 8 : i32
      %dma_wait3A_184 = tpu.memref_slice %arg4[%multiple_of3A_183] : memref<322560xi32, #tpu.memory_space<hbm>> -> memref<48xi32, #tpu.memory_space<hbm>>
      %dma_wait3A_185 = tpu.memref_slice %arg4[%multiple_of3A_183] : memref<322560xi32, #tpu.memory_space<hbm>> -> memref<48xi32, #tpu.memory_space<hbm>>
      tpu.wait_dma2 semaphore(%arg21 : memref<!tpu.dma_semaphore, #tpu.memory_space<semaphore_mem>>) src(%dma_wait3A_185 : memref<48xi32, #tpu.memory_space<hbm>>) dst(%arg8 : memref<48xi32, #tpu.memory_space<vmem>>)
      %multiple_of3A_186 = tpu.assume_multiple %mul3A_4, 8 : i32
      %dma_wait3A_187 = tpu.memref_slice %arg5[%multiple_of3A_186] : memref<322560xi32, #tpu.memory_space<hbm>> -> memref<48xi32, #tpu.memory_space<hbm>>
      %dma_wait3A_188 = tpu.memref_slice %arg5[%multiple_of3A_186] : memref<322560xi32, #tpu.memory_space<hbm>> -> memref<48xi32, #tpu.memory_space<hbm>>
      tpu.wait_dma2 semaphore(%arg21 : memref<!tpu.dma_semaphore, #tpu.memory_space<semaphore_mem>>) src(%dma_wait3A_188 : memref<48xi32, #tpu.memory_space<hbm>>) dst(%arg10 : memref<48xi32, #tpu.memory_space<vmem>>)
      %dma_start3A_189 = arith.constant 0 : i32
      %dma_start3A_190 = arith.constant 0 : i32
      %dma_start3A_191 = tpu.memref_slice %arg2[%dma_start3A_189, %dma_start3A_190] : memref<10016x144xf32, #tpu.memory_space<hbm>> -> memref<10016x144xf32, #tpu.memory_space<hbm>>
      tpu.enqueue_indirect_dma source(%dma_start3A_191 : memref<10016x144xf32, #tpu.memory_space<hbm>>) target(%arg14 : memref<48x144xf32, #tpu.memory_space<vmem>>) offsets(%arg8 : memref<48xi32, #tpu.memory_space<vmem>>) semaphore(%arg23 : memref<!tpu.dma_semaphore, #tpu.memory_space<semaphore_mem>>)
      %dma_start3A_192 = arith.constant 0 : i32
      %dma_start3A_193 = arith.constant 0 : i32
      %dma_start3A_194 = tpu.memref_slice %arg3[%dma_start3A_192, %dma_start3A_193] : memref<10016x16xf32, #tpu.memory_space<hbm>> -> memref<10016x16xf32, #tpu.memory_space<hbm>>
      tpu.enqueue_indirect_dma source(%dma_start3A_194 : memref<10016x16xf32, #tpu.memory_space<hbm>>) target(%arg16 : memref<48x16xf32, #tpu.memory_space<vmem>>) offsets(%arg10 : memref<48xi32, #tpu.memory_space<vmem>>) semaphore(%arg25 : memref<!tpu.dma_semaphore, #tpu.memory_space<semaphore_mem>>)
      %ge3A_195 = arith.constant 2 : i32
      %ge3A_196 = arith.cmpi sge, %add3A_182, %ge3A_195 : i32
      %convert_element_type3A_197 = arith.extui %ge3A_196 : i1 to i32
      %cond3A_198 = arith.constant 0 : i32
      %cond3A_199 = arith.cmpi ne, %convert_element_type3A_197, %cond3A_198 : i32
      scf.if %cond3A_199 {
        %dma_wait3A_243 = arith.constant 0 : i32
        %dma_wait3A_244 = arith.constant 0 : i32
        %dma_wait3A_245 = tpu.memref_slice %arg20[%dma_wait3A_243, %dma_wait3A_244] : memref<10016x144xf32, #tpu.memory_space<vmem_shared>> -> memref<10016x144xf32, #tpu.memory_space<vmem_shared>>
        tpu.wait_indirect_dma semaphore(%arg28 : memref<!tpu.dma_semaphore, #tpu.memory_space<semaphore_mem>>) src(%arg19 : memref<48x144xf32, #tpu.memory_space<vmem>>) dst(%dma_wait3A_245 : memref<10016x144xf32, #tpu.memory_space<vmem_shared>>)
      } else {
      }
      %dma_wait3A_200 = arith.constant 0 : i32
      %dma_wait3A_201 = arith.constant 0 : i32
      %dma_wait3A_202 = tpu.memref_slice %arg2[%dma_wait3A_200, %dma_wait3A_201] : memref<10016x144xf32, #tpu.memory_space<hbm>> -> memref<10016x144xf32, #tpu.memory_space<hbm>>
      tpu.wait_indirect_dma semaphore(%arg24 : memref<!tpu.dma_semaphore, #tpu.memory_space<semaphore_mem>>) src(%dma_wait3A_202 : memref<10016x144xf32, #tpu.memory_space<hbm>>) dst(%arg15 : memref<48x144xf32, #tpu.memory_space<vmem>>)
      %dma_wait3A_203 = arith.constant 0 : i32
      %dma_wait3A_204 = arith.constant 0 : i32
      %dma_wait3A_205 = tpu.memref_slice %arg3[%dma_wait3A_203, %dma_wait3A_204] : memref<10016x16xf32, #tpu.memory_space<hbm>> -> memref<10016x16xf32, #tpu.memory_space<hbm>>
      tpu.wait_indirect_dma semaphore(%arg26 : memref<!tpu.dma_semaphore, #tpu.memory_space<semaphore_mem>>) src(%dma_wait3A_205 : memref<10016x16xf32, #tpu.memory_space<hbm>>) dst(%arg17 : memref<48x16xf32, #tpu.memory_space<vmem>>)
      %get3A_206 = arith.constant 0 : index
      %get3A_207 = tpu.vector_load %arg11[%get3A_206] {strides = array<i32>} : memref<48xi32, #tpu.memory_space<vmem>>, vector<16xi32>,
      %get3A_208 = vector.shape_cast %get3A_207 : vector<16xi32> to vector<16xi32>
      %swap3A_209 = arith.constant 0 : index
      %swap3A_210 = tpu.vector_load %arg13[%swap3A_209] {strides = array<i32>} : memref<48xi32, #tpu.memory_space<vmem>>, vector<16xi32>,
      %swap3A_211 = vector.shape_cast %swap3A_210 : vector<16xi32> to vector<16xi32>
      %swap3A_212 = vector.shape_cast %get3A_208 : vector<16xi32> to vector<16xi32>
      tpu.vector_store %arg13[%swap3A_209], %swap3A_212 {strides = array<i32>} : memref<48xi32, #tpu.memory_space<vmem>>, vector<16xi32>,
      %get3A_213 = arith.constant 16 : index
      %get3A_214 = tpu.vector_load %arg11[%get3A_213] {strides = array<i32>} : memref<48xi32, #tpu.memory_space<vmem>>, vector<16xi32>,
      %get3A_215 = vector.shape_cast %get3A_214 : vector<16xi32> to vector<16xi32>
      %swap3A_216 = arith.constant 16 : index
      %swap3A_217 = tpu.vector_load %arg13[%swap3A_216] {strides = array<i32>} : memref<48xi32, #tpu.memory_space<vmem>>, vector<16xi32>,
      %swap3A_218 = vector.shape_cast %swap3A_217 : vector<16xi32> to vector<16xi32>
      %swap3A_219 = vector.shape_cast %get3A_215 : vector<16xi32> to vector<16xi32>
      tpu.vector_store %arg13[%swap3A_216], %swap3A_219 {strides = array<i32>} : memref<48xi32, #tpu.memory_space<vmem>>, vector<16xi32>,
      %get3A_220 = arith.constant 32 : index
      %get3A_221 = tpu.vector_load %arg11[%get3A_220] {strides = array<i32>} : memref<48xi32, #tpu.memory_space<vmem>>, vector<16xi32>,
      %get3A_222 = vector.shape_cast %get3A_221 : vector<16xi32> to vector<16xi32>
      %swap3A_223 = arith.constant 32 : index
      %swap3A_224 = tpu.vector_load %arg13[%swap3A_223] {strides = array<i32>} : memref<48xi32, #tpu.memory_space<vmem>>, vector<16xi32>,
      %swap3A_225 = vector.shape_cast %swap3A_224 : vector<16xi32> to vector<16xi32>
      %swap3A_226 = vector.shape_cast %get3A_222 : vector<16xi32> to vector<16xi32>
      tpu.vector_store %arg13[%swap3A_223], %swap3A_226 {strides = array<i32>} : memref<48xi32, #tpu.memory_space<vmem>>, vector<16xi32>,
      %scan3A_227 = arith.constant 0 : i32
      %scan3A_228 = arith.constant 0 : i32
      %scan3A_229 = arith.constant 48 : i32
      %scan3A_230 = arith.addi %scan3A_228, %scan3A_229 : i32
      %scan3A_231 = arith.constant 1 : i32
      scf.for %scan3A_243 = %scan3A_228 to %scan3A_230 step %scan3A_231  : i32 {
        %get3A_244 = arith.index_cast %scan3A_243 : i32 to index
        %get3A_245 = arith.constant 128 : index
        %get3A_246 = tpu.vector_load %arg15[%get3A_244, %get3A_245] {strides = array<i32>} : memref<48x144xf32, #tpu.memory_space<vmem>>, vector<1x16xf32>,
        %get3A_247 = vector.shape_cast %get3A_246 : vector<1x16xf32> to vector<16xf32>
        %get3A_248 = arith.index_cast %scan3A_243 : i32 to index
        %get3A_249 = arith.constant 0 : index
        %get3A_250 = tpu.vector_load %arg17[%get3A_248, %get3A_249] {strides = array<i32>} : memref<48x16xf32, #tpu.memory_space<vmem>>, vector<1x16xf32>,
        %get3A_251 = vector.shape_cast %get3A_250 : vector<1x16xf32> to vector<16xf32>
        %add3A_252 = arith.addf %get3A_247, %get3A_251 : vector<16xf32>
        %mul3A_253 = arith.constant 2.000000e-01 : f32
        %mul3A_254 = vector.broadcast %mul3A_253 : f32 to vector<16xf32>
        %mul3A_255 = arith.mulf %mul3A_254, %add3A_252 : vector<16xf32>
        %max3A = arith.maximumf %add3A_252, %mul3A_255 : vector<16xf32>
        %exp3A = math.exp %max3A : vector<16xf32>
        %swap3A_256 = arith.index_cast %scan3A_243 : i32 to index
        %swap3A_257 = arith.constant 128 : index
        %swap3A_258 = tpu.vector_load %arg19[%swap3A_256, %swap3A_257] {strides = array<i32>} : memref<48x144xf32, #tpu.memory_space<vmem>>, vector<1x16xf32>,
        %swap3A_259 = vector.shape_cast %swap3A_258 : vector<1x16xf32> to vector<16xf32>
        %swap3A_260 = vector.shape_cast %exp3A : vector<16xf32> to vector<1x16xf32>
        tpu.vector_store %arg19[%swap3A_256, %swap3A_257], %swap3A_260 {strides = array<i32>} : memref<48x144xf32, #tpu.memory_space<vmem>>, vector<1x16xf32>,
        %get3A_261 = arith.index_cast %scan3A_243 : i32 to index
        %get3A_262 = arith.constant 0 : index
        %get3A_263 = tpu.vector_load %arg15[%get3A_261, %get3A_262] {strides = array<i32>} : memref<48x144xf32, #tpu.memory_space<vmem>>, vector<1x16xf32>,
        %get3A_264 = vector.shape_cast %get3A_263 : vector<1x16xf32> to vector<16xf32>
        %slice3A = vector.extract_strided_slice %exp3A {offsets = [0], sizes = [1], strides = [1]} : vector<16xf32> to vector<1xf32>
        %squeeze3A = vector.extract %slice3A[0] : f32 from vector<1xf32>
        %mul3A_265 = vector.broadcast %squeeze3A : f32 to vector<16xf32>
        %mul3A_266 = arith.mulf %get3A_264, %mul3A_265 : vector<16xf32>
        %swap3A_267 = arith.index_cast %scan3A_243 : i32 to index
        %swap3A_268 = arith.constant 0 : index
        %swap3A_269 = tpu.vector_load %arg19[%swap3A_267, %swap3A_268] {strides = array<i32>} : memref<48x144xf32, #tpu.memory_space<vmem>>, vector<1x16xf32>,
        %swap3A_270 = vector.shape_cast %swap3A_269 : vector<1x16xf32> to vector<16xf32>
        %swap3A_271 = vector.shape_cast %mul3A_266 : vector<16xf32> to vector<1x16xf32>
        tpu.vector_store %arg19[%swap3A_267, %swap3A_268], %swap3A_271 {strides = array<i32>} : memref<48x144xf32, #tpu.memory_space<vmem>>, vector<1x16xf32>,
        %get3A_272 = arith.index_cast %scan3A_243 : i32 to index
        %get3A_273 = arith.constant 16 : index
        %get3A_274 = tpu.vector_load %arg15[%get3A_272, %get3A_273] {strides = array<i32>} : memref<48x144xf32, #tpu.memory_space<vmem>>, vector<1x16xf32>,
        %get3A_275 = vector.shape_cast %get3A_274 : vector<1x16xf32> to vector<16xf32>
        %slice3A_276 = vector.extract_strided_slice %exp3A {offsets = [1], sizes = [1], strides = [1]} : vector<16xf32> to vector<1xf32>
        %squeeze3A_277 = vector.extract %slice3A_276[0] : f32 from vector<1xf32>
        %mul3A_278 = vector.broadcast %squeeze3A_277 : f32 to vector<16xf32>
        %mul3A_279 = arith.mulf %get3A_275, %mul3A_278 : vector<16xf32>
        %swap3A_280 = arith.index_cast %scan3A_243 : i32 to index
        %swap3A_281 = arith.constant 16 : index
        %swap3A_282 = tpu.vector_load %arg19[%swap3A_280, %swap3A_281] {strides = array<i32>} : memref<48x144xf32, #tpu.memory_space<vmem>>, vector<1x16xf32>,
        %swap3A_283 = vector.shape_cast %swap3A_282 : vector<1x16xf32> to vector<16xf32>
        %swap3A_284 = vector.shape_cast %mul3A_279 : vector<16xf32> to vector<1x16xf32>
        tpu.vector_store %arg19[%swap3A_280, %swap3A_281], %swap3A_284 {strides = array<i32>} : memref<48x144xf32, #tpu.memory_space<vmem>>, vector<1x16xf32>,
        %get3A_285 = arith.index_cast %scan3A_243 : i32 to index
        %get3A_286 = arith.constant 32 : index
        %get3A_287 = tpu.vector_load %arg15[%get3A_285, %get3A_286] {strides = array<i32>} : memref<48x144xf32, #tpu.memory_space<vmem>>, vector<1x16xf32>,
        %get3A_288 = vector.shape_cast %get3A_287 : vector<1x16xf32> to vector<16xf32>
        %slice3A_289 = vector.extract_strided_slice %exp3A {offsets = [2], sizes = [1], strides = [1]} : vector<16xf32> to vector<1xf32>
        %squeeze3A_290 = vector.extract %slice3A_289[0] : f32 from vector<1xf32>
        %mul3A_291 = vector.broadcast %squeeze3A_290 : f32 to vector<16xf32>
        %mul3A_292 = arith.mulf %get3A_288, %mul3A_291 : vector<16xf32>
        %swap3A_293 = arith.index_cast %scan3A_243 : i32 to index
        %swap3A_294 = arith.constant 32 : index
        %swap3A_295 = tpu.vector_load %arg19[%swap3A_293, %swap3A_294] {strides = array<i32>} : memref<48x144xf32, #tpu.memory_space<vmem>>, vector<1x16xf32>,
        %swap3A_296 = vector.shape_cast %swap3A_295 : vector<1x16xf32> to vector<16xf32>
        %swap3A_297 = vector.shape_cast %mul3A_292 : vector<16xf32> to vector<1x16xf32>
        tpu.vector_store %arg19[%swap3A_293, %swap3A_294], %swap3A_297 {strides = array<i32>} : memref<48x144xf32, #tpu.memory_space<vmem>>, vector<1x16xf32>,
        %get3A_298 = arith.index_cast %scan3A_243 : i32 to index
        %get3A_299 = arith.constant 48 : index
        %get3A_300 = tpu.vector_load %arg15[%get3A_298, %get3A_299] {strides = array<i32>} : memref<48x144xf32, #tpu.memory_space<vmem>>, vector<1x16xf32>,
        %get3A_301 = vector.shape_cast %get3A_300 : vector<1x16xf32> to vector<16xf32>
        %slice3A_302 = vector.extract_strided_slice %exp3A {offsets = [3], sizes = [1], strides = [1]} : vector<16xf32> to vector<1xf32>
        %squeeze3A_303 = vector.extract %slice3A_302[0] : f32 from vector<1xf32>
        %mul3A_304 = vector.broadcast %squeeze3A_303 : f32 to vector<16xf32>
        %mul3A_305 = arith.mulf %get3A_301, %mul3A_304 : vector<16xf32>
        %swap3A_306 = arith.index_cast %scan3A_243 : i32 to index
        %swap3A_307 = arith.constant 48 : index
        %swap3A_308 = tpu.vector_load %arg19[%swap3A_306, %swap3A_307] {strides = array<i32>} : memref<48x144xf32, #tpu.memory_space<vmem>>, vector<1x16xf32>,
        %swap3A_309 = vector.shape_cast %swap3A_308 : vector<1x16xf32> to vector<16xf32>
        %swap3A_310 = vector.shape_cast %mul3A_305 : vector<16xf32> to vector<1x16xf32>
        tpu.vector_store %arg19[%swap3A_306, %swap3A_307], %swap3A_310 {strides = array<i32>} : memref<48x144xf32, #tpu.memory_space<vmem>>, vector<1x16xf32>,
        %get3A_311 = arith.index_cast %scan3A_243 : i32 to index
        %get3A_312 = arith.constant 64 : index
        %get3A_313 = tpu.vector_load %arg15[%get3A_311, %get3A_312] {strides = array<i32>} : memref<48x144xf32, #tpu.memory_space<vmem>>, vector<1x16xf32>,
        %get3A_314 = vector.shape_cast %get3A_313 : vector<1x16xf32> to vector<16xf32>
        %slice3A_315 = vector.extract_strided_slice %exp3A {offsets = [4], sizes = [1], strides = [1]} : vector<16xf32> to vector<1xf32>
        %squeeze3A_316 = vector.extract %slice3A_315[0] : f32 from vector<1xf32>
        %mul3A_317 = vector.broadcast %squeeze3A_316 : f32 to vector<16xf32>
        %mul3A_318 = arith.mulf %get3A_314, %mul3A_317 : vector<16xf32>
        %swap3A_319 = arith.index_cast %scan3A_243 : i32 to index
        %swap3A_320 = arith.constant 64 : index
        %swap3A_321 = tpu.vector_load %arg19[%swap3A_319, %swap3A_320] {strides = array<i32>} : memref<48x144xf32, #tpu.memory_space<vmem>>, vector<1x16xf32>,
        %swap3A_322 = vector.shape_cast %swap3A_321 : vector<1x16xf32> to vector<16xf32>
        %swap3A_323 = vector.shape_cast %mul3A_318 : vector<16xf32> to vector<1x16xf32>
        tpu.vector_store %arg19[%swap3A_319, %swap3A_320], %swap3A_323 {strides = array<i32>} : memref<48x144xf32, #tpu.memory_space<vmem>>, vector<1x16xf32>,
        %get3A_324 = arith.index_cast %scan3A_243 : i32 to index
        %get3A_325 = arith.constant 80 : index
        %get3A_326 = tpu.vector_load %arg15[%get3A_324, %get3A_325] {strides = array<i32>} : memref<48x144xf32, #tpu.memory_space<vmem>>, vector<1x16xf32>,
        %get3A_327 = vector.shape_cast %get3A_326 : vector<1x16xf32> to vector<16xf32>
        %slice3A_328 = vector.extract_strided_slice %exp3A {offsets = [5], sizes = [1], strides = [1]} : vector<16xf32> to vector<1xf32>
        %squeeze3A_329 = vector.extract %slice3A_328[0] : f32 from vector<1xf32>
        %mul3A_330 = vector.broadcast %squeeze3A_329 : f32 to vector<16xf32>
        %mul3A_331 = arith.mulf %get3A_327, %mul3A_330 : vector<16xf32>
        %swap3A_332 = arith.index_cast %scan3A_243 : i32 to index
        %swap3A_333 = arith.constant 80 : index
        %swap3A_334 = tpu.vector_load %arg19[%swap3A_332, %swap3A_333] {strides = array<i32>} : memref<48x144xf32, #tpu.memory_space<vmem>>, vector<1x16xf32>,
        %swap3A_335 = vector.shape_cast %swap3A_334 : vector<1x16xf32> to vector<16xf32>
        %swap3A_336 = vector.shape_cast %mul3A_331 : vector<16xf32> to vector<1x16xf32>
        tpu.vector_store %arg19[%swap3A_332, %swap3A_333], %swap3A_336 {strides = array<i32>} : memref<48x144xf32, #tpu.memory_space<vmem>>, vector<1x16xf32>,
        %get3A_337 = arith.index_cast %scan3A_243 : i32 to index
        %get3A_338 = arith.constant 96 : index
        %get3A_339 = tpu.vector_load %arg15[%get3A_337, %get3A_338] {strides = array<i32>} : memref<48x144xf32, #tpu.memory_space<vmem>>, vector<1x16xf32>,
        %get3A_340 = vector.shape_cast %get3A_339 : vector<1x16xf32> to vector<16xf32>
        %slice3A_341 = vector.extract_strided_slice %exp3A {offsets = [6], sizes = [1], strides = [1]} : vector<16xf32> to vector<1xf32>
        %squeeze3A_342 = vector.extract %slice3A_341[0] : f32 from vector<1xf32>
        %mul3A_343 = vector.broadcast %squeeze3A_342 : f32 to vector<16xf32>
        %mul3A_344 = arith.mulf %get3A_340, %mul3A_343 : vector<16xf32>
        %swap3A_345 = arith.index_cast %scan3A_243 : i32 to index
        %swap3A_346 = arith.constant 96 : index
        %swap3A_347 = tpu.vector_load %arg19[%swap3A_345, %swap3A_346] {strides = array<i32>} : memref<48x144xf32, #tpu.memory_space<vmem>>, vector<1x16xf32>,
        %swap3A_348 = vector.shape_cast %swap3A_347 : vector<1x16xf32> to vector<16xf32>
        %swap3A_349 = vector.shape_cast %mul3A_344 : vector<16xf32> to vector<1x16xf32>
        tpu.vector_store %arg19[%swap3A_345, %swap3A_346], %swap3A_349 {strides = array<i32>} : memref<48x144xf32, #tpu.memory_space<vmem>>, vector<1x16xf32>,
        %get3A_350 = arith.index_cast %scan3A_243 : i32 to index
        %get3A_351 = arith.constant 112 : index
        %get3A_352 = tpu.vector_load %arg15[%get3A_350, %get3A_351] {strides = array<i32>} : memref<48x144xf32, #tpu.memory_space<vmem>>, vector<1x16xf32>,
        %get3A_353 = vector.shape_cast %get3A_352 : vector<1x16xf32> to vector<16xf32>
        %slice3A_354 = vector.extract_strided_slice %exp3A {offsets = [7], sizes = [1], strides = [1]} : vector<16xf32> to vector<1xf32>
        %squeeze3A_355 = vector.extract %slice3A_354[0] : f32 from vector<1xf32>
        %mul3A_356 = vector.broadcast %squeeze3A_355 : f32 to vector<16xf32>
        %mul3A_357 = arith.mulf %get3A_353, %mul3A_356 : vector<16xf32>
        %swap3A_358 = arith.index_cast %scan3A_243 : i32 to index
        %swap3A_359 = arith.constant 112 : index
        %swap3A_360 = tpu.vector_load %arg19[%swap3A_358, %swap3A_359] {strides = array<i32>} : memref<48x144xf32, #tpu.memory_space<vmem>>, vector<1x16xf32>,
        %swap3A_361 = vector.shape_cast %swap3A_360 : vector<1x16xf32> to vector<16xf32>
        %swap3A_362 = vector.shape_cast %mul3A_357 : vector<16xf32> to vector<1x16xf32>
        tpu.vector_store %arg19[%swap3A_358, %swap3A_359], %swap3A_362 {strides = array<i32>} : memref<48x144xf32, #tpu.memory_space<vmem>>, vector<1x16xf32>,
      }
      %scan3A_232 = arith.constant 48 : i32
      %dma_start3A_233 = arith.constant 0 : i32
      %dma_start3A_234 = arith.constant 0 : i32
      %dma_start3A_235 = tpu.memref_slice %arg20[%dma_start3A_233, %dma_start3A_234] : memref<10016x144xf32, #tpu.memory_space<vmem_shared>> -> memref<10016x144xf32, #tpu.memory_space<vmem_shared>>
      tpu.enqueue_indirect_dma source(%arg19 : memref<48x144xf32, #tpu.memory_space<vmem>>) target(%dma_start3A_235 : memref<10016x144xf32, #tpu.memory_space<vmem_shared>>) offsets(%arg13 : memref<48xi32, #tpu.memory_space<vmem>>) semaphore(%arg28 : memref<!tpu.dma_semaphore, #tpu.memory_space<semaphore_mem>>) {add = true}
      %add3A_236 = arith.constant 2 : i32
      %add3A_237 = arith.addi %add3A_182, %add3A_236 : i32
      %le3A_238 = arith.constant 209 : i32
      %le3A_239 = arith.cmpi sle, %add3A_237, %le3A_238 : i32
      %convert_element_type3A_240 = arith.extui %le3A_239 : i1 to i32
      %cond3A_241 = arith.constant 0 : i32
      %cond3A_242 = arith.cmpi ne, %convert_element_type3A_240, %cond3A_241 : i32
      scf.if %cond3A_242 {
        %add3A_243 = arith.constant 2 : i32
        %add3A_244 = arith.addi %add3A_182, %add3A_243 : i32
        %mul3A_245 = arith.constant 48 : i32
        %mul3A_246 = arith.muli %add3A_244, %mul3A_245 : i32
        %add3A_247 = arith.addi %mul3A_4, %mul3A_246 : i32
        %multiple_of3A_248 = tpu.assume_multiple %add3A_247, 8 : i32
        %dma_start3A_249 = tpu.memref_slice %arg4[%multiple_of3A_248] : memref<322560xi32, #tpu.memory_space<hbm>> -> memref<48xi32, #tpu.memory_space<hbm>>
        %dma_start3A_250 = tpu.memref_slice %arg4[%multiple_of3A_248] : memref<322560xi32, #tpu.memory_space<hbm>> -> memref<48xi32, #tpu.memory_space<hbm>>
        tpu.enqueue_dma source(%dma_start3A_250 : memref<48xi32, #tpu.memory_space<hbm>>) target(%arg9 : memref<48xi32, #tpu.memory_space<vmem>>) target_semaphore(%arg22 : memref<!tpu.dma_semaphore, #tpu.memory_space<semaphore_mem>>)
        %multiple_of3A_251 = tpu.assume_multiple %add3A_247, 8 : i32
        %dma_start3A_252 = tpu.memref_slice %arg5[%multiple_of3A_251] : memref<322560xi32, #tpu.memory_space<hbm>> -> memref<48xi32, #tpu.memory_space<hbm>>
        %dma_start3A_253 = tpu.memref_slice %arg5[%multiple_of3A_251] : memref<322560xi32, #tpu.memory_space<hbm>> -> memref<48xi32, #tpu.memory_space<hbm>>
        tpu.enqueue_dma source(%dma_start3A_253 : memref<48xi32, #tpu.memory_space<hbm>>) target(%arg11 : memref<48xi32, #tpu.memory_space<vmem>>) target_semaphore(%arg22 : memref<!tpu.dma_semaphore, #tpu.memory_space<semaphore_mem>>)
      } else {
      }
    }
    %scan3A_25 = arith.constant 104 : i32
    %multiple_of3A_26 = tpu.assume_multiple %mul3A_4, 8 : i32
    %dma_wait3A = tpu.memref_slice %arg4[%multiple_of3A_26] : memref<322560xi32, #tpu.memory_space<hbm>> -> memref<48xi32, #tpu.memory_space<hbm>>
    %dma_wait3A_27 = tpu.memref_slice %arg4[%multiple_of3A_26] : memref<322560xi32, #tpu.memory_space<hbm>> -> memref<48xi32, #tpu.memory_space<hbm>>
    tpu.wait_dma2 semaphore(%arg22 : memref<!tpu.dma_semaphore, #tpu.memory_space<semaphore_mem>>) src(%dma_wait3A_27 : memref<48xi32, #tpu.memory_space<hbm>>) dst(%arg9 : memref<48xi32, #tpu.memory_space<vmem>>)
    %multiple_of3A_28 = tpu.assume_multiple %mul3A_4, 8 : i32
    %dma_wait3A_29 = tpu.memref_slice %arg5[%multiple_of3A_28] : memref<322560xi32, #tpu.memory_space<hbm>> -> memref<48xi32, #tpu.memory_space<hbm>>
    %dma_wait3A_30 = tpu.memref_slice %arg5[%multiple_of3A_28] : memref<322560xi32, #tpu.memory_space<hbm>> -> memref<48xi32, #tpu.memory_space<hbm>>
    tpu.wait_dma2 semaphore(%arg22 : memref<!tpu.dma_semaphore, #tpu.memory_space<semaphore_mem>>) src(%dma_wait3A_30 : memref<48xi32, #tpu.memory_space<hbm>>) dst(%arg11 : memref<48xi32, #tpu.memory_space<vmem>>)
    %dma_start3A_31 = arith.constant 0 : i32
    %dma_start3A_32 = arith.constant 0 : i32
    %dma_start3A_33 = tpu.memref_slice %arg2[%dma_start3A_31, %dma_start3A_32] : memref<10016x144xf32, #tpu.memory_space<hbm>> -> memref<10016x144xf32, #tpu.memory_space<hbm>>
    tpu.enqueue_indirect_dma source(%dma_start3A_33 : memref<10016x144xf32, #tpu.memory_space<hbm>>) target(%arg15 : memref<48x144xf32, #tpu.memory_space<vmem>>) offsets(%arg9 : memref<48xi32, #tpu.memory_space<vmem>>) semaphore(%arg24 : memref<!tpu.dma_semaphore, #tpu.memory_space<semaphore_mem>>)
    %dma_start3A_34 = arith.constant 0 : i32
    %dma_start3A_35 = arith.constant 0 : i32
    %dma_start3A_36 = tpu.memref_slice %arg3[%dma_start3A_34, %dma_start3A_35] : memref<10016x16xf32, #tpu.memory_space<hbm>> -> memref<10016x16xf32, #tpu.memory_space<hbm>>
    tpu.enqueue_indirect_dma source(%dma_start3A_36 : memref<10016x16xf32, #tpu.memory_space<hbm>>) target(%arg17 : memref<48x16xf32, #tpu.memory_space<vmem>>) offsets(%arg11 : memref<48xi32, #tpu.memory_space<vmem>>) semaphore(%arg26 : memref<!tpu.dma_semaphore, #tpu.memory_space<semaphore_mem>>)
    %dma_wait3A_37 = arith.constant 0 : i32
    %dma_wait3A_38 = arith.constant 0 : i32
    %dma_wait3A_39 = tpu.memref_slice %arg20[%dma_wait3A_37, %dma_wait3A_38] : memref<10016x144xf32, #tpu.memory_space<vmem_shared>> -> memref<10016x144xf32, #tpu.memory_space<vmem_shared>>
    tpu.wait_indirect_dma semaphore(%arg27 : memref<!tpu.dma_semaphore, #tpu.memory_space<semaphore_mem>>) src(%arg18 : memref<48x144xf32, #tpu.memory_space<vmem>>) dst(%dma_wait3A_39 : memref<10016x144xf32, #tpu.memory_space<vmem_shared>>)
    %dma_wait3A_40 = arith.constant 0 : i32
    %dma_wait3A_41 = arith.constant 0 : i32
    %dma_wait3A_42 = tpu.memref_slice %arg2[%dma_wait3A_40, %dma_wait3A_41] : memref<10016x144xf32, #tpu.memory_space<hbm>> -> memref<10016x144xf32, #tpu.memory_space<hbm>>
    tpu.wait_indirect_dma semaphore(%arg23 : memref<!tpu.dma_semaphore, #tpu.memory_space<semaphore_mem>>) src(%dma_wait3A_42 : memref<10016x144xf32, #tpu.memory_space<hbm>>) dst(%arg14 : memref<48x144xf32, #tpu.memory_space<vmem>>)
    %dma_wait3A_43 = arith.constant 0 : i32
    %dma_wait3A_44 = arith.constant 0 : i32
    %dma_wait3A_45 = tpu.memref_slice %arg3[%dma_wait3A_43, %dma_wait3A_44] : memref<10016x16xf32, #tpu.memory_space<hbm>> -> memref<10016x16xf32, #tpu.memory_space<hbm>>
    tpu.wait_indirect_dma semaphore(%arg25 : memref<!tpu.dma_semaphore, #tpu.memory_space<semaphore_mem>>) src(%dma_wait3A_45 : memref<10016x16xf32, #tpu.memory_space<hbm>>) dst(%arg16 : memref<48x16xf32, #tpu.memory_space<vmem>>)
    %get3A = arith.constant 0 : index
    %get3A_46 = tpu.vector_load %arg10[%get3A] {strides = array<i32>} : memref<48xi32, #tpu.memory_space<vmem>>, vector<16xi32>,
    %get3A_47 = vector.shape_cast %get3A_46 : vector<16xi32> to vector<16xi32>
    %swap3A = arith.constant 0 : index
    %swap3A_48 = tpu.vector_load %arg12[%swap3A] {strides = array<i32>} : memref<48xi32, #tpu.memory_space<vmem>>, vector<16xi32>,
    %swap3A_49 = vector.shape_cast %swap3A_48 : vector<16xi32> to vector<16xi32>
    %swap3A_50 = vector.shape_cast %get3A_47 : vector<16xi32> to vector<16xi32>
    tpu.vector_store %arg12[%swap3A], %swap3A_50 {strides = array<i32>} : memref<48xi32, #tpu.memory_space<vmem>>, vector<16xi32>,
    %get3A_51 = arith.constant 16 : index
    %get3A_52 = tpu.vector_load %arg10[%get3A_51] {strides = array<i32>} : memref<48xi32, #tpu.memory_space<vmem>>, vector<16xi32>,
    %get3A_53 = vector.shape_cast %get3A_52 : vector<16xi32> to vector<16xi32>
    %swap3A_54 = arith.constant 16 : index
    %swap3A_55 = tpu.vector_load %arg12[%swap3A_54] {strides = array<i32>} : memref<48xi32, #tpu.memory_space<vmem>>, vector<16xi32>,
    %swap3A_56 = vector.shape_cast %swap3A_55 : vector<16xi32> to vector<16xi32>
    %swap3A_57 = vector.shape_cast %get3A_53 : vector<16xi32> to vector<16xi32>
    tpu.vector_store %arg12[%swap3A_54], %swap3A_57 {strides = array<i32>} : memref<48xi32, #tpu.memory_space<vmem>>, vector<16xi32>,
    %get3A_58 = arith.constant 32 : index
    %get3A_59 = tpu.vector_load %arg10[%get3A_58] {strides = array<i32>} : memref<48xi32, #tpu.memory_space<vmem>>, vector<16xi32>,
    %get3A_60 = vector.shape_cast %get3A_59 : vector<16xi32> to vector<16xi32>
    %swap3A_61 = arith.constant 32 : index
    %swap3A_62 = tpu.vector_load %arg12[%swap3A_61] {strides = array<i32>} : memref<48xi32, #tpu.memory_space<vmem>>, vector<16xi32>,
    %swap3A_63 = vector.shape_cast %swap3A_62 : vector<16xi32> to vector<16xi32>
    %swap3A_64 = vector.shape_cast %get3A_60 : vector<16xi32> to vector<16xi32>
    tpu.vector_store %arg12[%swap3A_61], %swap3A_64 {strides = array<i32>} : memref<48xi32, #tpu.memory_space<vmem>>, vector<16xi32>,
    %scan3A_65 = arith.constant 0 : i32
    %scan3A_66 = arith.constant 0 : i32
    %scan3A_67 = arith.constant 48 : i32
    %scan3A_68 = arith.addi %scan3A_66, %scan3A_67 : i32
    %scan3A_69 = arith.constant 1 : i32
    scf.for %scan3A_120 = %scan3A_66 to %scan3A_68 step %scan3A_69  : i32 {
      %get3A_121 = arith.index_cast %scan3A_120 : i32 to index
      %get3A_122 = arith.constant 128 : index
      %get3A_123 = tpu.vector_load %arg14[%get3A_121, %get3A_122] {strides = array<i32>} : memref<48x144xf32, #tpu.memory_space<vmem>>, vector<1x16xf32>,
      %get3A_124 = vector.shape_cast %get3A_123 : vector<1x16xf32> to vector<16xf32>
      %get3A_125 = arith.index_cast %scan3A_120 : i32 to index
      %get3A_126 = arith.constant 0 : index
      %get3A_127 = tpu.vector_load %arg16[%get3A_125, %get3A_126] {strides = array<i32>} : memref<48x16xf32, #tpu.memory_space<vmem>>, vector<1x16xf32>,
      %get3A_128 = vector.shape_cast %get3A_127 : vector<1x16xf32> to vector<16xf32>
      %add3A_129 = arith.addf %get3A_124, %get3A_128 : vector<16xf32>
      %mul3A_130 = arith.constant 2.000000e-01 : f32
      %mul3A_131 = vector.broadcast %mul3A_130 : f32 to vector<16xf32>
      %mul3A_132 = arith.mulf %mul3A_131, %add3A_129 : vector<16xf32>
      %max3A = arith.maximumf %add3A_129, %mul3A_132 : vector<16xf32>
      %exp3A = math.exp %max3A : vector<16xf32>
      %swap3A_133 = arith.index_cast %scan3A_120 : i32 to index
      %swap3A_134 = arith.constant 128 : index
      %swap3A_135 = tpu.vector_load %arg18[%swap3A_133, %swap3A_134] {strides = array<i32>} : memref<48x144xf32, #tpu.memory_space<vmem>>, vector<1x16xf32>,
      %swap3A_136 = vector.shape_cast %swap3A_135 : vector<1x16xf32> to vector<16xf32>
      %swap3A_137 = vector.shape_cast %exp3A : vector<16xf32> to vector<1x16xf32>
      tpu.vector_store %arg18[%swap3A_133, %swap3A_134], %swap3A_137 {strides = array<i32>} : memref<48x144xf32, #tpu.memory_space<vmem>>, vector<1x16xf32>,
      %get3A_138 = arith.index_cast %scan3A_120 : i32 to index
      %get3A_139 = arith.constant 0 : index
      %get3A_140 = tpu.vector_load %arg14[%get3A_138, %get3A_139] {strides = array<i32>} : memref<48x144xf32, #tpu.memory_space<vmem>>, vector<1x16xf32>,
      %get3A_141 = vector.shape_cast %get3A_140 : vector<1x16xf32> to vector<16xf32>
      %slice3A = vector.extract_strided_slice %exp3A {offsets = [0], sizes = [1], strides = [1]} : vector<16xf32> to vector<1xf32>
      %squeeze3A = vector.extract %slice3A[0] : f32 from vector<1xf32>
      %mul3A_142 = vector.broadcast %squeeze3A : f32 to vector<16xf32>
      %mul3A_143 = arith.mulf %get3A_141, %mul3A_142 : vector<16xf32>
      %swap3A_144 = arith.index_cast %scan3A_120 : i32 to index
      %swap3A_145 = arith.constant 0 : index
      %swap3A_146 = tpu.vector_load %arg18[%swap3A_144, %swap3A_145] {strides = array<i32>} : memref<48x144xf32, #tpu.memory_space<vmem>>, vector<1x16xf32>,
      %swap3A_147 = vector.shape_cast %swap3A_146 : vector<1x16xf32> to vector<16xf32>
      %swap3A_148 = vector.shape_cast %mul3A_143 : vector<16xf32> to vector<1x16xf32>
      tpu.vector_store %arg18[%swap3A_144, %swap3A_145], %swap3A_148 {strides = array<i32>} : memref<48x144xf32, #tpu.memory_space<vmem>>, vector<1x16xf32>,
      %get3A_149 = arith.index_cast %scan3A_120 : i32 to index
      %get3A_150 = arith.constant 16 : index
      %get3A_151 = tpu.vector_load %arg14[%get3A_149, %get3A_150] {strides = array<i32>} : memref<48x144xf32, #tpu.memory_space<vmem>>, vector<1x16xf32>,
      %get3A_152 = vector.shape_cast %get3A_151 : vector<1x16xf32> to vector<16xf32>
      %slice3A_153 = vector.extract_strided_slice %exp3A {offsets = [1], sizes = [1], strides = [1]} : vector<16xf32> to vector<1xf32>
      %squeeze3A_154 = vector.extract %slice3A_153[0] : f32 from vector<1xf32>
      %mul3A_155 = vector.broadcast %squeeze3A_154 : f32 to vector<16xf32>
      %mul3A_156 = arith.mulf %get3A_152, %mul3A_155 : vector<16xf32>
      %swap3A_157 = arith.index_cast %scan3A_120 : i32 to index
      %swap3A_158 = arith.constant 16 : index
      %swap3A_159 = tpu.vector_load %arg18[%swap3A_157, %swap3A_158] {strides = array<i32>} : memref<48x144xf32, #tpu.memory_space<vmem>>, vector<1x16xf32>,
      %swap3A_160 = vector.shape_cast %swap3A_159 : vector<1x16xf32> to vector<16xf32>
      %swap3A_161 = vector.shape_cast %mul3A_156 : vector<16xf32> to vector<1x16xf32>
      tpu.vector_store %arg18[%swap3A_157, %swap3A_158], %swap3A_161 {strides = array<i32>} : memref<48x144xf32, #tpu.memory_space<vmem>>, vector<1x16xf32>,
      %get3A_162 = arith.index_cast %scan3A_120 : i32 to index
      %get3A_163 = arith.constant 32 : index
      %get3A_164 = tpu.vector_load %arg14[%get3A_162, %get3A_163] {strides = array<i32>} : memref<48x144xf32, #tpu.memory_space<vmem>>, vector<1x16xf32>,
      %get3A_165 = vector.shape_cast %get3A_164 : vector<1x16xf32> to vector<16xf32>
      %slice3A_166 = vector.extract_strided_slice %exp3A {offsets = [2], sizes = [1], strides = [1]} : vector<16xf32> to vector<1xf32>
      %squeeze3A_167 = vector.extract %slice3A_166[0] : f32 from vector<1xf32>
      %mul3A_168 = vector.broadcast %squeeze3A_167 : f32 to vector<16xf32>
      %mul3A_169 = arith.mulf %get3A_165, %mul3A_168 : vector<16xf32>
      %swap3A_170 = arith.index_cast %scan3A_120 : i32 to index
      %swap3A_171 = arith.constant 32 : index
      %swap3A_172 = tpu.vector_load %arg18[%swap3A_170, %swap3A_171] {strides = array<i32>} : memref<48x144xf32, #tpu.memory_space<vmem>>, vector<1x16xf32>,
      %swap3A_173 = vector.shape_cast %swap3A_172 : vector<1x16xf32> to vector<16xf32>
      %swap3A_174 = vector.shape_cast %mul3A_169 : vector<16xf32> to vector<1x16xf32>
      tpu.vector_store %arg18[%swap3A_170, %swap3A_171], %swap3A_174 {strides = array<i32>} : memref<48x144xf32, #tpu.memory_space<vmem>>, vector<1x16xf32>,
      %get3A_175 = arith.index_cast %scan3A_120 : i32 to index
      %get3A_176 = arith.constant 48 : index
      %get3A_177 = tpu.vector_load %arg14[%get3A_175, %get3A_176] {strides = array<i32>} : memref<48x144xf32, #tpu.memory_space<vmem>>, vector<1x16xf32>,
      %get3A_178 = vector.shape_cast %get3A_177 : vector<1x16xf32> to vector<16xf32>
      %slice3A_179 = vector.extract_strided_slice %exp3A {offsets = [3], sizes = [1], strides = [1]} : vector<16xf32> to vector<1xf32>
      %squeeze3A_180 = vector.extract %slice3A_179[0] : f32 from vector<1xf32>
      %mul3A_181 = vector.broadcast %squeeze3A_180 : f32 to vector<16xf32>
      %mul3A_182 = arith.mulf %get3A_178, %mul3A_181 : vector<16xf32>
      %swap3A_183 = arith.index_cast %scan3A_120 : i32 to index
      %swap3A_184 = arith.constant 48 : index
      %swap3A_185 = tpu.vector_load %arg18[%swap3A_183, %swap3A_184] {strides = array<i32>} : memref<48x144xf32, #tpu.memory_space<vmem>>, vector<1x16xf32>,
      %swap3A_186 = vector.shape_cast %swap3A_185 : vector<1x16xf32> to vector<16xf32>
      %swap3A_187 = vector.shape_cast %mul3A_182 : vector<16xf32> to vector<1x16xf32>
      tpu.vector_store %arg18[%swap3A_183, %swap3A_184], %swap3A_187 {strides = array<i32>} : memref<48x144xf32, #tpu.memory_space<vmem>>, vector<1x16xf32>,
      %get3A_188 = arith.index_cast %scan3A_120 : i32 to index
      %get3A_189 = arith.constant 64 : index
      %get3A_190 = tpu.vector_load %arg14[%get3A_188, %get3A_189] {strides = array<i32>} : memref<48x144xf32, #tpu.memory_space<vmem>>, vector<1x16xf32>,
      %get3A_191 = vector.shape_cast %get3A_190 : vector<1x16xf32> to vector<16xf32>
      %slice3A_192 = vector.extract_strided_slice %exp3A {offsets = [4], sizes = [1], strides = [1]} : vector<16xf32> to vector<1xf32>
      %squeeze3A_193 = vector.extract %slice3A_192[0] : f32 from vector<1xf32>
      %mul3A_194 = vector.broadcast %squeeze3A_193 : f32 to vector<16xf32>
      %mul3A_195 = arith.mulf %get3A_191, %mul3A_194 : vector<16xf32>
      %swap3A_196 = arith.index_cast %scan3A_120 : i32 to index
      %swap3A_197 = arith.constant 64 : index
      %swap3A_198 = tpu.vector_load %arg18[%swap3A_196, %swap3A_197] {strides = array<i32>} : memref<48x144xf32, #tpu.memory_space<vmem>>, vector<1x16xf32>,
      %swap3A_199 = vector.shape_cast %swap3A_198 : vector<1x16xf32> to vector<16xf32>
      %swap3A_200 = vector.shape_cast %mul3A_195 : vector<16xf32> to vector<1x16xf32>
      tpu.vector_store %arg18[%swap3A_196, %swap3A_197], %swap3A_200 {strides = array<i32>} : memref<48x144xf32, #tpu.memory_space<vmem>>, vector<1x16xf32>,
      %get3A_201 = arith.index_cast %scan3A_120 : i32 to index
      %get3A_202 = arith.constant 80 : index
      %get3A_203 = tpu.vector_load %arg14[%get3A_201, %get3A_202] {strides = array<i32>} : memref<48x144xf32, #tpu.memory_space<vmem>>, vector<1x16xf32>,
      %get3A_204 = vector.shape_cast %get3A_203 : vector<1x16xf32> to vector<16xf32>
      %slice3A_205 = vector.extract_strided_slice %exp3A {offsets = [5], sizes = [1], strides = [1]} : vector<16xf32> to vector<1xf32>
      %squeeze3A_206 = vector.extract %slice3A_205[0] : f32 from vector<1xf32>
      %mul3A_207 = vector.broadcast %squeeze3A_206 : f32 to vector<16xf32>
      %mul3A_208 = arith.mulf %get3A_204, %mul3A_207 : vector<16xf32>
      %swap3A_209 = arith.index_cast %scan3A_120 : i32 to index
      %swap3A_210 = arith.constant 80 : index
      %swap3A_211 = tpu.vector_load %arg18[%swap3A_209, %swap3A_210] {strides = array<i32>} : memref<48x144xf32, #tpu.memory_space<vmem>>, vector<1x16xf32>,
      %swap3A_212 = vector.shape_cast %swap3A_211 : vector<1x16xf32> to vector<16xf32>
      %swap3A_213 = vector.shape_cast %mul3A_208 : vector<16xf32> to vector<1x16xf32>
      tpu.vector_store %arg18[%swap3A_209, %swap3A_210], %swap3A_213 {strides = array<i32>} : memref<48x144xf32, #tpu.memory_space<vmem>>, vector<1x16xf32>,
      %get3A_214 = arith.index_cast %scan3A_120 : i32 to index
      %get3A_215 = arith.constant 96 : index
      %get3A_216 = tpu.vector_load %arg14[%get3A_214, %get3A_215] {strides = array<i32>} : memref<48x144xf32, #tpu.memory_space<vmem>>, vector<1x16xf32>,
      %get3A_217 = vector.shape_cast %get3A_216 : vector<1x16xf32> to vector<16xf32>
      %slice3A_218 = vector.extract_strided_slice %exp3A {offsets = [6], sizes = [1], strides = [1]} : vector<16xf32> to vector<1xf32>
      %squeeze3A_219 = vector.extract %slice3A_218[0] : f32 from vector<1xf32>
      %mul3A_220 = vector.broadcast %squeeze3A_219 : f32 to vector<16xf32>
      %mul3A_221 = arith.mulf %get3A_217, %mul3A_220 : vector<16xf32>
      %swap3A_222 = arith.index_cast %scan3A_120 : i32 to index
      %swap3A_223 = arith.constant 96 : index
      %swap3A_224 = tpu.vector_load %arg18[%swap3A_222, %swap3A_223] {strides = array<i32>} : memref<48x144xf32, #tpu.memory_space<vmem>>, vector<1x16xf32>,
      %swap3A_225 = vector.shape_cast %swap3A_224 : vector<1x16xf32> to vector<16xf32>
      %swap3A_226 = vector.shape_cast %mul3A_221 : vector<16xf32> to vector<1x16xf32>
      tpu.vector_store %arg18[%swap3A_222, %swap3A_223], %swap3A_226 {strides = array<i32>} : memref<48x144xf32, #tpu.memory_space<vmem>>, vector<1x16xf32>,
      %get3A_227 = arith.index_cast %scan3A_120 : i32 to index
      %get3A_228 = arith.constant 112 : index
      %get3A_229 = tpu.vector_load %arg14[%get3A_227, %get3A_228] {strides = array<i32>} : memref<48x144xf32, #tpu.memory_space<vmem>>, vector<1x16xf32>,
      %get3A_230 = vector.shape_cast %get3A_229 : vector<1x16xf32> to vector<16xf32>
      %slice3A_231 = vector.extract_strided_slice %exp3A {offsets = [7], sizes = [1], strides = [1]} : vector<16xf32> to vector<1xf32>
      %squeeze3A_232 = vector.extract %slice3A_231[0] : f32 from vector<1xf32>
      %mul3A_233 = vector.broadcast %squeeze3A_232 : f32 to vector<16xf32>
      %mul3A_234 = arith.mulf %get3A_230, %mul3A_233 : vector<16xf32>
      %swap3A_235 = arith.index_cast %scan3A_120 : i32 to index
      %swap3A_236 = arith.constant 112 : index
      %swap3A_237 = tpu.vector_load %arg18[%swap3A_235, %swap3A_236] {strides = array<i32>} : memref<48x144xf32, #tpu.memory_space<vmem>>, vector<1x16xf32>,
      %swap3A_238 = vector.shape_cast %swap3A_237 : vector<1x16xf32> to vector<16xf32>
      %swap3A_239 = vector.shape_cast %mul3A_234 : vector<16xf32> to vector<1x16xf32>
      tpu.vector_store %arg18[%swap3A_235, %swap3A_236], %swap3A_239 {strides = array<i32>} : memref<48x144xf32, #tpu.memory_space<vmem>>, vector<1x16xf32>,
    }
    %scan3A_70 = arith.constant 48 : i32
    %dma_start3A_71 = arith.constant 0 : i32
    %dma_start3A_72 = arith.constant 0 : i32
    %dma_start3A_73 = tpu.memref_slice %arg20[%dma_start3A_71, %dma_start3A_72] : memref<10016x144xf32, #tpu.memory_space<vmem_shared>> -> memref<10016x144xf32, #tpu.memory_space<vmem_shared>>
    tpu.enqueue_indirect_dma source(%arg18 : memref<48x144xf32, #tpu.memory_space<vmem>>) target(%dma_start3A_73 : memref<10016x144xf32, #tpu.memory_space<vmem_shared>>) offsets(%arg12 : memref<48xi32, #tpu.memory_space<vmem>>) semaphore(%arg27 : memref<!tpu.dma_semaphore, #tpu.memory_space<semaphore_mem>>) {add = true}
    %dma_wait3A_74 = arith.constant 0 : i32
    %dma_wait3A_75 = arith.constant 0 : i32
    %dma_wait3A_76 = tpu.memref_slice %arg20[%dma_wait3A_74, %dma_wait3A_75] : memref<10016x144xf32, #tpu.memory_space<vmem_shared>> -> memref<10016x144xf32, #tpu.memory_space<vmem_shared>>
    tpu.wait_indirect_dma semaphore(%arg28 : memref<!tpu.dma_semaphore, #tpu.memory_space<semaphore_mem>>) src(%arg19 : memref<48x144xf32, #tpu.memory_space<vmem>>) dst(%dma_wait3A_76 : memref<10016x144xf32, #tpu.memory_space<vmem_shared>>)
    %dma_wait3A_77 = arith.constant 0 : i32
    %dma_wait3A_78 = arith.constant 0 : i32
    %dma_wait3A_79 = tpu.memref_slice %arg2[%dma_wait3A_77, %dma_wait3A_78] : memref<10016x144xf32, #tpu.memory_space<hbm>> -> memref<10016x144xf32, #tpu.memory_space<hbm>>
    tpu.wait_indirect_dma semaphore(%arg24 : memref<!tpu.dma_semaphore, #tpu.memory_space<semaphore_mem>>) src(%dma_wait3A_79 : memref<10016x144xf32, #tpu.memory_space<hbm>>) dst(%arg15 : memref<48x144xf32, #tpu.memory_space<vmem>>)
    %dma_wait3A_80 = arith.constant 0 : i32
    %dma_wait3A_81 = arith.constant 0 : i32
    %dma_wait3A_82 = tpu.memref_slice %arg3[%dma_wait3A_80, %dma_wait3A_81] : memref<10016x16xf32, #tpu.memory_space<hbm>> -> memref<10016x16xf32, #tpu.memory_space<hbm>>
    tpu.wait_indirect_dma semaphore(%arg26 : memref<!tpu.dma_semaphore, #tpu.memory_space<semaphore_mem>>) src(%dma_wait3A_82 : memref<10016x16xf32, #tpu.memory_space<hbm>>) dst(%arg17 : memref<48x16xf32, #tpu.memory_space<vmem>>)
    %get3A_83 = arith.constant 0 : index
    %get3A_84 = tpu.vector_load %arg11[%get3A_83] {strides = array<i32>} : memref<48xi32, #tpu.memory_space<vmem>>, vector<16xi32>,
    %get3A_85 = vector.shape_cast %get3A_84 : vector<16xi32> to vector<16xi32>
    %swap3A_86 = arith.constant 0 : index
    %swap3A_87 = tpu.vector_load %arg13[%swap3A_86] {strides = array<i32>} : memref<48xi32, #tpu.memory_space<vmem>>, vector<16xi32>,
    %swap3A_88 = vector.shape_cast %swap3A_87 : vector<16xi32> to vector<16xi32>
    %swap3A_89 = vector.shape_cast %get3A_85 : vector<16xi32> to vector<16xi32>
    tpu.vector_store %arg13[%swap3A_86], %swap3A_89 {strides = array<i32>} : memref<48xi32, #tpu.memory_space<vmem>>, vector<16xi32>,
    %get3A_90 = arith.constant 16 : index
    %get3A_91 = tpu.vector_load %arg11[%get3A_90] {strides = array<i32>} : memref<48xi32, #tpu.memory_space<vmem>>, vector<16xi32>,
    %get3A_92 = vector.shape_cast %get3A_91 : vector<16xi32> to vector<16xi32>
    %swap3A_93 = arith.constant 16 : index
    %swap3A_94 = tpu.vector_load %arg13[%swap3A_93] {strides = array<i32>} : memref<48xi32, #tpu.memory_space<vmem>>, vector<16xi32>,
    %swap3A_95 = vector.shape_cast %swap3A_94 : vector<16xi32> to vector<16xi32>
    %swap3A_96 = vector.shape_cast %get3A_92 : vector<16xi32> to vector<16xi32>
    tpu.vector_store %arg13[%swap3A_93], %swap3A_96 {strides = array<i32>} : memref<48xi32, #tpu.memory_space<vmem>>, vector<16xi32>,
    %get3A_97 = arith.constant 32 : index
    %get3A_98 = tpu.vector_load %arg11[%get3A_97] {strides = array<i32>} : memref<48xi32, #tpu.memory_space<vmem>>, vector<16xi32>,
    %get3A_99 = vector.shape_cast %get3A_98 : vector<16xi32> to vector<16xi32>
    %swap3A_100 = arith.constant 32 : index
    %swap3A_101 = tpu.vector_load %arg13[%swap3A_100] {strides = array<i32>} : memref<48xi32, #tpu.memory_space<vmem>>, vector<16xi32>,
    %swap3A_102 = vector.shape_cast %swap3A_101 : vector<16xi32> to vector<16xi32>
    %swap3A_103 = vector.shape_cast %get3A_99 : vector<16xi32> to vector<16xi32>
    tpu.vector_store %arg13[%swap3A_100], %swap3A_103 {strides = array<i32>} : memref<48xi32, #tpu.memory_space<vmem>>, vector<16xi32>,
    %scan3A_104 = arith.constant 0 : i32
    %scan3A_105 = arith.constant 0 : i32
    %scan3A_106 = arith.constant 48 : i32
    %scan3A_107 = arith.addi %scan3A_105, %scan3A_106 : i32
    %scan3A_108 = arith.constant 1 : i32
    scf.for %scan3A_120 = %scan3A_105 to %scan3A_107 step %scan3A_108  : i32 {
      %get3A_121 = arith.index_cast %scan3A_120 : i32 to index
      %get3A_122 = arith.constant 128 : index
      %get3A_123 = tpu.vector_load %arg15[%get3A_121, %get3A_122] {strides = array<i32>} : memref<48x144xf32, #tpu.memory_space<vmem>>, vector<1x16xf32>,
      %get3A_124 = vector.shape_cast %get3A_123 : vector<1x16xf32> to vector<16xf32>
      %get3A_125 = arith.index_cast %scan3A_120 : i32 to index
      %get3A_126 = arith.constant 0 : index
      %get3A_127 = tpu.vector_load %arg17[%get3A_125, %get3A_126] {strides = array<i32>} : memref<48x16xf32, #tpu.memory_space<vmem>>, vector<1x16xf32>,
      %get3A_128 = vector.shape_cast %get3A_127 : vector<1x16xf32> to vector<16xf32>
      %add3A_129 = arith.addf %get3A_124, %get3A_128 : vector<16xf32>
      %mul3A_130 = arith.constant 2.000000e-01 : f32
      %mul3A_131 = vector.broadcast %mul3A_130 : f32 to vector<16xf32>
      %mul3A_132 = arith.mulf %mul3A_131, %add3A_129 : vector<16xf32>
      %max3A = arith.maximumf %add3A_129, %mul3A_132 : vector<16xf32>
      %exp3A = math.exp %max3A : vector<16xf32>
      %swap3A_133 = arith.index_cast %scan3A_120 : i32 to index
      %swap3A_134 = arith.constant 128 : index
      %swap3A_135 = tpu.vector_load %arg19[%swap3A_133, %swap3A_134] {strides = array<i32>} : memref<48x144xf32, #tpu.memory_space<vmem>>, vector<1x16xf32>,
      %swap3A_136 = vector.shape_cast %swap3A_135 : vector<1x16xf32> to vector<16xf32>
      %swap3A_137 = vector.shape_cast %exp3A : vector<16xf32> to vector<1x16xf32>
      tpu.vector_store %arg19[%swap3A_133, %swap3A_134], %swap3A_137 {strides = array<i32>} : memref<48x144xf32, #tpu.memory_space<vmem>>, vector<1x16xf32>,
      %get3A_138 = arith.index_cast %scan3A_120 : i32 to index
      %get3A_139 = arith.constant 0 : index
      %get3A_140 = tpu.vector_load %arg15[%get3A_138, %get3A_139] {strides = array<i32>} : memref<48x144xf32, #tpu.memory_space<vmem>>, vector<1x16xf32>,
      %get3A_141 = vector.shape_cast %get3A_140 : vector<1x16xf32> to vector<16xf32>
      %slice3A = vector.extract_strided_slice %exp3A {offsets = [0], sizes = [1], strides = [1]} : vector<16xf32> to vector<1xf32>
      %squeeze3A = vector.extract %slice3A[0] : f32 from vector<1xf32>
      %mul3A_142 = vector.broadcast %squeeze3A : f32 to vector<16xf32>
      %mul3A_143 = arith.mulf %get3A_141, %mul3A_142 : vector<16xf32>
      %swap3A_144 = arith.index_cast %scan3A_120 : i32 to index
      %swap3A_145 = arith.constant 0 : index
      %swap3A_146 = tpu.vector_load %arg19[%swap3A_144, %swap3A_145] {strides = array<i32>} : memref<48x144xf32, #tpu.memory_space<vmem>>, vector<1x16xf32>,
      %swap3A_147 = vector.shape_cast %swap3A_146 : vector<1x16xf32> to vector<16xf32>
      %swap3A_148 = vector.shape_cast %mul3A_143 : vector<16xf32> to vector<1x16xf32>
      tpu.vector_store %arg19[%swap3A_144, %swap3A_145], %swap3A_148 {strides = array<i32>} : memref<48x144xf32, #tpu.memory_space<vmem>>, vector<1x16xf32>,
      %get3A_149 = arith.index_cast %scan3A_120 : i32 to index
      %get3A_150 = arith.constant 16 : index
      %get3A_151 = tpu.vector_load %arg15[%get3A_149, %get3A_150] {strides = array<i32>} : memref<48x144xf32, #tpu.memory_space<vmem>>, vector<1x16xf32>,
      %get3A_152 = vector.shape_cast %get3A_151 : vector<1x16xf32> to vector<16xf32>
      %slice3A_153 = vector.extract_strided_slice %exp3A {offsets = [1], sizes = [1], strides = [1]} : vector<16xf32> to vector<1xf32>
      %squeeze3A_154 = vector.extract %slice3A_153[0] : f32 from vector<1xf32>
      %mul3A_155 = vector.broadcast %squeeze3A_154 : f32 to vector<16xf32>
      %mul3A_156 = arith.mulf %get3A_152, %mul3A_155 : vector<16xf32>
      %swap3A_157 = arith.index_cast %scan3A_120 : i32 to index
      %swap3A_158 = arith.constant 16 : index
      %swap3A_159 = tpu.vector_load %arg19[%swap3A_157, %swap3A_158] {strides = array<i32>} : memref<48x144xf32, #tpu.memory_space<vmem>>, vector<1x16xf32>,
      %swap3A_160 = vector.shape_cast %swap3A_159 : vector<1x16xf32> to vector<16xf32>
      %swap3A_161 = vector.shape_cast %mul3A_156 : vector<16xf32> to vector<1x16xf32>
      tpu.vector_store %arg19[%swap3A_157, %swap3A_158], %swap3A_161 {strides = array<i32>} : memref<48x144xf32, #tpu.memory_space<vmem>>, vector<1x16xf32>,
      %get3A_162 = arith.index_cast %scan3A_120 : i32 to index
      %get3A_163 = arith.constant 32 : index
      %get3A_164 = tpu.vector_load %arg15[%get3A_162, %get3A_163] {strides = array<i32>} : memref<48x144xf32, #tpu.memory_space<vmem>>, vector<1x16xf32>,
      %get3A_165 = vector.shape_cast %get3A_164 : vector<1x16xf32> to vector<16xf32>
      %slice3A_166 = vector.extract_strided_slice %exp3A {offsets = [2], sizes = [1], strides = [1]} : vector<16xf32> to vector<1xf32>
      %squeeze3A_167 = vector.extract %slice3A_166[0] : f32 from vector<1xf32>
      %mul3A_168 = vector.broadcast %squeeze3A_167 : f32 to vector<16xf32>
      %mul3A_169 = arith.mulf %get3A_165, %mul3A_168 : vector<16xf32>
      %swap3A_170 = arith.index_cast %scan3A_120 : i32 to index
      %swap3A_171 = arith.constant 32 : index
      %swap3A_172 = tpu.vector_load %arg19[%swap3A_170, %swap3A_171] {strides = array<i32>} : memref<48x144xf32, #tpu.memory_space<vmem>>, vector<1x16xf32>,
      %swap3A_173 = vector.shape_cast %swap3A_172 : vector<1x16xf32> to vector<16xf32>
      %swap3A_174 = vector.shape_cast %mul3A_169 : vector<16xf32> to vector<1x16xf32>
      tpu.vector_store %arg19[%swap3A_170, %swap3A_171], %swap3A_174 {strides = array<i32>} : memref<48x144xf32, #tpu.memory_space<vmem>>, vector<1x16xf32>,
      %get3A_175 = arith.index_cast %scan3A_120 : i32 to index
      %get3A_176 = arith.constant 48 : index
      %get3A_177 = tpu.vector_load %arg15[%get3A_175, %get3A_176] {strides = array<i32>} : memref<48x144xf32, #tpu.memory_space<vmem>>, vector<1x16xf32>,
      %get3A_178 = vector.shape_cast %get3A_177 : vector<1x16xf32> to vector<16xf32>
      %slice3A_179 = vector.extract_strided_slice %exp3A {offsets = [3], sizes = [1], strides = [1]} : vector<16xf32> to vector<1xf32>
      %squeeze3A_180 = vector.extract %slice3A_179[0] : f32 from vector<1xf32>
      %mul3A_181 = vector.broadcast %squeeze3A_180 : f32 to vector<16xf32>
      %mul3A_182 = arith.mulf %get3A_178, %mul3A_181 : vector<16xf32>
      %swap3A_183 = arith.index_cast %scan3A_120 : i32 to index
      %swap3A_184 = arith.constant 48 : index
      %swap3A_185 = tpu.vector_load %arg19[%swap3A_183, %swap3A_184] {strides = array<i32>} : memref<48x144xf32, #tpu.memory_space<vmem>>, vector<1x16xf32>,
      %swap3A_186 = vector.shape_cast %swap3A_185 : vector<1x16xf32> to vector<16xf32>
      %swap3A_187 = vector.shape_cast %mul3A_182 : vector<16xf32> to vector<1x16xf32>
      tpu.vector_store %arg19[%swap3A_183, %swap3A_184], %swap3A_187 {strides = array<i32>} : memref<48x144xf32, #tpu.memory_space<vmem>>, vector<1x16xf32>,
      %get3A_188 = arith.index_cast %scan3A_120 : i32 to index
      %get3A_189 = arith.constant 64 : index
      %get3A_190 = tpu.vector_load %arg15[%get3A_188, %get3A_189] {strides = array<i32>} : memref<48x144xf32, #tpu.memory_space<vmem>>, vector<1x16xf32>,
      %get3A_191 = vector.shape_cast %get3A_190 : vector<1x16xf32> to vector<16xf32>
      %slice3A_192 = vector.extract_strided_slice %exp3A {offsets = [4], sizes = [1], strides = [1]} : vector<16xf32> to vector<1xf32>
      %squeeze3A_193 = vector.extract %slice3A_192[0] : f32 from vector<1xf32>
      %mul3A_194 = vector.broadcast %squeeze3A_193 : f32 to vector<16xf32>
      %mul3A_195 = arith.mulf %get3A_191, %mul3A_194 : vector<16xf32>
      %swap3A_196 = arith.index_cast %scan3A_120 : i32 to index
      %swap3A_197 = arith.constant 64 : index
      %swap3A_198 = tpu.vector_load %arg19[%swap3A_196, %swap3A_197] {strides = array<i32>} : memref<48x144xf32, #tpu.memory_space<vmem>>, vector<1x16xf32>,
      %swap3A_199 = vector.shape_cast %swap3A_198 : vector<1x16xf32> to vector<16xf32>
      %swap3A_200 = vector.shape_cast %mul3A_195 : vector<16xf32> to vector<1x16xf32>
      tpu.vector_store %arg19[%swap3A_196, %swap3A_197], %swap3A_200 {strides = array<i32>} : memref<48x144xf32, #tpu.memory_space<vmem>>, vector<1x16xf32>,
      %get3A_201 = arith.index_cast %scan3A_120 : i32 to index
      %get3A_202 = arith.constant 80 : index
      %get3A_203 = tpu.vector_load %arg15[%get3A_201, %get3A_202] {strides = array<i32>} : memref<48x144xf32, #tpu.memory_space<vmem>>, vector<1x16xf32>,
      %get3A_204 = vector.shape_cast %get3A_203 : vector<1x16xf32> to vector<16xf32>
      %slice3A_205 = vector.extract_strided_slice %exp3A {offsets = [5], sizes = [1], strides = [1]} : vector<16xf32> to vector<1xf32>
      %squeeze3A_206 = vector.extract %slice3A_205[0] : f32 from vector<1xf32>
      %mul3A_207 = vector.broadcast %squeeze3A_206 : f32 to vector<16xf32>
      %mul3A_208 = arith.mulf %get3A_204, %mul3A_207 : vector<16xf32>
      %swap3A_209 = arith.index_cast %scan3A_120 : i32 to index
      %swap3A_210 = arith.constant 80 : index
      %swap3A_211 = tpu.vector_load %arg19[%swap3A_209, %swap3A_210] {strides = array<i32>} : memref<48x144xf32, #tpu.memory_space<vmem>>, vector<1x16xf32>,
      %swap3A_212 = vector.shape_cast %swap3A_211 : vector<1x16xf32> to vector<16xf32>
      %swap3A_213 = vector.shape_cast %mul3A_208 : vector<16xf32> to vector<1x16xf32>
      tpu.vector_store %arg19[%swap3A_209, %swap3A_210], %swap3A_213 {strides = array<i32>} : memref<48x144xf32, #tpu.memory_space<vmem>>, vector<1x16xf32>,
      %get3A_214 = arith.index_cast %scan3A_120 : i32 to index
      %get3A_215 = arith.constant 96 : index
      %get3A_216 = tpu.vector_load %arg15[%get3A_214, %get3A_215] {strides = array<i32>} : memref<48x144xf32, #tpu.memory_space<vmem>>, vector<1x16xf32>,
      %get3A_217 = vector.shape_cast %get3A_216 : vector<1x16xf32> to vector<16xf32>
      %slice3A_218 = vector.extract_strided_slice %exp3A {offsets = [6], sizes = [1], strides = [1]} : vector<16xf32> to vector<1xf32>
      %squeeze3A_219 = vector.extract %slice3A_218[0] : f32 from vector<1xf32>
      %mul3A_220 = vector.broadcast %squeeze3A_219 : f32 to vector<16xf32>
      %mul3A_221 = arith.mulf %get3A_217, %mul3A_220 : vector<16xf32>
      %swap3A_222 = arith.index_cast %scan3A_120 : i32 to index
      %swap3A_223 = arith.constant 96 : index
      %swap3A_224 = tpu.vector_load %arg19[%swap3A_222, %swap3A_223] {strides = array<i32>} : memref<48x144xf32, #tpu.memory_space<vmem>>, vector<1x16xf32>,
      %swap3A_225 = vector.shape_cast %swap3A_224 : vector<1x16xf32> to vector<16xf32>
      %swap3A_226 = vector.shape_cast %mul3A_221 : vector<16xf32> to vector<1x16xf32>
      tpu.vector_store %arg19[%swap3A_222, %swap3A_223], %swap3A_226 {strides = array<i32>} : memref<48x144xf32, #tpu.memory_space<vmem>>, vector<1x16xf32>,
      %get3A_227 = arith.index_cast %scan3A_120 : i32 to index
      %get3A_228 = arith.constant 112 : index
      %get3A_229 = tpu.vector_load %arg15[%get3A_227, %get3A_228] {strides = array<i32>} : memref<48x144xf32, #tpu.memory_space<vmem>>, vector<1x16xf32>,
      %get3A_230 = vector.shape_cast %get3A_229 : vector<1x16xf32> to vector<16xf32>
      %slice3A_231 = vector.extract_strided_slice %exp3A {offsets = [7], sizes = [1], strides = [1]} : vector<16xf32> to vector<1xf32>
      %squeeze3A_232 = vector.extract %slice3A_231[0] : f32 from vector<1xf32>
      %mul3A_233 = vector.broadcast %squeeze3A_232 : f32 to vector<16xf32>
      %mul3A_234 = arith.mulf %get3A_230, %mul3A_233 : vector<16xf32>
      %swap3A_235 = arith.index_cast %scan3A_120 : i32 to index
      %swap3A_236 = arith.constant 112 : index
      %swap3A_237 = tpu.vector_load %arg19[%swap3A_235, %swap3A_236] {strides = array<i32>} : memref<48x144xf32, #tpu.memory_space<vmem>>, vector<1x16xf32>,
      %swap3A_238 = vector.shape_cast %swap3A_237 : vector<1x16xf32> to vector<16xf32>
      %swap3A_239 = vector.shape_cast %mul3A_234 : vector<16xf32> to vector<1x16xf32>
      tpu.vector_store %arg19[%swap3A_235, %swap3A_236], %swap3A_239 {strides = array<i32>} : memref<48x144xf32, #tpu.memory_space<vmem>>, vector<1x16xf32>,
    }
    %scan3A_109 = arith.constant 48 : i32
    %dma_start3A_110 = arith.constant 0 : i32
    %dma_start3A_111 = arith.constant 0 : i32
    %dma_start3A_112 = tpu.memref_slice %arg20[%dma_start3A_110, %dma_start3A_111] : memref<10016x144xf32, #tpu.memory_space<vmem_shared>> -> memref<10016x144xf32, #tpu.memory_space<vmem_shared>>
    tpu.enqueue_indirect_dma source(%arg19 : memref<48x144xf32, #tpu.memory_space<vmem>>) target(%dma_start3A_112 : memref<10016x144xf32, #tpu.memory_space<vmem_shared>>) offsets(%arg13 : memref<48xi32, #tpu.memory_space<vmem>>) semaphore(%arg28 : memref<!tpu.dma_semaphore, #tpu.memory_space<semaphore_mem>>) {add = true}
    %dma_wait3A_113 = arith.constant 0 : i32
    %dma_wait3A_114 = arith.constant 0 : i32
    %dma_wait3A_115 = tpu.memref_slice %arg20[%dma_wait3A_113, %dma_wait3A_114] : memref<10016x144xf32, #tpu.memory_space<vmem_shared>> -> memref<10016x144xf32, #tpu.memory_space<vmem_shared>>
    tpu.wait_indirect_dma semaphore(%arg27 : memref<!tpu.dma_semaphore, #tpu.memory_space<semaphore_mem>>) src(%arg18 : memref<48x144xf32, #tpu.memory_space<vmem>>) dst(%dma_wait3A_115 : memref<10016x144xf32, #tpu.memory_space<vmem_shared>>)
    %dma_wait3A_116 = arith.constant 0 : i32
    %dma_wait3A_117 = arith.constant 0 : i32
    %dma_wait3A_118 = tpu.memref_slice %arg20[%dma_wait3A_116, %dma_wait3A_117] : memref<10016x144xf32, #tpu.memory_space<vmem_shared>> -> memref<10016x144xf32, #tpu.memory_space<vmem_shared>>
    tpu.wait_indirect_dma semaphore(%arg28 : memref<!tpu.dma_semaphore, #tpu.memory_space<semaphore_mem>>) src(%arg19 : memref<48x144xf32, #tpu.memory_space<vmem>>) dst(%dma_wait3A_118 : memref<10016x144xf32, #tpu.memory_space<vmem_shared>>)
    %barrier3A_119 = arith.constant 0 : index
    tpu.barrier barrier_id(%barrier3A_119)
    "tpu.region"() ({
      %run_scoped3A = tpu.sem_alloc : memref<!tpu.dma_semaphore, #tpu.memory_space<semaphore_mem>>
      %dma_start3A_120 = arith.constant 0 : i32
      %dma_start3A_121 = tpu.memref_slice %arg7[%arg0, %mul3A_2, %dma_start3A_120] : memref<2x10016x144xf32, #tpu.memory_space<hbm>> -> memref<1x626x144xf32, #tpu.memory_space<hbm>>
      %dma_start3A_122 = tpu.memref_squeeze %dma_start3A_121 : memref<1x626x144xf32, #tpu.memory_space<hbm>> -> memref<626x144xf32, #tpu.memory_space<hbm>>
      %dma_start3A_123 = arith.constant 0 : i32
      %dma_start3A_124 = tpu.memref_slice %arg20[%mul3A_2, %dma_start3A_123] : memref<10016x144xf32, #tpu.memory_space<vmem_shared>> -> memref<626x144xf32, #tpu.memory_space<vmem_shared>>
      tpu.enqueue_dma source(%dma_start3A_124 : memref<626x144xf32, #tpu.memory_space<vmem_shared>>) target(%dma_start3A_122 : memref<626x144xf32, #tpu.memory_space<hbm>>) target_semaphore(%run_scoped3A : memref<!tpu.dma_semaphore, #tpu.memory_space<semaphore_mem>>)
      %dma_wait3A_125 = arith.constant 0 : i32
      %dma_wait3A_126 = tpu.memref_slice %arg7[%arg0, %mul3A_2, %dma_wait3A_125] : memref<2x10016x144xf32, #tpu.memory_space<hbm>> -> memref<1x626x144xf32, #tpu.memory_space<hbm>>
      %dma_wait3A_127 = tpu.memref_squeeze %dma_wait3A_126 : memref<1x626x144xf32, #tpu.memory_space<hbm>> -> memref<626x144xf32, #tpu.memory_space<hbm>>
      %dma_wait3A_128 = arith.constant 0 : i32
      %dma_wait3A_129 = tpu.memref_slice %arg20[%mul3A_2, %dma_wait3A_128] : memref<10016x144xf32, #tpu.memory_space<vmem_shared>> -> memref<626x144xf32, #tpu.memory_space<vmem_shared>>
      tpu.wait_dma2 semaphore(%run_scoped3A : memref<!tpu.dma_semaphore, #tpu.memory_space<semaphore_mem>>) src(%dma_wait3A_129 : memref<626x144xf32, #tpu.memory_space<vmem_shared>>) dst(%dma_wait3A_127 : memref<626x144xf32, #tpu.memory_space<hbm>>)
      tpu.yield
    }) : () -> ()
    return
  }
}

module attributes {stable_mosaic.version = 14 : i64} {
  func.func @_k1_body(%arg0: memref<10016x128xf32, #tpu.memory_space<vmem>>, %arg1: memref<128x128xf32, #tpu.memory_space<vmem>>, %arg2: memref<128x16xf32, #tpu.memory_space<vmem>>, %arg3: memref<128x16xf32, #tpu.memory_space<vmem>>, %arg4: memref<10016x144xf32, #tpu.memory_space<vmem>>, %arg5: memref<10016x16xf32, #tpu.memory_space<vmem>>) attributes {dimension_semantics = [], scalar_prefetch = 0 : i64, scratch_operands = 0 : i64, tpu.core_type = #tpu.core_type<tc>} {
    %get3A = arith.constant 0 : index
    %get3A_0 = arith.constant 0 : index
    %get3A_1 = vector.load %arg0[%get3A, %get3A_0] : memref<10016x128xf32, #tpu.memory_space<vmem>>, vector<10016x128xf32>
    %get3A_2 = arith.constant 0 : index
    %get3A_3 = arith.constant 0 : index
    %get3A_4 = vector.load %arg1[%get3A_2, %get3A_3] : memref<128x128xf32, #tpu.memory_space<vmem>>, vector<128x128xf32>
    %dot_general3A = arith.constant dense<0.000000e+00> : vector<10016x128xf32>
    %dot_general3A_5 = tpu.matmul %get3A_1, %get3A_4, %dot_general3A {dimension_numbers = #tpu.dot_dimension_numbers<[1], [0], [0], [1], [0, 0, 1, 1], [], []>, transpose_lhs_hint = false} : vector<10016x128xf32>, vector<128x128xf32>, vector<10016x128xf32> -> vector<10016x128xf32>
    %get3A_6 = arith.constant 0 : index
    %get3A_7 = arith.constant 0 : index
    %get3A_8 = vector.load %arg2[%get3A_6, %get3A_7] : memref<128x16xf32, #tpu.memory_space<vmem>>, vector<128x16xf32>
    %dot_general3A_9 = arith.constant dense<0.000000e+00> : vector<10016x16xf32>
    %dot_general3A_10 = tpu.matmul %dot_general3A_5, %get3A_8, %dot_general3A_9 {dimension_numbers = #tpu.dot_dimension_numbers<[1], [0], [0], [1], [0, 0, 1, 1], [], []>, transpose_lhs_hint = false} : vector<10016x128xf32>, vector<128x16xf32>, vector<10016x16xf32> -> vector<10016x16xf32>
    %concatenate3A = tpu.concatenate %dot_general3A_5, %dot_general3A_10 in 1 : vector<10016x128xf32>, vector<10016x16xf32> -> vector<10016x144xf32>
    %swap3A = arith.constant 0 : index
    %swap3A_11 = arith.constant 0 : index
    %swap3A_12 = vector.load %arg4[%swap3A, %swap3A_11] : memref<10016x144xf32, #tpu.memory_space<vmem>>, vector<10016x144xf32>
    tpu.vector_store %arg4[%swap3A, %swap3A_11], %concatenate3A {strides = array<i32>} : memref<10016x144xf32, #tpu.memory_space<vmem>>, vector<10016x144xf32>,
    %get3A_13 = arith.constant 0 : index
    %get3A_14 = arith.constant 0 : index
    %get3A_15 = vector.load %arg3[%get3A_13, %get3A_14] : memref<128x16xf32, #tpu.memory_space<vmem>>, vector<128x16xf32>
    %dot_general3A_16 = arith.constant dense<0.000000e+00> : vector<10016x16xf32>
    %dot_general3A_17 = tpu.matmul %dot_general3A_5, %get3A_15, %dot_general3A_16 {dimension_numbers = #tpu.dot_dimension_numbers<[1], [0], [0], [1], [0, 0, 1, 1], [], []>, transpose_lhs_hint = false} : vector<10016x128xf32>, vector<128x16xf32>, vector<10016x16xf32> -> vector<10016x16xf32>
    %swap3A_18 = arith.constant 0 : index
    %swap3A_19 = arith.constant 0 : index
    %swap3A_20 = vector.load %arg5[%swap3A_18, %swap3A_19] : memref<10016x16xf32, #tpu.memory_space<vmem>>, vector<10016x16xf32>
    tpu.vector_store %arg5[%swap3A_18, %swap3A_19], %dot_general3A_17 {strides = array<i32>} : memref<10016x16xf32, #tpu.memory_space<vmem>>, vector<10016x16xf32>,
    return
  }
}

module attributes {stable_mosaic.version = 14 : i64} {
  func.func @_k2_body(%arg0: memref<2x10016x144xf32, #tpu.memory_space<vmem>>, %arg1: memref<128xf32, #tpu.memory_space<vmem>>, %arg2: memref<128x16xf32, #tpu.memory_space<vmem>>, %arg3: memref<8x128xf32, #tpu.memory_space<vmem>>, %arg4: memref<16x16xf32, #tpu.memory_space<vmem>>, %arg5: memref<16x16xf32, #tpu.memory_space<vmem>>, %arg6: memref<10016x32xf32, #tpu.memory_space<vmem>>, %arg7: memref<10016x16xf32, #tpu.memory_space<vmem>>, %arg8: memref<10016x16xf32, #tpu.memory_space<vmem>>) attributes {dimension_semantics = [], scalar_prefetch = 0 : i64, scratch_operands = 0 : i64, tpu.core_type = #tpu.core_type<tc>} {
    %get3A = arith.constant 0 : index
    %get3A_0 = arith.constant 0 : index
    %get3A_1 = arith.constant 0 : index
    %get3A_2 = vector.load %arg0[%get3A, %get3A_0, %get3A_1] : memref<2x10016x144xf32, #tpu.memory_space<vmem>>, vector<1x10016x144xf32>
    %get3A_3 = vector.shape_cast %get3A_2 : vector<1x10016x144xf32> to vector<10016x144xf32>
    %get3A_4 = arith.constant 1 : index
    %get3A_5 = arith.constant 0 : index
    %get3A_6 = arith.constant 0 : index
    %get3A_7 = vector.load %arg0[%get3A_4, %get3A_5, %get3A_6] : memref<2x10016x144xf32, #tpu.memory_space<vmem>>, vector<1x10016x144xf32>
    %get3A_8 = vector.shape_cast %get3A_7 : vector<1x10016x144xf32> to vector<10016x144xf32>
    %add3A = arith.addf %get3A_3, %get3A_8 : vector<10016x144xf32>
    %slice3A = vector.extract_strided_slice %add3A {offsets = [0, 128], sizes = [10016, 8], strides = [1, 1]} : vector<10016x144xf32> to vector<10016x8xf32>
    %get3A_9 = arith.constant 0 : index
    %get3A_10 = arith.constant 0 : index
    %get3A_11 = vector.load %arg3[%get3A_9, %get3A_10] : memref<8x128xf32, #tpu.memory_space<vmem>>, vector<8x128xf32>
    %dot_general3A = arith.constant dense<0.000000e+00> : vector<10016x128xf32>
    %dot_general3A_12 = tpu.matmul %slice3A, %get3A_11, %dot_general3A {dimension_numbers = #tpu.dot_dimension_numbers<[1], [0], [0], [1], [0, 0, 1, 1], [], []>, transpose_lhs_hint = false} : vector<10016x8xf32>, vector<8x128xf32>, vector<10016x128xf32> -> vector<10016x128xf32>
    %slice3A_13 = vector.extract_strided_slice %add3A {offsets = [0, 0], sizes = [10016, 128], strides = [1, 1]} : vector<10016x144xf32> to vector<10016x128xf32>
    %add3A_14 = arith.constant 1.000000e-16 : f32
    %add3A_15 = vector.broadcast %add3A_14 : f32 to vector<10016x128xf32>
    %add3A_16 = arith.addf %dot_general3A_12, %add3A_15 : vector<10016x128xf32>
    %div3A = arith.divf %slice3A_13, %add3A_16 : vector<10016x128xf32>
    %get3A_17 = arith.constant 0 : index
    %get3A_18 = vector.load %arg1[%get3A_17] : memref<128xf32, #tpu.memory_space<vmem>>, vector<128xf32>
    %broadcast_in_dim3A = vector.shape_cast %get3A_18 : vector<128xf32> to vector<1x128xf32>
    %add3A_19 = vector.broadcast %broadcast_in_dim3A : vector<1x128xf32> to vector<10016x128xf32>
    %add3A_20 = arith.addf %div3A, %add3A_19 : vector<10016x128xf32>
    %gt3A = arith.constant 0.000000e+00 : f32
    %gt3A_21 = vector.broadcast %gt3A : f32 to vector<10016x128xf32>
    %gt3A_22 = arith.cmpf ogt, %add3A_20, %gt3A_21 : vector<10016x128xf32>
    %min3A = arith.constant 0.000000e+00 : f32
    %min3A_23 = vector.broadcast %min3A : f32 to vector<10016x128xf32>
    %min3A_24 = arith.minimumf %add3A_20, %min3A_23 : vector<10016x128xf32>
    %exp3A = math.exp %min3A_24 : vector<10016x128xf32>
    %sub3A = arith.constant 1.000000e+00 : f32
    %sub3A_25 = vector.broadcast %sub3A : f32 to vector<10016x128xf32>
    %sub3A_26 = arith.subf %exp3A, %sub3A_25 : vector<10016x128xf32>
    %select_n3A = arith.select %gt3A_22, %add3A_20, %sub3A_26 : vector<10016x128xi1>, vector<10016x128xf32>
    %get3A_27 = arith.constant 0 : index
    %get3A_28 = arith.constant 0 : index
    %get3A_29 = vector.load %arg2[%get3A_27, %get3A_28] : memref<128x16xf32, #tpu.memory_space<vmem>>, vector<128x16xf32>
    %dot_general3A_30 = arith.constant dense<0.000000e+00> : vector<10016x16xf32>
    %dot_general3A_31 = tpu.matmul %select_n3A, %get3A_29, %dot_general3A_30 {dimension_numbers = #tpu.dot_dimension_numbers<[1], [0], [0], [1], [0, 0, 1, 1], [], []>, transpose_lhs_hint = false} : vector<10016x128xf32>, vector<128x16xf32>, vector<10016x16xf32> -> vector<10016x16xf32>
    %get3A_32 = arith.constant 0 : index
    %get3A_33 = arith.constant 0 : index
    %get3A_34 = vector.load %arg4[%get3A_32, %get3A_33] : memref<16x16xf32, #tpu.memory_space<vmem>>, vector<16x16xf32>
    %dot_general3A_35 = arith.constant dense<0.000000e+00> : vector<10016x16xf32>
    %dot_general3A_36 = tpu.matmul %dot_general3A_31, %get3A_34, %dot_general3A_35 {dimension_numbers = #tpu.dot_dimension_numbers<[1], [0], [0], [1], [0, 0, 1, 1], [], []>, transpose_lhs_hint = false} : vector<10016x16xf32>, vector<16x16xf32>, vector<10016x16xf32> -> vector<10016x16xf32>
    %concatenate3A = tpu.concatenate %dot_general3A_31, %dot_general3A_36 in 1 : vector<10016x16xf32>, vector<10016x16xf32> -> vector<10016x32xf32>
    %swap3A = arith.constant 0 : index
    %swap3A_37 = arith.constant 0 : index
    %swap3A_38 = vector.load %arg6[%swap3A, %swap3A_37] : memref<10016x32xf32, #tpu.memory_space<vmem>>, vector<10016x32xf32>
    tpu.vector_store %arg6[%swap3A, %swap3A_37], %concatenate3A {strides = array<i32>} : memref<10016x32xf32, #tpu.memory_space<vmem>>, vector<10016x32xf32>,
    %get3A_39 = arith.constant 0 : index
    %get3A_40 = arith.constant 0 : index
    %get3A_41 = vector.load %arg5[%get3A_39, %get3A_40] : memref<16x16xf32, #tpu.memory_space<vmem>>, vector<16x16xf32>
    %dot_general3A_42 = arith.constant dense<0.000000e+00> : vector<10016x16xf32>
    %dot_general3A_43 = tpu.matmul %dot_general3A_31, %get3A_41, %dot_general3A_42 {dimension_numbers = #tpu.dot_dimension_numbers<[1], [0], [0], [1], [0, 0, 1, 1], [], []>, transpose_lhs_hint = false} : vector<10016x16xf32>, vector<16x16xf32>, vector<10016x16xf32> -> vector<10016x16xf32>
    %swap3A_44 = arith.constant 0 : index
    %swap3A_45 = arith.constant 0 : index
    %swap3A_46 = vector.load %arg7[%swap3A_44, %swap3A_45] : memref<10016x16xf32, #tpu.memory_space<vmem>>, vector<10016x16xf32>
    tpu.vector_store %arg7[%swap3A_44, %swap3A_45], %dot_general3A_43 {strides = array<i32>} : memref<10016x16xf32, #tpu.memory_space<vmem>>, vector<10016x16xf32>,
    %slice3A_47 = vector.extract_strided_slice %add3A {offsets = [0, 136], sizes = [10016, 1], strides = [1, 1]} : vector<10016x144xf32> to vector<10016x1xf32>
    %add3A_48 = arith.constant 1.000000e+00 : f32
    %add3A_49 = vector.broadcast %add3A_48 : f32 to vector<10016x1xf32>
    %add3A_50 = arith.addf %add3A_49, %slice3A_47 : vector<10016x1xf32>
    %rsqrt3A = math.rsqrt %add3A_50 : vector<10016x1xf32>
    %broadcast_in_dim3A_51 = arith.constant 1.000000e+00 : f32
    %broadcast_in_dim3A_52 = vector.broadcast %broadcast_in_dim3A_51 : f32 to vector<1x16xf32>
    %mul3A = vector.broadcast %rsqrt3A : vector<10016x1xf32> to vector<10016x16xf32>
    %mul3A_53 = vector.broadcast %broadcast_in_dim3A_52 : vector<1x16xf32> to vector<10016x16xf32>
    %mul3A_54 = arith.mulf %mul3A, %mul3A_53 : vector<10016x16xf32>
    %swap3A_55 = arith.constant 0 : index
    %swap3A_56 = arith.constant 0 : index
    %swap3A_57 = vector.load %arg8[%swap3A_55, %swap3A_56] : memref<10016x16xf32, #tpu.memory_space<vmem>>, vector<10016x16xf32>
    tpu.vector_store %arg8[%swap3A_55, %swap3A_56], %mul3A_54 {strides = array<i32>} : memref<10016x16xf32, #tpu.memory_space<vmem>>, vector<10016x16xf32>,
    return
  }
}

module attributes {stable_mosaic.version = 14 : i64} {
  func.func @_k3_body(%arg0: memref<2x10016x32xf32, #tpu.memory_space<vmem>>, %arg1: memref<16xf32, #tpu.memory_space<vmem>>, %arg2: memref<16x16xf32, #tpu.memory_space<vmem>>, %arg3: memref<10016x16xf32, #tpu.memory_space<vmem>>, %arg4: memref<10016x16xf32, #tpu.memory_space<vmem>>, %arg5: memref<10016x16xf32, #tpu.memory_space<vmem>>) attributes {dimension_semantics = [], scalar_prefetch = 0 : i64, scratch_operands = 0 : i64, tpu.core_type = #tpu.core_type<tc>} {
    %get3A = arith.constant 0 : index
    %get3A_0 = arith.constant 0 : index
    %get3A_1 = arith.constant 0 : index
    %get3A_2 = vector.load %arg0[%get3A, %get3A_0, %get3A_1] : memref<2x10016x32xf32, #tpu.memory_space<vmem>>, vector<1x10016x32xf32>
    %get3A_3 = vector.shape_cast %get3A_2 : vector<1x10016x32xf32> to vector<10016x32xf32>
    %get3A_4 = arith.constant 1 : index
    %get3A_5 = arith.constant 0 : index
    %get3A_6 = arith.constant 0 : index
    %get3A_7 = vector.load %arg0[%get3A_4, %get3A_5, %get3A_6] : memref<2x10016x32xf32, #tpu.memory_space<vmem>>, vector<1x10016x32xf32>
    %get3A_8 = vector.shape_cast %get3A_7 : vector<1x10016x32xf32> to vector<10016x32xf32>
    %add3A = arith.addf %get3A_3, %get3A_8 : vector<10016x32xf32>
    %slice3A = vector.extract_strided_slice %add3A {offsets = [0, 0], sizes = [10016, 16], strides = [1, 1]} : vector<10016x32xf32> to vector<10016x16xf32>
    %slice3A_9 = vector.extract_strided_slice %add3A {offsets = [0, 16], sizes = [10016, 1], strides = [1, 1]} : vector<10016x32xf32> to vector<10016x1xf32>
    %add3A_10 = arith.constant 1.000000e-16 : f32
    %add3A_11 = vector.broadcast %add3A_10 : f32 to vector<10016x1xf32>
    %add3A_12 = arith.addf %slice3A_9, %add3A_11 : vector<10016x1xf32>
    %div3A = vector.broadcast %add3A_12 : vector<10016x1xf32> to vector<10016x16xf32>
    %div3A_13 = arith.divf %slice3A, %div3A : vector<10016x16xf32>
    %get3A_14 = arith.constant 0 : index
    %get3A_15 = vector.load %arg1[%get3A_14] : memref<16xf32, #tpu.memory_space<vmem>>, vector<16xf32>
    %broadcast_in_dim3A = vector.shape_cast %get3A_15 : vector<16xf32> to vector<1x16xf32>
    %add3A_16 = vector.broadcast %broadcast_in_dim3A : vector<1x16xf32> to vector<10016x16xf32>
    %add3A_17 = arith.addf %div3A_13, %add3A_16 : vector<10016x16xf32>
    %get3A_18 = arith.constant 0 : index
    %get3A_19 = arith.constant 0 : index
    %get3A_20 = vector.load %arg2[%get3A_18, %get3A_19] : memref<16x16xf32, #tpu.memory_space<vmem>>, vector<16x16xf32>
    %dot_general3A = arith.constant dense<0.000000e+00> : vector<10016x16xf32>
    %dot_general3A_21 = tpu.matmul %add3A_17, %get3A_20, %dot_general3A {dimension_numbers = #tpu.dot_dimension_numbers<[1], [0], [0], [1], [0, 0, 1, 1], [], []>, transpose_lhs_hint = false} : vector<10016x16xf32>, vector<16x16xf32>, vector<10016x16xf32> -> vector<10016x16xf32>
    %get3A_22 = arith.constant 0 : index
    %get3A_23 = arith.constant 0 : index
    %get3A_24 = vector.load %arg3[%get3A_22, %get3A_23] : memref<10016x16xf32, #tpu.memory_space<vmem>>, vector<10016x16xf32>
    %mul3A = arith.mulf %dot_general3A_21, %get3A_24 : vector<10016x16xf32>
    %swap3A = arith.constant 0 : index
    %swap3A_25 = arith.constant 0 : index
    %swap3A_26 = vector.load %arg4[%swap3A, %swap3A_25] : memref<10016x16xf32, #tpu.memory_space<vmem>>, vector<10016x16xf32>
    tpu.vector_store %arg4[%swap3A, %swap3A_25], %mul3A {strides = array<i32>} : memref<10016x16xf32, #tpu.memory_space<vmem>>, vector<10016x16xf32>,
    %mul3A_27 = arith.mulf %dot_general3A_21, %get3A_24 : vector<10016x16xf32>
    %mul3A_28 = arith.mulf %mul3A_27, %get3A_24 : vector<10016x16xf32>
    %swap3A_29 = arith.constant 0 : index
    %swap3A_30 = arith.constant 0 : index
    %swap3A_31 = vector.load %arg5[%swap3A_29, %swap3A_30] : memref<10016x16xf32, #tpu.memory_space<vmem>>, vector<10016x16xf32>
    tpu.vector_store %arg5[%swap3A_29, %swap3A_30], %mul3A_28 {strides = array<i32>} : memref<10016x16xf32, #tpu.memory_space<vmem>>, vector<10016x16xf32>,
    return
  }
}

module attributes {stable_mosaic.version = 14 : i64} {
  func.func @_k4_body(%arg0: memref<2x10016x16xf32, #tpu.memory_space<vmem>>, %arg1: memref<10016x16xf32, #tpu.memory_space<vmem>>, %arg2: memref<10016x16xf32, #tpu.memory_space<vmem>>, %arg3: memref<16xf32, #tpu.memory_space<vmem>>, %arg4: memref<10016x16xf32, #tpu.memory_space<vmem>>) attributes {dimension_semantics = [], scalar_prefetch = 0 : i64, scratch_operands = 0 : i64, tpu.core_type = #tpu.core_type<tc>} {
    %get3A = arith.constant 0 : index
    %get3A_0 = arith.constant 0 : index
    %get3A_1 = arith.constant 0 : index
    %get3A_2 = vector.load %arg0[%get3A, %get3A_0, %get3A_1] : memref<2x10016x16xf32, #tpu.memory_space<vmem>>, vector<1x10016x16xf32>
    %get3A_3 = vector.shape_cast %get3A_2 : vector<1x10016x16xf32> to vector<10016x16xf32>
    %get3A_4 = arith.constant 1 : index
    %get3A_5 = arith.constant 0 : index
    %get3A_6 = arith.constant 0 : index
    %get3A_7 = vector.load %arg0[%get3A_4, %get3A_5, %get3A_6] : memref<2x10016x16xf32, #tpu.memory_space<vmem>>, vector<1x10016x16xf32>
    %get3A_8 = vector.shape_cast %get3A_7 : vector<1x10016x16xf32> to vector<10016x16xf32>
    %add3A = arith.addf %get3A_3, %get3A_8 : vector<10016x16xf32>
    %get3A_9 = arith.constant 0 : index
    %get3A_10 = arith.constant 0 : index
    %get3A_11 = vector.load %arg1[%get3A_9, %get3A_10] : memref<10016x16xf32, #tpu.memory_space<vmem>>, vector<10016x16xf32>
    %mul3A = arith.mulf %get3A_11, %add3A : vector<10016x16xf32>
    %get3A_12 = arith.constant 0 : index
    %get3A_13 = arith.constant 0 : index
    %get3A_14 = vector.load %arg2[%get3A_12, %get3A_13] : memref<10016x16xf32, #tpu.memory_space<vmem>>, vector<10016x16xf32>
    %add3A_15 = arith.addf %mul3A, %get3A_14 : vector<10016x16xf32>
    %get3A_16 = arith.constant 0 : index
    %get3A_17 = vector.load %arg3[%get3A_16] : memref<16xf32, #tpu.memory_space<vmem>>, vector<16xf32>
    %broadcast_in_dim3A = vector.shape_cast %get3A_17 : vector<16xf32> to vector<1x16xf32>
    %add3A_18 = vector.broadcast %broadcast_in_dim3A : vector<1x16xf32> to vector<10016x16xf32>
    %add3A_19 = arith.addf %add3A_15, %add3A_18 : vector<10016x16xf32>
    %swap3A = arith.constant 0 : index
    %swap3A_20 = arith.constant 0 : index
    %swap3A_21 = vector.load %arg4[%swap3A, %swap3A_20] : memref<10016x16xf32, #tpu.memory_space<vmem>>, vector<10016x16xf32>
    tpu.vector_store %arg4[%swap3A, %swap3A_20], %add3A_19 {strides = array<i32>} : memref<10016x16xf32, #tpu.memory_space<vmem>>, vector<10016x16xf32>,
    return
  }
}

</mosaic_0001>

<sc_bundles>
// kernel: kernel.12.cloned.1.call-start
scs
__scs_entry_jumppad:
0x0: {  	(pc) =	sbr.rel $0x88, $3  }
0x1: {  	(tag) =	ssettag $0x0;
	lr =	simm.s32 $0x1  }
0x2: {  	[smem:$0x3F95] =	sst lr;
	_ =	strace $0xD0000000  }
0x3: {  	_ = 	snop  }
0x4: {  	_ = 	snop  }
0x5: {  	_ = 	snop  }
0x6: {  	_ = 	snop  }
0x7: {  	_ = 	snop  }
__scs_overlays_trampoline_lowered:
0x8: {  	[smem:$0x3FA4] =	sst s0  }
0x9: {  	[smem:$0x3FA5] =	sst s1  }
0xa: {  	[smem:$0x3FA6] =	sst s2  }
0xb: {  	[smem:$0x3FA7] =	sst s3  }
0xc: {  	[smem:$0x3FA8] =	sst s4  }
0xd: {  	[smem:$0x3FA9] =	sst s5  }
0xe: {  	[smem:$0x3FAA] =	sst s6  }
0xf: {  	[smem:$0x3FAB] =	sst s7  }
0x10: {  	[smem:$0x3FAC] =	sst s8  }
0x11: {  	[smem:$0x3FAD] =	sst s9;
	s0 =	simm.s32 @!p0 $0x0  }
0x12: {  	s1 =	sld [smem:$0x3F93];
	s0 =	simm.s32 @p0 $0x1  }
0x13: {  	[smem:$0x3FAE] =	sst s0;
	s0 =	simm.s32 @!p1 $0x0  }
0x14: {  	s2 =	sld [smem:$0x3F92];
	s0 =	simm.s32 @p1 $0x1  }
0x15: {  	[smem:$0x3FAF] =	sst s0;
	s0 =	simm.s32 @!p2 $0x0  }
0x16: {  	s3 =	sld [smem:$0x3FDB];
	s0 =	simm.s32 @p2 $0x1  }
0x17: {  	s4 =	simm.s32 $0x1BF5;
	[smem:$0x3FB1] =	sst s0  }
0x18: {  	s0 =	sld [smem:$0x3F94];
	_ =	swait.ge [sflag:s4], $0x0  }
0x19: {  	s7 =	sld [smem:$0x3F95]  }
0x1a: {  	s8 =	sadd.s32 $0xFFFFE003, lr  }
0x1b: {  	s9 =	sadd.s32 $0xFFFFFEF7, lr;
	s5 =	simm.s32 $0xFFFFFFFF;
	p2 =	slt.u32 s8, $0xFFFFF086  }
0x1c: {  	p1 =	slt.u32 s9, $0xF7A;
	s5 =	simm.s32 @!p2 $0x0  }
0x1d: {  	s5 =	simm.s32 @p1 $0x1;
	p0 =	seq.s32 s7, s2  }
0x1e: {  	s7 =	smul.u32 @!p0 $0xF7A, s2;
	p2 =	seq.s32 @!p0 s5, $0x0  }
0x1f: {  	s9 =	smul.u32 $0xF7A, s1;
	s8 =	simm.s32 @!p0 $0x1BF5;
	p2 =	por !p2, p0  }
0x20: {  	[sflag:s8] =	ssyncset.s32 @!p0 $0xFFFFF086;
	s6 =	sadd.s32 @!p0 s3, s7;
	s7 =	simm.s32 @!p0 $0x108  }
0x21: {  	s3 =	sadd.s32 s3, s9;
	s6 =	sadd.s32 @!p0 $0x88, s6;
	s7 =	simm.s32 @p2 $0x1082  }
0x22: {  	[simem:s7], [sflag:s8] =	dma.local @!p0 [hbm:s6], $0xF7A  }
0x23: {  	s9 =	sor.u32 $0xD0000000, s2;
	s6 =	simm.s32 $0x108;
	_ =	swait.ge @!p0 [sflag:s8], $0x0  }
0x24: {  	s3 =	sadd.s32 $0x88, s3;
	s6 =	simm.s32 @!p1 $0x1082;
	[sflag:s4] =	ssyncset.s32 $0xFFFFF086  }
0x25: {  	[simem:s6], [sflag:s4] =	dma.local [hbm:s3], $0xF7A  }
0x26: {  	[smem:$0x3F95] =	sst s1;
	(tag) =	ssettag s2;
	_ =	strace s9  }
0x27: {  	s1 =	sld [smem:$0x3FA5]  }
0x28: {  	s2 =	sld [smem:$0x3FA6]  }
0x29: {  	s4 =	sld [smem:$0x3FA8]  }
0x2a: {  	p0 =	seq.s32 s5, $0x0;
	s5 =	sld [smem:$0x3FA9]  }
0x2b: {  	s6 =	sld [smem:$0x3FAA]  }
0x2c: {  	s7 =	sld [smem:$0x3FAB]  }
0x2d: {  	s3 =	simm.s32 $0x108;
	s8 =	sld [smem:$0x3FAC]  }
0x2e: {  	s3 =	simm.s32 @!p0 $0x1082;
	s9 =	sld [smem:$0x3FAD]  }
0x2f: {  	lr =	sadd.s32 s0, s3;
	s0 =	sld [smem:$0x3FA4]  }
0x30: {  	s3 =	sld [smem:$0x3FA7]  }
0x31: {  	[smem:$0x3FB0] =	sst s10  }
0x32: {  	s10 =	sld [smem:$0x3FAE];
	_ =	sdelay $0x3  }
0x33: {  	p0 =	seq.s32 s10, $0x1;
	s10 =	sld [smem:$0x3FB0];
	_ =	sdelay $0x3  }
0x34: {  	[smem:$0x3FB0] =	sst s10  }
0x35: {  	s10 =	sld [smem:$0x3FAF];
	_ =	sdelay $0x3  }
0x36: {  	p1 =	seq.s32 s10, $0x1;
	s10 =	sld [smem:$0x3FB0];
	_ =	sdelay $0x3  }
0x37: {  	[smem:$0x3FB0] =	sst s10  }
0x38: {  	s10 =	sld [smem:$0x3FB1]  }
0x39: {  	_ = 	snop;
	(pc) =	sbr.ind lr, $3  }
0x3a: {  	_ = 	snop  }
0x3b: {  	_ = 	snop  }
0x3c: {  	p2 =	seq.s32 s10, $0x1;
	s10 =	sld [smem:$0x3FB0]  }
0x3d: {  	_ =	shalt  }
0x3e: {  	_ =	shalt  }
0x3f: {  	_ =	shalt  }
0x40: {  	_ =	shalt  }
0x41: {  	_ =	shalt  }
0x42: {  	_ =	shalt  }
0x43: {  	_ =	shalt  }
0x44: {  	_ =	shalt  }
0x45: {  	_ =	shalt  }
0x46: {  	_ =	shalt  }
0x47: {  	_ =	shalt  }
0x48: {  	_ =	shalt  }
0x49: {  	_ =	shalt  }
0x4a: {  	_ =	shalt  }
0x4b: {  	_ =	shalt  }
0x4c: {  	_ =	shalt  }
0x4d: {  	_ =	shalt  }
0x4e: {  	_ =	shalt  }
0x4f: {  	_ =	shalt  }
0x50: {  	_ =	shalt  }
0x51: {  	_ =	shalt  }
0x52: {  	_ =	shalt  }
0x53: {  	_ =	shalt  }
0x54: {  	_ =	shalt  }
0x55: {  	_ =	shalt  }
0x56: {  	_ =	shalt  }
0x57: {  	_ =	shalt  }
0x58: {  	_ =	shalt  }
0x59: {  	_ =	shalt  }
0x5a: {  	_ =	shalt  }
0x5b: {  	_ =	shalt  }
0x5c: {  	_ =	shalt  }
0x5d: {  	_ =	shalt  }
0x5e: {  	_ =	shalt  }
0x5f: {  	_ =	shalt  }
0x60: {  	_ =	shalt  }
0x61: {  	_ =	shalt  }
0x62: {  	_ =	shalt  }
0x63: {  	_ =	shalt  }
0x64: {  	_ =	shalt  }
0x65: {  	_ =	shalt  }
0x66: {  	_ =	shalt  }
0x67: {  	_ =	shalt  }
0x68: {  	_ =	shalt  }
0x69: {  	_ =	shalt  }
0x6a: {  	_ =	shalt  }
0x6b: {  	_ =	shalt  }
0x6c: {  	_ =	shalt  }
0x6d: {  	_ =	shalt  }
0x6e: {  	_ =	shalt  }
0x6f: {  	_ =	shalt  }
0x70: {  	_ =	shalt  }
0x71: {  	_ =	shalt  }
0x72: {  	_ =	shalt  }
0x73: {  	_ =	shalt  }
0x74: {  	_ =	shalt  }
0x75: {  	_ =	shalt  }
0x76: {  	_ =	shalt  }
0x77: {  	_ =	shalt  }
0x78: {  	_ =	shalt  }
0x79: {  	_ =	shalt  }
0x7a: {  	_ =	shalt  }
0x7b: {  	_ =	shalt  }
0x7c: {  	_ =	shalt  }
0x7d: {  	_ =	shalt  }
0x7e: {  	_ =	shalt  }
0x7f: {  	_ =	shalt  }
0x80: {  	_ =	shalt  }
0x81: {  	_ =	shalt  }
0x82: {  	_ =	shalt  }
0x83: {  	_ =	shalt  }
0x84: {  	_ =	shalt  }
0x85: {  	_ =	shalt  }
0x86: {  	_ =	shalt  }
0x87: {  	_ =	shalt  }
.Lfunc_end0:
.L_simem_size_0:
called_computation.1_lowered:
.L_overlay_start_0:
0x88: {  	s2 =	sld [smem:$0x3FD9]  }
0x89: {  	s3 =	sld [smem:$0x3FFE];
	_ =	sdelay $0x1  }
0x8a: {  	s1 =	srdreg.scid  }
0x8b: {  	s0 =	sand.u32 $0x1, s1  }
0x8c: {  	s17 =	sshll.u32 s0, $0xA;
	s2 =	sadd.s32 s3, s2  }
0x8d: {  	s2 =	sadd.s32 s2, s17  }
0x8e: {  	[smem:$0x3FBC] =	sst s2  }
0x8f: {  	_ = 	snop  }
0x90: {  	s2 =	sld [smem:$0x3FD0];
	(tm) =	ssettm $0x1  }
0x91: {  	s18 =	sld [smem:$0x3FFB];
	_ =	sdelay $0x3  }
0x92: {  	_ =	strace s18  }
0x93: {  	s3 =	sld [smem:$0x3FFC];
	_ =	sdelay $0x3  }
0x94: {  	_ =	strace s3  }
0x95: {  	s3 =	sld [smem:$0x3FFD];
	_ =	sdelay $0x3  }
0x96: {  	_ =	strace s3  }
0x97: {  	_ =	strace $0x8FFFFFFF  }
0x98: {  	s19 =	sld [smem:$0x3FDB];
	_ =	sdelay $0x1  }
0x99: {  	s4 =	simm.s32 $_scs_section_size  }
0x9a: {  	s5 =	simm.s32 $_size__tile_overlayer_lowered;
	s6 =	simm.s32 $_tile_overlayer_lowered  }
0x9b: {  	s22 =	simm.s32 $0x1BFF;
	s21 =	sshll.u32 s6, $0x1;
	s3 =	sadd.s32 s4, s19  }
0x9c: {  	s7 =	simm.s32 $0x0;
	s20 =	sshll.u32 s5, $0x1;
	s5 =	sadd.s32 s21, s3  }
0x9d: {  	[timem:s7], [sflag:s22] =	dma.local [hbm:s5], s20  }
0x9e: {  	_ =	swait.ge [sflag:s22], s20  }
0x9f: {  	s4 =	ssub.s32 $0x0, s20;
	[sflag:s22] =	ssyncset.done $0x0  }
0xa0: {  	[sflag:s22] =	ssyncadd.s32 s4;
	_ =	sdelay $0x1  }
0xa1: {  	s23 =	simm.s32 $0x1B8B  }
0xa2: {  	_ =	swait.ge [sflag:s23], $0x1  }
0xa3: {  	[sflag:s23] =	ssyncset.done $0x0  }
0xa4: {  	s25 =	simm.s32 $0x1B8E;
	s24 =	sld [smem:$0x3FFE];
	[sflag:s23] =	ssyncadd.s32 $0xFFFFFFFF  }
0xa5: {  	s26 =	simm.s32 $execute0_lowered;
	[smem:$0x3FD2] =	sst s25  }
0xa6: {  	s5 =	sshll.u32 s26, $0x1;
	_ =	strace $0x80000049;
	[dreg:$0x1] =	wrdreg $0xFFFFFFFF  }
0xa7: {  	s28 =	simm.s32 $_size_execute0_lowered;
	s3 =	sadd.s32 s3, s5;
	[dreg:$0x0] =	wrdreg $0x0  }
0xa8: {  	s5 =	sshll.u32 s28, $0x1;
	[dreg:$0x2] =	wrdreg s3  }
0xa9: {  	[dreg:$0x3] =	wrdreg s5  }
0xaa: {  	[dreg:$0x4] =	wrdreg $0xC0  }
0xab: {  	_ =	task [dreg:s7], $0x5FFFF  }
0xac: {  	[dreg:$0x1] =	wrdreg $0xFFFFFFFF  }
0xad: {  	[dreg:$0x0] =	wrdreg $0x60  }
0xae: {  	[dreg:$0x2] =	wrdreg s24  }
0xaf: {  	[dreg:$0x3] =	wrdreg s2  }
0xb0: {  	[dreg:$0x4] =	wrdreg $0x48A00  }
0xb1: {  	[dreg:$0x5] =	wrdreg $0x96E00  }
0xb2: {  	[dreg:$0x6] =	wrdreg $0xE5200  }
0xb3: {  	[dreg:$0x7] =	wrdreg $0x9  }
0xb4: {  	_ =	task.clear_ibuf [dreg:s7], $0x8FFFF;
	_ =	strace $0x90000049  }
0xb5: {  	s29 =	simm.s32 $0x9;
	_ =	strace $0x8000004B  }
0xb6: {  	_ =	swait.ge [sflag:s29], $0x1  }
0xb7: {  	[sflag:s29] =	ssyncadd.s32 $0xFFFFFFFF  }
0xb8: {  	_ =	strace $0x9000004B  }
0xb9: {  	_ =	sfence  }
0xba: {  	s30 =	sld [smem:$0x0];
	_ =	sdelay $0x2  }
0xbb: {  	s31 =	sshll.u32 s1, $0xD;
	s1 =	sshrl.u32 s1, $0x2  }
0xbc: {  	s3 =	sand.u32 $0x4000, s31;
	s1 =	sadd.s32 s1, s30  }
0xbd: {  	s0 =	sor.u32 s3, s0;
	s1 =	sshll.u32 s1, $0x11  }
0xbe: {  	s0 =	sor.u32 s1, s0  }
0xbf: {  	s0 =	sadd.s32 $0x8F2B, s0  }
0xc0: {  	[sflag:s0] =	ssyncadd.remote.s32 $0x1  }
0xc1: {  	_ =	sfence.sel $0xFFFF  }
0xc2: {  	[dreg:$0x0] =	wrdreg $0xFFFFFFFF;
	(pc) =	sbr.abs _section_cstart, $3  }
0xc3: {  	[dreg:$0x1] =	wrdreg $0xFFFFFFFF  }
0xc4: {  	_ =	task.clear_ibuf [dreg:s7], $0x2FFFF;
	_ =	strace $0x9FFFFFFF  }
0xc5: {  	(tm) =	ssettm $0x7FFFFFFF  }
tec
execute0_lowered:
.L_overlay_start_1:
0x0: {  	(tag) =	ssettag $0x1  }
0x1: {  	s0 =	rddreg [dreg:$0x0]  }
0x2: {  	s1 =	rddreg [dreg:$0x1]  }
0x3: {  	s2 =	rddreg [dreg:$0x2]  }
0x4: {  	s3 =	rddreg [dreg:$0x3]  }
0x5: {  	s4 =	rddreg [dreg:$0x4]  }
0x6: {  	s14 =	stileid.u32;
	s6 =	srdreg.scid;
	s5 =	simm.s32 $0x0  }
0x7: {  	s28 =	simm.s32 $0x1EA0;
	s29 =	simm.s32 $0x150;
	s30 =	simm.s32 $0x2  }
0x8: {  	s31 =	simm.s32 $0x10A0;
	s8 =	smul.u32 $0x4E40, s14;
	s9 =	sand.u32 $0x1, s6  }
0x9: {  	[smem:$0x7FF] =	sst s5;
	s6 =	sadd.s32 $0x38000, s0;
	s15 =	smul.u32 $0x2720, s14  }
0xa: {  	s7 =	sadd.s32 $0x2E200, s0;
	s13 =	sshll.u32 s14, $0x1;
	s10 =	smul.u32 $0x4E400, s9  }
0xb: {  	_ =	strace $0x8000004A;
	s12 =	ssub.s32 $0x2, s9;
	s9 =	sor.u32 s9, s13  }
0xc: {  	s13 =	sshll.u32 s14, $0x6;
	s14 =	simm.s32 $0x6;
	s23 =	sshrl.u32 s8, $0x3  }
0xd: {  	s24 =	sshrl.u32 s12, $0x1;
	s9 =	smul.u32 $0x2760, s9;
	s25 =	sadd.s32 s8, s2  }
0xe: {  	s19 =	sor.u32 $0x1C09, s13;
	s16 =	sadd.s32 s15, s4;
	s17 =	sshrl.u32 s15, $0x3  }
0xf: {  	s13 =	simm.s32 $0x4;
	s15 =	simm.s32 $0x230;
	s11 =	sadd.s32 s23, s0  }
0x10: {  	s10 =	sadd.s32 s8, s10;
	[dreg:$0x6] =	wrdreg s25;
	s8 =	sadd.s32 s8, s3  }
0x11: {  	s1 =	sadd.s32 s1, s17;
	[dreg:$0x8] =	wrdreg s19;
	s10 =	sshrl.u32 s10, $0x3  }
0x12: {  	s26 =	sadd.s32 $0xBE00, s11;
	s11 =	sadd.s32 $0x2000, s11;
	s18 =	sshrl.u32 s9, $0x3  }
0x13: {  	[dreg:$0xa] =	wrdreg s1;
	s17 =	sadd.s32 $0xE0, s9;
	s25 =	sshrl.u32 s8, $0x3  }
0x14: {  	s8 =	simm.s32 $0x5;
	s0 =	sadd.s32 s10, s0;
	[dreg:$0x7] =	wrdreg s26  }
0x15: {  	s10 =	ssub.s32 s12, s24;
	[dreg:$0x9] =	wrdreg s11;
	s20 =	sadd.s32 s6, s18  }
0x16: {  	s21 =	sadd.s32 $0xE, s18;
	s22 =	sadd.s32 s7, s18;
	[dreg:$0x11] =	wrdreg s25  }
0x17: {  	s18 =	sadd.s32 $0x150, s9;
	s26 =	sshrl.u32 s16, $0x3;
	[dreg:$0xb] =	wrdreg s20  }
0x18: {  	s25 =	simm.s32 $0x70;
	s9 =	simm.s32 $0x1C0;
	[dreg:$0xc] =	wrdreg s22  }
0x19: {  	s11 =	simm.s32 $0x2CA0;
	s23 =	sadd.s32 s6, s21;
	[dreg:$0x12] =	wrdreg s26  }
0x1a: {  	s12 =	simm.s32 $0x1;
	s1 =	sadd.s32 s7, s21;
	[dreg:$0xd] =	wrdreg s23  }
0x1b: {  	s16 =	simm.s32 $0x3AA0;
	s0 =	sadd.s32 $0x15C00, s0;
	[dreg:$0xe] =	wrdreg s1  }
0x1c: {  	s24 =	smax.u32 s10, $0x1;
	s20 =	simm.s32 $0x9;
	[dreg:$0xf] =	wrdreg s0  }
0x1d: {  	s26 =	simm.s32 $0x2A0;
	s21 =	simm.s32 $0x0;
	[dreg:$0x10] =	wrdreg s24  }
0x1e: {  	s24 =	simm.s32 $0xE0;
	s1 =	simm.s32 $0x25A0;
	s0 =	simm.s32 $0x3  }
.LBB2_1:
0x1f: {  	[dreg:$0x13] =	wrdreg s21  }
0x20: {  	s10 =	rddreg [dreg:$0x6]  }
0x21: {  	s23 =	rddreg [dreg:$0x7];
	s22 =	sshrl.u32 s10, $0x3  }
0x22: {  	[dreg:$0x14] =	wrdreg s22  }
0x23: {  	[spmem:s22], [sflag:s19] =	dma.local [hbm:s23], $0x9C8  }
0x24: {  	_ =	swait.ge [sflag:s20], $0x9C8  }
0x25: {  	[sflag:s20] =	ssyncset.done $0x0;
	s22 =	rddreg [dreg:$0x9]  }
0x26: {  	s23 =	rddreg [dreg:$0x11];
	[sflag:s20] =	ssyncadd.s32 $0xFFFFF638  }
0x27: {  	[spmem:s23], [sflag:s19] =	dma.local [hbm:s22], $0x9C8  }
0x28: {  	_ =	swait.ge [sflag:s20], $0x9C8  }
0x29: {  	[sflag:s20] =	ssyncset.done $0x0;
	s22 =	rddreg [dreg:$0xa]  }
0x2a: {  	s23 =	rddreg [dreg:$0x12];
	[sflag:s20] =	ssyncadd.s32 $0xFFFFF638  }
0x2b: {  	[spmem:s23], [sflag:s19] =	dma.local [hbm:s22], $0x4E4  }
0x2c: {  	_ =	swait.ge [sflag:s20], $0x4E4  }
0x2d: {  	[sflag:s20] =	ssyncset.done $0x0  }
0x2e: {  	[sflag:s20] =	ssyncadd.s32 $0xFFFFFB1C  }
0x2f: {  	[bflag:$0x0] =	sbarrier.arrive $0xFFFF  }
0x30: {  	s19 =	rddreg [dreg:$0xb]  }
0x31: {  	[tilespmem:s5], [sflag:$0x9] =	stream.linear.gather [hbm4b:s19+s5], $0x70, $0x38;
	[tilespmem:$0x10C40] =	vst v63  }
0x32: {  	_ =	swait.ge [sflag:s20], $0x70  }
0x33: {  	[sflag:s20] =	ssyncset.done $0x0  }
0x34: {  	s21 =	rddreg [dreg:$0xc];
	[sflag:s20] =	ssyncadd.s32 $0xFFFFFF90  }
0x35: {  	[tilespmem:s24], [sflag:$0x9] =	stream.linear.gather [hbm4b:s21+s5], $0x70, $0x38;
	[tilespmem:$0x10C40] =	vst v63  }
0x36: {  	_ =	swait.ge [sflag:s20], $0x70  }
0x37: {  	[sflag:s20] =	ssyncset.done $0x0  }
0x38: {  	[sflag:s20] =	ssyncadd.s32 $0xFFFFFF90  }
0x39: {  	[tilespmem:s26], [sflag:$0x3] =	stream.indirect.gather [spmem:s3], $0x20, s5, s25, $0xb8;
	[tilespmem:$0x10C40] =	vst v63  }
0x3a: {  	_ = 	snop  }
0x3b: {  	[tilespmem:s28], [sflag:$0x5] =	stream.indirect.gather [spmem:s4], $0x10, s24, s25, $0xb8;
	[tilespmem:$0x10C40] =	vst v63  }
0x3c: {  	s22 =	rddreg [dreg:$0xd]  }
0x3d: {  	[tilespmem:s25], [sflag:$0x2] =	stream.linear.gather [hbm4b:s22+s5], $0x70, $0x38;
	[tilespmem:$0x10C40] =	vst v63  }
0x3e: {  	s19 =	simm.s32 $0x0;
	s23 =	rddreg [dreg:$0xe]  }
0x3f: {  	[tilespmem:s29], [sflag:$0x2] =	stream.linear.gather [hbm4b:s23+s5], $0x70, $0x38;
	[tilespmem:$0x10C40] =	vst v63  }
.LBB2_2:
0x40: {  	_ =	swait.ge [sflag:s30], $0x70  }
0x41: {  	[sflag:s30] =	ssyncset.done $0x0  }
0x42: {  	[sflag:s30] =	ssyncadd.s32 $0xFFFFFF90  }
0x43: {  	_ =	swait.ge [sflag:s30], $0x70  }
0x44: {  	[sflag:s30] =	ssyncset.done $0x0  }
0x45: {  	p0 =	seq.s32 s19, $0x0;
	[sflag:s30] =	ssyncadd.s32 $0xFFFFFF90  }
0x46: {  	[tilespmem:s31], [sflag:$0x4] =	stream.indirect.gather [spmem:s3], $0x20, s25, s25, $0xb8;
	[tilespmem:$0x10C40] =	vst v63  }
0x47: {  	s10 =	simm.s32 @!p0 $0x7  }
0x48: {  	[tilespmem:s1], [sflag:$0x6] =	stream.indirect.gather [spmem:s4], $0x10, s29, s25, $0xb8;
	[tilespmem:$0x10C40] =	vst v63  }
0x49: {  	_ =	swait.ge @!p0 [sflag:s10], $0xE00  }
0x4a: {  	[sflag:s10] =	ssyncset.done @!p0 $0x0  }
0x4b: {  	[sflag:s10] =	ssyncadd.s32 @!p0 $0xFFFFF200  }
0x4c: {  	_ =	swait.ge [sflag:s0], $0xE00  }
0x4d: {  	[sflag:s0] =	ssyncset.done $0x0  }
0x4e: {  	[sflag:s0] =	ssyncadd.s32 $0xFFFFF200  }
0x4f: {  	_ =	swait.ge [sflag:s8], $0x700  }
0x50: {  	[sflag:s8] =	ssyncset.done $0x0  }
0x51: {  	[sflag:s8] =	ssyncadd.s32 $0xFFFFF900  }
0x52: {  	v0 =	vld [tilespmem:$0xE0]  }
0x53: {  	v1 =	vld [tilespmem:$0xF0]  }
0x54: {  	v2 =	vld [tilespmem:$0x100]  }
0x55: {  	v3 =	vld [tilespmem:$0x110]  }
0x56: {  	v4 =	vld [tilespmem:$0x120]  }
0x57: {  	[tilespmem:$0x1C0] =	vst v0;
	v0 =	vld [tilespmem:$0x130]  }
0x58: {  	[tilespmem:$0x1D0] =	vst v1;
	v1 =	vld [tilespmem:$0x140]  }
0x59: {  	[tilespmem:$0x1E0] =	vst v2  }
0x5a: {  	[tilespmem:$0x1F0] =	vst v3  }
0x5b: {  	[tilespmem:$0x200] =	vst v4  }
0x5c: {  	[tilespmem:$0x210] =	vst v0  }
0x5d: {  	s20 =	simm.s32 $0x0;
	[tilespmem:$0x220] =	vst v1  }
0x5e: {  	s23 =	simm.s32 $0x1EA0;
	s10 =	simm.s32 $0x80;
	v0 =	vld [tilespmem:s20+$0x2B0]  }
.LBB2_3:
0x5f: {  	p1 =	sne.s32 s10, $0x3780;
	v1 =	vld [tilespmem:s23+$0x0];
	_ =	sdelay $0x4  }
0x60: {  	v0 =	vadd.f32 v1, v0;
	_ =	sdelay $0x1  }
0x61: {  	v1 =	vmul.f32 $2.000000030e-01, v0;
	_ =	sdelay $0x1  }
0x62: {  	v0 =	vmax.f32 v0, v1  }
0x63: {  	v0 =	vmul.f32 $1.442695020e+00, v0;
	_ =	sdelay $0x1  }
0x64: {  	(erf) = vpow2.f32 v0;
	_ =	sdelay $0x4  }
0x65: {  	v0 =	vld [tilespmem:s20+$0x2A0];
	_ =	sdelay $0x2  }
.Ltmp0:
0x66: {  	(pc) =	sbr.rel @p1 .LBB2_3-.Ltmp0, $4  }
0x67: {  	v1 =	vpop (erf)  }
0x68: {  	v2 =	vmul.f32 v1, v0;
	[tilespmem:s20+$0x2CB0] =	vst v1  }
0x69: {  	s22 =	sshra.s32 s10, $0x2  }
0x6a: {  	s10 =	sadd.s32 $0x80, s10;
	s23 =	sadd.s32 $0x10, s23;
	v0 =	vld [tilespmem:s22+$0x2B0];
	[tilespmem:s20+$0x2CA0] =	vst v2;
	s20 =	smov.u32 s22  }
0x6b: {  	v1 =	vld [tilespmem:s23+$0x0];
	_ =	sdelay $0x4  }
0x6c: {  	v0 =	vadd.f32 v1, v0;
	_ =	sdelay $0x1  }
0x6d: {  	v1 =	vmul.f32 $2.000000030e-01, v0;
	_ =	sdelay $0x1  }
0x6e: {  	v0 =	vmax.f32 v0, v1  }
0x6f: {  	v0 =	vmul.f32 $1.442695020e+00, v0;
	_ =	sdelay $0x1  }
0x70: {  	(erf) = vpow2.f32 v0;
	_ =	sdelay $0x4  }
0x71: {  	v0 =	vld [tilespmem:s20+$0x2A0];
	_ =	sdelay $0x3  }
0x72: {  	v1 =	vpop (erf)  }
0x73: {  	v0 =	vmul.f32 v1, v0  }
0x74: {  	[tilespmem:s20+$0x2CB0] =	vst v1  }
0x75: {  	[tilespmem:s20+$0x2CA0] =	vst v0;
	s20 =	smul.u32 $0xE0, s19  }
0x76: {  	[spmem:s2] =	stream.indirect.scatter.add.f32 [tilespmem:s11], [sflag:$0x7], $0x20, s9, s25, $0xb8;
	[tilespmem:$0x10C40] =	vst v63  }
0x77: {  	s10 =	sadd.s32 s20, s17  }
0x78: {  	s10 =	sshrl.u32 s10, $0x3  }
0x79: {  	s22 =	sadd.s32 s6, s10  }
0x7a: {  	[tilespmem:s5], [sflag:$0x1] =	stream.linear.gather [hbm4b:s22+s5], $0x70, $0x38;
	[tilespmem:$0x10C40] =	vst v63  }
0x7b: {  	s10 =	sadd.s32 s7, s10  }
0x7c: {  	[tilespmem:s24], [sflag:$0x1] =	stream.linear.gather [hbm4b:s10+s5], $0x70, $0x38;
	[tilespmem:$0x10C40] =	vst v63  }
0x7d: {  	_ =	swait.ge [sflag:s12], $0x70  }
0x7e: {  	[sflag:s12] =	ssyncset.done $0x0  }
0x7f: {  	[sflag:s12] =	ssyncadd.s32 $0xFFFFFF90  }
0x80: {  	_ =	swait.ge [sflag:s12], $0x70  }
0x81: {  	[sflag:s12] =	ssyncset.done $0x0  }
0x82: {  	[sflag:s12] =	ssyncadd.s32 $0xFFFFFF90  }
0x83: {  	[tilespmem:s26], [sflag:$0x3] =	stream.indirect.gather [spmem:s3], $0x20, s5, s25, $0xb8;
	[tilespmem:$0x10C40] =	vst v63  }
0x84: {  	s10 =	simm.s32 @!p0 $0x8  }
0x85: {  	[tilespmem:s28], [sflag:$0x5] =	stream.indirect.gather [spmem:s4], $0x10, s24, s25, $0xb8;
	[tilespmem:$0x10C40] =	vst v63  }
0x86: {  	_ =	swait.ge @!p0 [sflag:s10], $0xE00  }
0x87: {  	[sflag:s10] =	ssyncset.done @!p0 $0x0  }
0x88: {  	[sflag:s10] =	ssyncadd.s32 @!p0 $0xFFFFF200  }
0x89: {  	_ =	swait.ge [sflag:s13], $0xE00  }
0x8a: {  	[sflag:s13] =	ssyncset.done $0x0  }
0x8b: {  	[sflag:s13] =	ssyncadd.s32 $0xFFFFF200  }
0x8c: {  	_ =	swait.ge [sflag:s14], $0x700  }
0x8d: {  	[sflag:s14] =	ssyncset.done $0x0  }
0x8e: {  	[sflag:s14] =	ssyncadd.s32 $0xFFFFF900  }
0x8f: {  	v0 =	vld [tilespmem:$0x150]  }
0x90: {  	v1 =	vld [tilespmem:$0x160]  }
0x91: {  	v2 =	vld [tilespmem:$0x170]  }
0x92: {  	v3 =	vld [tilespmem:$0x180]  }
0x93: {  	v4 =	vld [tilespmem:$0x190]  }
0x94: {  	[tilespmem:$0x230] =	vst v0;
	v0 =	vld [tilespmem:$0x1A0]  }
0x95: {  	[tilespmem:$0x240] =	vst v1;
	v1 =	vld [tilespmem:$0x1B0]  }
0x96: {  	[tilespmem:$0x250] =	vst v2  }
0x97: {  	[tilespmem:$0x260] =	vst v3  }
0x98: {  	[tilespmem:$0x270] =	vst v4  }
0x99: {  	[tilespmem:$0x280] =	vst v0  }
0x9a: {  	s23 =	simm.s32 $0x0;
	[tilespmem:$0x290] =	vst v1  }
0x9b: {  	s22 =	simm.s32 $0x80;
	s10 =	simm.s32 $0x25A0;
	v0 =	vld [tilespmem:s23+$0x10B0]  }
.LBB2_5:
0x9c: {  	p0 =	sne.s32 s22, $0x3780;
	v1 =	vld [tilespmem:s10+$0x0];
	_ =	sdelay $0x4  }
0x9d: {  	v0 =	vadd.f32 v1, v0;
	_ =	sdelay $0x1  }
0x9e: {  	v1 =	vmul.f32 $2.000000030e-01, v0;
	_ =	sdelay $0x1  }
0x9f: {  	v0 =	vmax.f32 v0, v1  }
0xa0: {  	v0 =	vmul.f32 $1.442695020e+00, v0;
	_ =	sdelay $0x1  }
0xa1: {  	(erf) = vpow2.f32 v0;
	_ =	sdelay $0x4  }
0xa2: {  	v0 =	vld [tilespmem:s23+$0x10A0];
	_ =	sdelay $0x2  }
.Ltmp1:
0xa3: {  	(pc) =	sbr.rel @p0 .LBB2_5-.Ltmp1, $4  }
0xa4: {  	v1 =	vpop (erf)  }
0xa5: {  	v2 =	vmul.f32 v1, v0;
	[tilespmem:s23+$0x3AB0] =	vst v1  }
0xa6: {  	s21 =	sshra.s32 s22, $0x2  }
0xa7: {  	s22 =	sadd.s32 $0x80, s22;
	s10 =	sadd.s32 $0x10, s10;
	v0 =	vld [tilespmem:s21+$0x10B0];
	[tilespmem:s23+$0x3AA0] =	vst v2;
	s23 =	smov.u32 s21  }
0xa8: {  	v1 =	vld [tilespmem:s10+$0x0];
	_ =	sdelay $0x4  }
0xa9: {  	v0 =	vadd.f32 v1, v0;
	_ =	sdelay $0x1  }
0xaa: {  	v1 =	vmul.f32 $2.000000030e-01, v0;
	_ =	sdelay $0x1  }
0xab: {  	v0 =	vmax.f32 v0, v1  }
0xac: {  	v0 =	vmul.f32 $1.442695020e+00, v0;
	_ =	sdelay $0x1  }
0xad: {  	(erf) = vpow2.f32 v0;
	_ =	sdelay $0x4  }
0xae: {  	v62 =	vld [tilespmem:s23+$0x10A0];
	_ =	sdelay $0x3  }
0xaf: {  	v63 =	vpop (erf)  }
0xb0: {  	v0 =	vmul.f32 v63, v62  }
0xb1: {  	s19 =	sadd.s32 $0x1, s19;
	[tilespmem:s23+$0x3AB0] =	vst v63  }
0xb2: {  	s22 =	sadd.s32 s20, s18;
	p0 =	sne.s32 s19, $0x2C;
	[tilespmem:s23+$0x3AA0] =	vst v0  }
0xb3: {  	[spmem:s2] =	stream.indirect.scatter.add.f32 [tilespmem:s16], [sflag:$0x8], $0x20, s15, s25, $0xb8;
	[tilespmem:$0x10C40] =	vst v63  }
.Ltmp2:
0xb4: {  	s10 =	sshrl.u32 s22, $0x3;
	(pc) =	sbr.rel @p0 .LBB2_2-.Ltmp2, $4  }
0xb5: {  	s23 =	sadd.s32 s6, s10  }
0xb6: {  	[tilespmem:s25], [sflag:$0x2] =	stream.linear.gather [hbm4b:s23+s5], $0x70, $0x38;
	[tilespmem:$0x10C40] =	vst v63  }
0xb7: {  	s10 =	sadd.s32 s7, s10  }
0xb8: {  	[tilespmem:s29], [sflag:$0x2] =	stream.linear.gather [hbm4b:s10+s5], $0x70, $0x38;
	[tilespmem:$0x10C40] =	vst v63  }
0xb9: {  	_ =	swait.ge [sflag:s30], $0x70  }
0xba: {  	[sflag:s30] =	ssyncset.done $0x0  }
0xbb: {  	[sflag:s30] =	ssyncadd.s32 $0xFFFFFF90  }
0xbc: {  	_ =	swait.ge [sflag:s30], $0x70  }
0xbd: {  	[sflag:s30] =	ssyncset.done $0x0  }
0xbe: {  	[sflag:s30] =	ssyncadd.s32 $0xFFFFFF90  }
0xbf: {  	[tilespmem:s31], [sflag:$0x4] =	stream.indirect.gather [spmem:s3], $0x20, s25, s25, $0xb8;
	[tilespmem:$0x10C40] =	vst v63  }
0xc0: {  	s22 =	simm.s32 $0x7  }
0xc1: {  	[tilespmem:s1], [sflag:$0x6] =	stream.indirect.gather [spmem:s4], $0x10, s29, s25, $0xb8;
	[tilespmem:$0x10C40] =	vst v63  }
0xc2: {  	_ =	swait.ge [sflag:s22], $0xE00  }
0xc3: {  	[sflag:s22] =	ssyncset.done $0x0  }
0xc4: {  	[sflag:s22] =	ssyncadd.s32 $0xFFFFF200  }
0xc5: {  	_ =	swait.ge [sflag:s0], $0xE00  }
0xc6: {  	[sflag:s0] =	ssyncset.done $0x0  }
0xc7: {  	[sflag:s0] =	ssyncadd.s32 $0xFFFFF200  }
0xc8: {  	_ =	swait.ge [sflag:s8], $0x700  }
0xc9: {  	[sflag:s8] =	ssyncset.done $0x0  }
0xca: {  	[sflag:s8] =	ssyncadd.s32 $0xFFFFF900  }
0xcb: {  	v0 =	vld [tilespmem:$0xE0]  }
0xcc: {  	v1 =	vld [tilespmem:$0xF0]  }
0xcd: {  	v2 =	vld [tilespmem:$0x100]  }
0xce: {  	v3 =	vld [tilespmem:$0x110]  }
0xcf: {  	v4 =	vld [tilespmem:$0x120]  }
0xd0: {  	[tilespmem:$0x1C0] =	vst v0;
	v0 =	vld [tilespmem:$0x130]  }
0xd1: {  	[tilespmem:$0x1D0] =	vst v1;
	v1 =	vld [tilespmem:$0x140]  }
0xd2: {  	[tilespmem:$0x1E0] =	vst v2  }
0xd3: {  	[tilespmem:$0x1F0] =	vst v3  }
0xd4: {  	[tilespmem:$0x200] =	vst v4  }
0xd5: {  	[tilespmem:$0x210] =	vst v0  }
0xd6: {  	s19 =	simm.s32 $0x0;
	[tilespmem:$0x220] =	vst v1  }
0xd7: {  	s10 =	simm.s32 $0x1EA0;
	s20 =	simm.s32 $0x80;
	v0 =	vld [tilespmem:s19+$0x2B0]  }
.LBB2_8:
0xd8: {  	p0 =	sne.s32 s20, $0x3780;
	v1 =	vld [tilespmem:s10+$0x0];
	_ =	sdelay $0x4  }
0xd9: {  	v0 =	vadd.f32 v1, v0;
	_ =	sdelay $0x1  }
0xda: {  	v1 =	vmul.f32 $2.000000030e-01, v0;
	_ =	sdelay $0x1  }
0xdb: {  	v0 =	vmax.f32 v0, v1  }
0xdc: {  	v0 =	vmul.f32 $1.442695020e+00, v0;
	_ =	sdelay $0x1  }
0xdd: {  	(erf) = vpow2.f32 v0;
	_ =	sdelay $0x4  }
0xde: {  	v0 =	vld [tilespmem:s19+$0x2A0];
	_ =	sdelay $0x2  }
.Ltmp3:
0xdf: {  	(pc) =	sbr.rel @p0 .LBB2_8-.Ltmp3, $4  }
0xe0: {  	v1 =	vpop (erf)  }
0xe1: {  	v2 =	vmul.f32 v1, v0;
	[tilespmem:s19+$0x2CB0] =	vst v1  }
0xe2: {  	s21 =	sshra.s32 s20, $0x2  }
0xe3: {  	s20 =	sadd.s32 $0x80, s20;
	s10 =	sadd.s32 $0x10, s10;
	v0 =	vld [tilespmem:s21+$0x2B0];
	[tilespmem:s19+$0x2CA0] =	vst v2;
	s19 =	smov.u32 s21  }
0xe4: {  	v1 =	vld [tilespmem:s10+$0x0];
	_ =	sdelay $0x4  }
0xe5: {  	v0 =	vadd.f32 v1, v0;
	_ =	sdelay $0x1  }
0xe6: {  	v1 =	vmul.f32 $2.000000030e-01, v0;
	_ =	sdelay $0x1  }
0xe7: {  	v0 =	vmax.f32 v0, v1  }
0xe8: {  	v0 =	vmul.f32 $1.442695020e+00, v0;
	_ =	sdelay $0x1  }
0xe9: {  	(erf) = vpow2.f32 v0;
	_ =	sdelay $0x4  }
0xea: {  	v0 =	vld [tilespmem:s19+$0x2A0];
	_ =	sdelay $0x3  }
0xeb: {  	v1 =	vpop (erf)  }
0xec: {  	v0 =	vmul.f32 v1, v0  }
0xed: {  	[tilespmem:s19+$0x2CB0] =	vst v1  }
0xee: {  	s23 =	simm.s32 $0x8;
	[tilespmem:s19+$0x2CA0] =	vst v0  }
0xef: {  	[spmem:s2] =	stream.indirect.scatter.add.f32 [tilespmem:s11], [sflag:$0x7], $0x20, s9, s25, $0xb8;
	[tilespmem:$0x10C40] =	vst v63  }
0xf0: {  	_ =	swait.ge [sflag:s23], $0xE00  }
0xf1: {  	[sflag:s23] =	ssyncset.done $0x0  }
0xf2: {  	[sflag:s23] =	ssyncadd.s32 $0xFFFFF200  }
0xf3: {  	_ =	swait.ge [sflag:s13], $0xE00  }
0xf4: {  	[sflag:s13] =	ssyncset.done $0x0  }
0xf5: {  	[sflag:s13] =	ssyncadd.s32 $0xFFFFF200  }
0xf6: {  	_ =	swait.ge [sflag:s14], $0x700  }
0xf7: {  	[sflag:s14] =	ssyncset.done $0x0  }
0xf8: {  	[sflag:s14] =	ssyncadd.s32 $0xFFFFF900  }
0xf9: {  	v0 =	vld [tilespmem:$0x150]  }
0xfa: {  	v1 =	vld [tilespmem:$0x160]  }
0xfb: {  	v2 =	vld [tilespmem:$0x170]  }
0xfc: {  	v3 =	vld [tilespmem:$0x180]  }
0xfd: {  	v4 =	vld [tilespmem:$0x190]  }
0xfe: {  	[tilespmem:$0x230] =	vst v0;
	v0 =	vld [tilespmem:$0x1A0]  }
0xff: {  	[tilespmem:$0x240] =	vst v1;
	v1 =	vld [tilespmem:$0x1B0]  }
0x100: {  	[tilespmem:$0x250] =	vst v2  }
0x101: {  	[tilespmem:$0x260] =	vst v3  }
0x102: {  	[tilespmem:$0x270] =	vst v4  }
0x103: {  	[tilespmem:$0x280] =	vst v0  }
0x104: {  	s19 =	simm.s32 $0x0;
	[tilespmem:$0x290] =	vst v1  }
0x105: {  	s10 =	simm.s32 $0x25A0;
	s20 =	simm.s32 $0x80;
	v0 =	vld [tilespmem:s19+$0x10B0]  }
.LBB2_10:
0x106: {  	p0 =	sne.s32 s20, $0x3780;
	v1 =	vld [tilespmem:s10+$0x0];
	_ =	sdelay $0x4  }
0x107: {  	v0 =	vadd.f32 v1, v0;
	_ =	sdelay $0x1  }
0x108: {  	v1 =	vmul.f32 $2.000000030e-01, v0;
	_ =	sdelay $0x1  }
0x109: {  	v0 =	vmax.f32 v0, v1  }
0x10a: {  	v0 =	vmul.f32 $1.442695020e+00, v0;
	_ =	sdelay $0x1  }
0x10b: {  	(erf) = vpow2.f32 v0;
	_ =	sdelay $0x4  }
0x10c: {  	v0 =	vld [tilespmem:s19+$0x10A0];
	_ =	sdelay $0x2  }
.Ltmp4:
0x10d: {  	(pc) =	sbr.rel @p0 .LBB2_10-.Ltmp4, $4  }
0x10e: {  	v1 =	vpop (erf)  }
0x10f: {  	v2 =	vmul.f32 v1, v0;
	[tilespmem:s19+$0x3AB0] =	vst v1  }
0x110: {  	s21 =	sshra.s32 s20, $0x2  }
0x111: {  	s20 =	sadd.s32 $0x80, s20;
	s10 =	sadd.s32 $0x10, s10;
	v0 =	vld [tilespmem:s21+$0x10B0];
	[tilespmem:s19+$0x3AA0] =	vst v2;
	s19 =	smov.u32 s21  }
0x112: {  	v1 =	vld [tilespmem:s10+$0x0];
	_ =	sdelay $0x4  }
0x113: {  	v0 =	vadd.f32 v1, v0;
	_ =	sdelay $0x1  }
0x114: {  	v1 =	vmul.f32 $2.000000030e-01, v0;
	_ =	sdelay $0x1  }
0x115: {  	v0 =	vmax.f32 v0, v1  }
0x116: {  	v0 =	vmul.f32 $1.442695020e+00, v0;
	_ =	sdelay $0x1  }
0x117: {  	(erf) = vpow2.f32 v0;
	_ =	sdelay $0x4  }
0x118: {  	v62 =	vld [tilespmem:s19+$0x10A0];
	_ =	sdelay $0x3  }
0x119: {  	v63 =	vpop (erf)  }
0x11a: {  	v0 =	vmul.f32 v63, v62  }
0x11b: {  	[tilespmem:s19+$0x3AB0] =	vst v63  }
0x11c: {  	[tilespmem:s19+$0x3AA0] =	vst v0  }
0x11d: {  	[spmem:s2] =	stream.indirect.scatter.add.f32 [tilespmem:s16], [sflag:$0x8], $0x20, s15, s25, $0xb8;
	[tilespmem:$0x10C40] =	vst v63  }
0x11e: {  	_ =	swait.ge [sflag:s22], $0xE00  }
0x11f: {  	[sflag:s22] =	ssyncset.done $0x0  }
0x120: {  	[sflag:s22] =	ssyncadd.s32 $0xFFFFF200  }
0x121: {  	_ =	swait.ge [sflag:s23], $0xE00  }
0x122: {  	[sflag:s23] =	ssyncset.done $0x0  }
0x123: {  	[sflag:s23] =	ssyncadd.s32 $0xFFFFF200  }
0x124: {  	[bflag:$0x0] =	sbarrier.arrive $0xFFFF  }
0x125: {  	s19 =	rddreg [dreg:$0x8]  }
0x126: {  	s22 =	rddreg [dreg:$0xf]  }
0x127: {  	s20 =	rddreg [dreg:$0x14]  }
0x128: {  	[hbm:s22], [sflag:s19] =	dma.local [spmem:s20], $0x9C8  }
0x129: {  	s20 =	simm.s32 $0x9  }
0x12a: {  	_ =	swait.ge [sflag:s20], $0x9C8  }
0x12b: {  	s21 =	rddreg [dreg:$0x13]  }
0x12c: {  	s23 =	rddreg [dreg:$0x10];
	s21 =	sadd.s32 $0x1, s21  }
0x12d: {  	p0 =	sne.s32 s21, s23  }
.Ltmp5:
0x12e: {  	_ = 	snop;
	(pc) =	sbr.rel @p0 .LBB2_1-.Ltmp5, $3  }
0x12f: {  	_ =	sdelay $0x1  }
0x130: {  	[sflag:s20] =	ssyncset.done $0x0  }
0x131: {  	[sflag:s20] =	ssyncadd.s32 $0xFFFFF638  }
0x132: {  	_ =	sfence.sel $0x180000  }
0x133: {  	[bflag:$0x0] =	sbarrier.arrive $0xFFFF  }
0x134: {  	_ =	strace $0x9000004A  }
0x135: {  	s0 =	stileid.u32;
	[bflag:$0x2] =	sbarrier.arrive $0xFFFF  }
0x136: {  	p0 =	sne.s32 s0, $0x0;
	s0 =	rddreg [dreg:$0x5]  }
0x137: {  	s0 =	sadd.s32 @!p0 $0x100000, s0  }
0x138: {  	[sflag:s0] =	ssyncadd.tile.s32 @!p0 $0x1;
	_ =	shalt  }
.Lfunc_end2:
_tile_overlayer_lowered:
.L_overlay_start_2:
0x139: {  	(tag) =	ssettag $0x2  }
0x13a: {  	s0 =	rddreg [dreg:$0x0];
	s2 =	stileid.u32  }
0x13b: {  	s1 =	rddreg [dreg:$0x1];
	p0 =	sne.s32 s2, $0x0  }
0x13c: {  	s3 =	rddreg [dreg:$0x2];
	[bflag:$0x3] =	sbarrier.arrive $0xFFFF;
	s2 =	simm.s32 @!p0 $0x1C09  }
0x13d: {  	[timem:s3], [sflag:s2] =	dma.local @!p0 [hbm:s0], s1  }
0x13e: {  	s0 =	simm.s32 @!p0 $0x9  }
0x13f: {  	_ =	swait.ge @!p0 [sflag:s0], s1  }
0x140: {  	s1 =	ssub.s32 @!p0 $0x0, s1;
	[sflag:s0] =	ssyncset.done @!p0 $0x0  }
0x141: {  	[sflag:s0] =	ssyncadd.s32 @!p0 s1  }
0x142: {  	[bflag:$0x3] =	sbarrier.arrive $0xFFFF  }
0x143: {  	_ =	shalt  }

// kernel: kernel.15.cloned.1.call-start
scs
__scs_entry_jumppad:
0x0: {  	(pc) =	sbr.rel $0x88, $3  }
0x1: {  	(tag) =	ssettag $0x0;
	lr =	simm.s32 $0x1  }
0x2: {  	[smem:$0x3F95] =	sst lr;
	_ =	strace $0xD0000000  }
0x3: {  	_ = 	snop  }
0x4: {  	_ = 	snop  }
0x5: {  	_ = 	snop  }
0x6: {  	_ = 	snop  }
0x7: {  	_ = 	snop  }
__scs_overlays_trampoline_lowered:
0x8: {  	[smem:$0x3FA4] =	sst s0  }
0x9: {  	[smem:$0x3FA5] =	sst s1  }
0xa: {  	[smem:$0x3FA6] =	sst s2  }
0xb: {  	[smem:$0x3FA7] =	sst s3  }
0xc: {  	[smem:$0x3FA8] =	sst s4  }
0xd: {  	[smem:$0x3FA9] =	sst s5  }
0xe: {  	[smem:$0x3FAA] =	sst s6  }
0xf: {  	[smem:$0x3FAB] =	sst s7  }
0x10: {  	[smem:$0x3FAC] =	sst s8  }
0x11: {  	[smem:$0x3FAD] =	sst s9;
	s0 =	simm.s32 @!p0 $0x0  }
0x12: {  	s1 =	sld [smem:$0x3F93];
	s0 =	simm.s32 @p0 $0x1  }
0x13: {  	[smem:$0x3FAE] =	sst s0;
	s0 =	simm.s32 @!p1 $0x0  }
0x14: {  	s2 =	sld [smem:$0x3F92];
	s0 =	simm.s32 @p1 $0x1  }
0x15: {  	[smem:$0x3FAF] =	sst s0;
	s0 =	simm.s32 @!p2 $0x0  }
0x16: {  	s3 =	sld [smem:$0x3FDB];
	s0 =	simm.s32 @p2 $0x1  }
0x17: {  	s4 =	simm.s32 $0x1BF5;
	[smem:$0x3FB1] =	sst s0  }
0x18: {  	s0 =	sld [smem:$0x3F94];
	_ =	swait.ge [sflag:s4], $0x0  }
0x19: {  	s7 =	sld [smem:$0x3F95]  }
0x1a: {  	s8 =	sadd.s32 $0xFFFFE003, lr  }
0x1b: {  	s9 =	sadd.s32 $0xFFFFFEF7, lr;
	s5 =	simm.s32 $0xFFFFFFFF;
	p2 =	slt.u32 s8, $0xFFFFF086  }
0x1c: {  	p1 =	slt.u32 s9, $0xF7A;
	s5 =	simm.s32 @!p2 $0x0  }
0x1d: {  	s5 =	simm.s32 @p1 $0x1;
	p0 =	seq.s32 s7, s2  }
0x1e: {  	s7 =	smul.u32 @!p0 $0xF7A, s2;
	p2 =	seq.s32 @!p0 s5, $0x0  }
0x1f: {  	s9 =	smul.u32 $0xF7A, s1;
	s8 =	simm.s32 @!p0 $0x1BF5;
	p2 =	por !p2, p0  }
0x20: {  	[sflag:s8] =	ssyncset.s32 @!p0 $0xFFFFF086;
	s6 =	sadd.s32 @!p0 s3, s7;
	s7 =	simm.s32 @!p0 $0x108  }
0x21: {  	s3 =	sadd.s32 s3, s9;
	s6 =	sadd.s32 @!p0 $0x88, s6;
	s7 =	simm.s32 @p2 $0x1082  }
0x22: {  	[simem:s7], [sflag:s8] =	dma.local @!p0 [hbm:s6], $0xF7A  }
0x23: {  	s9 =	sor.u32 $0xD0000000, s2;
	s6 =	simm.s32 $0x108;
	_ =	swait.ge @!p0 [sflag:s8], $0x0  }
0x24: {  	s3 =	sadd.s32 $0x88, s3;
	s6 =	simm.s32 @!p1 $0x1082;
	[sflag:s4] =	ssyncset.s32 $0xFFFFF086  }
0x25: {  	[simem:s6], [sflag:s4] =	dma.local [hbm:s3], $0xF7A  }
0x26: {  	[smem:$0x3F95] =	sst s1;
	(tag) =	ssettag s2;
	_ =	strace s9  }
0x27: {  	s1 =	sld [smem:$0x3FA5]  }
0x28: {  	s2 =	sld [smem:$0x3FA6]  }
0x29: {  	s4 =	sld [smem:$0x3FA8]  }
0x2a: {  	p0 =	seq.s32 s5, $0x0;
	s5 =	sld [smem:$0x3FA9]  }
0x2b: {  	s6 =	sld [smem:$0x3FAA]  }
0x2c: {  	s7 =	sld [smem:$0x3FAB]  }
0x2d: {  	s3 =	simm.s32 $0x108;
	s8 =	sld [smem:$0x3FAC]  }
0x2e: {  	s3 =	simm.s32 @!p0 $0x1082;
	s9 =	sld [smem:$0x3FAD]  }
0x2f: {  	lr =	sadd.s32 s0, s3;
	s0 =	sld [smem:$0x3FA4]  }
0x30: {  	s3 =	sld [smem:$0x3FA7]  }
0x31: {  	[smem:$0x3FB0] =	sst s10  }
0x32: {  	s10 =	sld [smem:$0x3FAE];
	_ =	sdelay $0x3  }
0x33: {  	p0 =	seq.s32 s10, $0x1;
	s10 =	sld [smem:$0x3FB0];
	_ =	sdelay $0x3  }
0x34: {  	[smem:$0x3FB0] =	sst s10  }
0x35: {  	s10 =	sld [smem:$0x3FAF];
	_ =	sdelay $0x3  }
0x36: {  	p1 =	seq.s32 s10, $0x1;
	s10 =	sld [smem:$0x3FB0];
	_ =	sdelay $0x3  }
0x37: {  	[smem:$0x3FB0] =	sst s10  }
0x38: {  	s10 =	sld [smem:$0x3FB1]  }
0x39: {  	_ = 	snop;
	(pc) =	sbr.ind lr, $3  }
0x3a: {  	_ = 	snop  }
0x3b: {  	_ = 	snop  }
0x3c: {  	p2 =	seq.s32 s10, $0x1;
	s10 =	sld [smem:$0x3FB0]  }
0x3d: {  	_ =	shalt  }
0x3e: {  	_ =	shalt  }
0x3f: {  	_ =	shalt  }
0x40: {  	_ =	shalt  }
0x41: {  	_ =	shalt  }
0x42: {  	_ =	shalt  }
0x43: {  	_ =	shalt  }
0x44: {  	_ =	shalt  }
0x45: {  	_ =	shalt  }
0x46: {  	_ =	shalt  }
0x47: {  	_ =	shalt  }
0x48: {  	_ =	shalt  }
0x49: {  	_ =	shalt  }
0x4a: {  	_ =	shalt  }
0x4b: {  	_ =	shalt  }
0x4c: {  	_ =	shalt  }
0x4d: {  	_ =	shalt  }
0x4e: {  	_ =	shalt  }
0x4f: {  	_ =	shalt  }
0x50: {  	_ =	shalt  }
0x51: {  	_ =	shalt  }
0x52: {  	_ =	shalt  }
0x53: {  	_ =	shalt  }
0x54: {  	_ =	shalt  }
0x55: {  	_ =	shalt  }
0x56: {  	_ =	shalt  }
0x57: {  	_ =	shalt  }
0x58: {  	_ =	shalt  }
0x59: {  	_ =	shalt  }
0x5a: {  	_ =	shalt  }
0x5b: {  	_ =	shalt  }
0x5c: {  	_ =	shalt  }
0x5d: {  	_ =	shalt  }
0x5e: {  	_ =	shalt  }
0x5f: {  	_ =	shalt  }
0x60: {  	_ =	shalt  }
0x61: {  	_ =	shalt  }
0x62: {  	_ =	shalt  }
0x63: {  	_ =	shalt  }
0x64: {  	_ =	shalt  }
0x65: {  	_ =	shalt  }
0x66: {  	_ =	shalt  }
0x67: {  	_ =	shalt  }
0x68: {  	_ =	shalt  }
0x69: {  	_ =	shalt  }
0x6a: {  	_ =	shalt  }
0x6b: {  	_ =	shalt  }
0x6c: {  	_ =	shalt  }
0x6d: {  	_ =	shalt  }
0x6e: {  	_ =	shalt  }
0x6f: {  	_ =	shalt  }
0x70: {  	_ =	shalt  }
0x71: {  	_ =	shalt  }
0x72: {  	_ =	shalt  }
0x73: {  	_ =	shalt  }
0x74: {  	_ =	shalt  }
0x75: {  	_ =	shalt  }
0x76: {  	_ =	shalt  }
0x77: {  	_ =	shalt  }
0x78: {  	_ =	shalt  }
0x79: {  	_ =	shalt  }
0x7a: {  	_ =	shalt  }
0x7b: {  	_ =	shalt  }
0x7c: {  	_ =	shalt  }
0x7d: {  	_ =	shalt  }
0x7e: {  	_ =	shalt  }
0x7f: {  	_ =	shalt  }
0x80: {  	_ =	shalt  }
0x81: {  	_ =	shalt  }
0x82: {  	_ =	shalt  }
0x83: {  	_ =	shalt  }
0x84: {  	_ =	shalt  }
0x85: {  	_ =	shalt  }
0x86: {  	_ =	shalt  }
0x87: {  	_ =	shalt  }
.Lfunc_end0:
.L_simem_size_0:
called_computation.2_lowered:
.L_overlay_start_0:
0x88: {  	s2 =	sld [smem:$0x3FD9]  }
0x89: {  	s3 =	sld [smem:$0x3FFE];
	_ =	sdelay $0x1  }
0x8a: {  	s1 =	srdreg.scid  }
0x8b: {  	s0 =	sand.u32 $0x1, s1  }
0x8c: {  	s17 =	sshll.u32 s0, $0xA;
	s2 =	sadd.s32 s3, s2  }
0x8d: {  	s2 =	sadd.s32 s2, s17  }
0x8e: {  	[smem:$0x3FBC] =	sst s2  }
0x8f: {  	_ = 	snop  }
0x90: {  	s2 =	sld [smem:$0x3FD0];
	(tm) =	ssettm $0x1  }
0x91: {  	s18 =	sld [smem:$0x3FFB];
	_ =	sdelay $0x3  }
0x92: {  	_ =	strace s18  }
0x93: {  	s3 =	sld [smem:$0x3FFC];
	_ =	sdelay $0x3  }
0x94: {  	_ =	strace s3  }
0x95: {  	s3 =	sld [smem:$0x3FFD];
	_ =	sdelay $0x3  }
0x96: {  	_ =	strace s3  }
0x97: {  	_ =	strace $0x8FFFFFFF  }
0x98: {  	s19 =	sld [smem:$0x3FDB];
	_ =	sdelay $0x1  }
0x99: {  	s4 =	simm.s32 $_scs_section_size  }
0x9a: {  	s5 =	simm.s32 $_size__tile_overlayer_lowered;
	s6 =	simm.s32 $_tile_overlayer_lowered  }
0x9b: {  	s22 =	simm.s32 $0x1BFF;
	s21 =	sshll.u32 s6, $0x1;
	s3 =	sadd.s32 s4, s19  }
0x9c: {  	s7 =	simm.s32 $0x0;
	s20 =	sshll.u32 s5, $0x1;
	s5 =	sadd.s32 s21, s3  }
0x9d: {  	[timem:s7], [sflag:s22] =	dma.local [hbm:s5], s20  }
0x9e: {  	_ =	swait.ge [sflag:s22], s20  }
0x9f: {  	s4 =	ssub.s32 $0x0, s20;
	[sflag:s22] =	ssyncset.done $0x0  }
0xa0: {  	[sflag:s22] =	ssyncadd.s32 s4;
	_ =	sdelay $0x1  }
0xa1: {  	s23 =	simm.s32 $0x1B8B  }
0xa2: {  	_ =	swait.ge [sflag:s23], $0x1  }
0xa3: {  	[sflag:s23] =	ssyncset.done $0x0  }
0xa4: {  	s25 =	simm.s32 $0x1B8E;
	s24 =	sld [smem:$0x3FFE];
	[sflag:s23] =	ssyncadd.s32 $0xFFFFFFFF  }
0xa5: {  	s26 =	simm.s32 $execute0_lowered;
	[smem:$0x3FD2] =	sst s25  }
0xa6: {  	s5 =	sshll.u32 s26, $0x1;
	_ =	strace $0x8000004C;
	[dreg:$0x1] =	wrdreg $0xFFFFFFFF  }
0xa7: {  	s28 =	simm.s32 $_size_execute0_lowered;
	s3 =	sadd.s32 s3, s5;
	[dreg:$0x0] =	wrdreg $0x0  }
0xa8: {  	s5 =	sshll.u32 s28, $0x1;
	[dreg:$0x2] =	wrdreg s3  }
0xa9: {  	[dreg:$0x3] =	wrdreg s5  }
0xaa: {  	[dreg:$0x4] =	wrdreg $0xC0  }
0xab: {  	_ =	task [dreg:s7], $0x5FFFF  }
0xac: {  	[dreg:$0x1] =	wrdreg $0xFFFFFFFF  }
0xad: {  	[dreg:$0x0] =	wrdreg $0x60  }
0xae: {  	[dreg:$0x2] =	wrdreg s2  }
0xaf: {  	[dreg:$0x3] =	wrdreg s24  }
0xb0: {  	[dreg:$0x4] =	wrdreg $0x1EA00  }
0xb1: {  	[dreg:$0x5] =	wrdreg $0x45C00  }
0xb2: {  	[dreg:$0x6] =	wrdreg $0x9  }
0xb3: {  	_ =	task.clear_ibuf [dreg:s7], $0x7FFFF;
	_ =	strace $0x9000004C  }
0xb4: {  	s29 =	simm.s32 $0x9;
	_ =	strace $0x8000004E  }
0xb5: {  	_ =	swait.ge [sflag:s29], $0x1  }
0xb6: {  	[sflag:s29] =	ssyncadd.s32 $0xFFFFFFFF  }
0xb7: {  	_ =	strace $0x9000004E  }
0xb8: {  	_ =	sfence  }
0xb9: {  	s30 =	sld [smem:$0x0];
	_ =	sdelay $0x2  }
0xba: {  	s31 =	sshll.u32 s1, $0xD;
	s1 =	sshrl.u32 s1, $0x2  }
0xbb: {  	s3 =	sand.u32 $0x4000, s31;
	s1 =	sadd.s32 s1, s30  }
0xbc: {  	s0 =	sor.u32 s3, s0;
	s1 =	sshll.u32 s1, $0x11  }
0xbd: {  	s0 =	sor.u32 s1, s0  }
0xbe: {  	s0 =	sadd.s32 $0x8F2B, s0  }
0xbf: {  	[sflag:s0] =	ssyncadd.remote.s32 $0x1  }
0xc0: {  	_ =	sfence.sel $0xFFFF  }
0xc1: {  	[dreg:$0x0] =	wrdreg $0xFFFFFFFF;
	(pc) =	sbr.abs _section_cstart, $3  }
0xc2: {  	[dreg:$0x1] =	wrdreg $0xFFFFFFFF  }
0xc3: {  	_ =	task.clear_ibuf [dreg:s7], $0x2FFFF;
	_ =	strace $0x9FFFFFFF  }
0xc4: {  	(tm) =	ssettm $0x7FFFFFFF  }
0xc5: {  	_ =	shalt  }
tec
execute0_lowered:
.L_overlay_start_1:
0x0: {  	(tag) =	ssettag $0x1  }
0x1: {  	s0 =	rddreg [dreg:$0x0]  }
0x2: {  	s1 =	rddreg [dreg:$0x1]  }
0x3: {  	s2 =	rddreg [dreg:$0x2]  }
0x4: {  	s3 =	rddreg [dreg:$0x3];
	s4 =	simm.s32 $0x0  }
0x5: {  	s14 =	stileid.u32;
	s5 =	srdreg.scid;
	s28 =	simm.s32 $0x3  }
0x6: {  	s29 =	simm.s32 $0x1C0;
	s30 =	simm.s32 $0x10A0;
	s31 =	simm.s32 $0x1  }
0x7: {  	[smem:$0x7FF] =	sst s4;
	s7 =	smul.u32 $0x2720, s14;
	s8 =	sand.u32 $0x1, s5  }
0x8: {  	s5 =	sadd.s32 $0x38000, s1;
	s6 =	sadd.s32 $0x2E200, s1;
	s12 =	sshll.u32 s14, $0x1  }
0x9: {  	s19 =	sshll.u32 s14, $0x6;
	_ =	strace $0x8000004D;
	s9 =	smul.u32 $0x27200, s8  }
0xa: {  	s13 =	ssub.s32 $0x2, s8;
	s8 =	sor.u32 s8, s12;
	s10 =	sshrl.u32 s7, $0x3  }
0xb: {  	s17 =	sshrl.u32 s13, $0x1;
	s12 =	smul.u32 $0x2760, s8;
	s18 =	sadd.s32 s7, s2  }
0xc: {  	s8 =	sor.u32 $0x1C07, s19;
	s19 =	simm.s32 $0x7;
	s11 =	sadd.s32 s10, s1  }
0xd: {  	s9 =	sadd.s32 s7, s9;
	s7 =	sadd.s32 s7, s3;
	s0 =	sadd.s32 s0, s10  }
0xe: {  	s18 =	sshrl.u32 s18, $0x3;
	s10 =	simm.s32 $0x6;
	s9 =	sshrl.u32 s9, $0x3  }
0xf: {  	s11 =	sadd.s32 $0x2000, s11;
	s20 =	sshrl.u32 s12, $0x3;
	[dreg:$0x6] =	wrdreg s0  }
0x10: {  	s14 =	sadd.s32 $0xE0, s12;
	s15 =	sadd.s32 $0x150, s12;
	s1 =	sadd.s32 s9, s1  }
0x11: {  	s9 =	ssub.s32 s13, s17;
	[dreg:$0x5] =	wrdreg s11;
	s21 =	sadd.s32 $0xE, s20  }
0x12: {  	s22 =	sadd.s32 s5, s20;
	s23 =	sadd.s32 s6, s20;
	s20 =	sshrl.u32 s7, $0x3  }
0x13: {  	s7 =	simm.s32 $0x17A0;
	s11 =	simm.s32 $0x0;
	[dreg:$0x7] =	wrdreg s22  }
0x14: {  	[dreg:$0x8] =	wrdreg s23;
	s24 =	sadd.s32 s5, s21;
	s0 =	sadd.s32 s6, s21  }
0x15: {  	s25 =	sadd.s32 $0x7000, s1;
	s26 =	smax.u32 s9, $0x1;
	[dreg:$0x9] =	wrdreg s24  }
0x16: {  	s21 =	simm.s32 $0xE0;
	s22 =	simm.s32 $0x70;
	[dreg:$0xa] =	wrdreg s0  }
0x17: {  	s23 =	simm.s32 $0x2A0;
	s1 =	simm.s32 $0x230;
	[dreg:$0xb] =	wrdreg s25  }
0x18: {  	s9 =	simm.s32 $0x5;
	[dreg:$0xc] =	wrdreg s26;
	s24 =	simm.s32 $0x150  }
0x19: {  	s25 =	simm.s32 $0x2;
	s26 =	simm.s32 $0x9A0;
	s0 =	simm.s32 $0x4  }
.LBB2_1:
0x1a: {  	s12 =	rddreg [dreg:$0x5]  }
0x1b: {  	[spmem:s18], [sflag:s8] =	dma.local [hbm:s12], $0x4E4  }
0x1c: {  	_ =	swait.ge [sflag:s19], $0x4E4  }
0x1d: {  	[sflag:s19] =	ssyncset.done $0x0  }
0x1e: {  	s16 =	rddreg [dreg:$0x6];
	[sflag:s19] =	ssyncadd.s32 $0xFFFFFB1C  }
0x1f: {  	[spmem:s20], [sflag:s8] =	dma.local [hbm:s16], $0x4E4  }
0x20: {  	_ =	swait.ge [sflag:s19], $0x4E4  }
0x21: {  	[sflag:s19] =	ssyncset.done $0x0  }
0x22: {  	[sflag:s19] =	ssyncadd.s32 $0xFFFFFB1C  }
0x23: {  	[bflag:$0x0] =	sbarrier.arrive $0xFFFF  }
0x24: {  	s17 =	rddreg [dreg:$0x7]  }
0x25: {  	[tilespmem:s4], [sflag:$0x7] =	stream.linear.gather [hbm4b:s17+s4], $0x70, $0x38;
	[tilespmem:$0x6CE0] =	vst v63  }
0x26: {  	_ =	swait.ge [sflag:s19], $0x70  }
0x27: {  	[sflag:s19] =	ssyncset.done $0x0  }
0x28: {  	s13 =	rddreg [dreg:$0x8];
	[sflag:s19] =	ssyncadd.s32 $0xFFFFFF90  }
0x29: {  	[tilespmem:s21], [sflag:$0x7] =	stream.linear.gather [hbm4b:s13+s4], $0x70, $0x38;
	[tilespmem:$0x6CE0] =	vst v63  }
0x2a: {  	_ =	swait.ge [sflag:s19], $0x70  }
0x2b: {  	[sflag:s19] =	ssyncset.done $0x0  }
0x2c: {  	[sflag:s19] =	ssyncadd.s32 $0xFFFFFF90  }
0x2d: {  	[tilespmem:s23], [sflag:$0x3] =	stream.indirect.gather [spmem:s3], $0x10, s4, s22, $0xb8;
	[tilespmem:$0x6CE0] =	vst v63  }
0x2e: {  	s16 =	rddreg [dreg:$0x9]  }
0x2f: {  	[tilespmem:s22], [sflag:$0x2] =	stream.linear.gather [hbm4b:s16+s4], $0x70, $0x38;
	[tilespmem:$0x6CE0] =	vst v63  }
0x30: {  	s12 =	simm.s32 $0x0;
	s17 =	rddreg [dreg:$0xa]  }
0x31: {  	[tilespmem:s24], [sflag:$0x2] =	stream.linear.gather [hbm4b:s17+s4], $0x70, $0x38;
	[tilespmem:$0x6CE0] =	vst v63  }
.LBB2_2:
0x32: {  	_ =	swait.ge [sflag:s25], $0x70  }
0x33: {  	[sflag:s25] =	ssyncset.done $0x0  }
0x34: {  	[sflag:s25] =	ssyncadd.s32 $0xFFFFFF90  }
0x35: {  	_ =	swait.ge [sflag:s25], $0x70  }
0x36: {  	p0 =	seq.s32 s12, $0x0;
	[sflag:s25] =	ssyncset.done $0x0  }
0x37: {  	s13 =	simm.s32 @!p0 $0x5;
	[sflag:s25] =	ssyncadd.s32 $0xFFFFFF90  }
0x38: {  	[tilespmem:s26], [sflag:$0x4] =	stream.indirect.gather [spmem:s3], $0x10, s22, s22, $0xb8;
	[tilespmem:$0x6CE0] =	vst v63  }
0x39: {  	_ =	swait.ge @!p0 [sflag:s13], $0x700  }
0x3a: {  	[sflag:s13] =	ssyncset.done @!p0 $0x0  }
0x3b: {  	[sflag:s13] =	ssyncadd.s32 @!p0 $0xFFFFF900  }
0x3c: {  	_ =	swait.ge [sflag:s28], $0x700  }
0x3d: {  	[sflag:s28] =	ssyncset.done $0x0  }
0x3e: {  	[sflag:s28] =	ssyncadd.s32 $0xFFFFF900  }
0x3f: {  	v0 =	vld [tilespmem:$0xE0]  }
0x40: {  	v1 =	vld [tilespmem:$0xF0]  }
0x41: {  	v2 =	vld [tilespmem:$0x100]  }
0x42: {  	v3 =	vld [tilespmem:$0x110]  }
0x43: {  	v4 =	vld [tilespmem:$0x120]  }
0x44: {  	[tilespmem:$0x1C0] =	vst v0;
	v0 =	vld [tilespmem:$0x130]  }
0x45: {  	[tilespmem:$0x1D0] =	vst v1;
	v1 =	vld [tilespmem:$0x140]  }
0x46: {  	[tilespmem:$0x1E0] =	vst v2  }
0x47: {  	[tilespmem:$0x1F0] =	vst v3  }
0x48: {  	[tilespmem:$0x200] =	vst v4  }
0x49: {  	[tilespmem:$0x210] =	vst v0  }
0x4a: {  	s13 =	simm.s32 $0x0;
	[tilespmem:$0x220] =	vst v1  }
0x4b: {  	s16 =	simm.s32 $0x40;
	v0 =	vld [tilespmem:s13+$0x2A0]  }
.LBB2_3:
0x4c: {  	p1 =	sne.s32 s16, $0x1BC0  }
.Ltmp0:
0x4d: {  	_ = 	snop;
	(pc) =	sbr.rel @p1 .LBB2_3-.Ltmp0, $3  }
0x4e: {  	_ =	sdelay $0x1  }
0x4f: {  	[tilespmem:s13+$0x10A0] =	vst v0;
	s13 =	sshra.s32 s16, $0x2;
	s16 =	sadd.s32 $0x40, s16  }
0x50: {  	v0 =	vld [tilespmem:s13+$0x2A0]  }
0x51: {  	_ =	sdelay $0x3  }
0x52: {  	[tilespmem:s13+$0x10A0] =	vst v0;
	s13 =	smul.u32 $0xE0, s12  }
0x53: {  	[spmem:s2] =	stream.indirect.scatter.add.f32 [tilespmem:s30], [sflag:$0x5], $0x10, s29, s22, $0xb8;
	[tilespmem:$0x6CE0] =	vst v63  }
0x54: {  	s16 =	sadd.s32 s13, s14  }
0x55: {  	s16 =	sshrl.u32 s16, $0x3  }
0x56: {  	s17 =	sadd.s32 s5, s16  }
0x57: {  	[tilespmem:s4], [sflag:$0x1] =	stream.linear.gather [hbm4b:s17+s4], $0x70, $0x38;
	[tilespmem:$0x6CE0] =	vst v63  }
0x58: {  	s16 =	sadd.s32 s6, s16  }
0x59: {  	[tilespmem:s21], [sflag:$0x1] =	stream.linear.gather [hbm4b:s16+s4], $0x70, $0x38;
	[tilespmem:$0x6CE0] =	vst v63  }
0x5a: {  	_ =	swait.ge [sflag:s31], $0x70  }
0x5b: {  	[sflag:s31] =	ssyncset.done $0x0  }
0x5c: {  	[sflag:s31] =	ssyncadd.s32 $0xFFFFFF90  }
0x5d: {  	_ =	swait.ge [sflag:s31], $0x70  }
0x5e: {  	[sflag:s31] =	ssyncset.done $0x0  }
0x5f: {  	s16 =	simm.s32 @!p0 $0x6;
	[sflag:s31] =	ssyncadd.s32 $0xFFFFFF90  }
0x60: {  	[tilespmem:s23], [sflag:$0x3] =	stream.indirect.gather [spmem:s3], $0x10, s4, s22, $0xb8;
	[tilespmem:$0x6CE0] =	vst v63  }
0x61: {  	_ =	swait.ge @!p0 [sflag:s16], $0x700  }
0x62: {  	[sflag:s16] =	ssyncset.done @!p0 $0x0  }
0x63: {  	[sflag:s16] =	ssyncadd.s32 @!p0 $0xFFFFF900  }
0x64: {  	_ =	swait.ge [sflag:s0], $0x700  }
0x65: {  	[sflag:s0] =	ssyncset.done $0x0  }
0x66: {  	[sflag:s0] =	ssyncadd.s32 $0xFFFFF900  }
0x67: {  	v0 =	vld [tilespmem:$0x150]  }
0x68: {  	v1 =	vld [tilespmem:$0x160]  }
0x69: {  	v2 =	vld [tilespmem:$0x170]  }
0x6a: {  	v3 =	vld [tilespmem:$0x180]  }
0x6b: {  	v4 =	vld [tilespmem:$0x190]  }
0x6c: {  	[tilespmem:$0x230] =	vst v0;
	v0 =	vld [tilespmem:$0x1A0]  }
0x6d: {  	[tilespmem:$0x240] =	vst v1;
	v1 =	vld [tilespmem:$0x1B0]  }
0x6e: {  	[tilespmem:$0x250] =	vst v2  }
0x6f: {  	[tilespmem:$0x260] =	vst v3  }
0x70: {  	[tilespmem:$0x270] =	vst v4  }
0x71: {  	[tilespmem:$0x280] =	vst v0  }
0x72: {  	s16 =	simm.s32 $0x0;
	[tilespmem:$0x290] =	vst v1  }
0x73: {  	s17 =	simm.s32 $0x40;
	v0 =	vld [tilespmem:s16+$0x9A0]  }
.LBB2_5:
0x74: {  	p0 =	sne.s32 s17, $0x1BC0  }
.Ltmp1:
0x75: {  	_ = 	snop;
	(pc) =	sbr.rel @p0 .LBB2_5-.Ltmp1, $3  }
0x76: {  	_ =	sdelay $0x1  }
0x77: {  	[tilespmem:s16+$0x17A0] =	vst v0;
	s16 =	sshra.s32 s17, $0x2;
	s17 =	sadd.s32 $0x40, s17  }
0x78: {  	v0 =	vld [tilespmem:s16+$0x9A0]  }
0x79: {  	_ =	sdelay $0x2  }
0x7a: {  	s12 =	sadd.s32 $0x1, s12  }
0x7b: {  	s13 =	sadd.s32 s13, s15;
	p0 =	sne.s32 s12, $0x2C;
	[tilespmem:s16+$0x17A0] =	vst v0  }
0x7c: {  	[spmem:s2] =	stream.indirect.scatter.add.f32 [tilespmem:s7], [sflag:$0x6], $0x10, s1, s22, $0xb8;
	[tilespmem:$0x6CE0] =	vst v63  }
.Ltmp2:
0x7d: {  	s13 =	sshrl.u32 s13, $0x3;
	(pc) =	sbr.rel @p0 .LBB2_2-.Ltmp2, $4  }
0x7e: {  	s17 =	sadd.s32 s5, s13  }
0x7f: {  	[tilespmem:s22], [sflag:$0x2] =	stream.linear.gather [hbm4b:s17+s4], $0x70, $0x38;
	[tilespmem:$0x6CE0] =	vst v63  }
0x80: {  	s13 =	sadd.s32 s6, s13  }
0x81: {  	[tilespmem:s24], [sflag:$0x2] =	stream.linear.gather [hbm4b:s13+s4], $0x70, $0x38;
	[tilespmem:$0x6CE0] =	vst v63  }
0x82: {  	_ =	swait.ge [sflag:s25], $0x70  }
0x83: {  	[sflag:s25] =	ssyncset.done $0x0  }
0x84: {  	[sflag:s25] =	ssyncadd.s32 $0xFFFFFF90  }
0x85: {  	_ =	swait.ge [sflag:s25], $0x70  }
0x86: {  	[sflag:s25] =	ssyncset.done $0x0  }
0x87: {  	[sflag:s25] =	ssyncadd.s32 $0xFFFFFF90  }
0x88: {  	[tilespmem:s26], [sflag:$0x4] =	stream.indirect.gather [spmem:s3], $0x10, s22, s22, $0xb8;
	[tilespmem:$0x6CE0] =	vst v63  }
0x89: {  	_ =	swait.ge [sflag:s9], $0x700  }
0x8a: {  	[sflag:s9] =	ssyncset.done $0x0  }
0x8b: {  	[sflag:s9] =	ssyncadd.s32 $0xFFFFF900  }
0x8c: {  	_ =	swait.ge [sflag:s28], $0x700  }
0x8d: {  	[sflag:s28] =	ssyncset.done $0x0  }
0x8e: {  	[sflag:s28] =	ssyncadd.s32 $0xFFFFF900  }
0x8f: {  	v0 =	vld [tilespmem:$0xE0]  }
0x90: {  	v1 =	vld [tilespmem:$0xF0]  }
0x91: {  	v2 =	vld [tilespmem:$0x100]  }
0x92: {  	v3 =	vld [tilespmem:$0x110]  }
0x93: {  	v4 =	vld [tilespmem:$0x120]  }
0x94: {  	[tilespmem:$0x1C0] =	vst v0;
	v0 =	vld [tilespmem:$0x130]  }
0x95: {  	[tilespmem:$0x1D0] =	vst v1;
	v1 =	vld [tilespmem:$0x140]  }
0x96: {  	[tilespmem:$0x1E0] =	vst v2  }
0x97: {  	[tilespmem:$0x1F0] =	vst v3  }
0x98: {  	[tilespmem:$0x200] =	vst v4  }
0x99: {  	[tilespmem:$0x210] =	vst v0  }
0x9a: {  	s12 =	simm.s32 $0x0;
	[tilespmem:$0x220] =	vst v1  }
0x9b: {  	s13 =	simm.s32 $0x40;
	v0 =	vld [tilespmem:s12+$0x2A0]  }
.LBB2_8:
0x9c: {  	p0 =	sne.s32 s13, $0x1BC0  }
.Ltmp3:
0x9d: {  	_ = 	snop;
	(pc) =	sbr.rel @p0 .LBB2_8-.Ltmp3, $3  }
0x9e: {  	_ =	sdelay $0x1  }
0x9f: {  	[tilespmem:s12+$0x10A0] =	vst v0;
	s12 =	sshra.s32 s13, $0x2;
	s13 =	sadd.s32 $0x40, s13  }
0xa0: {  	v0 =	vld [tilespmem:s12+$0x2A0]  }
0xa1: {  	_ =	sdelay $0x3  }
0xa2: {  	[tilespmem:s12+$0x10A0] =	vst v0  }
0xa3: {  	[spmem:s2] =	stream.indirect.scatter.add.f32 [tilespmem:s30], [sflag:$0x5], $0x10, s29, s22, $0xb8;
	[tilespmem:$0x6CE0] =	vst v63  }
0xa4: {  	_ =	swait.ge [sflag:s10], $0x700  }
0xa5: {  	[sflag:s10] =	ssyncset.done $0x0  }
0xa6: {  	[sflag:s10] =	ssyncadd.s32 $0xFFFFF900  }
0xa7: {  	_ =	swait.ge [sflag:s0], $0x700  }
0xa8: {  	[sflag:s0] =	ssyncset.done $0x0  }
0xa9: {  	[sflag:s0] =	ssyncadd.s32 $0xFFFFF900  }
0xaa: {  	v0 =	vld [tilespmem:$0x150]  }
0xab: {  	v1 =	vld [tilespmem:$0x160]  }
0xac: {  	v2 =	vld [tilespmem:$0x170]  }
0xad: {  	v3 =	vld [tilespmem:$0x180]  }
0xae: {  	v4 =	vld [tilespmem:$0x190]  }
0xaf: {  	[tilespmem:$0x230] =	vst v0;
	v0 =	vld [tilespmem:$0x1A0]  }
0xb0: {  	[tilespmem:$0x240] =	vst v1;
	v1 =	vld [tilespmem:$0x1B0]  }
0xb1: {  	[tilespmem:$0x250] =	vst v2  }
0xb2: {  	[tilespmem:$0x260] =	vst v3  }
0xb3: {  	[tilespmem:$0x270] =	vst v4  }
0xb4: {  	[tilespmem:$0x280] =	vst v0  }
0xb5: {  	s12 =	simm.s32 $0x0;
	[tilespmem:$0x290] =	vst v1  }
0xb6: {  	s13 =	simm.s32 $0x40;
	v0 =	vld [tilespmem:s12+$0x9A0]  }
.LBB2_10:
0xb7: {  	p0 =	sne.s32 s13, $0x1BC0  }
.Ltmp4:
0xb8: {  	_ = 	snop;
	(pc) =	sbr.rel @p0 .LBB2_10-.Ltmp4, $3  }
0xb9: {  	_ =	sdelay $0x1  }
0xba: {  	[tilespmem:s12+$0x17A0] =	vst v0;
	s12 =	sshra.s32 s13, $0x2;
	s13 =	sadd.s32 $0x40, s13  }
0xbb: {  	v0 =	vld [tilespmem:s12+$0x9A0]  }
0xbc: {  	_ =	sdelay $0x3  }
0xbd: {  	[tilespmem:s12+$0x17A0] =	vst v0  }
0xbe: {  	[spmem:s2] =	stream.indirect.scatter.add.f32 [tilespmem:s7], [sflag:$0x6], $0x10, s1, s22, $0xb8;
	[tilespmem:$0x6CE0] =	vst v63  }
0xbf: {  	_ =	swait.ge [sflag:s9], $0x700  }
0xc0: {  	[sflag:s9] =	ssyncset.done $0x0  }
0xc1: {  	[sflag:s9] =	ssyncadd.s32 $0xFFFFF900  }
0xc2: {  	_ =	swait.ge [sflag:s10], $0x700  }
0xc3: {  	[sflag:s10] =	ssyncset.done $0x0  }
0xc4: {  	[sflag:s10] =	ssyncadd.s32 $0xFFFFF900  }
0xc5: {  	[bflag:$0x0] =	sbarrier.arrive $0xFFFF  }
0xc6: {  	s16 =	rddreg [dreg:$0xb]  }
0xc7: {  	[hbm:s16], [sflag:s8] =	dma.local [spmem:s18], $0x4E4  }
0xc8: {  	_ =	swait.ge [sflag:s19], $0x4E4  }
0xc9: {  	s11 =	sadd.s32 $0x1, s11;
	s17 =	rddreg [dreg:$0xc]  }
0xca: {  	p0 =	sne.s32 s11, s17  }
.Ltmp5:
0xcb: {  	_ = 	snop;
	(pc) =	sbr.rel @p0 .LBB2_1-.Ltmp5, $3  }
0xcc: {  	_ =	sdelay $0x1  }
0xcd: {  	[sflag:s19] =	ssyncset.done $0x0  }
0xce: {  	[sflag:s19] =	ssyncadd.s32 $0xFFFFFB1C  }
0xcf: {  	_ =	sfence.sel $0x180000  }
0xd0: {  	[bflag:$0x0] =	sbarrier.arrive $0xFFFF  }
0xd1: {  	_ =	strace $0x9000004D  }
0xd2: {  	s0 =	stileid.u32;
	[bflag:$0x2] =	sbarrier.arrive $0xFFFF  }
0xd3: {  	p0 =	sne.s32 s0, $0x0;
	s0 =	rddreg [dreg:$0x4]  }
0xd4: {  	s0 =	sadd.s32 @!p0 $0x100000, s0  }
0xd5: {  	[sflag:s0] =	ssyncadd.tile.s32 @!p0 $0x1;
	_ =	shalt  }
.Lfunc_end2:
_tile_overlayer_lowered:
.L_overlay_start_2:
0xd6: {  	(tag) =	ssettag $0x2  }
0xd7: {  	s0 =	rddreg [dreg:$0x0];
	s2 =	stileid.u32  }
0xd8: {  	s1 =	rddreg [dreg:$0x1];
	p0 =	sne.s32 s2, $0x0  }
0xd9: {  	s3 =	rddreg [dreg:$0x2];
	[bflag:$0x3] =	sbarrier.arrive $0xFFFF;
	s2 =	simm.s32 @!p0 $0x1C07  }
0xda: {  	[timem:s3], [sflag:s2] =	dma.local @!p0 [hbm:s0], s1  }
0xdb: {  	s0 =	simm.s32 @!p0 $0x7  }
0xdc: {  	_ =	swait.ge @!p0 [sflag:s0], s1  }
0xdd: {  	s1 =	ssub.s32 @!p0 $0x0, s1;
	[sflag:s0] =	ssyncset.done @!p0 $0x0  }
0xde: {  	[sflag:s0] =	ssyncadd.s32 @!p0 s1  }
0xdf: {  	[bflag:$0x3] =	sbarrier.arrive $0xFFFF  }
0xe0: {  	_ =	shalt  }

// kernel: kernel.9.cloned.1.call-start
scs
__scs_entry_jumppad:
0x0: {  	(pc) =	sbr.rel $0x88, $3  }
0x1: {  	(tag) =	ssettag $0x0;
	lr =	simm.s32 $0x1  }
0x2: {  	[smem:$0x3F95] =	sst lr;
	_ =	strace $0xD0000000  }
0x3: {  	_ = 	snop  }
0x4: {  	_ = 	snop  }
0x5: {  	_ = 	snop  }
0x6: {  	_ = 	snop  }
0x7: {  	_ = 	snop  }
__scs_overlays_trampoline_lowered:
0x8: {  	[smem:$0x3FA4] =	sst s0  }
0x9: {  	[smem:$0x3FA5] =	sst s1  }
0xa: {  	[smem:$0x3FA6] =	sst s2  }
0xb: {  	[smem:$0x3FA7] =	sst s3  }
0xc: {  	[smem:$0x3FA8] =	sst s4  }
0xd: {  	[smem:$0x3FA9] =	sst s5  }
0xe: {  	[smem:$0x3FAA] =	sst s6  }
0xf: {  	[smem:$0x3FAB] =	sst s7  }
0x10: {  	[smem:$0x3FAC] =	sst s8  }
0x11: {  	[smem:$0x3FAD] =	sst s9;
	s0 =	simm.s32 @!p0 $0x0  }
0x12: {  	s1 =	sld [smem:$0x3F93];
	s0 =	simm.s32 @p0 $0x1  }
0x13: {  	[smem:$0x3FAE] =	sst s0;
	s0 =	simm.s32 @!p1 $0x0  }
0x14: {  	s2 =	sld [smem:$0x3F92];
	s0 =	simm.s32 @p1 $0x1  }
0x15: {  	[smem:$0x3FAF] =	sst s0;
	s0 =	simm.s32 @!p2 $0x0  }
0x16: {  	s3 =	sld [smem:$0x3FDB];
	s0 =	simm.s32 @p2 $0x1  }
0x17: {  	s4 =	simm.s32 $0x1BF5;
	[smem:$0x3FB1] =	sst s0  }
0x18: {  	s0 =	sld [smem:$0x3F94];
	_ =	swait.ge [sflag:s4], $0x0  }
0x19: {  	s7 =	sld [smem:$0x3F95]  }
0x1a: {  	s8 =	sadd.s32 $0xFFFFE003, lr  }
0x1b: {  	s9 =	sadd.s32 $0xFFFFFEF7, lr;
	s5 =	simm.s32 $0xFFFFFFFF;
	p2 =	slt.u32 s8, $0xFFFFF086  }
0x1c: {  	p1 =	slt.u32 s9, $0xF7A;
	s5 =	simm.s32 @!p2 $0x0  }
0x1d: {  	s5 =	simm.s32 @p1 $0x1;
	p0 =	seq.s32 s7, s2  }
0x1e: {  	s7 =	smul.u32 @!p0 $0xF7A, s2;
	p2 =	seq.s32 @!p0 s5, $0x0  }
0x1f: {  	s9 =	smul.u32 $0xF7A, s1;
	s8 =	simm.s32 @!p0 $0x1BF5;
	p2 =	por !p2, p0  }
0x20: {  	[sflag:s8] =	ssyncset.s32 @!p0 $0xFFFFF086;
	s6 =	sadd.s32 @!p0 s3, s7;
	s7 =	simm.s32 @!p0 $0x108  }
0x21: {  	s3 =	sadd.s32 s3, s9;
	s6 =	sadd.s32 @!p0 $0x88, s6;
	s7 =	simm.s32 @p2 $0x1082  }
0x22: {  	[simem:s7], [sflag:s8] =	dma.local @!p0 [hbm:s6], $0xF7A  }
0x23: {  	s9 =	sor.u32 $0xD0000000, s2;
	s6 =	simm.s32 $0x108;
	_ =	swait.ge @!p0 [sflag:s8], $0x0  }
0x24: {  	s3 =	sadd.s32 $0x88, s3;
	s6 =	simm.s32 @!p1 $0x1082;
	[sflag:s4] =	ssyncset.s32 $0xFFFFF086  }
0x25: {  	[simem:s6], [sflag:s4] =	dma.local [hbm:s3], $0xF7A  }
0x26: {  	[smem:$0x3F95] =	sst s1;
	(tag) =	ssettag s2;
	_ =	strace s9  }
0x27: {  	s1 =	sld [smem:$0x3FA5]  }
0x28: {  	s2 =	sld [smem:$0x3FA6]  }
0x29: {  	s4 =	sld [smem:$0x3FA8]  }
0x2a: {  	p0 =	seq.s32 s5, $0x0;
	s5 =	sld [smem:$0x3FA9]  }
0x2b: {  	s6 =	sld [smem:$0x3FAA]  }
0x2c: {  	s7 =	sld [smem:$0x3FAB]  }
0x2d: {  	s3 =	simm.s32 $0x108;
	s8 =	sld [smem:$0x3FAC]  }
0x2e: {  	s3 =	simm.s32 @!p0 $0x1082;
	s9 =	sld [smem:$0x3FAD]  }
0x2f: {  	lr =	sadd.s32 s0, s3;
	s0 =	sld [smem:$0x3FA4]  }
0x30: {  	s3 =	sld [smem:$0x3FA7]  }
0x31: {  	[smem:$0x3FB0] =	sst s10  }
0x32: {  	s10 =	sld [smem:$0x3FAE];
	_ =	sdelay $0x3  }
0x33: {  	p0 =	seq.s32 s10, $0x1;
	s10 =	sld [smem:$0x3FB0];
	_ =	sdelay $0x3  }
0x34: {  	[smem:$0x3FB0] =	sst s10  }
0x35: {  	s10 =	sld [smem:$0x3FAF];
	_ =	sdelay $0x3  }
0x36: {  	p1 =	seq.s32 s10, $0x1;
	s10 =	sld [smem:$0x3FB0];
	_ =	sdelay $0x3  }
0x37: {  	[smem:$0x3FB0] =	sst s10  }
0x38: {  	s10 =	sld [smem:$0x3FB1]  }
0x39: {  	_ = 	snop;
	(pc) =	sbr.ind lr, $3  }
0x3a: {  	_ = 	snop  }
0x3b: {  	_ = 	snop  }
0x3c: {  	p2 =	seq.s32 s10, $0x1;
	s10 =	sld [smem:$0x3FB0]  }
0x3d: {  	_ =	shalt  }
0x3e: {  	_ =	shalt  }
0x3f: {  	_ =	shalt  }
0x40: {  	_ =	shalt  }
0x41: {  	_ =	shalt  }
0x42: {  	_ =	shalt  }
0x43: {  	_ =	shalt  }
0x44: {  	_ =	shalt  }
0x45: {  	_ =	shalt  }
0x46: {  	_ =	shalt  }
0x47: {  	_ =	shalt  }
0x48: {  	_ =	shalt  }
0x49: {  	_ =	shalt  }
0x4a: {  	_ =	shalt  }
0x4b: {  	_ =	shalt  }
0x4c: {  	_ =	shalt  }
0x4d: {  	_ =	shalt  }
0x4e: {  	_ =	shalt  }
0x4f: {  	_ =	shalt  }
0x50: {  	_ =	shalt  }
0x51: {  	_ =	shalt  }
0x52: {  	_ =	shalt  }
0x53: {  	_ =	shalt  }
0x54: {  	_ =	shalt  }
0x55: {  	_ =	shalt  }
0x56: {  	_ =	shalt  }
0x57: {  	_ =	shalt  }
0x58: {  	_ =	shalt  }
0x59: {  	_ =	shalt  }
0x5a: {  	_ =	shalt  }
0x5b: {  	_ =	shalt  }
0x5c: {  	_ =	shalt  }
0x5d: {  	_ =	shalt  }
0x5e: {  	_ =	shalt  }
0x5f: {  	_ =	shalt  }
0x60: {  	_ =	shalt  }
0x61: {  	_ =	shalt  }
0x62: {  	_ =	shalt  }
0x63: {  	_ =	shalt  }
0x64: {  	_ =	shalt  }
0x65: {  	_ =	shalt  }
0x66: {  	_ =	shalt  }
0x67: {  	_ =	shalt  }
0x68: {  	_ =	shalt  }
0x69: {  	_ =	shalt  }
0x6a: {  	_ =	shalt  }
0x6b: {  	_ =	shalt  }
0x6c: {  	_ =	shalt  }
0x6d: {  	_ =	shalt  }
0x6e: {  	_ =	shalt  }
0x6f: {  	_ =	shalt  }
0x70: {  	_ =	shalt  }
0x71: {  	_ =	shalt  }
0x72: {  	_ =	shalt  }
0x73: {  	_ =	shalt  }
0x74: {  	_ =	shalt  }
0x75: {  	_ =	shalt  }
0x76: {  	_ =	shalt  }
0x77: {  	_ =	shalt  }
0x78: {  	_ =	shalt  }
0x79: {  	_ =	shalt  }
0x7a: {  	_ =	shalt  }
0x7b: {  	_ =	shalt  }
0x7c: {  	_ =	shalt  }
0x7d: {  	_ =	shalt  }
0x7e: {  	_ =	shalt  }
0x7f: {  	_ =	shalt  }
0x80: {  	_ =	shalt  }
0x81: {  	_ =	shalt  }
0x82: {  	_ =	shalt  }
0x83: {  	_ =	shalt  }
0x84: {  	_ =	shalt  }
0x85: {  	_ =	shalt  }
0x86: {  	_ =	shalt  }
0x87: {  	_ =	shalt  }
.Lfunc_end0:
.L_simem_size_0:
called_computation_lowered:
.L_overlay_start_0:
0x88: {  	s2 =	sld [smem:$0x3FD9]  }
0x89: {  	s3 =	sld [smem:$0x3FFE];
	_ =	sdelay $0x1  }
0x8a: {  	s1 =	srdreg.scid  }
0x8b: {  	s0 =	sand.u32 $0x1, s1  }
0x8c: {  	s17 =	sshll.u32 s0, $0xA;
	s2 =	sadd.s32 s3, s2  }
0x8d: {  	s2 =	sadd.s32 s2, s17  }
0x8e: {  	[smem:$0x3FBC] =	sst s2  }
0x8f: {  	_ = 	snop  }
0x90: {  	s2 =	sld [smem:$0x3FD0];
	(tm) =	ssettm $0x1  }
0x91: {  	s18 =	sld [smem:$0x3FFB];
	_ =	sdelay $0x3  }
0x92: {  	_ =	strace s18  }
0x93: {  	s3 =	sld [smem:$0x3FFC];
	_ =	sdelay $0x3  }
0x94: {  	_ =	strace s3  }
0x95: {  	s3 =	sld [smem:$0x3FFD];
	_ =	sdelay $0x3  }
0x96: {  	_ =	strace s3  }
0x97: {  	_ =	strace $0x8FFFFFFF  }
0x98: {  	s19 =	sld [smem:$0x3FDB];
	_ =	sdelay $0x1  }
0x99: {  	s4 =	simm.s32 $_scs_section_size  }
0x9a: {  	s5 =	simm.s32 $_size__tile_overlayer_lowered;
	s6 =	simm.s32 $_tile_overlayer_lowered  }
0x9b: {  	s22 =	simm.s32 $0x1BFF;
	s21 =	sshll.u32 s6, $0x1;
	s3 =	sadd.s32 s4, s19  }
0x9c: {  	s7 =	simm.s32 $0x0;
	s20 =	sshll.u32 s5, $0x1;
	s5 =	sadd.s32 s21, s3  }
0x9d: {  	[timem:s7], [sflag:s22] =	dma.local [hbm:s5], s20  }
0x9e: {  	_ =	swait.ge [sflag:s22], s20  }
0x9f: {  	s4 =	ssub.s32 $0x0, s20;
	[sflag:s22] =	ssyncset.done $0x0  }
0xa0: {  	[sflag:s22] =	ssyncadd.s32 s4;
	_ =	sdelay $0x1  }
0xa1: {  	s23 =	simm.s32 $0x1B8B  }
0xa2: {  	_ =	swait.ge [sflag:s23], $0x1  }
0xa3: {  	[sflag:s23] =	ssyncset.done $0x0  }
0xa4: {  	s25 =	simm.s32 $0x1B8E;
	s24 =	sld [smem:$0x3FFE];
	[sflag:s23] =	ssyncadd.s32 $0xFFFFFFFF  }
0xa5: {  	s26 =	simm.s32 $execute0_lowered;
	[smem:$0x3FD2] =	sst s25  }
0xa6: {  	s5 =	sshll.u32 s26, $0x1;
	_ =	strace $0x80000046;
	[dreg:$0x1] =	wrdreg $0xFFFFFFFF  }
0xa7: {  	s28 =	simm.s32 $_size_execute0_lowered;
	s3 =	sadd.s32 s3, s5;
	[dreg:$0x0] =	wrdreg $0x0  }
0xa8: {  	s5 =	sshll.u32 s28, $0x1;
	[dreg:$0x2] =	wrdreg s3  }
0xa9: {  	[dreg:$0x3] =	wrdreg s5  }
0xaa: {  	[dreg:$0x4] =	wrdreg $0xC0  }
0xab: {  	_ =	task [dreg:s7], $0x5FFFF  }
0xac: {  	[dreg:$0x1] =	wrdreg $0xFFFFFFFF  }
0xad: {  	[dreg:$0x0] =	wrdreg $0x60  }
0xae: {  	[dreg:$0x2] =	wrdreg s24  }
0xaf: {  	[dreg:$0x3] =	wrdreg s2  }
0xb0: {  	[dreg:$0x4] =	wrdreg $0x73200  }
0xb1: {  	[dreg:$0x5] =	wrdreg $0x9  }
0xb2: {  	_ =	task.clear_ibuf [dreg:s7], $0x6FFFF;
	_ =	strace $0x90000046  }
0xb3: {  	s29 =	simm.s32 $0x9;
	_ =	strace $0x80000048  }
0xb4: {  	_ =	swait.ge [sflag:s29], $0x1  }
0xb5: {  	[sflag:s29] =	ssyncadd.s32 $0xFFFFFFFF  }
0xb6: {  	_ =	strace $0x90000048  }
0xb7: {  	_ =	sfence  }
0xb8: {  	s30 =	sld [smem:$0x0];
	_ =	sdelay $0x2  }
0xb9: {  	s31 =	sshll.u32 s1, $0xD;
	s1 =	sshrl.u32 s1, $0x2  }
0xba: {  	s3 =	sand.u32 $0x4000, s31;
	s1 =	sadd.s32 s1, s30  }
0xbb: {  	s0 =	sor.u32 s3, s0;
	s1 =	sshll.u32 s1, $0x11  }
0xbc: {  	s0 =	sor.u32 s1, s0  }
0xbd: {  	s0 =	sadd.s32 $0x8F2B, s0  }
0xbe: {  	[sflag:s0] =	ssyncadd.remote.s32 $0x1  }
0xbf: {  	_ =	sfence.sel $0xFFFF  }
0xc0: {  	[dreg:$0x0] =	wrdreg $0xFFFFFFFF;
	(pc) =	sbr.abs _section_cstart, $3  }
0xc1: {  	[dreg:$0x1] =	wrdreg $0xFFFFFFFF  }
0xc2: {  	_ =	task.clear_ibuf [dreg:s7], $0x2FFFF;
	_ =	strace $0x9FFFFFFF  }
0xc3: {  	(tm) =	ssettm $0x7FFFFFFF  }
tec
execute0_lowered:
.L_overlay_start_1:
0x0: {  	(tag) =	ssettag $0x1  }
0x1: {  	s0 =	rddreg [dreg:$0x0]  }
0x2: {  	s1 =	rddreg [dreg:$0x1]  }
0x3: {  	s3 =	rddreg [dreg:$0x2];
	s4 =	simm.s32 $0x0;
	s13 =	stileid.u32  }
0x4: {  	s2 =	srdreg.scid;
	s17 =	simm.s32 $0x9;
	s28 =	simm.s32 $0x3A20  }
0x5: {  	s29 =	simm.s32 $0x3;
	s30 =	simm.s32 $0x5;
	s31 =	simm.s32 $0xC0  }
0x6: {  	[smem:$0x7FF] =	sst s4;
	s8 =	smul.u32 $0x16020, s13;
	s2 =	sand.u32 $0x1, s2  }
0x7: {  	s5 =	sadd.s32 $0x2000, s0;
	s6 =	sadd.s32 $0x38000, s0;
	s7 =	sadd.s32 $0x2E200, s0  }
0x8: {  	s11 =	sshll.u32 s13, $0x1;
	s20 =	sshll.u32 s13, $0x6;
	_ =	strace $0x80000047  }
0x9: {  	s9 =	smul.u32 $0x160200, s2;
	s12 =	ssub.s32 $0x2, s2;
	s2 =	sor.u32 s2, s11  }
0xa: {  	s13 =	sor.u32 $0x1C09, s20;
	s20 =	simm.s32 $0x60;
	s11 =	simm.s32 $0xF0  }
0xb: {  	s10 =	sshrl.u32 s8, $0x3;
	s18 =	sshrl.u32 s12, $0x1;
	s2 =	smul.u32 $0x2760, s2  }
0xc: {  	[dreg:$0x5] =	wrdreg s13;
	s9 =	sadd.s32 s8, s9;
	s10 =	sadd.s32 s10, s0  }
0xd: {  	s19 =	ssub.s32 s12, s18;
	s8 =	sadd.s32 s8, s3;
	s12 =	simm.s32 $0x5820  }
0xe: {  	s18 =	simm.s32 $0x0;
	s9 =	sshrl.u32 s9, $0x3;
	s21 =	sshrl.u32 s2, $0x3  }
0xf: {  	s10 =	sadd.s32 $0x41E00, s10;
	s14 =	sadd.s32 $0x60, s2;
	s15 =	sadd.s32 $0x90, s2  }
0x10: {  	s26 =	smax.u32 s19, $0x1;
	s16 =	sshrl.u32 s8, $0x3;
	[dreg:$0x4] =	wrdreg s10  }
0x11: {  	s2 =	simm.s32 $0x1;
	s8 =	simm.s32 $0x4;
	[dreg:$0xb] =	wrdreg s26  }
0x12: {  	s0 =	sadd.s32 s9, s0;
	s23 =	sadd.s32 s6, s21;
	[dreg:$0xc] =	wrdreg s16  }
0x13: {  	s22 =	sadd.s32 $0x6, s21;
	s24 =	sadd.s32 s7, s21;
	[dreg:$0x6] =	wrdreg s23  }
0x14: {  	s21 =	simm.s32 $0x30;
	[dreg:$0x7] =	wrdreg s24;
	s25 =	sadd.s32 s6, s22  }
0x15: {  	s26 =	simm.s32 $0x1C20;
	s10 =	sadd.s32 s7, s22;
	[dreg:$0x8] =	wrdreg s25  }
0x16: {  	s0 =	sadd.s32 $0x6E000, s0;
	s22 =	simm.s32 $0x120;
	[dreg:$0x9] =	wrdreg s10  }
0x17: {  	s23 =	simm.s32 $0x3720;
	s24 =	simm.s32 $0x90;
	[dreg:$0xa] =	wrdreg s0  }
0x18: {  	s25 =	simm.s32 $0x2;
	s0 =	simm.s32 $0x3D20;
	s10 =	simm.s32 $0x6  }
.LBB2_1:
0x19: {  	[dreg:$0xd] =	wrdreg s18  }
0x1a: {  	s9 =	rddreg [dreg:$0x4]  }
0x1b: {  	[spmem:s16], [sflag:s13] =	dma.local [hbm:s9], $0x2C04  }
0x1c: {  	_ =	swait.ge [sflag:s17], $0x2C04  }
0x1d: {  	[sflag:s17] =	ssyncset.done $0x0  }
0x1e: {  	[sflag:s17] =	ssyncadd.s32 $0xFFFFD3FC  }
0x1f: {  	[bflag:$0x0] =	sbarrier.arrive $0xFFFF  }
0x20: {  	s13 =	rddreg [dreg:$0x6]  }
0x21: {  	[tilespmem:s4], [sflag:$0x9] =	stream.linear.gather [hbm4b:s13+s4], $0x30, $0x38;
	[tilespmem:$0x1D340] =	vst v63  }
0x22: {  	_ =	swait.ge [sflag:s17], $0x30  }
0x23: {  	[sflag:s17] =	ssyncset.done $0x0  }
0x24: {  	s16 =	rddreg [dreg:$0x7];
	[sflag:s17] =	ssyncadd.s32 $0xFFFFFFD0  }
0x25: {  	[tilespmem:s20], [sflag:$0x9] =	stream.linear.gather [hbm4b:s16+s4], $0x30, $0x38;
	[tilespmem:$0x1D340] =	vst v63  }
0x26: {  	_ =	swait.ge [sflag:s17], $0x30  }
0x27: {  	[sflag:s17] =	ssyncset.done $0x0  }
0x28: {  	[sflag:s17] =	ssyncadd.s32 $0xFFFFFFD0  }
0x29: {  	[tilespmem:s22], [sflag:$0x3] =	stream.indirect.gather [hbm4b:s5+s21], $0x90, s4, s21, $0xb8;
	[tilespmem:$0x1D340] =	vst v63  }
0x2a: {  	_ = 	snop  }
0x2b: {  	[tilespmem:s23], [sflag:$0x5] =	stream.indirect.gather [hbm4b:s1+s21], $0x10, s20, s21, $0xb8;
	[tilespmem:$0x1D340] =	vst v63  }
0x2c: {  	s18 =	rddreg [dreg:$0x8]  }
0x2d: {  	[tilespmem:s21], [sflag:$0x2] =	stream.linear.gather [hbm4b:s18+s4], $0x30, $0x38;
	[tilespmem:$0x1D340] =	vst v63  }
0x2e: {  	s9 =	simm.s32 $0x0;
	s19 =	rddreg [dreg:$0x9]  }
0x2f: {  	[tilespmem:s24], [sflag:$0x2] =	stream.linear.gather [hbm4b:s19+s4], $0x30, $0x38;
	[tilespmem:$0x1D340] =	vst v63  }
.LBB2_2:
0x30: {  	_ =	swait.ge [sflag:s25], $0x30  }
0x31: {  	[sflag:s25] =	ssyncset.done $0x0  }
0x32: {  	[sflag:s25] =	ssyncadd.s32 $0xFFFFFFD0  }
0x33: {  	_ =	swait.ge [sflag:s25], $0x30  }
0x34: {  	[sflag:s25] =	ssyncset.done $0x0  }
0x35: {  	p0 =	seq.s32 s9, $0x0;
	[sflag:s25] =	ssyncadd.s32 $0xFFFFFFD0  }
0x36: {  	[tilespmem:s26], [sflag:$0x4] =	stream.indirect.gather [hbm4b:s5+s21], $0x90, s21, s21, $0xb8;
	[tilespmem:$0x1D340] =	vst v63  }
0x37: {  	s13 =	simm.s32 @!p0 $0x7  }
0x38: {  	[tilespmem:s28], [sflag:$0x6] =	stream.indirect.gather [hbm4b:s1+s21], $0x10, s24, s21, $0xb8;
	[tilespmem:$0x1D340] =	vst v63  }
0x39: {  	_ =	swait.ge @!p0 [sflag:s13], $0x1B00  }
0x3a: {  	[sflag:s13] =	ssyncset.done @!p0 $0x0  }
0x3b: {  	[sflag:s13] =	ssyncadd.s32 @!p0 $0xFFFFE500  }
0x3c: {  	_ =	swait.ge [sflag:s29], $0x1B00  }
0x3d: {  	[sflag:s29] =	ssyncset.done $0x0  }
0x3e: {  	[sflag:s29] =	ssyncadd.s32 $0xFFFFE500  }
0x3f: {  	_ =	swait.ge [sflag:s30], $0x300  }
0x40: {  	[sflag:s30] =	ssyncset.done $0x0  }
0x41: {  	[sflag:s30] =	ssyncadd.s32 $0xFFFFFD00  }
0x42: {  	v0 =	vld [tilespmem:$0x60]  }
0x43: {  	v1 =	vld [tilespmem:$0x70]  }
0x44: {  	v2 =	vld [tilespmem:$0x80];
	_ =	sdelay $0x2  }
0x45: {  	[tilespmem:$0xC0] =	vst v0  }
0x46: {  	[tilespmem:$0xD0] =	vst v1  }
0x47: {  	s18 =	simm.s32 $0x0;
	[tilespmem:$0xE0] =	vst v2  }
0x48: {  	s16 =	simm.s32 $0x240;
	s13 =	simm.s32 $0x3720;
	v0 =	vld [tilespmem:s18+$0x1A0]  }
.LBB2_3:
0x49: {  	p1 =	sne.s32 s16, $0x69C0;
	v1 =	vld [tilespmem:s13+$0x0];
	_ =	sdelay $0x4  }
0x4a: {  	v0 =	vadd.f32 v1, v0;
	_ =	sdelay $0x1  }
0x4b: {  	v1 =	vmul.f32 $2.000000030e-01, v0;
	_ =	sdelay $0x1  }
0x4c: {  	v0 =	vmax.f32 v0, v1  }
0x4d: {  	v0 =	vmul.f32 $1.442695020e+00, v0;
	_ =	sdelay $0x1  }
0x4e: {  	(erf) = vpow2.f32 v0;
	_ =	sdelay $0x4  }
0x4f: {  	v0 =	vld [tilespmem:s18+$0x120]  }
0x50: {  	v1 =	vld [tilespmem:s18+$0x130]  }
0x51: {  	v2 =	vld [tilespmem:s18+$0x140]  }
0x52: {  	v3 =	vld [tilespmem:s18+$0x150]  }
0x53: {  	v4 =	vld [tilespmem:s18+$0x160];
	v5 =	vpop (erf)  }
0x54: {  	[tilespmem:s18+$0x3DA0] =	vst v5;
	v6 =	vbroadcast v5, $0x0;
	v7 =	vbroadcast v5, $0x1;
	v8 =	vld [tilespmem:s18+$0x170]  }
0x55: {  	v9 =	vbroadcast v5, $0x2;
	v10 =	vbroadcast v5, $0x3;
	v11 =	vld [tilespmem:s18+$0x180]  }
0x56: {  	v0 =	vmul.f32 v6, v0;
	v1 =	vmul.f32 v7, v1;
	v6 =	vld [tilespmem:s18+$0x190]  }
0x57: {  	v2 =	vmul.f32 v9, v2;
	v3 =	vmul.f32 v3, v10  }
0x58: {  	v7 =	vbroadcast v5, $0x5;
	[tilespmem:s18+$0x3D20] =	vst v0;
	v0 =	vbroadcast v5, $0x4  }
0x59: {  	[tilespmem:s18+$0x3D30] =	vst v1;
	v1 =	vbroadcast v5, $0x6;
	v5 =	vbroadcast v5, $0x7  }
0x5a: {  	[tilespmem:s18+$0x3D40] =	vst v2;
	v0 =	vmul.f32 v4, v0;
	v2 =	vmul.f32 v8, v7  }
.Ltmp0:
0x5b: {  	[tilespmem:s18+$0x3D50] =	vst v3;
	v1 =	vmul.f32 v11, v1;
	v3 =	vmul.f32 v6, v5;
	(pc) =	sbr.rel @p1 .LBB2_3-.Ltmp0, $4  }
0x5c: {  	[tilespmem:s18+$0x3D60] =	vst v0  }
0x5d: {  	[tilespmem:s18+$0x3D70] =	vst v2  }
0x5e: {  	s19 =	sshra.s32 s16, $0x2;
	[tilespmem:s18+$0x3D80] =	vst v1  }
0x5f: {  	s16 =	sadd.s32 $0x240, s16;
	s13 =	sadd.s32 $0x10, s13;
	v0 =	vld [tilespmem:s19+$0x1A0];
	[tilespmem:s18+$0x3D90] =	vst v3;
	s18 =	smov.u32 s19  }
0x60: {  	v1 =	vld [tilespmem:s13+$0x0];
	_ =	sdelay $0x4  }
0x61: {  	v0 =	vadd.f32 v1, v0;
	_ =	sdelay $0x1  }
0x62: {  	v1 =	vmul.f32 $2.000000030e-01, v0;
	_ =	sdelay $0x1  }
0x63: {  	v0 =	vmax.f32 v0, v1  }
0x64: {  	v0 =	vmul.f32 $1.442695020e+00, v0;
	_ =	sdelay $0x1  }
0x65: {  	(erf) = vpow2.f32 v0;
	_ =	sdelay $0x6  }
0x66: {  	v0 =	vld [tilespmem:s18+$0x120]  }
0x67: {  	v1 =	vld [tilespmem:s18+$0x130]  }
0x68: {  	v2 =	vld [tilespmem:s18+$0x140];
	v5 =	vpop (erf)  }
0x69: {  	v3 =	vld [tilespmem:s18+$0x150];
	v6 =	vbroadcast v5, $0x0  }
0x6a: {  	v8 =	vld [tilespmem:s18+$0x170];
	v7 =	vbroadcast v5, $0x1  }
0x6b: {  	v4 =	vld [tilespmem:s18+$0x160];
	v9 =	vbroadcast v5, $0x2;
	v0 =	vmul.f32 v6, v0  }
0x6c: {  	v10 =	vld [tilespmem:s18+$0x180];
	[tilespmem:s18+$0x3DA0] =	vst v5;
	v60 =	vbroadcast v5, $0x3;
	v1 =	vmul.f32 v7, v1  }
0x6d: {  	v61 =	vld [tilespmem:s18+$0x190];
	v62 =	vbroadcast v5, $0x5;
	v2 =	vmul.f32 v9, v2;
	[tilespmem:s18+$0x3D20] =	vst v0  }
0x6e: {  	v3 =	vmul.f32 v3, v60;
	v0 =	vbroadcast v5, $0x4;
	[tilespmem:s18+$0x3D30] =	vst v1  }
0x6f: {  	v63 =	vmul.f32 v8, v62;
	v1 =	vbroadcast v5, $0x6;
	[tilespmem:s18+$0x3D40] =	vst v2  }
0x70: {  	v2 =	vbroadcast v5, $0x7;
	[tilespmem:s18+$0x3D50] =	vst v3;
	v0 =	vmul.f32 v4, v0  }
0x71: {  	[tilespmem:s18+$0x3D70] =	vst v63;
	v1 =	vmul.f32 v10, v1  }
0x72: {  	[tilespmem:s18+$0x3D60] =	vst v0;
	v0 =	vmul.f32 v61, v2  }
0x73: {  	[tilespmem:s18+$0x3D80] =	vst v1  }
0x74: {  	[tilespmem:s18+$0x3D90] =	vst v0;
	s18 =	smul.u32 $0x60, s9  }
0x75: {  	[spmem:s3] =	stream.indirect.scatter.add.f32 [tilespmem:s0], [sflag:$0x7], $0x90, s31, s21, $0xb8;
	[tilespmem:$0x1D340] =	vst v63  }
0x76: {  	s19 =	sadd.s32 s18, s14  }
0x77: {  	s13 =	sshrl.u32 s19, $0x3  }
0x78: {  	s16 =	sadd.s32 s6, s13  }
0x79: {  	[tilespmem:s4], [sflag:$0x1] =	stream.linear.gather [hbm4b:s16+s4], $0x30, $0x38;
	[tilespmem:$0x1D340] =	vst v63  }
0x7a: {  	s13 =	sadd.s32 s7, s13  }
0x7b: {  	[tilespmem:s20], [sflag:$0x1] =	stream.linear.gather [hbm4b:s13+s4], $0x30, $0x38;
	[tilespmem:$0x1D340] =	vst v63  }
0x7c: {  	_ =	swait.ge [sflag:s2], $0x30  }
0x7d: {  	[sflag:s2] =	ssyncset.done $0x0  }
0x7e: {  	[sflag:s2] =	ssyncadd.s32 $0xFFFFFFD0  }
0x7f: {  	_ =	swait.ge [sflag:s2], $0x30  }
0x80: {  	[sflag:s2] =	ssyncset.done $0x0  }
0x81: {  	[sflag:s2] =	ssyncadd.s32 $0xFFFFFFD0  }
0x82: {  	[tilespmem:s22], [sflag:$0x3] =	stream.indirect.gather [hbm4b:s5+s21], $0x90, s4, s21, $0xb8;
	[tilespmem:$0x1D340] =	vst v63  }
0x83: {  	s13 =	simm.s32 @!p0 $0x8  }
0x84: {  	[tilespmem:s23], [sflag:$0x5] =	stream.indirect.gather [hbm4b:s1+s21], $0x10, s20, s21, $0xb8;
	[tilespmem:$0x1D340] =	vst v63  }
0x85: {  	_ =	swait.ge @!p0 [sflag:s13], $0x1B00  }
0x86: {  	[sflag:s13] =	ssyncset.done @!p0 $0x0  }
0x87: {  	[sflag:s13] =	ssyncadd.s32 @!p0 $0xFFFFE500  }
0x88: {  	_ =	swait.ge [sflag:s8], $0x1B00  }
0x89: {  	[sflag:s8] =	ssyncset.done $0x0  }
0x8a: {  	[sflag:s8] =	ssyncadd.s32 $0xFFFFE500  }
0x8b: {  	_ =	swait.ge [sflag:s10], $0x300  }
0x8c: {  	[sflag:s10] =	ssyncset.done $0x0  }
0x8d: {  	[sflag:s10] =	ssyncadd.s32 $0xFFFFFD00  }
0x8e: {  	v0 =	vld [tilespmem:$0x90]  }
0x8f: {  	v1 =	vld [tilespmem:$0xA0]  }
0x90: {  	v2 =	vld [tilespmem:$0xB0];
	_ =	sdelay $0x2  }
0x91: {  	[tilespmem:$0xF0] =	vst v0  }
0x92: {  	[tilespmem:$0x100] =	vst v1  }
0x93: {  	s13 =	simm.s32 $0x0;
	[tilespmem:$0x110] =	vst v2  }
0x94: {  	s19 =	simm.s32 $0x240;
	s16 =	simm.s32 $0x3A20;
	v0 =	vld [tilespmem:s13+$0x1CA0]  }
.LBB2_5:
0x95: {  	p0 =	sne.s32 s19, $0x69C0;
	v1 =	vld [tilespmem:s16+$0x0];
	_ =	sdelay $0x4  }
0x96: {  	v0 =	vadd.f32 v1, v0;
	_ =	sdelay $0x1  }
0x97: {  	v1 =	vmul.f32 $2.000000030e-01, v0;
	_ =	sdelay $0x1  }
0x98: {  	v0 =	vmax.f32 v0, v1  }
0x99: {  	v0 =	vmul.f32 $1.442695020e+00, v0;
	_ =	sdelay $0x1  }
0x9a: {  	(erf) = vpow2.f32 v0;
	_ =	sdelay $0x4  }
0x9b: {  	v0 =	vld [tilespmem:s13+$0x1C20]  }
0x9c: {  	v1 =	vld [tilespmem:s13+$0x1C30]  }
0x9d: {  	v2 =	vld [tilespmem:s13+$0x1C40]  }
0x9e: {  	v3 =	vld [tilespmem:s13+$0x1C50]  }
0x9f: {  	v4 =	vld [tilespmem:s13+$0x1C60];
	v5 =	vpop (erf)  }
0xa0: {  	[tilespmem:s13+$0x58A0] =	vst v5;
	v6 =	vbroadcast v5, $0x0;
	v7 =	vbroadcast v5, $0x1;
	v8 =	vld [tilespmem:s13+$0x1C70]  }
0xa1: {  	v9 =	vbroadcast v5, $0x2;
	v10 =	vbroadcast v5, $0x3;
	v11 =	vld [tilespmem:s13+$0x1C80]  }
0xa2: {  	v0 =	vmul.f32 v6, v0;
	v1 =	vmul.f32 v7, v1;
	v6 =	vld [tilespmem:s13+$0x1C90]  }
0xa3: {  	v2 =	vmul.f32 v9, v2;
	v3 =	vmul.f32 v3, v10  }
0xa4: {  	v7 =	vbroadcast v5, $0x5;
	[tilespmem:s13+$0x5820] =	vst v0;
	v0 =	vbroadcast v5, $0x4  }
0xa5: {  	[tilespmem:s13+$0x5830] =	vst v1;
	v1 =	vbroadcast v5, $0x6;
	v5 =	vbroadcast v5, $0x7  }
0xa6: {  	[tilespmem:s13+$0x5840] =	vst v2;
	v0 =	vmul.f32 v4, v0;
	v2 =	vmul.f32 v8, v7  }
.Ltmp1:
0xa7: {  	[tilespmem:s13+$0x5850] =	vst v3;
	v1 =	vmul.f32 v11, v1;
	v3 =	vmul.f32 v6, v5;
	(pc) =	sbr.rel @p0 .LBB2_5-.Ltmp1, $4  }
0xa8: {  	[tilespmem:s13+$0x5860] =	vst v0  }
0xa9: {  	[tilespmem:s13+$0x5870] =	vst v2  }
0xaa: {  	s17 =	sshra.s32 s19, $0x2;
	[tilespmem:s13+$0x5880] =	vst v1  }
0xab: {  	s19 =	sadd.s32 $0x240, s19;
	s16 =	sadd.s32 $0x10, s16;
	v0 =	vld [tilespmem:s17+$0x1CA0];
	[tilespmem:s13+$0x5890] =	vst v3;
	s13 =	smov.u32 s17  }
0xac: {  	v1 =	vld [tilespmem:s16+$0x0];
	_ =	sdelay $0x4  }
0xad: {  	v0 =	vadd.f32 v1, v0;
	_ =	sdelay $0x1  }
0xae: {  	v1 =	vmul.f32 $2.000000030e-01, v0;
	_ =	sdelay $0x1  }
0xaf: {  	v0 =	vmax.f32 v0, v1  }
0xb0: {  	v0 =	vmul.f32 $1.442695020e+00, v0;
	_ =	sdelay $0x1  }
0xb1: {  	(erf) = vpow2.f32 v0;
	_ =	sdelay $0x6  }
0xb2: {  	v54 =	vld [tilespmem:s13+$0x1C20]  }
0xb3: {  	v55 =	vld [tilespmem:s13+$0x1C30]  }
0xb4: {  	v2 =	vld [tilespmem:s13+$0x1C40];
	v5 =	vpop (erf)  }
0xb5: {  	v3 =	vld [tilespmem:s13+$0x1C50];
	v6 =	vbroadcast v5, $0x0  }
0xb6: {  	v8 =	vld [tilespmem:s13+$0x1C70];
	v7 =	vbroadcast v5, $0x1  }
0xb7: {  	v57 =	vld [tilespmem:s13+$0x1C90];
	v9 =	vbroadcast v5, $0x2;
	v0 =	vmul.f32 v6, v54  }
0xb8: {  	v4 =	vld [tilespmem:s13+$0x1C60];
	[tilespmem:s13+$0x58A0] =	vst v5;
	v56 =	vbroadcast v5, $0x3;
	v1 =	vmul.f32 v7, v55  }
0xb9: {  	v10 =	vld [tilespmem:s13+$0x1C80];
	v59 =	vbroadcast v5, $0x5;
	v2 =	vmul.f32 v9, v2;
	[tilespmem:s13+$0x5820] =	vst v0  }
0xba: {  	v61 =	vbroadcast v5, $0x7;
	v3 =	vmul.f32 v3, v56;
	[tilespmem:s13+$0x5830] =	vst v1  }
0xbb: {  	v58 =	vbroadcast v5, $0x4;
	v62 =	vmul.f32 v8, v59;
	[tilespmem:s13+$0x5840] =	vst v2  }
0xbc: {  	v60 =	vbroadcast v5, $0x6;
	v63 =	vmul.f32 v57, v61;
	[tilespmem:s13+$0x5850] =	vst v3  }
0xbd: {  	v0 =	vmul.f32 v4, v58;
	[tilespmem:s13+$0x5870] =	vst v62  }
0xbe: {  	v1 =	vmul.f32 v10, v60;
	[tilespmem:s13+$0x5890] =	vst v63  }
0xbf: {  	s9 =	sadd.s32 $0x1, s9;
	[tilespmem:s13+$0x5860] =	vst v0  }
0xc0: {  	s18 =	sadd.s32 s18, s15;
	p0 =	sne.s32 s9, $0x68;
	[tilespmem:s13+$0x5880] =	vst v1  }
0xc1: {  	[spmem:s3] =	stream.indirect.scatter.add.f32 [tilespmem:s12], [sflag:$0x8], $0x90, s11, s21, $0xb8;
	[tilespmem:$0x1D340] =	vst v63  }
.Ltmp2:
0xc2: {  	s13 =	sshrl.u32 s18, $0x3;
	(pc) =	sbr.rel @p0 .LBB2_2-.Ltmp2, $4  }
0xc3: {  	s19 =	sadd.s32 s6, s13  }
0xc4: {  	[tilespmem:s21], [sflag:$0x2] =	stream.linear.gather [hbm4b:s19+s4], $0x30, $0x38;
	[tilespmem:$0x1D340] =	vst v63  }
0xc5: {  	s13 =	sadd.s32 s7, s13  }
0xc6: {  	[tilespmem:s24], [sflag:$0x2] =	stream.linear.gather [hbm4b:s13+s4], $0x30, $0x38;
	[tilespmem:$0x1D340] =	vst v63  }
0xc7: {  	_ =	swait.ge [sflag:s25], $0x30  }
0xc8: {  	[sflag:s25] =	ssyncset.done $0x0  }
0xc9: {  	[sflag:s25] =	ssyncadd.s32 $0xFFFFFFD0  }
0xca: {  	_ =	swait.ge [sflag:s25], $0x30  }
0xcb: {  	[sflag:s25] =	ssyncset.done $0x0  }
0xcc: {  	[sflag:s25] =	ssyncadd.s32 $0xFFFFFFD0  }
0xcd: {  	[tilespmem:s26], [sflag:$0x4] =	stream.indirect.gather [hbm4b:s5+s21], $0x90, s21, s21, $0xb8;
	[tilespmem:$0x1D340] =	vst v63  }
0xce: {  	s18 =	simm.s32 $0x7  }
0xcf: {  	[tilespmem:s28], [sflag:$0x6] =	stream.indirect.gather [hbm4b:s1+s21], $0x10, s24, s21, $0xb8;
	[tilespmem:$0x1D340] =	vst v63  }
0xd0: {  	_ =	swait.ge [sflag:s18], $0x1B00  }
0xd1: {  	[sflag:s18] =	ssyncset.done $0x0  }
0xd2: {  	[sflag:s18] =	ssyncadd.s32 $0xFFFFE500  }
0xd3: {  	_ =	swait.ge [sflag:s29], $0x1B00  }
0xd4: {  	[sflag:s29] =	ssyncset.done $0x0  }
0xd5: {  	[sflag:s29] =	ssyncadd.s32 $0xFFFFE500  }
0xd6: {  	_ =	swait.ge [sflag:s30], $0x300  }
0xd7: {  	[sflag:s30] =	ssyncset.done $0x0  }
0xd8: {  	[sflag:s30] =	ssyncadd.s32 $0xFFFFFD00  }
0xd9: {  	v0 =	vld [tilespmem:$0x60]  }
0xda: {  	v1 =	vld [tilespmem:$0x70]  }
0xdb: {  	v2 =	vld [tilespmem:$0x80];
	_ =	sdelay $0x2  }
0xdc: {  	[tilespmem:$0xC0] =	vst v0  }
0xdd: {  	[tilespmem:$0xD0] =	vst v1  }
0xde: {  	s9 =	simm.s32 $0x0;
	[tilespmem:$0xE0] =	vst v2  }
0xdf: {  	s13 =	simm.s32 $0x3720;
	s16 =	simm.s32 $0x240;
	v0 =	vld [tilespmem:s9+$0x1A0]  }
.LBB2_8:
0xe0: {  	p0 =	sne.s32 s16, $0x69C0;
	v1 =	vld [tilespmem:s13+$0x0];
	_ =	sdelay $0x4  }
0xe1: {  	v0 =	vadd.f32 v1, v0;
	_ =	sdelay $0x1  }
0xe2: {  	v1 =	vmul.f32 $2.000000030e-01, v0;
	_ =	sdelay $0x1  }
0xe3: {  	v0 =	vmax.f32 v0, v1  }
0xe4: {  	v0 =	vmul.f32 $1.442695020e+00, v0;
	_ =	sdelay $0x1  }
0xe5: {  	(erf) = vpow2.f32 v0;
	_ =	sdelay $0x4  }
0xe6: {  	v0 =	vld [tilespmem:s9+$0x120]  }
0xe7: {  	v1 =	vld [tilespmem:s9+$0x130]  }
0xe8: {  	v2 =	vld [tilespmem:s9+$0x140]  }
0xe9: {  	v3 =	vld [tilespmem:s9+$0x150]  }
0xea: {  	v4 =	vld [tilespmem:s9+$0x160];
	v5 =	vpop (erf)  }
0xeb: {  	[tilespmem:s9+$0x3DA0] =	vst v5;
	v6 =	vbroadcast v5, $0x0;
	v7 =	vbroadcast v5, $0x1;
	v8 =	vld [tilespmem:s9+$0x170]  }
0xec: {  	v9 =	vbroadcast v5, $0x2;
	v10 =	vbroadcast v5, $0x3;
	v11 =	vld [tilespmem:s9+$0x180]  }
0xed: {  	v0 =	vmul.f32 v6, v0;
	v1 =	vmul.f32 v7, v1;
	v6 =	vld [tilespmem:s9+$0x190]  }
0xee: {  	v2 =	vmul.f32 v9, v2;
	v3 =	vmul.f32 v3, v10  }
0xef: {  	v7 =	vbroadcast v5, $0x5;
	[tilespmem:s9+$0x3D20] =	vst v0;
	v0 =	vbroadcast v5, $0x4  }
0xf0: {  	[tilespmem:s9+$0x3D30] =	vst v1;
	v1 =	vbroadcast v5, $0x6;
	v5 =	vbroadcast v5, $0x7  }
0xf1: {  	[tilespmem:s9+$0x3D40] =	vst v2;
	v0 =	vmul.f32 v4, v0;
	v2 =	vmul.f32 v8, v7  }
.Ltmp3:
0xf2: {  	[tilespmem:s9+$0x3D50] =	vst v3;
	v1 =	vmul.f32 v11, v1;
	v3 =	vmul.f32 v6, v5;
	(pc) =	sbr.rel @p0 .LBB2_8-.Ltmp3, $4  }
0xf3: {  	[tilespmem:s9+$0x3D60] =	vst v0  }
0xf4: {  	[tilespmem:s9+$0x3D70] =	vst v2  }
0xf5: {  	s17 =	sshra.s32 s16, $0x2;
	[tilespmem:s9+$0x3D80] =	vst v1  }
0xf6: {  	s16 =	sadd.s32 $0x240, s16;
	s13 =	sadd.s32 $0x10, s13;
	v0 =	vld [tilespmem:s17+$0x1A0];
	[tilespmem:s9+$0x3D90] =	vst v3;
	s9 =	smov.u32 s17  }
0xf7: {  	v1 =	vld [tilespmem:s13+$0x0];
	_ =	sdelay $0x4  }
0xf8: {  	v0 =	vadd.f32 v1, v0;
	_ =	sdelay $0x1  }
0xf9: {  	v1 =	vmul.f32 $2.000000030e-01, v0;
	_ =	sdelay $0x1  }
0xfa: {  	v0 =	vmax.f32 v0, v1  }
0xfb: {  	v0 =	vmul.f32 $1.442695020e+00, v0;
	_ =	sdelay $0x1  }
0xfc: {  	(erf) = vpow2.f32 v0;
	_ =	sdelay $0x6  }
0xfd: {  	v0 =	vld [tilespmem:s9+$0x120]  }
0xfe: {  	v1 =	vld [tilespmem:s9+$0x130]  }
0xff: {  	v2 =	vld [tilespmem:s9+$0x140];
	v5 =	vpop (erf)  }
0x100: {  	v3 =	vld [tilespmem:s9+$0x150];
	v6 =	vbroadcast v5, $0x0  }
0x101: {  	v8 =	vld [tilespmem:s9+$0x170];
	v7 =	vbroadcast v5, $0x1  }
0x102: {  	v4 =	vld [tilespmem:s9+$0x160];
	v9 =	vbroadcast v5, $0x2;
	v0 =	vmul.f32 v6, v0  }
0x103: {  	v10 =	vld [tilespmem:s9+$0x180];
	[tilespmem:s9+$0x3DA0] =	vst v5;
	v60 =	vbroadcast v5, $0x3;
	v1 =	vmul.f32 v7, v1  }
0x104: {  	v61 =	vld [tilespmem:s9+$0x190];
	v62 =	vbroadcast v5, $0x5;
	v2 =	vmul.f32 v9, v2;
	[tilespmem:s9+$0x3D20] =	vst v0  }
0x105: {  	v3 =	vmul.f32 v3, v60;
	v0 =	vbroadcast v5, $0x4;
	[tilespmem:s9+$0x3D30] =	vst v1  }
0x106: {  	v63 =	vmul.f32 v8, v62;
	v1 =	vbroadcast v5, $0x6;
	[tilespmem:s9+$0x3D40] =	vst v2  }
0x107: {  	v2 =	vbroadcast v5, $0x7;
	[tilespmem:s9+$0x3D50] =	vst v3;
	v0 =	vmul.f32 v4, v0  }
0x108: {  	[tilespmem:s9+$0x3D70] =	vst v63;
	v1 =	vmul.f32 v10, v1  }
0x109: {  	[tilespmem:s9+$0x3D60] =	vst v0;
	v0 =	vmul.f32 v61, v2  }
0x10a: {  	[tilespmem:s9+$0x3D80] =	vst v1  }
0x10b: {  	s19 =	simm.s32 $0x8;
	[tilespmem:s9+$0x3D90] =	vst v0  }
0x10c: {  	[spmem:s3] =	stream.indirect.scatter.add.f32 [tilespmem:s0], [sflag:$0x7], $0x90, s31, s21, $0xb8;
	[tilespmem:$0x1D340] =	vst v63  }
0x10d: {  	_ =	swait.ge [sflag:s19], $0x1B00  }
0x10e: {  	[sflag:s19] =	ssyncset.done $0x0  }
0x10f: {  	[sflag:s19] =	ssyncadd.s32 $0xFFFFE500  }
0x110: {  	_ =	swait.ge [sflag:s8], $0x1B00  }
0x111: {  	[sflag:s8] =	ssyncset.done $0x0  }
0x112: {  	[sflag:s8] =	ssyncadd.s32 $0xFFFFE500  }
0x113: {  	_ =	swait.ge [sflag:s10], $0x300  }
0x114: {  	[sflag:s10] =	ssyncset.done $0x0  }
0x115: {  	[sflag:s10] =	ssyncadd.s32 $0xFFFFFD00  }
0x116: {  	v0 =	vld [tilespmem:$0x90]  }
0x117: {  	v1 =	vld [tilespmem:$0xA0]  }
0x118: {  	v2 =	vld [tilespmem:$0xB0];
	_ =	sdelay $0x2  }
0x119: {  	[tilespmem:$0xF0] =	vst v0  }
0x11a: {  	[tilespmem:$0x100] =	vst v1  }
0x11b: {  	s9 =	simm.s32 $0x0;
	[tilespmem:$0x110] =	vst v2  }
0x11c: {  	s13 =	simm.s32 $0x3A20;
	s16 =	simm.s32 $0x240;
	v0 =	vld [tilespmem:s9+$0x1CA0]  }
.LBB2_10:
0x11d: {  	p0 =	sne.s32 s16, $0x69C0;
	v1 =	vld [tilespmem:s13+$0x0];
	_ =	sdelay $0x4  }
0x11e: {  	v0 =	vadd.f32 v1, v0;
	_ =	sdelay $0x1  }
0x11f: {  	v1 =	vmul.f32 $2.000000030e-01, v0;
	_ =	sdelay $0x1  }
0x120: {  	v0 =	vmax.f32 v0, v1  }
0x121: {  	v0 =	vmul.f32 $1.442695020e+00, v0;
	_ =	sdelay $0x1  }
0x122: {  	(erf) = vpow2.f32 v0;
	_ =	sdelay $0x4  }
0x123: {  	v0 =	vld [tilespmem:s9+$0x1C20]  }
0x124: {  	v1 =	vld [tilespmem:s9+$0x1C30]  }
0x125: {  	v2 =	vld [tilespmem:s9+$0x1C40]  }
0x126: {  	v3 =	vld [tilespmem:s9+$0x1C50]  }
0x127: {  	v4 =	vld [tilespmem:s9+$0x1C60];
	v5 =	vpop (erf)  }
0x128: {  	[tilespmem:s9+$0x58A0] =	vst v5;
	v6 =	vbroadcast v5, $0x0;
	v7 =	vbroadcast v5, $0x1;
	v8 =	vld [tilespmem:s9+$0x1C70]  }
0x129: {  	v9 =	vbroadcast v5, $0x2;
	v10 =	vbroadcast v5, $0x3;
	v11 =	vld [tilespmem:s9+$0x1C80]  }
0x12a: {  	v0 =	vmul.f32 v6, v0;
	v1 =	vmul.f32 v7, v1;
	v6 =	vld [tilespmem:s9+$0x1C90]  }
0x12b: {  	v2 =	vmul.f32 v9, v2;
	v3 =	vmul.f32 v3, v10  }
0x12c: {  	v7 =	vbroadcast v5, $0x5;
	[tilespmem:s9+$0x5820] =	vst v0;
	v0 =	vbroadcast v5, $0x4  }
0x12d: {  	[tilespmem:s9+$0x5830] =	vst v1;
	v1 =	vbroadcast v5, $0x6;
	v5 =	vbroadcast v5, $0x7  }
0x12e: {  	[tilespmem:s9+$0x5840] =	vst v2;
	v0 =	vmul.f32 v4, v0;
	v2 =	vmul.f32 v8, v7  }
.Ltmp4:
0x12f: {  	[tilespmem:s9+$0x5850] =	vst v3;
	v1 =	vmul.f32 v11, v1;
	v3 =	vmul.f32 v6, v5;
	(pc) =	sbr.rel @p0 .LBB2_10-.Ltmp4, $4  }
0x130: {  	[tilespmem:s9+$0x5860] =	vst v0  }
0x131: {  	[tilespmem:s9+$0x5870] =	vst v2  }
0x132: {  	s17 =	sshra.s32 s16, $0x2;
	[tilespmem:s9+$0x5880] =	vst v1  }
0x133: {  	s16 =	sadd.s32 $0x240, s16;
	s13 =	sadd.s32 $0x10, s13;
	v0 =	vld [tilespmem:s17+$0x1CA0];
	[tilespmem:s9+$0x5890] =	vst v3;
	s9 =	smov.u32 s17  }
0x134: {  	v1 =	vld [tilespmem:s13+$0x0];
	_ =	sdelay $0x4  }
0x135: {  	v0 =	vadd.f32 v1, v0;
	_ =	sdelay $0x1  }
0x136: {  	v1 =	vmul.f32 $2.000000030e-01, v0;
	_ =	sdelay $0x1  }
0x137: {  	v0 =	vmax.f32 v0, v1  }
0x138: {  	v0 =	vmul.f32 $1.442695020e+00, v0;
	_ =	sdelay $0x1  }
0x139: {  	(erf) = vpow2.f32 v0;
	_ =	sdelay $0x6  }
0x13a: {  	v54 =	vld [tilespmem:s9+$0x1C20]  }
0x13b: {  	v55 =	vld [tilespmem:s9+$0x1C30]  }
0x13c: {  	v2 =	vld [tilespmem:s9+$0x1C40];
	v5 =	vpop (erf)  }
0x13d: {  	v3 =	vld [tilespmem:s9+$0x1C50];
	v6 =	vbroadcast v5, $0x0  }
0x13e: {  	v8 =	vld [tilespmem:s9+$0x1C70];
	v7 =	vbroadcast v5, $0x1  }
0x13f: {  	v57 =	vld [tilespmem:s9+$0x1C90];
	v9 =	vbroadcast v5, $0x2;
	v0 =	vmul.f32 v6, v54  }
0x140: {  	v4 =	vld [tilespmem:s9+$0x1C60];
	[tilespmem:s9+$0x58A0] =	vst v5;
	v56 =	vbroadcast v5, $0x3;
	v1 =	vmul.f32 v7, v55  }
0x141: {  	v10 =	vld [tilespmem:s9+$0x1C80];
	v59 =	vbroadcast v5, $0x5;
	v2 =	vmul.f32 v9, v2;
	[tilespmem:s9+$0x5820] =	vst v0  }
0x142: {  	v61 =	vbroadcast v5, $0x7;
	v3 =	vmul.f32 v3, v56;
	[tilespmem:s9+$0x5830] =	vst v1  }
0x143: {  	v58 =	vbroadcast v5, $0x4;
	v62 =	vmul.f32 v8, v59;
	[tilespmem:s9+$0x5840] =	vst v2  }
0x144: {  	v60 =	vbroadcast v5, $0x6;
	v63 =	vmul.f32 v57, v61;
	[tilespmem:s9+$0x5850] =	vst v3  }
0x145: {  	v0 =	vmul.f32 v4, v58;
	[tilespmem:s9+$0x5870] =	vst v62  }
0x146: {  	v1 =	vmul.f32 v10, v60;
	[tilespmem:s9+$0x5890] =	vst v63  }
0x147: {  	[tilespmem:s9+$0x5860] =	vst v0  }
0x148: {  	[tilespmem:s9+$0x5880] =	vst v1  }
0x149: {  	[spmem:s3] =	stream.indirect.scatter.add.f32 [tilespmem:s12], [sflag:$0x8], $0x90, s11, s21, $0xb8;
	[tilespmem:$0x1D340] =	vst v63  }
0x14a: {  	_ =	swait.ge [sflag:s18], $0x1B00  }
0x14b: {  	[sflag:s18] =	ssyncset.done $0x0  }
0x14c: {  	[sflag:s18] =	ssyncadd.s32 $0xFFFFE500  }
0x14d: {  	_ =	swait.ge [sflag:s19], $0x1B00  }
0x14e: {  	[sflag:s19] =	ssyncset.done $0x0  }
0x14f: {  	[sflag:s19] =	ssyncadd.s32 $0xFFFFE500  }
0x150: {  	[bflag:$0x0] =	sbarrier.arrive $0xFFFF  }
0x151: {  	s13 =	rddreg [dreg:$0x5]  }
0x152: {  	s19 =	rddreg [dreg:$0xa]  }
0x153: {  	s17 =	simm.s32 $0x9;
	s16 =	rddreg [dreg:$0xc]  }
0x154: {  	[hbm:s19], [sflag:s13] =	dma.local [spmem:s16], $0x2C04  }
0x155: {  	_ =	swait.ge [sflag:s17], $0x2C04  }
0x156: {  	s9 =	rddreg [dreg:$0xd]  }
0x157: {  	s19 =	rddreg [dreg:$0xb];
	s18 =	sadd.s32 $0x1, s9  }
0x158: {  	p0 =	sne.s32 s18, s19  }
.Ltmp5:
0x159: {  	_ = 	snop;
	(pc) =	sbr.rel @p0 .LBB2_1-.Ltmp5, $3  }
0x15a: {  	_ =	sdelay $0x1  }
0x15b: {  	[sflag:s17] =	ssyncset.done $0x0  }
0x15c: {  	[sflag:s17] =	ssyncadd.s32 $0xFFFFD3FC  }
0x15d: {  	_ =	sfence.sel $0x180000  }
0x15e: {  	[bflag:$0x0] =	sbarrier.arrive $0xFFFF  }
0x15f: {  	_ =	strace $0x90000047  }
0x160: {  	s0 =	stileid.u32;
	[bflag:$0x2] =	sbarrier.arrive $0xFFFF  }
0x161: {  	p0 =	sne.s32 s0, $0x0;
	s0 =	rddreg [dreg:$0x3]  }
0x162: {  	s0 =	sadd.s32 @!p0 $0x100000, s0  }
0x163: {  	[sflag:s0] =	ssyncadd.tile.s32 @!p0 $0x1;
	_ =	shalt  }
.Lfunc_end2:
_tile_overlayer_lowered:
.L_overlay_start_2:
0x164: {  	(tag) =	ssettag $0x2  }
0x165: {  	s0 =	rddreg [dreg:$0x0];
	s2 =	stileid.u32  }
0x166: {  	s1 =	rddreg [dreg:$0x1];
	p0 =	sne.s32 s2, $0x0  }
0x167: {  	s3 =	rddreg [dreg:$0x2];
	[bflag:$0x3] =	sbarrier.arrive $0xFFFF;
	s2 =	simm.s32 @!p0 $0x1C09  }
0x168: {  	[timem:s3], [sflag:s2] =	dma.local @!p0 [hbm:s0], s1  }
0x169: {  	s0 =	simm.s32 @!p0 $0x9  }
0x16a: {  	_ =	swait.ge @!p0 [sflag:s0], s1  }
0x16b: {  	s1 =	ssub.s32 @!p0 $0x0, s1;
	[sflag:s0] =	ssyncset.done @!p0 $0x0  }
0x16c: {  	[sflag:s0] =	ssyncadd.s32 @!p0 s1  }
0x16d: {  	[bflag:$0x3] =	sbarrier.arrive $0xFFFF  }
0x16e: {  	_ =	shalt  }

</sc_bundles>
